<compile_context>
chip_gen: v7x
topology: tpu7x:2x2x1
jax: 0.10.2.dev20260603
libtpu: 0.0.44.dev20260713+nightly
codegen_flags: <defaults>
</compile_context>

<pallas_src>
import functools

import jax
import jax.numpy as jnp
from jax import lax
from jax.experimental import pallas as pl
from jax.experimental.pallas import tpu as pltpu
from jax.experimental.pallas import tpu_sc as plsc

NC = 2
NS = 16
NW = NC * NS
L = 16

_SC_PARAMS = pltpu.CompilerParams(needs_layout_passes=False,
                                  use_tc_tiling_on_sc=False)


def _mesh():
    return plsc.VectorSubcoreMesh(
        core_axis_name="c", subcore_axis_name="s",
        num_cores=NC, num_subcores=NS)


def _wid():
    return lax.axis_index("s") * NC + lax.axis_index("c")


def _zero_ref(ref, nwords):
    z = jnp.zeros((L,), jnp.float32)

    @plsc.parallel_loop(0, nwords // L, unroll=8)
    def body(i):
        ref[pl.ds(i * L, L)] = z


@functools.cache
def _make_deg(N, E, CH):
    EPT = E // NW

    @functools.partial(
        pl.kernel,
        out_type=jax.ShapeDtypeStruct((NW, 2 * N), jnp.float32),
        mesh=_mesh(),
        scratch_types=[
            pltpu.VMEM((2 * N,), jnp.float32),
            pltpu.VMEM((CH,), jnp.int32),
            pltpu.VMEM((CH,), jnp.float32),
        ],
        compiler_params=_SC_PARAMS,
    )
    def deg_kernel(dst_hbm, w_hbm, out_hbm, acc, dbuf, wbuf):
        w = _wid()
        _zero_ref(acc, 2 * N)
        base = w * EPT
        for c in range(EPT // CH):
            off = base + c * CH
            pltpu.sync_copy(dst_hbm.at[pl.ds(off, CH)], dbuf)
            pltpu.sync_copy(w_hbm.at[pl.ds(off, CH)], wbuf)

            @plsc.parallel_loop(0, CH // L, unroll=4)
            def body(i):
                d = dbuf[pl.ds(i * L, L)]
                ew = wbuf[pl.ds(i * L, L)]
                neg = (ew < 0.0).astype(jnp.int32)
                plsc.addupdate_scatter(acc, [d + neg * N], jnp.abs(ew))

        pltpu.sync_copy(acc, out_hbm.at[w])

    return deg_kernel


@functools.cache
def _make_norm(N, E, CH, F):
    EPT = E // NW

    @functools.partial(
        pl.kernel,
        out_type=(jax.ShapeDtypeStruct((E,), jnp.float32),
                  jax.ShapeDtypeStruct((E,), jnp.int32)),
        mesh=_mesh(),
        scratch_types=[
            pltpu.VMEM((2 * N,), jnp.float32),
            pltpu.VMEM((CH,), jnp.int32),
            pltpu.VMEM((CH,), jnp.int32),
            pltpu.VMEM((CH,), jnp.float32),
            pltpu.VMEM((CH,), jnp.float32),
            pltpu.VMEM((CH,), jnp.int32),
        ],
        compiler_params=_SC_PARAMS,
    )
    def norm_kernel(src_hbm, dst_hbm, w_hbm, dinv_hbm, norm_hbm, sd_hbm,
                    dinv, sbuf, dbuf, wbuf, nbuf, sdbuf):
        w = _wid()
        pltpu.sync_copy(dinv_hbm, dinv)
        base = w * EPT
        for c in range(EPT // CH):
            off = base + c * CH
            pltpu.sync_copy(src_hbm.at[pl.ds(off, CH)], sbuf)
            pltpu.sync_copy(dst_hbm.at[pl.ds(off, CH)], dbuf)
            pltpu.sync_copy(w_hbm.at[pl.ds(off, CH)], wbuf)

            @plsc.parallel_loop(0, CH // L, unroll=4)
            def body(i):
                s = sbuf[pl.ds(i * L, L)]
                d = dbuf[pl.ds(i * L, L)]
                ew = wbuf[pl.ds(i * L, L)]
                neg = (ew < 0.0).astype(jnp.int32)
                o = neg * N
                g1 = plsc.load_gather(dinv, [s + o])
                g2 = plsc.load_gather(dinv, [d + o])
                nbuf[pl.ds(i * L, L)] = g1 * g2 * jnp.abs(ew)
                sd = d + neg * (F * N)
                sdbuf[pl.ds(i * L, L)] = sd * 16384 + s

            pltpu.sync_copy(nbuf, norm_hbm.at[pl.ds(off, CH)])
            pltpu.sync_copy(sdbuf, sd_hbm.at[pl.ds(off, CH)])

    return norm_kernel


@functools.cache
def _make_scatter(N, E, CH, F):
    FN = F * N

    NCH = E // CH
    assert NCH % 2 == 0

    @functools.partial(
        pl.kernel,
        out_type=jax.ShapeDtypeStruct((2, NW, FN), jnp.float32),
        mesh=_mesh(),
        scratch_types=[
            pltpu.VMEM((FN,), jnp.float32),
            pltpu.VMEM((2 * FN,), jnp.float32),
            pltpu.VMEM((CH,), jnp.int32),
            pltpu.VMEM((CH,), jnp.int32),
            pltpu.VMEM((CH,), jnp.float32),
            pltpu.VMEM((CH,), jnp.float32),
            pltpu.SemaphoreType.DMA,
            pltpu.SemaphoreType.DMA,
            pltpu.SemaphoreType.DMA,
        ],
        compiler_params=_SC_PARAMS,
    )
    def scat_kernel(u_hbm, sd_hbm, norm_hbm, out_hbm,
                    u, acc, sdb0, sdb1, nb0, nb1, sem0, sem1, usem):
        w = _wid()
        ucopy = pltpu.async_copy(u_hbm.at[w], u, usem)
        _zero_ref(acc, 2 * FN)
        ucopy.wait()

        sdb = (sdb0, sdb1)
        nbb = (nb0, nb1)
        sems = (sem0, sem1)
        cbase = w * (NCH // NW)

        def coff(c):
            cr = cbase + c
            cr = jnp.where(cr >= NCH, cr - NCH, cr)
            return cr * CH

        for b in range(2):
            pltpu.async_copy(sd_hbm.at[pl.ds(coff(b), CH)], sdb[b], sems[b])
            pltpu.async_copy(norm_hbm.at[pl.ds(coff(b), CH)], nbb[b], sems[b])

        @pl.loop(0, NCH, step=2)
        def chunk(c0):
            for b in range(2):
                c = c0 + b
                off = coff(c)
                pltpu.make_async_copy(
                    sd_hbm.at[pl.ds(off, CH)], sdb[b], sems[b]).wait()
                pltpu.make_async_copy(
                    norm_hbm.at[pl.ds(off, CH)], nbb[b], sems[b]).wait()
                sbuf, nbuf = sdb[b], nbb[b]

                @plsc.parallel_loop(0, CH // L, unroll=8)
                def body(i):
                    p = sbuf[pl.ds(i * L, L)]
                    s = lax.bitwise_and(p, 16383)
                    sd = lax.shift_right_logical(p, 14)
                    nm = nbuf[pl.ds(i * L, L)]
                    for f in range(F):
                        v = plsc.load_gather(u, [s + f * N])
                        plsc.addupdate_scatter(acc, [sd + f * N], v * nm)

                @pl.when(c + 2 < NCH)
                def _():
                    nxt = coff(c + 2)
                    pltpu.async_copy(
                        sd_hbm.at[pl.ds(nxt, CH)], sdb[b], sems[b])
                    pltpu.async_copy(
                        norm_hbm.at[pl.ds(nxt, CH)], nbb[b], sems[b])

        pltpu.sync_copy(acc.at[pl.ds(0, FN)], out_hbm.at[0, w])
        pltpu.sync_copy(acc.at[pl.ds(FN, FN)], out_hbm.at[1, w])

    return scat_kernel


def _tc_prep(degpart, N):

    def body(dp_ref, dinv_ref, dinv2_ref):
        deg = 1.0 + jnp.sum(dp_ref[...], axis=0, keepdims=True)
        dinv_ref[...] = lax.rsqrt(deg)
        dinv2_ref[...] = 1.0 / deg

    return pl.pallas_call(
        body,
        out_shape=(jax.ShapeDtypeStruct((1, 2 * N), jnp.float32),
                   jax.ShapeDtypeStruct((1, 2 * N), jnp.float32)),
    )(degpart)


def _tc_layer(S, uT, dinv2, WpT, WnT, bp, bn):
    D, Nn = uT.shape

    def body(s_ref, u_ref, d2_ref, wp_ref, wn_ref, bp_ref, bn_ref, o_ref):
        ap = s_ref[0] + u_ref[...] * d2_ref[0:1, :]
        an = s_ref[1] + u_ref[...] * d2_ref[1:2, :]
        hp = jnp.dot(wp_ref[...], ap, preferred_element_type=jnp.float32)
        hn = jnp.dot(wn_ref[...], an, preferred_element_type=jnp.float32)
        o_ref[...] = jnp.maximum(hp + bp_ref[...] - hn - bn_ref[...], 0.0)

    return pl.pallas_call(
        body,
        out_shape=jax.ShapeDtypeStruct((D, Nn), jnp.float32),
    )(S, uT, dinv2, WpT, WnT, bp, bn)


def _tc_layer_nm(S, uT, dinv2, Wp, Wn, bp, bn):
    D, Nn = uT.shape
    dn = (((0,), (0,)), ((), ()))

    def body(s_ref, u_ref, d2_ref, wp_ref, wn_ref, bp_ref, bn_ref, o_ref):
        ap = s_ref[0] + u_ref[...] * d2_ref[0:1, :]
        an = s_ref[1] + u_ref[...] * d2_ref[1:2, :]
        hp = lax.dot_general(ap, wp_ref[...], dn,
                             preferred_element_type=jnp.float32)
        hn = lax.dot_general(an, wn_ref[...], dn,
                             preferred_element_type=jnp.float32)
        o_ref[...] = jnp.maximum(hp + bp_ref[...] - hn - bn_ref[...], 0.0)

    return pl.pallas_call(
        body,
        out_shape=jax.ShapeDtypeStruct((Nn, D), jnp.float32),
    )(S, uT, dinv2, Wp, Wn, bp, bn)


def kernel(x, edge_index, edge_weight, Wp1, bp1, Wn1, bn1, Wp2, bp2, Wn2, bn2):
    N, D = x.shape
    E = edge_weight.shape[0]
    F = D // NW
    FN = F * N
    CH = 2000
    assert E % (NW * CH) == 0 and D % NW == 0

    src = edge_index[0]
    dst = edge_index[1]

    degpart = _make_deg(N, E, CH)(dst, edge_weight)
    dinv, dinv2 = _tc_prep(degpart, N)
    norm, sd = _make_norm(N, E, CH, F)(src, dst, edge_weight,
                                       dinv.reshape(2 * N))
    d2 = dinv2.reshape(2, N)

    xT = x.T
    S1 = _make_scatter(N, E, CH, F)(xT.reshape(NW, FN), sd, norm)
    hT = _tc_layer(S1.reshape(2, D, N), xT, d2, Wp1.T, Wn1.T,
                   bp1.reshape(D, 1), bn1.reshape(D, 1))
    S2 = _make_scatter(N, E, CH, F)(hT.reshape(NW, FN), sd, norm)
    return _tc_layer_nm(S2.reshape(2, D, N), hT, d2, Wp2, Wn2,
                        bp2.reshape(1, D), bn2.reshape(1, D))

# --- scband reference (transcript-rebuilt; emitter-appended) ---
"""Pipeline reference for scband-edge-gcnregressor-66013647339606 (READ-ONLY COPY).

The authoritative reference and input builder live on the scoring server;
editing this copy changes nothing except your own understanding.
"""

import jax, jax.numpy as jnp
import numpy as np

N = 10000
E = 320000
D_IN = 128
D_HID = 128
D_OUT = 128


def setup_inputs(seed: int = 0) -> dict:
    key = jax.random.key(seed)
    ks = jax.random.split(key, 12)
    x = jax.random.normal(ks[0], (N, D_IN), dtype=jnp.float32)
    edge_index = jax.random.randint(ks[1], (2, E), 0, N, dtype=jnp.int32)
    edge_weight = jax.random.normal(ks[2], (E,), dtype=jnp.float32)
    s1 = float(np.sqrt(2.0 / (D_IN + D_HID)))
    s2 = float(np.sqrt(2.0 / (D_HID + D_OUT)))
    Wp1 = jax.random.normal(ks[3], (D_IN, D_HID), dtype=jnp.float32) * s1
    bp1 = jnp.zeros((D_HID,), dtype=jnp.float32)
    Wn1 = jax.random.normal(ks[4], (D_IN, D_HID), dtype=jnp.float32) * s1
    bn1 = jnp.zeros((D_HID,), dtype=jnp.float32)
    Wp2 = jax.random.normal(ks[5], (D_HID, D_OUT), dtype=jnp.float32) * s2
    bp2 = jnp.zeros((D_OUT,), dtype=jnp.float32)
    Wn2 = jax.random.normal(ks[6], (D_HID, D_OUT), dtype=jnp.float32) * s2
    bn2 = jnp.zeros((D_OUT,), dtype=jnp.float32)
    return {"x": x, "edge_index": edge_index, "edge_weight": edge_weight,
            "Wp1": Wp1, "bp1": bp1, "Wn1": Wn1, "bn1": bn1,
            "Wp2": Wp2, "bp2": bp2, "Wn2": Wn2, "bn2": bn2}


def _gcn_conv(x, W, b, src, dst, w, n):
    # PyG GCNConv with normalize=True, add_self_loops=True (fill_value=1.0)
    loop = jnp.arange(n, dtype=src.dtype)
    s = jnp.concatenate([src, loop])
    d = jnp.concatenate([dst, loop])
    ww = jnp.concatenate([w, jnp.ones((n,), x.dtype)])
    deg = jnp.zeros((n,), x.dtype).at[d].add(ww)
    dinv = jnp.where(deg > 0, 1.0 / jnp.sqrt(deg), 0.0)
    norm = dinv[s] * ww * dinv[d]
    h = x @ W
    msg = h[s] * norm[:, None]
    out = jnp.zeros((n, W.shape[1]), x.dtype).at[d].add(msg)
    return out + b


def reference(x, edge_index, edge_weight, Wp1, bp1, Wn1, bn1, Wp2, bp2, Wn2, bn2):
    # Edge sign split: torch code filters edges by mask; here we keep the full
    # edge set and zero out the opposite-sign weights, which yields identical
    # degrees (zeros add nothing) and identical zero messages.
    src = edge_index[0]
    dst = edge_index[1]
    n = x.shape[0]
    wp = jnp.where(edge_weight >= 0, edge_weight, 0.0)
    wn = jnp.where(edge_weight < 0, -edge_weight, 0.0)
    x_pos = _gcn_conv(x, Wp1, bp1, src, dst, wp, n)
    x_neg = _gcn_conv(x, Wn1, bn1, src, dst, wn, n)
    h = jax.nn.relu(x_pos - x_neg)
    x_pos = _gcn_conv(h, Wp2, bp2, src, dst, wp, n)
    x_neg = _gcn_conv(h, Wn2, bn2, src, dst, wn, n)
    out = jax.nn.relu(x_pos - x_neg)
    return out

if __name__ == "__main__":
    import jax
    _d = setup_inputs()
    print(jax.jit(kernel)(*tuple(_d.values())))

</pallas_src>

<mosaic_0001>
#map = affine_map<(d0, d1) -> (0, 0)>
#map1 = affine_map<(d0, d1) -> (0)>
#map2 = affine_map<(d0, d1) -> (0, 0, 0)>
module attributes {stable_mosaic.version = 14 : i64} {
  func.func @scat_kernel(%arg0: i32, %arg1: i32, %arg2: memref<32x40000xf32, #tpu.memory_space<hbm>>, %arg3: memref<320000xi32, #tpu.memory_space<hbm>>, %arg4: memref<320000xf32, #tpu.memory_space<hbm>>, %arg5: memref<2x32x40000xf32, #tpu.memory_space<hbm>>, %arg6: memref<40000xf32, #tpu.memory_space<vmem>>, %arg7: memref<80000xf32, #tpu.memory_space<vmem>>, %arg8: memref<2000xi32, #tpu.memory_space<vmem>>, %arg9: memref<2000xi32, #tpu.memory_space<vmem>>, %arg10: memref<2000xf32, #tpu.memory_space<vmem>>, %arg11: memref<2000xf32, #tpu.memory_space<vmem>>, %arg12: memref<!tpu.dma_semaphore, #tpu.memory_space<semaphore_mem>>, %arg13: memref<!tpu.dma_semaphore, #tpu.memory_space<semaphore_mem>>, %arg14: memref<!tpu.dma_semaphore, #tpu.memory_space<semaphore_mem>>) attributes {dimension_semantics = [#tpu.dimension_semantics<core_parallel>, #tpu.dimension_semantics<subcore_parallel>], iteration_bounds = array<i64: 2, 16>, scalar_prefetch = 0 : i64, scratch_operands = 9 : i64, tpu.core_type = #tpu.core_type<sc_vector_subcore>, window_params = [{transform_indices = #map}, {transform_indices = #map1}, {transform_indices = #map1}, {transform_indices = #map2}]} {
    %mul3A = arith.constant 2 : i32
    %mul3A_0 = arith.muli %arg1, %mul3A : i32
    %add3A = arith.addi %mul3A_0, %arg0 : i32
    %dma_start3A = arith.constant 0 : i32
    %dma_start3A_1 = tpu.memref_slice %arg2[%add3A, %dma_start3A] : memref<32x40000xf32, #tpu.memory_space<hbm>> -> memref<1x40000xf32, #tpu.memory_space<hbm>>
    %dma_start3A_2 = tpu.memref_squeeze %dma_start3A_1 : memref<1x40000xf32, #tpu.memory_space<hbm>> -> memref<40000xf32, #tpu.memory_space<hbm>>
    %dma_start3A_3 = arith.constant 0 : i32
    %dma_start3A_4 = tpu.memref_slice %arg2[%add3A, %dma_start3A_3] : memref<32x40000xf32, #tpu.memory_space<hbm>> -> memref<1x40000xf32, #tpu.memory_space<hbm>>
    %dma_start3A_5 = tpu.memref_squeeze %dma_start3A_4 : memref<1x40000xf32, #tpu.memory_space<hbm>> -> memref<40000xf32, #tpu.memory_space<hbm>>
    tpu.enqueue_dma source(%dma_start3A_5 : memref<40000xf32, #tpu.memory_space<hbm>>) target(%arg6 : memref<40000xf32, #tpu.memory_space<vmem>>) target_semaphore(%arg14 : memref<!tpu.dma_semaphore, #tpu.memory_space<semaphore_mem>>)
    %broadcast_in_dim3A = arith.constant 0.000000e+00 : f32
    %broadcast_in_dim3A_6 = vector.broadcast %broadcast_in_dim3A : f32 to vector<16xf32>
    %parallel_loop3A = arith.constant 0 : i32
    %parallel_loop3A_7 = arith.constant 5000 : i32
    %parallel_loop3A_8 = arith.constant 1 : i32
    scf.for %parallel_loop3A_62 = %parallel_loop3A to %parallel_loop3A_7 step %parallel_loop3A_8  : i32 {
      %parallel_loop3A_63 = arith.constant 16 : i32
      %parallel_loop3A_64 = arith.muli %parallel_loop3A_62, %parallel_loop3A_63 : i32
      %parallel_loop3A_65 = arith.index_cast %parallel_loop3A_64 : i32 to index
      %parallel_loop3A_66 = tpu.vector_load %arg7[%parallel_loop3A_65] {strides = array<i32>} : memref<80000xf32, #tpu.memory_space<vmem>>, vector<16xf32>,
      tpu.vector_store %arg7[%parallel_loop3A_65], %broadcast_in_dim3A_6 {strides = array<i32>} : memref<80000xf32, #tpu.memory_space<vmem>>, vector<16xf32>,
    } {sc.loop_unroll_factor = 8 : i64, sc.parallel_access}
    %dma_wait3A = arith.constant 0 : i32
    %dma_wait3A_9 = tpu.memref_slice %arg2[%add3A, %dma_wait3A] : memref<32x40000xf32, #tpu.memory_space<hbm>> -> memref<1x40000xf32, #tpu.memory_space<hbm>>
    %dma_wait3A_10 = tpu.memref_squeeze %dma_wait3A_9 : memref<1x40000xf32, #tpu.memory_space<hbm>> -> memref<40000xf32, #tpu.memory_space<hbm>>
    %dma_wait3A_11 = arith.constant 0 : i32
    %dma_wait3A_12 = tpu.memref_slice %arg2[%add3A, %dma_wait3A_11] : memref<32x40000xf32, #tpu.memory_space<hbm>> -> memref<1x40000xf32, #tpu.memory_space<hbm>>
    %dma_wait3A_13 = tpu.memref_squeeze %dma_wait3A_12 : memref<1x40000xf32, #tpu.memory_space<hbm>> -> memref<40000xf32, #tpu.memory_space<hbm>>
    tpu.wait_dma2 semaphore(%arg14 : memref<!tpu.dma_semaphore, #tpu.memory_space<semaphore_mem>>) src(%dma_wait3A_13 : memref<40000xf32, #tpu.memory_space<hbm>>) dst(%arg6 : memref<40000xf32, #tpu.memory_space<vmem>>)
    %mul3A_14 = arith.constant 5 : i32
    %mul3A_15 = arith.muli %add3A, %mul3A_14 : i32
    %add3A_16 = arith.constant 0 : i32
    %add3A_17 = arith.addi %mul3A_15, %add3A_16 : i32
    %ge3A = arith.constant 160 : i32
    %ge3A_18 = arith.cmpi sge, %add3A_17, %ge3A : i32
    %sub3A = arith.constant 160 : i32
    %sub3A_19 = arith.subi %add3A_17, %sub3A : i32
    %select_n3A = arith.select %ge3A_18, %sub3A_19, %add3A_17 : i32
    %mul3A_20 = arith.constant 2000 : i32
    %mul3A_21 = arith.muli %select_n3A, %mul3A_20 : i32
    %dma_start3A_22 = tpu.memref_slice %arg3[%mul3A_21] : memref<320000xi32, #tpu.memory_space<hbm>> -> memref<2000xi32, #tpu.memory_space<hbm>>
    %dma_start3A_23 = tpu.memref_slice %arg3[%mul3A_21] : memref<320000xi32, #tpu.memory_space<hbm>> -> memref<2000xi32, #tpu.memory_space<hbm>>
    tpu.enqueue_dma source(%dma_start3A_23 : memref<2000xi32, #tpu.memory_space<hbm>>) target(%arg8 : memref<2000xi32, #tpu.memory_space<vmem>>) target_semaphore(%arg12 : memref<!tpu.dma_semaphore, #tpu.memory_space<semaphore_mem>>)
    %add3A_24 = arith.constant 0 : i32
    %add3A_25 = arith.addi %mul3A_15, %add3A_24 : i32
    %ge3A_26 = arith.constant 160 : i32
    %ge3A_27 = arith.cmpi sge, %add3A_25, %ge3A_26 : i32
    %sub3A_28 = arith.constant 160 : i32
    %sub3A_29 = arith.subi %add3A_25, %sub3A_28 : i32
    %select_n3A_30 = arith.select %ge3A_27, %sub3A_29, %add3A_25 : i32
    %mul3A_31 = arith.constant 2000 : i32
    %mul3A_32 = arith.muli %select_n3A_30, %mul3A_31 : i32
    %dma_start3A_33 = tpu.memref_slice %arg4[%mul3A_32] : memref<320000xf32, #tpu.memory_space<hbm>> -> memref<2000xf32, #tpu.memory_space<hbm>>
    %dma_start3A_34 = tpu.memref_slice %arg4[%mul3A_32] : memref<320000xf32, #tpu.memory_space<hbm>> -> memref<2000xf32, #tpu.memory_space<hbm>>
    tpu.enqueue_dma source(%dma_start3A_34 : memref<2000xf32, #tpu.memory_space<hbm>>) target(%arg10 : memref<2000xf32, #tpu.memory_space<vmem>>) target_semaphore(%arg12 : memref<!tpu.dma_semaphore, #tpu.memory_space<semaphore_mem>>)
    %add3A_35 = arith.constant 1 : i32
    %add3A_36 = arith.addi %mul3A_15, %add3A_35 : i32
    %ge3A_37 = arith.constant 160 : i32
    %ge3A_38 = arith.cmpi sge, %add3A_36, %ge3A_37 : i32
    %sub3A_39 = arith.constant 160 : i32
    %sub3A_40 = arith.subi %add3A_36, %sub3A_39 : i32
    %select_n3A_41 = arith.select %ge3A_38, %sub3A_40, %add3A_36 : i32
    %mul3A_42 = arith.constant 2000 : i32
    %mul3A_43 = arith.muli %select_n3A_41, %mul3A_42 : i32
    %dma_start3A_44 = tpu.memref_slice %arg3[%mul3A_43] : memref<320000xi32, #tpu.memory_space<hbm>> -> memref<2000xi32, #tpu.memory_space<hbm>>
    %dma_start3A_45 = tpu.memref_slice %arg3[%mul3A_43] : memref<320000xi32, #tpu.memory_space<hbm>> -> memref<2000xi32, #tpu.memory_space<hbm>>
    tpu.enqueue_dma source(%dma_start3A_45 : memref<2000xi32, #tpu.memory_space<hbm>>) target(%arg9 : memref<2000xi32, #tpu.memory_space<vmem>>) target_semaphore(%arg13 : memref<!tpu.dma_semaphore, #tpu.memory_space<semaphore_mem>>)
    %add3A_46 = arith.constant 1 : i32
    %add3A_47 = arith.addi %mul3A_15, %add3A_46 : i32
    %ge3A_48 = arith.constant 160 : i32
    %ge3A_49 = arith.cmpi sge, %add3A_47, %ge3A_48 : i32
    %sub3A_50 = arith.constant 160 : i32
    %sub3A_51 = arith.subi %add3A_47, %sub3A_50 : i32
    %select_n3A_52 = arith.select %ge3A_49, %sub3A_51, %add3A_47 : i32
    %mul3A_53 = arith.constant 2000 : i32
    %mul3A_54 = arith.muli %select_n3A_52, %mul3A_53 : i32
    %dma_start3A_55 = tpu.memref_slice %arg4[%mul3A_54] : memref<320000xf32, #tpu.memory_space<hbm>> -> memref<2000xf32, #tpu.memory_space<hbm>>
    %dma_start3A_56 = tpu.memref_slice %arg4[%mul3A_54] : memref<320000xf32, #tpu.memory_space<hbm>> -> memref<2000xf32, #tpu.memory_space<hbm>>
    tpu.enqueue_dma source(%dma_start3A_56 : memref<2000xf32, #tpu.memory_space<hbm>>) target(%arg11 : memref<2000xf32, #tpu.memory_space<vmem>>) target_semaphore(%arg13 : memref<!tpu.dma_semaphore, #tpu.memory_space<semaphore_mem>>)
    %scan3A = arith.constant 0 : i32
    %scan3A_57 = arith.constant 80 : i32
    %scan3A_58 = arith.addi %scan3A, %scan3A_57 : i32
    %scan3A_59 = arith.constant 1 : i32
    scf.for %scan3A_62 = %scan3A to %scan3A_58 step %scan3A_59  : i32 {
      %mul3A_63 = arith.constant 2 : i32
      %mul3A_64 = arith.muli %scan3A_62, %mul3A_63 : i32
      %add3A_65 = arith.constant 0 : i32
      %add3A_66 = arith.addi %add3A_65, %mul3A_64 : i32
      %add3A_67 = arith.constant 0 : i32
      %add3A_68 = arith.addi %add3A_66, %add3A_67 : i32
      %add3A_69 = arith.addi %mul3A_15, %add3A_68 : i32
      %ge3A_70 = arith.constant 160 : i32
      %ge3A_71 = arith.cmpi sge, %add3A_69, %ge3A_70 : i32
      %sub3A_72 = arith.constant 160 : i32
      %sub3A_73 = arith.subi %add3A_69, %sub3A_72 : i32
      %select_n3A_74 = arith.select %ge3A_71, %sub3A_73, %add3A_69 : i32
      %mul3A_75 = arith.constant 2000 : i32
      %mul3A_76 = arith.muli %select_n3A_74, %mul3A_75 : i32
      %dma_wait3A_77 = tpu.memref_slice %arg3[%mul3A_76] : memref<320000xi32, #tpu.memory_space<hbm>> -> memref<2000xi32, #tpu.memory_space<hbm>>
      %dma_wait3A_78 = tpu.memref_slice %arg3[%mul3A_76] : memref<320000xi32, #tpu.memory_space<hbm>> -> memref<2000xi32, #tpu.memory_space<hbm>>
      tpu.wait_dma2 semaphore(%arg12 : memref<!tpu.dma_semaphore, #tpu.memory_space<semaphore_mem>>) src(%dma_wait3A_78 : memref<2000xi32, #tpu.memory_space<hbm>>) dst(%arg8 : memref<2000xi32, #tpu.memory_space<vmem>>)
      %dma_wait3A_79 = tpu.memref_slice %arg4[%mul3A_76] : memref<320000xf32, #tpu.memory_space<hbm>> -> memref<2000xf32, #tpu.memory_space<hbm>>
      %dma_wait3A_80 = tpu.memref_slice %arg4[%mul3A_76] : memref<320000xf32, #tpu.memory_space<hbm>> -> memref<2000xf32, #tpu.memory_space<hbm>>
      tpu.wait_dma2 semaphore(%arg12 : memref<!tpu.dma_semaphore, #tpu.memory_space<semaphore_mem>>) src(%dma_wait3A_80 : memref<2000xf32, #tpu.memory_space<hbm>>) dst(%arg10 : memref<2000xf32, #tpu.memory_space<vmem>>)
      %parallel_loop3A_81 = arith.constant 0 : i32
      %parallel_loop3A_82 = arith.constant 125 : i32
      %parallel_loop3A_83 = arith.constant 1 : i32
      scf.for %parallel_loop3A_112 = %parallel_loop3A_81 to %parallel_loop3A_82 step %parallel_loop3A_83  : i32 {
        %parallel_loop3A_113 = arith.constant 16 : i32
        %parallel_loop3A_114 = arith.muli %parallel_loop3A_112, %parallel_loop3A_113 : i32
        %parallel_loop3A_115 = arith.index_cast %parallel_loop3A_114 : i32 to index
        %parallel_loop3A_116 = tpu.vector_load %arg8[%parallel_loop3A_115] {strides = array<i32>} : memref<2000xi32, #tpu.memory_space<vmem>>, vector<16xi32>,
        %parallel_loop3A_117 = arith.constant 16383 : i32
        %parallel_loop3A_118 = vector.broadcast %parallel_loop3A_117 : i32 to vector<16xi32>
        %parallel_loop3A_119 = arith.andi %parallel_loop3A_116, %parallel_loop3A_118 : vector<16xi32>
        %parallel_loop3A_120 = arith.constant 14 : i32
        %parallel_loop3A_121 = vector.broadcast %parallel_loop3A_120 : i32 to vector<16xi32>
        %parallel_loop3A_122 = arith.shrui %parallel_loop3A_116, %parallel_loop3A_121 : vector<16xi32>
        %parallel_loop3A_123 = arith.constant 16 : i32
        %parallel_loop3A_124 = arith.muli %parallel_loop3A_112, %parallel_loop3A_123 : i32
        %parallel_loop3A_125 = arith.index_cast %parallel_loop3A_124 : i32 to index
        %parallel_loop3A_126 = tpu.vector_load %arg10[%parallel_loop3A_125] {strides = array<i32>} : memref<2000xf32, #tpu.memory_space<vmem>>, vector<16xf32>,
        %parallel_loop3A_127 = arith.constant 0 : i32
        %parallel_loop3A_128 = vector.broadcast %parallel_loop3A_127 : i32 to vector<16xi32>
        %parallel_loop3A_129 = arith.addi %parallel_loop3A_119, %parallel_loop3A_128 : vector<16xi32>
        %parallel_loop3A_130 = tpu.vector_load_idx %arg6[%parallel_loop3A_129] : memref<40000xf32, #tpu.memory_space<vmem>>[vector<16xi32>], vector<16xf32>,
        %parallel_loop3A_131 = arith.constant 0 : i32
        %parallel_loop3A_132 = vector.broadcast %parallel_loop3A_131 : i32 to vector<16xi32>
        %parallel_loop3A_133 = arith.addi %parallel_loop3A_122, %parallel_loop3A_132 : vector<16xi32>
        %parallel_loop3A_134 = arith.mulf %parallel_loop3A_130, %parallel_loop3A_126 : vector<16xf32>
        tpu.vector_store_idx %arg7[%parallel_loop3A_133], %parallel_loop3A_134 {add = true} : memref<80000xf32, #tpu.memory_space<vmem>>[vector<16xi32>], vector<16xf32>,
        %parallel_loop3A_135 = arith.constant 10000 : i32
        %parallel_loop3A_136 = vector.broadcast %parallel_loop3A_135 : i32 to vector<16xi32>
        %parallel_loop3A_137 = arith.addi %parallel_loop3A_119, %parallel_loop3A_136 : vector<16xi32>
        %parallel_loop3A_138 = tpu.vector_load_idx %arg6[%parallel_loop3A_137] : memref<40000xf32, #tpu.memory_space<vmem>>[vector<16xi32>], vector<16xf32>,
        %parallel_loop3A_139 = arith.constant 10000 : i32
        %parallel_loop3A_140 = vector.broadcast %parallel_loop3A_139 : i32 to vector<16xi32>
        %parallel_loop3A_141 = arith.addi %parallel_loop3A_122, %parallel_loop3A_140 : vector<16xi32>
        %parallel_loop3A_142 = arith.mulf %parallel_loop3A_138, %parallel_loop3A_126 : vector<16xf32>
        tpu.vector_store_idx %arg7[%parallel_loop3A_141], %parallel_loop3A_142 {add = true} : memref<80000xf32, #tpu.memory_space<vmem>>[vector<16xi32>], vector<16xf32>,
        %parallel_loop3A_143 = arith.constant 20000 : i32
        %parallel_loop3A_144 = vector.broadcast %parallel_loop3A_143 : i32 to vector<16xi32>
        %parallel_loop3A_145 = arith.addi %parallel_loop3A_119, %parallel_loop3A_144 : vector<16xi32>
        %parallel_loop3A_146 = tpu.vector_load_idx %arg6[%parallel_loop3A_145] : memref<40000xf32, #tpu.memory_space<vmem>>[vector<16xi32>], vector<16xf32>,
        %parallel_loop3A_147 = arith.constant 20000 : i32
        %parallel_loop3A_148 = vector.broadcast %parallel_loop3A_147 : i32 to vector<16xi32>
        %parallel_loop3A_149 = arith.addi %parallel_loop3A_122, %parallel_loop3A_148 : vector<16xi32>
        %parallel_loop3A_150 = arith.mulf %parallel_loop3A_146, %parallel_loop3A_126 : vector<16xf32>
        tpu.vector_store_idx %arg7[%parallel_loop3A_149], %parallel_loop3A_150 {add = true} : memref<80000xf32, #tpu.memory_space<vmem>>[vector<16xi32>], vector<16xf32>,
        %parallel_loop3A_151 = arith.constant 30000 : i32
        %parallel_loop3A_152 = vector.broadcast %parallel_loop3A_151 : i32 to vector<16xi32>
        %parallel_loop3A_153 = arith.addi %parallel_loop3A_119, %parallel_loop3A_152 : vector<16xi32>
        %parallel_loop3A_154 = tpu.vector_load_idx %arg6[%parallel_loop3A_153] : memref<40000xf32, #tpu.memory_space<vmem>>[vector<16xi32>], vector<16xf32>,
        %parallel_loop3A_155 = arith.constant 30000 : i32
        %parallel_loop3A_156 = vector.broadcast %parallel_loop3A_155 : i32 to vector<16xi32>
        %parallel_loop3A_157 = arith.addi %parallel_loop3A_122, %parallel_loop3A_156 : vector<16xi32>
        %parallel_loop3A_158 = arith.mulf %parallel_loop3A_154, %parallel_loop3A_126 : vector<16xf32>
        tpu.vector_store_idx %arg7[%parallel_loop3A_157], %parallel_loop3A_158 {add = true} : memref<80000xf32, #tpu.memory_space<vmem>>[vector<16xi32>], vector<16xf32>,
      } {sc.loop_unroll_factor = 8 : i64, sc.parallel_access}
      %add3A_84 = arith.constant 2 : i32
      %add3A_85 = arith.addi %add3A_68, %add3A_84 : i32
      %lt3A = arith.constant 160 : i32
      %lt3A_86 = arith.cmpi slt, %add3A_85, %lt3A : i32
      %convert_element_type3A = arith.extui %lt3A_86 : i1 to i32
      %cond3A = arith.constant 0 : i32
      %cond3A_87 = arith.cmpi ne, %convert_element_type3A, %cond3A : i32
      scf.if %cond3A_87 {
        %add3A_112 = arith.constant 2 : i32
        %add3A_113 = arith.addi %add3A_68, %add3A_112 : i32
        %add3A_114 = arith.addi %mul3A_15, %add3A_113 : i32
        %ge3A_115 = arith.constant 160 : i32
        %ge3A_116 = arith.cmpi sge, %add3A_114, %ge3A_115 : i32
        %sub3A_117 = arith.constant 160 : i32
        %sub3A_118 = arith.subi %add3A_114, %sub3A_117 : i32
        %select_n3A_119 = arith.select %ge3A_116, %sub3A_118, %add3A_114 : i32
        %mul3A_120 = arith.constant 2000 : i32
        %mul3A_121 = arith.muli %select_n3A_119, %mul3A_120 : i32
        %dma_start3A_122 = tpu.memref_slice %arg3[%mul3A_121] : memref<320000xi32, #tpu.memory_space<hbm>> -> memref<2000xi32, #tpu.memory_space<hbm>>
        %dma_start3A_123 = tpu.memref_slice %arg3[%mul3A_121] : memref<320000xi32, #tpu.memory_space<hbm>> -> memref<2000xi32, #tpu.memory_space<hbm>>
        tpu.enqueue_dma source(%dma_start3A_123 : memref<2000xi32, #tpu.memory_space<hbm>>) target(%arg8 : memref<2000xi32, #tpu.memory_space<vmem>>) target_semaphore(%arg12 : memref<!tpu.dma_semaphore, #tpu.memory_space<semaphore_mem>>)
        %dma_start3A_124 = tpu.memref_slice %arg4[%mul3A_121] : memref<320000xf32, #tpu.memory_space<hbm>> -> memref<2000xf32, #tpu.memory_space<hbm>>
        %dma_start3A_125 = tpu.memref_slice %arg4[%mul3A_121] : memref<320000xf32, #tpu.memory_space<hbm>> -> memref<2000xf32, #tpu.memory_space<hbm>>
        tpu.enqueue_dma source(%dma_start3A_125 : memref<2000xf32, #tpu.memory_space<hbm>>) target(%arg10 : memref<2000xf32, #tpu.memory_space<vmem>>) target_semaphore(%arg12 : memref<!tpu.dma_semaphore, #tpu.memory_space<semaphore_mem>>)
      } else {
      }
      %add3A_88 = arith.constant 1 : i32
      %add3A_89 = arith.addi %add3A_66, %add3A_88 : i32
      %add3A_90 = arith.addi %mul3A_15, %add3A_89 : i32
      %ge3A_91 = arith.constant 160 : i32
      %ge3A_92 = arith.cmpi sge, %add3A_90, %ge3A_91 : i32
      %sub3A_93 = arith.constant 160 : i32
      %sub3A_94 = arith.subi %add3A_90, %sub3A_93 : i32
      %select_n3A_95 = arith.select %ge3A_92, %sub3A_94, %add3A_90 : i32
      %mul3A_96 = arith.constant 2000 : i32
      %mul3A_97 = arith.muli %select_n3A_95, %mul3A_96 : i32
      %dma_wait3A_98 = tpu.memref_slice %arg3[%mul3A_97] : memref<320000xi32, #tpu.memory_space<hbm>> -> memref<2000xi32, #tpu.memory_space<hbm>>
      %dma_wait3A_99 = tpu.memref_slice %arg3[%mul3A_97] : memref<320000xi32, #tpu.memory_space<hbm>> -> memref<2000xi32, #tpu.memory_space<hbm>>
      tpu.wait_dma2 semaphore(%arg13 : memref<!tpu.dma_semaphore, #tpu.memory_space<semaphore_mem>>) src(%dma_wait3A_99 : memref<2000xi32, #tpu.memory_space<hbm>>) dst(%arg9 : memref<2000xi32, #tpu.memory_space<vmem>>)
      %dma_wait3A_100 = tpu.memref_slice %arg4[%mul3A_97] : memref<320000xf32, #tpu.memory_space<hbm>> -> memref<2000xf32, #tpu.memory_space<hbm>>
      %dma_wait3A_101 = tpu.memref_slice %arg4[%mul3A_97] : memref<320000xf32, #tpu.memory_space<hbm>> -> memref<2000xf32, #tpu.memory_space<hbm>>
      tpu.wait_dma2 semaphore(%arg13 : memref<!tpu.dma_semaphore, #tpu.memory_space<semaphore_mem>>) src(%dma_wait3A_101 : memref<2000xf32, #tpu.memory_space<hbm>>) dst(%arg11 : memref<2000xf32, #tpu.memory_space<vmem>>)
      %parallel_loop3A_102 = arith.constant 0 : i32
      %parallel_loop3A_103 = arith.constant 125 : i32
      %parallel_loop3A_104 = arith.constant 1 : i32
      scf.for %parallel_loop3A_112 = %parallel_loop3A_102 to %parallel_loop3A_103 step %parallel_loop3A_104  : i32 {
        %parallel_loop3A_113 = arith.constant 16 : i32
        %parallel_loop3A_114 = arith.muli %parallel_loop3A_112, %parallel_loop3A_113 : i32
        %parallel_loop3A_115 = arith.index_cast %parallel_loop3A_114 : i32 to index
        %parallel_loop3A_116 = tpu.vector_load %arg9[%parallel_loop3A_115] {strides = array<i32>} : memref<2000xi32, #tpu.memory_space<vmem>>, vector<16xi32>,
        %parallel_loop3A_117 = arith.constant 16383 : i32
        %parallel_loop3A_118 = vector.broadcast %parallel_loop3A_117 : i32 to vector<16xi32>
        %parallel_loop3A_119 = arith.andi %parallel_loop3A_116, %parallel_loop3A_118 : vector<16xi32>
        %parallel_loop3A_120 = arith.constant 14 : i32
        %parallel_loop3A_121 = vector.broadcast %parallel_loop3A_120 : i32 to vector<16xi32>
        %parallel_loop3A_122 = arith.shrui %parallel_loop3A_116, %parallel_loop3A_121 : vector<16xi32>
        %parallel_loop3A_123 = arith.constant 16 : i32
        %parallel_loop3A_124 = arith.muli %parallel_loop3A_112, %parallel_loop3A_123 : i32
        %parallel_loop3A_125 = arith.index_cast %parallel_loop3A_124 : i32 to index
        %parallel_loop3A_126 = tpu.vector_load %arg11[%parallel_loop3A_125] {strides = array<i32>} : memref<2000xf32, #tpu.memory_space<vmem>>, vector<16xf32>,
        %parallel_loop3A_127 = arith.constant 0 : i32
        %parallel_loop3A_128 = vector.broadcast %parallel_loop3A_127 : i32 to vector<16xi32>
        %parallel_loop3A_129 = arith.addi %parallel_loop3A_119, %parallel_loop3A_128 : vector<16xi32>
        %parallel_loop3A_130 = tpu.vector_load_idx %arg6[%parallel_loop3A_129] : memref<40000xf32, #tpu.memory_space<vmem>>[vector<16xi32>], vector<16xf32>,
        %parallel_loop3A_131 = arith.constant 0 : i32
        %parallel_loop3A_132 = vector.broadcast %parallel_loop3A_131 : i32 to vector<16xi32>
        %parallel_loop3A_133 = arith.addi %parallel_loop3A_122, %parallel_loop3A_132 : vector<16xi32>
        %parallel_loop3A_134 = arith.mulf %parallel_loop3A_130, %parallel_loop3A_126 : vector<16xf32>
        tpu.vector_store_idx %arg7[%parallel_loop3A_133], %parallel_loop3A_134 {add = true} : memref<80000xf32, #tpu.memory_space<vmem>>[vector<16xi32>], vector<16xf32>,
        %parallel_loop3A_135 = arith.constant 10000 : i32
        %parallel_loop3A_136 = vector.broadcast %parallel_loop3A_135 : i32 to vector<16xi32>
        %parallel_loop3A_137 = arith.addi %parallel_loop3A_119, %parallel_loop3A_136 : vector<16xi32>
        %parallel_loop3A_138 = tpu.vector_load_idx %arg6[%parallel_loop3A_137] : memref<40000xf32, #tpu.memory_space<vmem>>[vector<16xi32>], vector<16xf32>,
        %parallel_loop3A_139 = arith.constant 10000 : i32
        %parallel_loop3A_140 = vector.broadcast %parallel_loop3A_139 : i32 to vector<16xi32>
        %parallel_loop3A_141 = arith.addi %parallel_loop3A_122, %parallel_loop3A_140 : vector<16xi32>
        %parallel_loop3A_142 = arith.mulf %parallel_loop3A_138, %parallel_loop3A_126 : vector<16xf32>
        tpu.vector_store_idx %arg7[%parallel_loop3A_141], %parallel_loop3A_142 {add = true} : memref<80000xf32, #tpu.memory_space<vmem>>[vector<16xi32>], vector<16xf32>,
        %parallel_loop3A_143 = arith.constant 20000 : i32
        %parallel_loop3A_144 = vector.broadcast %parallel_loop3A_143 : i32 to vector<16xi32>
        %parallel_loop3A_145 = arith.addi %parallel_loop3A_119, %parallel_loop3A_144 : vector<16xi32>
        %parallel_loop3A_146 = tpu.vector_load_idx %arg6[%parallel_loop3A_145] : memref<40000xf32, #tpu.memory_space<vmem>>[vector<16xi32>], vector<16xf32>,
        %parallel_loop3A_147 = arith.constant 20000 : i32
        %parallel_loop3A_148 = vector.broadcast %parallel_loop3A_147 : i32 to vector<16xi32>
        %parallel_loop3A_149 = arith.addi %parallel_loop3A_122, %parallel_loop3A_148 : vector<16xi32>
        %parallel_loop3A_150 = arith.mulf %parallel_loop3A_146, %parallel_loop3A_126 : vector<16xf32>
        tpu.vector_store_idx %arg7[%parallel_loop3A_149], %parallel_loop3A_150 {add = true} : memref<80000xf32, #tpu.memory_space<vmem>>[vector<16xi32>], vector<16xf32>,
        %parallel_loop3A_151 = arith.constant 30000 : i32
        %parallel_loop3A_152 = vector.broadcast %parallel_loop3A_151 : i32 to vector<16xi32>
        %parallel_loop3A_153 = arith.addi %parallel_loop3A_119, %parallel_loop3A_152 : vector<16xi32>
        %parallel_loop3A_154 = tpu.vector_load_idx %arg6[%parallel_loop3A_153] : memref<40000xf32, #tpu.memory_space<vmem>>[vector<16xi32>], vector<16xf32>,
        %parallel_loop3A_155 = arith.constant 30000 : i32
        %parallel_loop3A_156 = vector.broadcast %parallel_loop3A_155 : i32 to vector<16xi32>
        %parallel_loop3A_157 = arith.addi %parallel_loop3A_122, %parallel_loop3A_156 : vector<16xi32>
        %parallel_loop3A_158 = arith.mulf %parallel_loop3A_154, %parallel_loop3A_126 : vector<16xf32>
        tpu.vector_store_idx %arg7[%parallel_loop3A_157], %parallel_loop3A_158 {add = true} : memref<80000xf32, #tpu.memory_space<vmem>>[vector<16xi32>], vector<16xf32>,
      } {sc.loop_unroll_factor = 8 : i64, sc.parallel_access}
      %add3A_105 = arith.constant 2 : i32
      %add3A_106 = arith.addi %add3A_89, %add3A_105 : i32
      %lt3A_107 = arith.constant 160 : i32
      %lt3A_108 = arith.cmpi slt, %add3A_106, %lt3A_107 : i32
      %convert_element_type3A_109 = arith.extui %lt3A_108 : i1 to i32
      %cond3A_110 = arith.constant 0 : i32
      %cond3A_111 = arith.cmpi ne, %convert_element_type3A_109, %cond3A_110 : i32
      scf.if %cond3A_111 {
        %add3A_112 = arith.constant 2 : i32
        %add3A_113 = arith.addi %add3A_89, %add3A_112 : i32
        %add3A_114 = arith.addi %mul3A_15, %add3A_113 : i32
        %ge3A_115 = arith.constant 160 : i32
        %ge3A_116 = arith.cmpi sge, %add3A_114, %ge3A_115 : i32
        %sub3A_117 = arith.constant 160 : i32
        %sub3A_118 = arith.subi %add3A_114, %sub3A_117 : i32
        %select_n3A_119 = arith.select %ge3A_116, %sub3A_118, %add3A_114 : i32
        %mul3A_120 = arith.constant 2000 : i32
        %mul3A_121 = arith.muli %select_n3A_119, %mul3A_120 : i32
        %dma_start3A_122 = tpu.memref_slice %arg3[%mul3A_121] : memref<320000xi32, #tpu.memory_space<hbm>> -> memref<2000xi32, #tpu.memory_space<hbm>>
        %dma_start3A_123 = tpu.memref_slice %arg3[%mul3A_121] : memref<320000xi32, #tpu.memory_space<hbm>> -> memref<2000xi32, #tpu.memory_space<hbm>>
        tpu.enqueue_dma source(%dma_start3A_123 : memref<2000xi32, #tpu.memory_space<hbm>>) target(%arg9 : memref<2000xi32, #tpu.memory_space<vmem>>) target_semaphore(%arg13 : memref<!tpu.dma_semaphore, #tpu.memory_space<semaphore_mem>>)
        %dma_start3A_124 = tpu.memref_slice %arg4[%mul3A_121] : memref<320000xf32, #tpu.memory_space<hbm>> -> memref<2000xf32, #tpu.memory_space<hbm>>
        %dma_start3A_125 = tpu.memref_slice %arg4[%mul3A_121] : memref<320000xf32, #tpu.memory_space<hbm>> -> memref<2000xf32, #tpu.memory_space<hbm>>
        tpu.enqueue_dma source(%dma_start3A_125 : memref<2000xf32, #tpu.memory_space<hbm>>) target(%arg11 : memref<2000xf32, #tpu.memory_space<vmem>>) target_semaphore(%arg13 : memref<!tpu.dma_semaphore, #tpu.memory_space<semaphore_mem>>)
      } else {
      }
    }
    %scan3A_60 = arith.constant 80 : i32
    %run_scoped3A = arith.constant 0 : i32
    "tpu.region"() ({
      %run_scoped3A_62 = tpu.sem_alloc : memref<!tpu.dma_semaphore, #tpu.memory_space<semaphore_mem>>
      %dma_start3A_63 = arith.constant 0 : i32
      %dma_start3A_64 = tpu.memref_slice %arg7[%dma_start3A_63] : memref<80000xf32, #tpu.memory_space<vmem>> -> memref<40000xf32, #tpu.memory_space<vmem>>
      %dma_start3A_65 = arith.constant 0 : i32
      %dma_start3A_66 = tpu.memref_slice %arg5[%run_scoped3A, %add3A, %dma_start3A_65] : memref<2x32x40000xf32, #tpu.memory_space<hbm>> -> memref<1x1x40000xf32, #tpu.memory_space<hbm>>
      %dma_start3A_67 = tpu.memref_squeeze %dma_start3A_66 : memref<1x1x40000xf32, #tpu.memory_space<hbm>> -> memref<40000xf32, #tpu.memory_space<hbm>>
      %dma_start3A_68 = arith.constant 0 : i32
      %dma_start3A_69 = tpu.memref_slice %arg5[%run_scoped3A, %add3A, %dma_start3A_68] : memref<2x32x40000xf32, #tpu.memory_space<hbm>> -> memref<1x1x40000xf32, #tpu.memory_space<hbm>>
      %dma_start3A_70 = tpu.memref_squeeze %dma_start3A_69 : memref<1x1x40000xf32, #tpu.memory_space<hbm>> -> memref<40000xf32, #tpu.memory_space<hbm>>
      %dma_start3A_71 = arith.constant 0 : i32
      %dma_start3A_72 = tpu.memref_slice %arg7[%dma_start3A_71] : memref<80000xf32, #tpu.memory_space<vmem>> -> memref<40000xf32, #tpu.memory_space<vmem>>
      tpu.enqueue_dma source(%dma_start3A_72 : memref<40000xf32, #tpu.memory_space<vmem>>) target(%dma_start3A_70 : memref<40000xf32, #tpu.memory_space<hbm>>) target_semaphore(%run_scoped3A_62 : memref<!tpu.dma_semaphore, #tpu.memory_space<semaphore_mem>>)
      %dma_wait3A_73 = arith.constant 0 : i32
      %dma_wait3A_74 = tpu.memref_slice %arg7[%dma_wait3A_73] : memref<80000xf32, #tpu.memory_space<vmem>> -> memref<40000xf32, #tpu.memory_space<vmem>>
      %dma_wait3A_75 = arith.constant 0 : i32
      %dma_wait3A_76 = tpu.memref_slice %arg5[%run_scoped3A, %add3A, %dma_wait3A_75] : memref<2x32x40000xf32, #tpu.memory_space<hbm>> -> memref<1x1x40000xf32, #tpu.memory_space<hbm>>
      %dma_wait3A_77 = tpu.memref_squeeze %dma_wait3A_76 : memref<1x1x40000xf32, #tpu.memory_space<hbm>> -> memref<40000xf32, #tpu.memory_space<hbm>>
      %dma_wait3A_78 = arith.constant 0 : i32
      %dma_wait3A_79 = tpu.memref_slice %arg5[%run_scoped3A, %add3A, %dma_wait3A_78] : memref<2x32x40000xf32, #tpu.memory_space<hbm>> -> memref<1x1x40000xf32, #tpu.memory_space<hbm>>
      %dma_wait3A_80 = tpu.memref_squeeze %dma_wait3A_79 : memref<1x1x40000xf32, #tpu.memory_space<hbm>> -> memref<40000xf32, #tpu.memory_space<hbm>>
      %dma_wait3A_81 = arith.constant 0 : i32
      %dma_wait3A_82 = tpu.memref_slice %arg7[%dma_wait3A_81] : memref<80000xf32, #tpu.memory_space<vmem>> -> memref<40000xf32, #tpu.memory_space<vmem>>
      tpu.wait_dma2 semaphore(%run_scoped3A_62 : memref<!tpu.dma_semaphore, #tpu.memory_space<semaphore_mem>>) src(%dma_wait3A_82 : memref<40000xf32, #tpu.memory_space<vmem>>) dst(%dma_wait3A_80 : memref<40000xf32, #tpu.memory_space<hbm>>)
      tpu.yield
    }) : () -> ()
    %run_scoped3A_61 = arith.constant 1 : i32
    "tpu.region"() ({
      %run_scoped3A_62 = tpu.sem_alloc : memref<!tpu.dma_semaphore, #tpu.memory_space<semaphore_mem>>
      %dma_start3A_63 = arith.constant 40000 : i32
      %dma_start3A_64 = tpu.memref_slice %arg7[%dma_start3A_63] : memref<80000xf32, #tpu.memory_space<vmem>> -> memref<40000xf32, #tpu.memory_space<vmem>>
      %dma_start3A_65 = arith.constant 0 : i32
      %dma_start3A_66 = tpu.memref_slice %arg5[%run_scoped3A_61, %add3A, %dma_start3A_65] : memref<2x32x40000xf32, #tpu.memory_space<hbm>> -> memref<1x1x40000xf32, #tpu.memory_space<hbm>>
      %dma_start3A_67 = tpu.memref_squeeze %dma_start3A_66 : memref<1x1x40000xf32, #tpu.memory_space<hbm>> -> memref<40000xf32, #tpu.memory_space<hbm>>
      %dma_start3A_68 = arith.constant 0 : i32
      %dma_start3A_69 = tpu.memref_slice %arg5[%run_scoped3A_61, %add3A, %dma_start3A_68] : memref<2x32x40000xf32, #tpu.memory_space<hbm>> -> memref<1x1x40000xf32, #tpu.memory_space<hbm>>
      %dma_start3A_70 = tpu.memref_squeeze %dma_start3A_69 : memref<1x1x40000xf32, #tpu.memory_space<hbm>> -> memref<40000xf32, #tpu.memory_space<hbm>>
      %dma_start3A_71 = arith.constant 40000 : i32
      %dma_start3A_72 = tpu.memref_slice %arg7[%dma_start3A_71] : memref<80000xf32, #tpu.memory_space<vmem>> -> memref<40000xf32, #tpu.memory_space<vmem>>
      tpu.enqueue_dma source(%dma_start3A_72 : memref<40000xf32, #tpu.memory_space<vmem>>) target(%dma_start3A_70 : memref<40000xf32, #tpu.memory_space<hbm>>) target_semaphore(%run_scoped3A_62 : memref<!tpu.dma_semaphore, #tpu.memory_space<semaphore_mem>>)
      %dma_wait3A_73 = arith.constant 40000 : i32
      %dma_wait3A_74 = tpu.memref_slice %arg7[%dma_wait3A_73] : memref<80000xf32, #tpu.memory_space<vmem>> -> memref<40000xf32, #tpu.memory_space<vmem>>
      %dma_wait3A_75 = arith.constant 0 : i32
      %dma_wait3A_76 = tpu.memref_slice %arg5[%run_scoped3A_61, %add3A, %dma_wait3A_75] : memref<2x32x40000xf32, #tpu.memory_space<hbm>> -> memref<1x1x40000xf32, #tpu.memory_space<hbm>>
      %dma_wait3A_77 = tpu.memref_squeeze %dma_wait3A_76 : memref<1x1x40000xf32, #tpu.memory_space<hbm>> -> memref<40000xf32, #tpu.memory_space<hbm>>
      %dma_wait3A_78 = arith.constant 0 : i32
      %dma_wait3A_79 = tpu.memref_slice %arg5[%run_scoped3A_61, %add3A, %dma_wait3A_78] : memref<2x32x40000xf32, #tpu.memory_space<hbm>> -> memref<1x1x40000xf32, #tpu.memory_space<hbm>>
      %dma_wait3A_80 = tpu.memref_squeeze %dma_wait3A_79 : memref<1x1x40000xf32, #tpu.memory_space<hbm>> -> memref<40000xf32, #tpu.memory_space<hbm>>
      %dma_wait3A_81 = arith.constant 40000 : i32
      %dma_wait3A_82 = tpu.memref_slice %arg7[%dma_wait3A_81] : memref<80000xf32, #tpu.memory_space<vmem>> -> memref<40000xf32, #tpu.memory_space<vmem>>
      tpu.wait_dma2 semaphore(%run_scoped3A_62 : memref<!tpu.dma_semaphore, #tpu.memory_space<semaphore_mem>>) src(%dma_wait3A_82 : memref<40000xf32, #tpu.memory_space<vmem>>) dst(%dma_wait3A_80 : memref<40000xf32, #tpu.memory_space<hbm>>)
      tpu.yield
    }) : () -> ()
    return
  }
}

#map = affine_map<(d0, d1) -> (0)>
#map1 = affine_map<(d0, d1) -> (0, 0)>
module attributes {stable_mosaic.version = 14 : i64} {
  func.func @deg_kernel(%arg0: i32, %arg1: i32, %arg2: memref<320000xi32, #tpu.memory_space<hbm>>, %arg3: memref<320000xf32, #tpu.memory_space<hbm>>, %arg4: memref<32x20000xf32, #tpu.memory_space<hbm>>, %arg5: memref<20000xf32, #tpu.memory_space<vmem>>, %arg6: memref<2000xi32, #tpu.memory_space<vmem>>, %arg7: memref<2000xf32, #tpu.memory_space<vmem>>) attributes {dimension_semantics = [#tpu.dimension_semantics<core_parallel>, #tpu.dimension_semantics<subcore_parallel>], iteration_bounds = array<i64: 2, 16>, scalar_prefetch = 0 : i64, scratch_operands = 3 : i64, tpu.core_type = #tpu.core_type<sc_vector_subcore>, window_params = [{transform_indices = #map}, {transform_indices = #map}, {transform_indices = #map1}]} {
    %mul3A = arith.constant 2 : i32
    %mul3A_0 = arith.muli %arg1, %mul3A : i32
    %add3A = arith.addi %mul3A_0, %arg0 : i32
    %broadcast_in_dim3A = arith.constant 0.000000e+00 : f32
    %broadcast_in_dim3A_1 = vector.broadcast %broadcast_in_dim3A : f32 to vector<16xf32>
    %parallel_loop3A = arith.constant 0 : i32
    %parallel_loop3A_2 = arith.constant 1250 : i32
    %parallel_loop3A_3 = arith.constant 1 : i32
    scf.for %parallel_loop3A_31 = %parallel_loop3A to %parallel_loop3A_2 step %parallel_loop3A_3  : i32 {
      %parallel_loop3A_32 = arith.constant 16 : i32
      %parallel_loop3A_33 = arith.muli %parallel_loop3A_31, %parallel_loop3A_32 : i32
      %parallel_loop3A_34 = arith.index_cast %parallel_loop3A_33 : i32 to index
      %parallel_loop3A_35 = tpu.vector_load %arg5[%parallel_loop3A_34] {strides = array<i32>} : memref<20000xf32, #tpu.memory_space<vmem>>, vector<16xf32>,
      tpu.vector_store %arg5[%parallel_loop3A_34], %broadcast_in_dim3A_1 {strides = array<i32>} : memref<20000xf32, #tpu.memory_space<vmem>>, vector<16xf32>,
    } {sc.loop_unroll_factor = 8 : i64, sc.parallel_access}
    %mul3A_4 = arith.constant 10000 : i32
    %mul3A_5 = arith.muli %add3A, %mul3A_4 : i32
    %add3A_6 = arith.constant 0 : i32
    %add3A_7 = arith.addi %mul3A_5, %add3A_6 : i32
    "tpu.region"() ({
      %run_scoped3A = tpu.sem_alloc : memref<!tpu.dma_semaphore, #tpu.memory_space<semaphore_mem>>
      %dma_start3A = tpu.memref_slice %arg2[%add3A_7] : memref<320000xi32, #tpu.memory_space<hbm>> -> memref<2000xi32, #tpu.memory_space<hbm>>
      %dma_start3A_31 = tpu.memref_slice %arg2[%add3A_7] : memref<320000xi32, #tpu.memory_space<hbm>> -> memref<2000xi32, #tpu.memory_space<hbm>>
      tpu.enqueue_dma source(%dma_start3A_31 : memref<2000xi32, #tpu.memory_space<hbm>>) target(%arg6 : memref<2000xi32, #tpu.memory_space<vmem>>) target_semaphore(%run_scoped3A : memref<!tpu.dma_semaphore, #tpu.memory_space<semaphore_mem>>)
      %dma_wait3A = tpu.memref_slice %arg2[%add3A_7] : memref<320000xi32, #tpu.memory_space<hbm>> -> memref<2000xi32, #tpu.memory_space<hbm>>
      %dma_wait3A_32 = tpu.memref_slice %arg2[%add3A_7] : memref<320000xi32, #tpu.memory_space<hbm>> -> memref<2000xi32, #tpu.memory_space<hbm>>
      tpu.wait_dma2 semaphore(%run_scoped3A : memref<!tpu.dma_semaphore, #tpu.memory_space<semaphore_mem>>) src(%dma_wait3A_32 : memref<2000xi32, #tpu.memory_space<hbm>>) dst(%arg6 : memref<2000xi32, #tpu.memory_space<vmem>>)
      tpu.yield
    }) : () -> ()
    "tpu.region"() ({
      %run_scoped3A = tpu.sem_alloc : memref<!tpu.dma_semaphore, #tpu.memory_space<semaphore_mem>>
      %dma_start3A = tpu.memref_slice %arg3[%add3A_7] : memref<320000xf32, #tpu.memory_space<hbm>> -> memref<2000xf32, #tpu.memory_space<hbm>>
      %dma_start3A_31 = tpu.memref_slice %arg3[%add3A_7] : memref<320000xf32, #tpu.memory_space<hbm>> -> memref<2000xf32, #tpu.memory_space<hbm>>
      tpu.enqueue_dma source(%dma_start3A_31 : memref<2000xf32, #tpu.memory_space<hbm>>) target(%arg7 : memref<2000xf32, #tpu.memory_space<vmem>>) target_semaphore(%run_scoped3A : memref<!tpu.dma_semaphore, #tpu.memory_space<semaphore_mem>>)
      %dma_wait3A = tpu.memref_slice %arg3[%add3A_7] : memref<320000xf32, #tpu.memory_space<hbm>> -> memref<2000xf32, #tpu.memory_space<hbm>>
      %dma_wait3A_32 = tpu.memref_slice %arg3[%add3A_7] : memref<320000xf32, #tpu.memory_space<hbm>> -> memref<2000xf32, #tpu.memory_space<hbm>>
      tpu.wait_dma2 semaphore(%run_scoped3A : memref<!tpu.dma_semaphore, #tpu.memory_space<semaphore_mem>>) src(%dma_wait3A_32 : memref<2000xf32, #tpu.memory_space<hbm>>) dst(%arg7 : memref<2000xf32, #tpu.memory_space<vmem>>)
      tpu.yield
    }) : () -> ()
    %parallel_loop3A_8 = arith.constant 0 : i32
    %parallel_loop3A_9 = arith.constant 125 : i32
    %parallel_loop3A_10 = arith.constant 1 : i32
    scf.for %parallel_loop3A_31 = %parallel_loop3A_8 to %parallel_loop3A_9 step %parallel_loop3A_10  : i32 {
      %parallel_loop3A_32 = arith.constant 16 : i32
      %parallel_loop3A_33 = arith.muli %parallel_loop3A_31, %parallel_loop3A_32 : i32
      %parallel_loop3A_34 = arith.index_cast %parallel_loop3A_33 : i32 to index
      %parallel_loop3A_35 = tpu.vector_load %arg6[%parallel_loop3A_34] {strides = array<i32>} : memref<2000xi32, #tpu.memory_space<vmem>>, vector<16xi32>,
      %parallel_loop3A_36 = arith.constant 16 : i32
      %parallel_loop3A_37 = arith.muli %parallel_loop3A_31, %parallel_loop3A_36 : i32
      %parallel_loop3A_38 = arith.index_cast %parallel_loop3A_37 : i32 to index
      %parallel_loop3A_39 = tpu.vector_load %arg7[%parallel_loop3A_38] {strides = array<i32>} : memref<2000xf32, #tpu.memory_space<vmem>>, vector<16xf32>,
      %parallel_loop3A_40 = arith.constant 0.000000e+00 : f32
      %parallel_loop3A_41 = vector.broadcast %parallel_loop3A_40 : f32 to vector<16xf32>
      %parallel_loop3A_42 = arith.cmpf olt, %parallel_loop3A_39, %parallel_loop3A_41 : vector<16xf32>
      %parallel_loop3A_43 = arith.extui %parallel_loop3A_42 : vector<16xi1> to vector<16xi32>
      %parallel_loop3A_44 = arith.constant 10000 : i32
      %parallel_loop3A_45 = vector.broadcast %parallel_loop3A_44 : i32 to vector<16xi32>
      %parallel_loop3A_46 = arith.muli %parallel_loop3A_43, %parallel_loop3A_45 : vector<16xi32>
      %parallel_loop3A_47 = arith.addi %parallel_loop3A_35, %parallel_loop3A_46 : vector<16xi32>
      %parallel_loop3A_48 = math.absf %parallel_loop3A_39 : vector<16xf32>
      tpu.vector_store_idx %arg5[%parallel_loop3A_47], %parallel_loop3A_48 {add = true} : memref<20000xf32, #tpu.memory_space<vmem>>[vector<16xi32>], vector<16xf32>,
    } {sc.loop_unroll_factor = 4 : i64, sc.parallel_access}
    %add3A_11 = arith.constant 2000 : i32
    %add3A_12 = arith.addi %mul3A_5, %add3A_11 : i32
    "tpu.region"() ({
      %run_scoped3A = tpu.sem_alloc : memref<!tpu.dma_semaphore, #tpu.memory_space<semaphore_mem>>
      %dma_start3A = tpu.memref_slice %arg2[%add3A_12] : memref<320000xi32, #tpu.memory_space<hbm>> -> memref<2000xi32, #tpu.memory_space<hbm>>
      %dma_start3A_31 = tpu.memref_slice %arg2[%add3A_12] : memref<320000xi32, #tpu.memory_space<hbm>> -> memref<2000xi32, #tpu.memory_space<hbm>>
      tpu.enqueue_dma source(%dma_start3A_31 : memref<2000xi32, #tpu.memory_space<hbm>>) target(%arg6 : memref<2000xi32, #tpu.memory_space<vmem>>) target_semaphore(%run_scoped3A : memref<!tpu.dma_semaphore, #tpu.memory_space<semaphore_mem>>)
      %dma_wait3A = tpu.memref_slice %arg2[%add3A_12] : memref<320000xi32, #tpu.memory_space<hbm>> -> memref<2000xi32, #tpu.memory_space<hbm>>
      %dma_wait3A_32 = tpu.memref_slice %arg2[%add3A_12] : memref<320000xi32, #tpu.memory_space<hbm>> -> memref<2000xi32, #tpu.memory_space<hbm>>
      tpu.wait_dma2 semaphore(%run_scoped3A : memref<!tpu.dma_semaphore, #tpu.memory_space<semaphore_mem>>) src(%dma_wait3A_32 : memref<2000xi32, #tpu.memory_space<hbm>>) dst(%arg6 : memref<2000xi32, #tpu.memory_space<vmem>>)
      tpu.yield
    }) : () -> ()
    "tpu.region"() ({
      %run_scoped3A = tpu.sem_alloc : memref<!tpu.dma_semaphore, #tpu.memory_space<semaphore_mem>>
      %dma_start3A = tpu.memref_slice %arg3[%add3A_12] : memref<320000xf32, #tpu.memory_space<hbm>> -> memref<2000xf32, #tpu.memory_space<hbm>>
      %dma_start3A_31 = tpu.memref_slice %arg3[%add3A_12] : memref<320000xf32, #tpu.memory_space<hbm>> -> memref<2000xf32, #tpu.memory_space<hbm>>
      tpu.enqueue_dma source(%dma_start3A_31 : memref<2000xf32, #tpu.memory_space<hbm>>) target(%arg7 : memref<2000xf32, #tpu.memory_space<vmem>>) target_semaphore(%run_scoped3A : memref<!tpu.dma_semaphore, #tpu.memory_space<semaphore_mem>>)
      %dma_wait3A = tpu.memref_slice %arg3[%add3A_12] : memref<320000xf32, #tpu.memory_space<hbm>> -> memref<2000xf32, #tpu.memory_space<hbm>>
      %dma_wait3A_32 = tpu.memref_slice %arg3[%add3A_12] : memref<320000xf32, #tpu.memory_space<hbm>> -> memref<2000xf32, #tpu.memory_space<hbm>>
      tpu.wait_dma2 semaphore(%run_scoped3A : memref<!tpu.dma_semaphore, #tpu.memory_space<semaphore_mem>>) src(%dma_wait3A_32 : memref<2000xf32, #tpu.memory_space<hbm>>) dst(%arg7 : memref<2000xf32, #tpu.memory_space<vmem>>)
      tpu.yield
    }) : () -> ()
    %parallel_loop3A_13 = arith.constant 0 : i32
    %parallel_loop3A_14 = arith.constant 125 : i32
    %parallel_loop3A_15 = arith.constant 1 : i32
    scf.for %parallel_loop3A_31 = %parallel_loop3A_13 to %parallel_loop3A_14 step %parallel_loop3A_15  : i32 {
      %parallel_loop3A_32 = arith.constant 16 : i32
      %parallel_loop3A_33 = arith.muli %parallel_loop3A_31, %parallel_loop3A_32 : i32
      %parallel_loop3A_34 = arith.index_cast %parallel_loop3A_33 : i32 to index
      %parallel_loop3A_35 = tpu.vector_load %arg6[%parallel_loop3A_34] {strides = array<i32>} : memref<2000xi32, #tpu.memory_space<vmem>>, vector<16xi32>,
      %parallel_loop3A_36 = arith.constant 16 : i32
      %parallel_loop3A_37 = arith.muli %parallel_loop3A_31, %parallel_loop3A_36 : i32
      %parallel_loop3A_38 = arith.index_cast %parallel_loop3A_37 : i32 to index
      %parallel_loop3A_39 = tpu.vector_load %arg7[%parallel_loop3A_38] {strides = array<i32>} : memref<2000xf32, #tpu.memory_space<vmem>>, vector<16xf32>,
      %parallel_loop3A_40 = arith.constant 0.000000e+00 : f32
      %parallel_loop3A_41 = vector.broadcast %parallel_loop3A_40 : f32 to vector<16xf32>
      %parallel_loop3A_42 = arith.cmpf olt, %parallel_loop3A_39, %parallel_loop3A_41 : vector<16xf32>
      %parallel_loop3A_43 = arith.extui %parallel_loop3A_42 : vector<16xi1> to vector<16xi32>
      %parallel_loop3A_44 = arith.constant 10000 : i32
      %parallel_loop3A_45 = vector.broadcast %parallel_loop3A_44 : i32 to vector<16xi32>
      %parallel_loop3A_46 = arith.muli %parallel_loop3A_43, %parallel_loop3A_45 : vector<16xi32>
      %parallel_loop3A_47 = arith.addi %parallel_loop3A_35, %parallel_loop3A_46 : vector<16xi32>
      %parallel_loop3A_48 = math.absf %parallel_loop3A_39 : vector<16xf32>
      tpu.vector_store_idx %arg5[%parallel_loop3A_47], %parallel_loop3A_48 {add = true} : memref<20000xf32, #tpu.memory_space<vmem>>[vector<16xi32>], vector<16xf32>,
    } {sc.loop_unroll_factor = 4 : i64, sc.parallel_access}
    %add3A_16 = arith.constant 4000 : i32
    %add3A_17 = arith.addi %mul3A_5, %add3A_16 : i32
    "tpu.region"() ({
      %run_scoped3A = tpu.sem_alloc : memref<!tpu.dma_semaphore, #tpu.memory_space<semaphore_mem>>
      %dma_start3A = tpu.memref_slice %arg2[%add3A_17] : memref<320000xi32, #tpu.memory_space<hbm>> -> memref<2000xi32, #tpu.memory_space<hbm>>
      %dma_start3A_31 = tpu.memref_slice %arg2[%add3A_17] : memref<320000xi32, #tpu.memory_space<hbm>> -> memref<2000xi32, #tpu.memory_space<hbm>>
      tpu.enqueue_dma source(%dma_start3A_31 : memref<2000xi32, #tpu.memory_space<hbm>>) target(%arg6 : memref<2000xi32, #tpu.memory_space<vmem>>) target_semaphore(%run_scoped3A : memref<!tpu.dma_semaphore, #tpu.memory_space<semaphore_mem>>)
      %dma_wait3A = tpu.memref_slice %arg2[%add3A_17] : memref<320000xi32, #tpu.memory_space<hbm>> -> memref<2000xi32, #tpu.memory_space<hbm>>
      %dma_wait3A_32 = tpu.memref_slice %arg2[%add3A_17] : memref<320000xi32, #tpu.memory_space<hbm>> -> memref<2000xi32, #tpu.memory_space<hbm>>
      tpu.wait_dma2 semaphore(%run_scoped3A : memref<!tpu.dma_semaphore, #tpu.memory_space<semaphore_mem>>) src(%dma_wait3A_32 : memref<2000xi32, #tpu.memory_space<hbm>>) dst(%arg6 : memref<2000xi32, #tpu.memory_space<vmem>>)
      tpu.yield
    }) : () -> ()
    "tpu.region"() ({
      %run_scoped3A = tpu.sem_alloc : memref<!tpu.dma_semaphore, #tpu.memory_space<semaphore_mem>>
      %dma_start3A = tpu.memref_slice %arg3[%add3A_17] : memref<320000xf32, #tpu.memory_space<hbm>> -> memref<2000xf32, #tpu.memory_space<hbm>>
      %dma_start3A_31 = tpu.memref_slice %arg3[%add3A_17] : memref<320000xf32, #tpu.memory_space<hbm>> -> memref<2000xf32, #tpu.memory_space<hbm>>
      tpu.enqueue_dma source(%dma_start3A_31 : memref<2000xf32, #tpu.memory_space<hbm>>) target(%arg7 : memref<2000xf32, #tpu.memory_space<vmem>>) target_semaphore(%run_scoped3A : memref<!tpu.dma_semaphore, #tpu.memory_space<semaphore_mem>>)
      %dma_wait3A = tpu.memref_slice %arg3[%add3A_17] : memref<320000xf32, #tpu.memory_space<hbm>> -> memref<2000xf32, #tpu.memory_space<hbm>>
      %dma_wait3A_32 = tpu.memref_slice %arg3[%add3A_17] : memref<320000xf32, #tpu.memory_space<hbm>> -> memref<2000xf32, #tpu.memory_space<hbm>>
      tpu.wait_dma2 semaphore(%run_scoped3A : memref<!tpu.dma_semaphore, #tpu.memory_space<semaphore_mem>>) src(%dma_wait3A_32 : memref<2000xf32, #tpu.memory_space<hbm>>) dst(%arg7 : memref<2000xf32, #tpu.memory_space<vmem>>)
      tpu.yield
    }) : () -> ()
    %parallel_loop3A_18 = arith.constant 0 : i32
    %parallel_loop3A_19 = arith.constant 125 : i32
    %parallel_loop3A_20 = arith.constant 1 : i32
    scf.for %parallel_loop3A_31 = %parallel_loop3A_18 to %parallel_loop3A_19 step %parallel_loop3A_20  : i32 {
      %parallel_loop3A_32 = arith.constant 16 : i32
      %parallel_loop3A_33 = arith.muli %parallel_loop3A_31, %parallel_loop3A_32 : i32
      %parallel_loop3A_34 = arith.index_cast %parallel_loop3A_33 : i32 to index
      %parallel_loop3A_35 = tpu.vector_load %arg6[%parallel_loop3A_34] {strides = array<i32>} : memref<2000xi32, #tpu.memory_space<vmem>>, vector<16xi32>,
      %parallel_loop3A_36 = arith.constant 16 : i32
      %parallel_loop3A_37 = arith.muli %parallel_loop3A_31, %parallel_loop3A_36 : i32
      %parallel_loop3A_38 = arith.index_cast %parallel_loop3A_37 : i32 to index
      %parallel_loop3A_39 = tpu.vector_load %arg7[%parallel_loop3A_38] {strides = array<i32>} : memref<2000xf32, #tpu.memory_space<vmem>>, vector<16xf32>,
      %parallel_loop3A_40 = arith.constant 0.000000e+00 : f32
      %parallel_loop3A_41 = vector.broadcast %parallel_loop3A_40 : f32 to vector<16xf32>
      %parallel_loop3A_42 = arith.cmpf olt, %parallel_loop3A_39, %parallel_loop3A_41 : vector<16xf32>
      %parallel_loop3A_43 = arith.extui %parallel_loop3A_42 : vector<16xi1> to vector<16xi32>
      %parallel_loop3A_44 = arith.constant 10000 : i32
      %parallel_loop3A_45 = vector.broadcast %parallel_loop3A_44 : i32 to vector<16xi32>
      %parallel_loop3A_46 = arith.muli %parallel_loop3A_43, %parallel_loop3A_45 : vector<16xi32>
      %parallel_loop3A_47 = arith.addi %parallel_loop3A_35, %parallel_loop3A_46 : vector<16xi32>
      %parallel_loop3A_48 = math.absf %parallel_loop3A_39 : vector<16xf32>
      tpu.vector_store_idx %arg5[%parallel_loop3A_47], %parallel_loop3A_48 {add = true} : memref<20000xf32, #tpu.memory_space<vmem>>[vector<16xi32>], vector<16xf32>,
    } {sc.loop_unroll_factor = 4 : i64, sc.parallel_access}
    %add3A_21 = arith.constant 6000 : i32
    %add3A_22 = arith.addi %mul3A_5, %add3A_21 : i32
    "tpu.region"() ({
      %run_scoped3A = tpu.sem_alloc : memref<!tpu.dma_semaphore, #tpu.memory_space<semaphore_mem>>
      %dma_start3A = tpu.memref_slice %arg2[%add3A_22] : memref<320000xi32, #tpu.memory_space<hbm>> -> memref<2000xi32, #tpu.memory_space<hbm>>
      %dma_start3A_31 = tpu.memref_slice %arg2[%add3A_22] : memref<320000xi32, #tpu.memory_space<hbm>> -> memref<2000xi32, #tpu.memory_space<hbm>>
      tpu.enqueue_dma source(%dma_start3A_31 : memref<2000xi32, #tpu.memory_space<hbm>>) target(%arg6 : memref<2000xi32, #tpu.memory_space<vmem>>) target_semaphore(%run_scoped3A : memref<!tpu.dma_semaphore, #tpu.memory_space<semaphore_mem>>)
      %dma_wait3A = tpu.memref_slice %arg2[%add3A_22] : memref<320000xi32, #tpu.memory_space<hbm>> -> memref<2000xi32, #tpu.memory_space<hbm>>
      %dma_wait3A_32 = tpu.memref_slice %arg2[%add3A_22] : memref<320000xi32, #tpu.memory_space<hbm>> -> memref<2000xi32, #tpu.memory_space<hbm>>
      tpu.wait_dma2 semaphore(%run_scoped3A : memref<!tpu.dma_semaphore, #tpu.memory_space<semaphore_mem>>) src(%dma_wait3A_32 : memref<2000xi32, #tpu.memory_space<hbm>>) dst(%arg6 : memref<2000xi32, #tpu.memory_space<vmem>>)
      tpu.yield
    }) : () -> ()
    "tpu.region"() ({
      %run_scoped3A = tpu.sem_alloc : memref<!tpu.dma_semaphore, #tpu.memory_space<semaphore_mem>>
      %dma_start3A = tpu.memref_slice %arg3[%add3A_22] : memref<320000xf32, #tpu.memory_space<hbm>> -> memref<2000xf32, #tpu.memory_space<hbm>>
      %dma_start3A_31 = tpu.memref_slice %arg3[%add3A_22] : memref<320000xf32, #tpu.memory_space<hbm>> -> memref<2000xf32, #tpu.memory_space<hbm>>
      tpu.enqueue_dma source(%dma_start3A_31 : memref<2000xf32, #tpu.memory_space<hbm>>) target(%arg7 : memref<2000xf32, #tpu.memory_space<vmem>>) target_semaphore(%run_scoped3A : memref<!tpu.dma_semaphore, #tpu.memory_space<semaphore_mem>>)
      %dma_wait3A = tpu.memref_slice %arg3[%add3A_22] : memref<320000xf32, #tpu.memory_space<hbm>> -> memref<2000xf32, #tpu.memory_space<hbm>>
      %dma_wait3A_32 = tpu.memref_slice %arg3[%add3A_22] : memref<320000xf32, #tpu.memory_space<hbm>> -> memref<2000xf32, #tpu.memory_space<hbm>>
      tpu.wait_dma2 semaphore(%run_scoped3A : memref<!tpu.dma_semaphore, #tpu.memory_space<semaphore_mem>>) src(%dma_wait3A_32 : memref<2000xf32, #tpu.memory_space<hbm>>) dst(%arg7 : memref<2000xf32, #tpu.memory_space<vmem>>)
      tpu.yield
    }) : () -> ()
    %parallel_loop3A_23 = arith.constant 0 : i32
    %parallel_loop3A_24 = arith.constant 125 : i32
    %parallel_loop3A_25 = arith.constant 1 : i32
    scf.for %parallel_loop3A_31 = %parallel_loop3A_23 to %parallel_loop3A_24 step %parallel_loop3A_25  : i32 {
      %parallel_loop3A_32 = arith.constant 16 : i32
      %parallel_loop3A_33 = arith.muli %parallel_loop3A_31, %parallel_loop3A_32 : i32
      %parallel_loop3A_34 = arith.index_cast %parallel_loop3A_33 : i32 to index
      %parallel_loop3A_35 = tpu.vector_load %arg6[%parallel_loop3A_34] {strides = array<i32>} : memref<2000xi32, #tpu.memory_space<vmem>>, vector<16xi32>,
      %parallel_loop3A_36 = arith.constant 16 : i32
      %parallel_loop3A_37 = arith.muli %parallel_loop3A_31, %parallel_loop3A_36 : i32
      %parallel_loop3A_38 = arith.index_cast %parallel_loop3A_37 : i32 to index
      %parallel_loop3A_39 = tpu.vector_load %arg7[%parallel_loop3A_38] {strides = array<i32>} : memref<2000xf32, #tpu.memory_space<vmem>>, vector<16xf32>,
      %parallel_loop3A_40 = arith.constant 0.000000e+00 : f32
      %parallel_loop3A_41 = vector.broadcast %parallel_loop3A_40 : f32 to vector<16xf32>
      %parallel_loop3A_42 = arith.cmpf olt, %parallel_loop3A_39, %parallel_loop3A_41 : vector<16xf32>
      %parallel_loop3A_43 = arith.extui %parallel_loop3A_42 : vector<16xi1> to vector<16xi32>
      %parallel_loop3A_44 = arith.constant 10000 : i32
      %parallel_loop3A_45 = vector.broadcast %parallel_loop3A_44 : i32 to vector<16xi32>
      %parallel_loop3A_46 = arith.muli %parallel_loop3A_43, %parallel_loop3A_45 : vector<16xi32>
      %parallel_loop3A_47 = arith.addi %parallel_loop3A_35, %parallel_loop3A_46 : vector<16xi32>
      %parallel_loop3A_48 = math.absf %parallel_loop3A_39 : vector<16xf32>
      tpu.vector_store_idx %arg5[%parallel_loop3A_47], %parallel_loop3A_48 {add = true} : memref<20000xf32, #tpu.memory_space<vmem>>[vector<16xi32>], vector<16xf32>,
    } {sc.loop_unroll_factor = 4 : i64, sc.parallel_access}
    %add3A_26 = arith.constant 8000 : i32
    %add3A_27 = arith.addi %mul3A_5, %add3A_26 : i32
    "tpu.region"() ({
      %run_scoped3A = tpu.sem_alloc : memref<!tpu.dma_semaphore, #tpu.memory_space<semaphore_mem>>
      %dma_start3A = tpu.memref_slice %arg2[%add3A_27] : memref<320000xi32, #tpu.memory_space<hbm>> -> memref<2000xi32, #tpu.memory_space<hbm>>
      %dma_start3A_31 = tpu.memref_slice %arg2[%add3A_27] : memref<320000xi32, #tpu.memory_space<hbm>> -> memref<2000xi32, #tpu.memory_space<hbm>>
      tpu.enqueue_dma source(%dma_start3A_31 : memref<2000xi32, #tpu.memory_space<hbm>>) target(%arg6 : memref<2000xi32, #tpu.memory_space<vmem>>) target_semaphore(%run_scoped3A : memref<!tpu.dma_semaphore, #tpu.memory_space<semaphore_mem>>)
      %dma_wait3A = tpu.memref_slice %arg2[%add3A_27] : memref<320000xi32, #tpu.memory_space<hbm>> -> memref<2000xi32, #tpu.memory_space<hbm>>
      %dma_wait3A_32 = tpu.memref_slice %arg2[%add3A_27] : memref<320000xi32, #tpu.memory_space<hbm>> -> memref<2000xi32, #tpu.memory_space<hbm>>
      tpu.wait_dma2 semaphore(%run_scoped3A : memref<!tpu.dma_semaphore, #tpu.memory_space<semaphore_mem>>) src(%dma_wait3A_32 : memref<2000xi32, #tpu.memory_space<hbm>>) dst(%arg6 : memref<2000xi32, #tpu.memory_space<vmem>>)
      tpu.yield
    }) : () -> ()
    "tpu.region"() ({
      %run_scoped3A = tpu.sem_alloc : memref<!tpu.dma_semaphore, #tpu.memory_space<semaphore_mem>>
      %dma_start3A = tpu.memref_slice %arg3[%add3A_27] : memref<320000xf32, #tpu.memory_space<hbm>> -> memref<2000xf32, #tpu.memory_space<hbm>>
      %dma_start3A_31 = tpu.memref_slice %arg3[%add3A_27] : memref<320000xf32, #tpu.memory_space<hbm>> -> memref<2000xf32, #tpu.memory_space<hbm>>
      tpu.enqueue_dma source(%dma_start3A_31 : memref<2000xf32, #tpu.memory_space<hbm>>) target(%arg7 : memref<2000xf32, #tpu.memory_space<vmem>>) target_semaphore(%run_scoped3A : memref<!tpu.dma_semaphore, #tpu.memory_space<semaphore_mem>>)
      %dma_wait3A = tpu.memref_slice %arg3[%add3A_27] : memref<320000xf32, #tpu.memory_space<hbm>> -> memref<2000xf32, #tpu.memory_space<hbm>>
      %dma_wait3A_32 = tpu.memref_slice %arg3[%add3A_27] : memref<320000xf32, #tpu.memory_space<hbm>> -> memref<2000xf32, #tpu.memory_space<hbm>>
      tpu.wait_dma2 semaphore(%run_scoped3A : memref<!tpu.dma_semaphore, #tpu.memory_space<semaphore_mem>>) src(%dma_wait3A_32 : memref<2000xf32, #tpu.memory_space<hbm>>) dst(%arg7 : memref<2000xf32, #tpu.memory_space<vmem>>)
      tpu.yield
    }) : () -> ()
    %parallel_loop3A_28 = arith.constant 0 : i32
    %parallel_loop3A_29 = arith.constant 125 : i32
    %parallel_loop3A_30 = arith.constant 1 : i32
    scf.for %parallel_loop3A_31 = %parallel_loop3A_28 to %parallel_loop3A_29 step %parallel_loop3A_30  : i32 {
      %parallel_loop3A_32 = arith.constant 16 : i32
      %parallel_loop3A_33 = arith.muli %parallel_loop3A_31, %parallel_loop3A_32 : i32
      %parallel_loop3A_34 = arith.index_cast %parallel_loop3A_33 : i32 to index
      %parallel_loop3A_35 = tpu.vector_load %arg6[%parallel_loop3A_34] {strides = array<i32>} : memref<2000xi32, #tpu.memory_space<vmem>>, vector<16xi32>,
      %parallel_loop3A_36 = arith.constant 16 : i32
      %parallel_loop3A_37 = arith.muli %parallel_loop3A_31, %parallel_loop3A_36 : i32
      %parallel_loop3A_38 = arith.index_cast %parallel_loop3A_37 : i32 to index
      %parallel_loop3A_39 = tpu.vector_load %arg7[%parallel_loop3A_38] {strides = array<i32>} : memref<2000xf32, #tpu.memory_space<vmem>>, vector<16xf32>,
      %parallel_loop3A_40 = arith.constant 0.000000e+00 : f32
      %parallel_loop3A_41 = vector.broadcast %parallel_loop3A_40 : f32 to vector<16xf32>
      %parallel_loop3A_42 = arith.cmpf olt, %parallel_loop3A_39, %parallel_loop3A_41 : vector<16xf32>
      %parallel_loop3A_43 = arith.extui %parallel_loop3A_42 : vector<16xi1> to vector<16xi32>
      %parallel_loop3A_44 = arith.constant 10000 : i32
      %parallel_loop3A_45 = vector.broadcast %parallel_loop3A_44 : i32 to vector<16xi32>
      %parallel_loop3A_46 = arith.muli %parallel_loop3A_43, %parallel_loop3A_45 : vector<16xi32>
      %parallel_loop3A_47 = arith.addi %parallel_loop3A_35, %parallel_loop3A_46 : vector<16xi32>
      %parallel_loop3A_48 = math.absf %parallel_loop3A_39 : vector<16xf32>
      tpu.vector_store_idx %arg5[%parallel_loop3A_47], %parallel_loop3A_48 {add = true} : memref<20000xf32, #tpu.memory_space<vmem>>[vector<16xi32>], vector<16xf32>,
    } {sc.loop_unroll_factor = 4 : i64, sc.parallel_access}
    "tpu.region"() ({
      %run_scoped3A = tpu.sem_alloc : memref<!tpu.dma_semaphore, #tpu.memory_space<semaphore_mem>>
      %dma_start3A = arith.constant 0 : i32
      %dma_start3A_31 = tpu.memref_slice %arg4[%add3A, %dma_start3A] : memref<32x20000xf32, #tpu.memory_space<hbm>> -> memref<1x20000xf32, #tpu.memory_space<hbm>>
      %dma_start3A_32 = tpu.memref_squeeze %dma_start3A_31 : memref<1x20000xf32, #tpu.memory_space<hbm>> -> memref<20000xf32, #tpu.memory_space<hbm>>
      %dma_start3A_33 = arith.constant 0 : i32
      %dma_start3A_34 = tpu.memref_slice %arg4[%add3A, %dma_start3A_33] : memref<32x20000xf32, #tpu.memory_space<hbm>> -> memref<1x20000xf32, #tpu.memory_space<hbm>>
      %dma_start3A_35 = tpu.memref_squeeze %dma_start3A_34 : memref<1x20000xf32, #tpu.memory_space<hbm>> -> memref<20000xf32, #tpu.memory_space<hbm>>
      tpu.enqueue_dma source(%arg5 : memref<20000xf32, #tpu.memory_space<vmem>>) target(%dma_start3A_35 : memref<20000xf32, #tpu.memory_space<hbm>>) target_semaphore(%run_scoped3A : memref<!tpu.dma_semaphore, #tpu.memory_space<semaphore_mem>>)
      %dma_wait3A = arith.constant 0 : i32
      %dma_wait3A_36 = tpu.memref_slice %arg4[%add3A, %dma_wait3A] : memref<32x20000xf32, #tpu.memory_space<hbm>> -> memref<1x20000xf32, #tpu.memory_space<hbm>>
      %dma_wait3A_37 = tpu.memref_squeeze %dma_wait3A_36 : memref<1x20000xf32, #tpu.memory_space<hbm>> -> memref<20000xf32, #tpu.memory_space<hbm>>
      %dma_wait3A_38 = arith.constant 0 : i32
      %dma_wait3A_39 = tpu.memref_slice %arg4[%add3A, %dma_wait3A_38] : memref<32x20000xf32, #tpu.memory_space<hbm>> -> memref<1x20000xf32, #tpu.memory_space<hbm>>
      %dma_wait3A_40 = tpu.memref_squeeze %dma_wait3A_39 : memref<1x20000xf32, #tpu.memory_space<hbm>> -> memref<20000xf32, #tpu.memory_space<hbm>>
      tpu.wait_dma2 semaphore(%run_scoped3A : memref<!tpu.dma_semaphore, #tpu.memory_space<semaphore_mem>>) src(%arg5 : memref<20000xf32, #tpu.memory_space<vmem>>) dst(%dma_wait3A_40 : memref<20000xf32, #tpu.memory_space<hbm>>)
      tpu.yield
    }) : () -> ()
    return
  }
}

#map = affine_map<(d0, d1) -> (0)>
module attributes {stable_mosaic.version = 14 : i64} {
  func.func @norm_kernel(%arg0: i32, %arg1: i32, %arg2: memref<320000xi32, #tpu.memory_space<hbm>>, %arg3: memref<320000xi32, #tpu.memory_space<hbm>>, %arg4: memref<320000xf32, #tpu.memory_space<hbm>>, %arg5: memref<20000xf32, #tpu.memory_space<hbm>>, %arg6: memref<320000xf32, #tpu.memory_space<hbm>>, %arg7: memref<320000xi32, #tpu.memory_space<hbm>>, %arg8: memref<20000xf32, #tpu.memory_space<vmem>>, %arg9: memref<2000xi32, #tpu.memory_space<vmem>>, %arg10: memref<2000xi32, #tpu.memory_space<vmem>>, %arg11: memref<2000xf32, #tpu.memory_space<vmem>>, %arg12: memref<2000xf32, #tpu.memory_space<vmem>>, %arg13: memref<2000xi32, #tpu.memory_space<vmem>>) attributes {dimension_semantics = [#tpu.dimension_semantics<core_parallel>, #tpu.dimension_semantics<subcore_parallel>], iteration_bounds = array<i64: 2, 16>, scalar_prefetch = 0 : i64, scratch_operands = 6 : i64, tpu.core_type = #tpu.core_type<sc_vector_subcore>, window_params = [{transform_indices = #map}, {transform_indices = #map}, {transform_indices = #map}, {transform_indices = #map}, {transform_indices = #map}, {transform_indices = #map}]} {
    %mul3A = arith.constant 2 : i32
    %mul3A_0 = arith.muli %arg1, %mul3A : i32
    %add3A = arith.addi %mul3A_0, %arg0 : i32
    "tpu.region"() ({
      %run_scoped3A = tpu.sem_alloc : memref<!tpu.dma_semaphore, #tpu.memory_space<semaphore_mem>>
      tpu.enqueue_dma source(%arg5 : memref<20000xf32, #tpu.memory_space<hbm>>) target(%arg8 : memref<20000xf32, #tpu.memory_space<vmem>>) target_semaphore(%run_scoped3A : memref<!tpu.dma_semaphore, #tpu.memory_space<semaphore_mem>>)
      tpu.wait_dma2 semaphore(%run_scoped3A : memref<!tpu.dma_semaphore, #tpu.memory_space<semaphore_mem>>) src(%arg5 : memref<20000xf32, #tpu.memory_space<hbm>>) dst(%arg8 : memref<20000xf32, #tpu.memory_space<vmem>>)
      tpu.yield
    }) : () -> ()
    %mul3A_1 = arith.constant 10000 : i32
    %mul3A_2 = arith.muli %add3A, %mul3A_1 : i32
    %add3A_3 = arith.constant 0 : i32
    %add3A_4 = arith.addi %mul3A_2, %add3A_3 : i32
    "tpu.region"() ({
      %run_scoped3A = tpu.sem_alloc : memref<!tpu.dma_semaphore, #tpu.memory_space<semaphore_mem>>
      %dma_start3A = tpu.memref_slice %arg2[%add3A_4] : memref<320000xi32, #tpu.memory_space<hbm>> -> memref<2000xi32, #tpu.memory_space<hbm>>
      %dma_start3A_27 = tpu.memref_slice %arg2[%add3A_4] : memref<320000xi32, #tpu.memory_space<hbm>> -> memref<2000xi32, #tpu.memory_space<hbm>>
      tpu.enqueue_dma source(%dma_start3A_27 : memref<2000xi32, #tpu.memory_space<hbm>>) target(%arg9 : memref<2000xi32, #tpu.memory_space<vmem>>) target_semaphore(%run_scoped3A : memref<!tpu.dma_semaphore, #tpu.memory_space<semaphore_mem>>)
      %dma_wait3A = tpu.memref_slice %arg2[%add3A_4] : memref<320000xi32, #tpu.memory_space<hbm>> -> memref<2000xi32, #tpu.memory_space<hbm>>
      %dma_wait3A_28 = tpu.memref_slice %arg2[%add3A_4] : memref<320000xi32, #tpu.memory_space<hbm>> -> memref<2000xi32, #tpu.memory_space<hbm>>
      tpu.wait_dma2 semaphore(%run_scoped3A : memref<!tpu.dma_semaphore, #tpu.memory_space<semaphore_mem>>) src(%dma_wait3A_28 : memref<2000xi32, #tpu.memory_space<hbm>>) dst(%arg9 : memref<2000xi32, #tpu.memory_space<vmem>>)
      tpu.yield
    }) : () -> ()
    "tpu.region"() ({
      %run_scoped3A = tpu.sem_alloc : memref<!tpu.dma_semaphore, #tpu.memory_space<semaphore_mem>>
      %dma_start3A = tpu.memref_slice %arg3[%add3A_4] : memref<320000xi32, #tpu.memory_space<hbm>> -> memref<2000xi32, #tpu.memory_space<hbm>>
      %dma_start3A_27 = tpu.memref_slice %arg3[%add3A_4] : memref<320000xi32, #tpu.memory_space<hbm>> -> memref<2000xi32, #tpu.memory_space<hbm>>
      tpu.enqueue_dma source(%dma_start3A_27 : memref<2000xi32, #tpu.memory_space<hbm>>) target(%arg10 : memref<2000xi32, #tpu.memory_space<vmem>>) target_semaphore(%run_scoped3A : memref<!tpu.dma_semaphore, #tpu.memory_space<semaphore_mem>>)
      %dma_wait3A = tpu.memref_slice %arg3[%add3A_4] : memref<320000xi32, #tpu.memory_space<hbm>> -> memref<2000xi32, #tpu.memory_space<hbm>>
      %dma_wait3A_28 = tpu.memref_slice %arg3[%add3A_4] : memref<320000xi32, #tpu.memory_space<hbm>> -> memref<2000xi32, #tpu.memory_space<hbm>>
      tpu.wait_dma2 semaphore(%run_scoped3A : memref<!tpu.dma_semaphore, #tpu.memory_space<semaphore_mem>>) src(%dma_wait3A_28 : memref<2000xi32, #tpu.memory_space<hbm>>) dst(%arg10 : memref<2000xi32, #tpu.memory_space<vmem>>)
      tpu.yield
    }) : () -> ()
    "tpu.region"() ({
      %run_scoped3A = tpu.sem_alloc : memref<!tpu.dma_semaphore, #tpu.memory_space<semaphore_mem>>
      %dma_start3A = tpu.memref_slice %arg4[%add3A_4] : memref<320000xf32, #tpu.memory_space<hbm>> -> memref<2000xf32, #tpu.memory_space<hbm>>
      %dma_start3A_27 = tpu.memref_slice %arg4[%add3A_4] : memref<320000xf32, #tpu.memory_space<hbm>> -> memref<2000xf32, #tpu.memory_space<hbm>>
      tpu.enqueue_dma source(%dma_start3A_27 : memref<2000xf32, #tpu.memory_space<hbm>>) target(%arg11 : memref<2000xf32, #tpu.memory_space<vmem>>) target_semaphore(%run_scoped3A : memref<!tpu.dma_semaphore, #tpu.memory_space<semaphore_mem>>)
      %dma_wait3A = tpu.memref_slice %arg4[%add3A_4] : memref<320000xf32, #tpu.memory_space<hbm>> -> memref<2000xf32, #tpu.memory_space<hbm>>
      %dma_wait3A_28 = tpu.memref_slice %arg4[%add3A_4] : memref<320000xf32, #tpu.memory_space<hbm>> -> memref<2000xf32, #tpu.memory_space<hbm>>
      tpu.wait_dma2 semaphore(%run_scoped3A : memref<!tpu.dma_semaphore, #tpu.memory_space<semaphore_mem>>) src(%dma_wait3A_28 : memref<2000xf32, #tpu.memory_space<hbm>>) dst(%arg11 : memref<2000xf32, #tpu.memory_space<vmem>>)
      tpu.yield
    }) : () -> ()
    %parallel_loop3A = arith.constant 0 : i32
    %parallel_loop3A_5 = arith.constant 125 : i32
    %parallel_loop3A_6 = arith.constant 1 : i32
    scf.for %parallel_loop3A_27 = %parallel_loop3A to %parallel_loop3A_5 step %parallel_loop3A_6  : i32 {
      %parallel_loop3A_28 = arith.constant 16 : i32
      %parallel_loop3A_29 = arith.muli %parallel_loop3A_27, %parallel_loop3A_28 : i32
      %parallel_loop3A_30 = arith.index_cast %parallel_loop3A_29 : i32 to index
      %parallel_loop3A_31 = tpu.vector_load %arg9[%parallel_loop3A_30] {strides = array<i32>} : memref<2000xi32, #tpu.memory_space<vmem>>, vector<16xi32>,
      %parallel_loop3A_32 = arith.constant 16 : i32
      %parallel_loop3A_33 = arith.muli %parallel_loop3A_27, %parallel_loop3A_32 : i32
      %parallel_loop3A_34 = arith.index_cast %parallel_loop3A_33 : i32 to index
      %parallel_loop3A_35 = tpu.vector_load %arg10[%parallel_loop3A_34] {strides = array<i32>} : memref<2000xi32, #tpu.memory_space<vmem>>, vector<16xi32>,
      %parallel_loop3A_36 = arith.constant 16 : i32
      %parallel_loop3A_37 = arith.muli %parallel_loop3A_27, %parallel_loop3A_36 : i32
      %parallel_loop3A_38 = arith.index_cast %parallel_loop3A_37 : i32 to index
      %parallel_loop3A_39 = tpu.vector_load %arg11[%parallel_loop3A_38] {strides = array<i32>} : memref<2000xf32, #tpu.memory_space<vmem>>, vector<16xf32>,
      %parallel_loop3A_40 = arith.constant 0.000000e+00 : f32
      %parallel_loop3A_41 = vector.broadcast %parallel_loop3A_40 : f32 to vector<16xf32>
      %parallel_loop3A_42 = arith.cmpf olt, %parallel_loop3A_39, %parallel_loop3A_41 : vector<16xf32>
      %parallel_loop3A_43 = arith.extui %parallel_loop3A_42 : vector<16xi1> to vector<16xi32>
      %parallel_loop3A_44 = arith.constant 10000 : i32
      %parallel_loop3A_45 = vector.broadcast %parallel_loop3A_44 : i32 to vector<16xi32>
      %parallel_loop3A_46 = arith.muli %parallel_loop3A_43, %parallel_loop3A_45 : vector<16xi32>
      %parallel_loop3A_47 = arith.addi %parallel_loop3A_31, %parallel_loop3A_46 : vector<16xi32>
      %parallel_loop3A_48 = tpu.vector_load_idx %arg8[%parallel_loop3A_47] : memref<20000xf32, #tpu.memory_space<vmem>>[vector<16xi32>], vector<16xf32>,
      %parallel_loop3A_49 = arith.addi %parallel_loop3A_35, %parallel_loop3A_46 : vector<16xi32>
      %parallel_loop3A_50 = tpu.vector_load_idx %arg8[%parallel_loop3A_49] : memref<20000xf32, #tpu.memory_space<vmem>>[vector<16xi32>], vector<16xf32>,
      %parallel_loop3A_51 = arith.mulf %parallel_loop3A_48, %parallel_loop3A_50 : vector<16xf32>
      %parallel_loop3A_52 = math.absf %parallel_loop3A_39 : vector<16xf32>
      %parallel_loop3A_53 = arith.mulf %parallel_loop3A_51, %parallel_loop3A_52 : vector<16xf32>
      %parallel_loop3A_54 = arith.constant 16 : i32
      %parallel_loop3A_55 = arith.muli %parallel_loop3A_27, %parallel_loop3A_54 : i32
      %parallel_loop3A_56 = arith.index_cast %parallel_loop3A_55 : i32 to index
      %parallel_loop3A_57 = tpu.vector_load %arg12[%parallel_loop3A_56] {strides = array<i32>} : memref<2000xf32, #tpu.memory_space<vmem>>, vector<16xf32>,
      tpu.vector_store %arg12[%parallel_loop3A_56], %parallel_loop3A_53 {strides = array<i32>} : memref<2000xf32, #tpu.memory_space<vmem>>, vector<16xf32>,
      %parallel_loop3A_58 = arith.constant 40000 : i32
      %parallel_loop3A_59 = vector.broadcast %parallel_loop3A_58 : i32 to vector<16xi32>
      %parallel_loop3A_60 = arith.muli %parallel_loop3A_43, %parallel_loop3A_59 : vector<16xi32>
      %parallel_loop3A_61 = arith.addi %parallel_loop3A_35, %parallel_loop3A_60 : vector<16xi32>
      %parallel_loop3A_62 = arith.constant 16384 : i32
      %parallel_loop3A_63 = vector.broadcast %parallel_loop3A_62 : i32 to vector<16xi32>
      %parallel_loop3A_64 = arith.muli %parallel_loop3A_61, %parallel_loop3A_63 : vector<16xi32>
      %parallel_loop3A_65 = arith.addi %parallel_loop3A_64, %parallel_loop3A_31 : vector<16xi32>
      %parallel_loop3A_66 = arith.constant 16 : i32
      %parallel_loop3A_67 = arith.muli %parallel_loop3A_27, %parallel_loop3A_66 : i32
      %parallel_loop3A_68 = arith.index_cast %parallel_loop3A_67 : i32 to index
      %parallel_loop3A_69 = tpu.vector_load %arg13[%parallel_loop3A_68] {strides = array<i32>} : memref<2000xi32, #tpu.memory_space<vmem>>, vector<16xi32>,
      tpu.vector_store %arg13[%parallel_loop3A_68], %parallel_loop3A_65 {strides = array<i32>} : memref<2000xi32, #tpu.memory_space<vmem>>, vector<16xi32>,
    } {sc.loop_unroll_factor = 4 : i64, sc.parallel_access}
    "tpu.region"() ({
      %run_scoped3A = tpu.sem_alloc : memref<!tpu.dma_semaphore, #tpu.memory_space<semaphore_mem>>
      %dma_start3A = tpu.memref_slice %arg6[%add3A_4] : memref<320000xf32, #tpu.memory_space<hbm>> -> memref<2000xf32, #tpu.memory_space<hbm>>
      %dma_start3A_27 = tpu.memref_slice %arg6[%add3A_4] : memref<320000xf32, #tpu.memory_space<hbm>> -> memref<2000xf32, #tpu.memory_space<hbm>>
      tpu.enqueue_dma source(%arg12 : memref<2000xf32, #tpu.memory_space<vmem>>) target(%dma_start3A_27 : memref<2000xf32, #tpu.memory_space<hbm>>) target_semaphore(%run_scoped3A : memref<!tpu.dma_semaphore, #tpu.memory_space<semaphore_mem>>)
      %dma_wait3A = tpu.memref_slice %arg6[%add3A_4] : memref<320000xf32, #tpu.memory_space<hbm>> -> memref<2000xf32, #tpu.memory_space<hbm>>
      %dma_wait3A_28 = tpu.memref_slice %arg6[%add3A_4] : memref<320000xf32, #tpu.memory_space<hbm>> -> memref<2000xf32, #tpu.memory_space<hbm>>
      tpu.wait_dma2 semaphore(%run_scoped3A : memref<!tpu.dma_semaphore, #tpu.memory_space<semaphore_mem>>) src(%arg12 : memref<2000xf32, #tpu.memory_space<vmem>>) dst(%dma_wait3A_28 : memref<2000xf32, #tpu.memory_space<hbm>>)
      tpu.yield
    }) : () -> ()
    "tpu.region"() ({
      %run_scoped3A = tpu.sem_alloc : memref<!tpu.dma_semaphore, #tpu.memory_space<semaphore_mem>>
      %dma_start3A = tpu.memref_slice %arg7[%add3A_4] : memref<320000xi32, #tpu.memory_space<hbm>> -> memref<2000xi32, #tpu.memory_space<hbm>>
      %dma_start3A_27 = tpu.memref_slice %arg7[%add3A_4] : memref<320000xi32, #tpu.memory_space<hbm>> -> memref<2000xi32, #tpu.memory_space<hbm>>
      tpu.enqueue_dma source(%arg13 : memref<2000xi32, #tpu.memory_space<vmem>>) target(%dma_start3A_27 : memref<2000xi32, #tpu.memory_space<hbm>>) target_semaphore(%run_scoped3A : memref<!tpu.dma_semaphore, #tpu.memory_space<semaphore_mem>>)
      %dma_wait3A = tpu.memref_slice %arg7[%add3A_4] : memref<320000xi32, #tpu.memory_space<hbm>> -> memref<2000xi32, #tpu.memory_space<hbm>>
      %dma_wait3A_28 = tpu.memref_slice %arg7[%add3A_4] : memref<320000xi32, #tpu.memory_space<hbm>> -> memref<2000xi32, #tpu.memory_space<hbm>>
      tpu.wait_dma2 semaphore(%run_scoped3A : memref<!tpu.dma_semaphore, #tpu.memory_space<semaphore_mem>>) src(%arg13 : memref<2000xi32, #tpu.memory_space<vmem>>) dst(%dma_wait3A_28 : memref<2000xi32, #tpu.memory_space<hbm>>)
      tpu.yield
    }) : () -> ()
    %add3A_7 = arith.constant 2000 : i32
    %add3A_8 = arith.addi %mul3A_2, %add3A_7 : i32
    "tpu.region"() ({
      %run_scoped3A = tpu.sem_alloc : memref<!tpu.dma_semaphore, #tpu.memory_space<semaphore_mem>>
      %dma_start3A = tpu.memref_slice %arg2[%add3A_8] : memref<320000xi32, #tpu.memory_space<hbm>> -> memref<2000xi32, #tpu.memory_space<hbm>>
      %dma_start3A_27 = tpu.memref_slice %arg2[%add3A_8] : memref<320000xi32, #tpu.memory_space<hbm>> -> memref<2000xi32, #tpu.memory_space<hbm>>
      tpu.enqueue_dma source(%dma_start3A_27 : memref<2000xi32, #tpu.memory_space<hbm>>) target(%arg9 : memref<2000xi32, #tpu.memory_space<vmem>>) target_semaphore(%run_scoped3A : memref<!tpu.dma_semaphore, #tpu.memory_space<semaphore_mem>>)
      %dma_wait3A = tpu.memref_slice %arg2[%add3A_8] : memref<320000xi32, #tpu.memory_space<hbm>> -> memref<2000xi32, #tpu.memory_space<hbm>>
      %dma_wait3A_28 = tpu.memref_slice %arg2[%add3A_8] : memref<320000xi32, #tpu.memory_space<hbm>> -> memref<2000xi32, #tpu.memory_space<hbm>>
      tpu.wait_dma2 semaphore(%run_scoped3A : memref<!tpu.dma_semaphore, #tpu.memory_space<semaphore_mem>>) src(%dma_wait3A_28 : memref<2000xi32, #tpu.memory_space<hbm>>) dst(%arg9 : memref<2000xi32, #tpu.memory_space<vmem>>)
      tpu.yield
    }) : () -> ()
    "tpu.region"() ({
      %run_scoped3A = tpu.sem_alloc : memref<!tpu.dma_semaphore, #tpu.memory_space<semaphore_mem>>
      %dma_start3A = tpu.memref_slice %arg3[%add3A_8] : memref<320000xi32, #tpu.memory_space<hbm>> -> memref<2000xi32, #tpu.memory_space<hbm>>
      %dma_start3A_27 = tpu.memref_slice %arg3[%add3A_8] : memref<320000xi32, #tpu.memory_space<hbm>> -> memref<2000xi32, #tpu.memory_space<hbm>>
      tpu.enqueue_dma source(%dma_start3A_27 : memref<2000xi32, #tpu.memory_space<hbm>>) target(%arg10 : memref<2000xi32, #tpu.memory_space<vmem>>) target_semaphore(%run_scoped3A : memref<!tpu.dma_semaphore, #tpu.memory_space<semaphore_mem>>)
      %dma_wait3A = tpu.memref_slice %arg3[%add3A_8] : memref<320000xi32, #tpu.memory_space<hbm>> -> memref<2000xi32, #tpu.memory_space<hbm>>
      %dma_wait3A_28 = tpu.memref_slice %arg3[%add3A_8] : memref<320000xi32, #tpu.memory_space<hbm>> -> memref<2000xi32, #tpu.memory_space<hbm>>
      tpu.wait_dma2 semaphore(%run_scoped3A : memref<!tpu.dma_semaphore, #tpu.memory_space<semaphore_mem>>) src(%dma_wait3A_28 : memref<2000xi32, #tpu.memory_space<hbm>>) dst(%arg10 : memref<2000xi32, #tpu.memory_space<vmem>>)
      tpu.yield
    }) : () -> ()
    "tpu.region"() ({
      %run_scoped3A = tpu.sem_alloc : memref<!tpu.dma_semaphore, #tpu.memory_space<semaphore_mem>>
      %dma_start3A = tpu.memref_slice %arg4[%add3A_8] : memref<320000xf32, #tpu.memory_space<hbm>> -> memref<2000xf32, #tpu.memory_space<hbm>>
      %dma_start3A_27 = tpu.memref_slice %arg4[%add3A_8] : memref<320000xf32, #tpu.memory_space<hbm>> -> memref<2000xf32, #tpu.memory_space<hbm>>
      tpu.enqueue_dma source(%dma_start3A_27 : memref<2000xf32, #tpu.memory_space<hbm>>) target(%arg11 : memref<2000xf32, #tpu.memory_space<vmem>>) target_semaphore(%run_scoped3A : memref<!tpu.dma_semaphore, #tpu.memory_space<semaphore_mem>>)
      %dma_wait3A = tpu.memref_slice %arg4[%add3A_8] : memref<320000xf32, #tpu.memory_space<hbm>> -> memref<2000xf32, #tpu.memory_space<hbm>>
      %dma_wait3A_28 = tpu.memref_slice %arg4[%add3A_8] : memref<320000xf32, #tpu.memory_space<hbm>> -> memref<2000xf32, #tpu.memory_space<hbm>>
      tpu.wait_dma2 semaphore(%run_scoped3A : memref<!tpu.dma_semaphore, #tpu.memory_space<semaphore_mem>>) src(%dma_wait3A_28 : memref<2000xf32, #tpu.memory_space<hbm>>) dst(%arg11 : memref<2000xf32, #tpu.memory_space<vmem>>)
      tpu.yield
    }) : () -> ()
    %parallel_loop3A_9 = arith.constant 0 : i32
    %parallel_loop3A_10 = arith.constant 125 : i32
    %parallel_loop3A_11 = arith.constant 1 : i32
    scf.for %parallel_loop3A_27 = %parallel_loop3A_9 to %parallel_loop3A_10 step %parallel_loop3A_11  : i32 {
      %parallel_loop3A_28 = arith.constant 16 : i32
      %parallel_loop3A_29 = arith.muli %parallel_loop3A_27, %parallel_loop3A_28 : i32
      %parallel_loop3A_30 = arith.index_cast %parallel_loop3A_29 : i32 to index
      %parallel_loop3A_31 = tpu.vector_load %arg9[%parallel_loop3A_30] {strides = array<i32>} : memref<2000xi32, #tpu.memory_space<vmem>>, vector<16xi32>,
      %parallel_loop3A_32 = arith.constant 16 : i32
      %parallel_loop3A_33 = arith.muli %parallel_loop3A_27, %parallel_loop3A_32 : i32
      %parallel_loop3A_34 = arith.index_cast %parallel_loop3A_33 : i32 to index
      %parallel_loop3A_35 = tpu.vector_load %arg10[%parallel_loop3A_34] {strides = array<i32>} : memref<2000xi32, #tpu.memory_space<vmem>>, vector<16xi32>,
      %parallel_loop3A_36 = arith.constant 16 : i32
      %parallel_loop3A_37 = arith.muli %parallel_loop3A_27, %parallel_loop3A_36 : i32
      %parallel_loop3A_38 = arith.index_cast %parallel_loop3A_37 : i32 to index
      %parallel_loop3A_39 = tpu.vector_load %arg11[%parallel_loop3A_38] {strides = array<i32>} : memref<2000xf32, #tpu.memory_space<vmem>>, vector<16xf32>,
      %parallel_loop3A_40 = arith.constant 0.000000e+00 : f32
      %parallel_loop3A_41 = vector.broadcast %parallel_loop3A_40 : f32 to vector<16xf32>
      %parallel_loop3A_42 = arith.cmpf olt, %parallel_loop3A_39, %parallel_loop3A_41 : vector<16xf32>
      %parallel_loop3A_43 = arith.extui %parallel_loop3A_42 : vector<16xi1> to vector<16xi32>
      %parallel_loop3A_44 = arith.constant 10000 : i32
      %parallel_loop3A_45 = vector.broadcast %parallel_loop3A_44 : i32 to vector<16xi32>
      %parallel_loop3A_46 = arith.muli %parallel_loop3A_43, %parallel_loop3A_45 : vector<16xi32>
      %parallel_loop3A_47 = arith.addi %parallel_loop3A_31, %parallel_loop3A_46 : vector<16xi32>
      %parallel_loop3A_48 = tpu.vector_load_idx %arg8[%parallel_loop3A_47] : memref<20000xf32, #tpu.memory_space<vmem>>[vector<16xi32>], vector<16xf32>,
      %parallel_loop3A_49 = arith.addi %parallel_loop3A_35, %parallel_loop3A_46 : vector<16xi32>
      %parallel_loop3A_50 = tpu.vector_load_idx %arg8[%parallel_loop3A_49] : memref<20000xf32, #tpu.memory_space<vmem>>[vector<16xi32>], vector<16xf32>,
      %parallel_loop3A_51 = arith.mulf %parallel_loop3A_48, %parallel_loop3A_50 : vector<16xf32>
      %parallel_loop3A_52 = math.absf %parallel_loop3A_39 : vector<16xf32>
      %parallel_loop3A_53 = arith.mulf %parallel_loop3A_51, %parallel_loop3A_52 : vector<16xf32>
      %parallel_loop3A_54 = arith.constant 16 : i32
      %parallel_loop3A_55 = arith.muli %parallel_loop3A_27, %parallel_loop3A_54 : i32
      %parallel_loop3A_56 = arith.index_cast %parallel_loop3A_55 : i32 to index
      %parallel_loop3A_57 = tpu.vector_load %arg12[%parallel_loop3A_56] {strides = array<i32>} : memref<2000xf32, #tpu.memory_space<vmem>>, vector<16xf32>,
      tpu.vector_store %arg12[%parallel_loop3A_56], %parallel_loop3A_53 {strides = array<i32>} : memref<2000xf32, #tpu.memory_space<vmem>>, vector<16xf32>,
      %parallel_loop3A_58 = arith.constant 40000 : i32
      %parallel_loop3A_59 = vector.broadcast %parallel_loop3A_58 : i32 to vector<16xi32>
      %parallel_loop3A_60 = arith.muli %parallel_loop3A_43, %parallel_loop3A_59 : vector<16xi32>
      %parallel_loop3A_61 = arith.addi %parallel_loop3A_35, %parallel_loop3A_60 : vector<16xi32>
      %parallel_loop3A_62 = arith.constant 16384 : i32
      %parallel_loop3A_63 = vector.broadcast %parallel_loop3A_62 : i32 to vector<16xi32>
      %parallel_loop3A_64 = arith.muli %parallel_loop3A_61, %parallel_loop3A_63 : vector<16xi32>
      %parallel_loop3A_65 = arith.addi %parallel_loop3A_64, %parallel_loop3A_31 : vector<16xi32>
      %parallel_loop3A_66 = arith.constant 16 : i32
      %parallel_loop3A_67 = arith.muli %parallel_loop3A_27, %parallel_loop3A_66 : i32
      %parallel_loop3A_68 = arith.index_cast %parallel_loop3A_67 : i32 to index
      %parallel_loop3A_69 = tpu.vector_load %arg13[%parallel_loop3A_68] {strides = array<i32>} : memref<2000xi32, #tpu.memory_space<vmem>>, vector<16xi32>,
      tpu.vector_store %arg13[%parallel_loop3A_68], %parallel_loop3A_65 {strides = array<i32>} : memref<2000xi32, #tpu.memory_space<vmem>>, vector<16xi32>,
    } {sc.loop_unroll_factor = 4 : i64, sc.parallel_access}
    "tpu.region"() ({
      %run_scoped3A = tpu.sem_alloc : memref<!tpu.dma_semaphore, #tpu.memory_space<semaphore_mem>>
      %dma_start3A = tpu.memref_slice %arg6[%add3A_8] : memref<320000xf32, #tpu.memory_space<hbm>> -> memref<2000xf32, #tpu.memory_space<hbm>>
      %dma_start3A_27 = tpu.memref_slice %arg6[%add3A_8] : memref<320000xf32, #tpu.memory_space<hbm>> -> memref<2000xf32, #tpu.memory_space<hbm>>
      tpu.enqueue_dma source(%arg12 : memref<2000xf32, #tpu.memory_space<vmem>>) target(%dma_start3A_27 : memref<2000xf32, #tpu.memory_space<hbm>>) target_semaphore(%run_scoped3A : memref<!tpu.dma_semaphore, #tpu.memory_space<semaphore_mem>>)
      %dma_wait3A = tpu.memref_slice %arg6[%add3A_8] : memref<320000xf32, #tpu.memory_space<hbm>> -> memref<2000xf32, #tpu.memory_space<hbm>>
      %dma_wait3A_28 = tpu.memref_slice %arg6[%add3A_8] : memref<320000xf32, #tpu.memory_space<hbm>> -> memref<2000xf32, #tpu.memory_space<hbm>>
      tpu.wait_dma2 semaphore(%run_scoped3A : memref<!tpu.dma_semaphore, #tpu.memory_space<semaphore_mem>>) src(%arg12 : memref<2000xf32, #tpu.memory_space<vmem>>) dst(%dma_wait3A_28 : memref<2000xf32, #tpu.memory_space<hbm>>)
      tpu.yield
    }) : () -> ()
    "tpu.region"() ({
      %run_scoped3A = tpu.sem_alloc : memref<!tpu.dma_semaphore, #tpu.memory_space<semaphore_mem>>
      %dma_start3A = tpu.memref_slice %arg7[%add3A_8] : memref<320000xi32, #tpu.memory_space<hbm>> -> memref<2000xi32, #tpu.memory_space<hbm>>
      %dma_start3A_27 = tpu.memref_slice %arg7[%add3A_8] : memref<320000xi32, #tpu.memory_space<hbm>> -> memref<2000xi32, #tpu.memory_space<hbm>>
      tpu.enqueue_dma source(%arg13 : memref<2000xi32, #tpu.memory_space<vmem>>) target(%dma_start3A_27 : memref<2000xi32, #tpu.memory_space<hbm>>) target_semaphore(%run_scoped3A : memref<!tpu.dma_semaphore, #tpu.memory_space<semaphore_mem>>)
      %dma_wait3A = tpu.memref_slice %arg7[%add3A_8] : memref<320000xi32, #tpu.memory_space<hbm>> -> memref<2000xi32, #tpu.memory_space<hbm>>
      %dma_wait3A_28 = tpu.memref_slice %arg7[%add3A_8] : memref<320000xi32, #tpu.memory_space<hbm>> -> memref<2000xi32, #tpu.memory_space<hbm>>
      tpu.wait_dma2 semaphore(%run_scoped3A : memref<!tpu.dma_semaphore, #tpu.memory_space<semaphore_mem>>) src(%arg13 : memref<2000xi32, #tpu.memory_space<vmem>>) dst(%dma_wait3A_28 : memref<2000xi32, #tpu.memory_space<hbm>>)
      tpu.yield
    }) : () -> ()
    %add3A_12 = arith.constant 4000 : i32
    %add3A_13 = arith.addi %mul3A_2, %add3A_12 : i32
    "tpu.region"() ({
      %run_scoped3A = tpu.sem_alloc : memref<!tpu.dma_semaphore, #tpu.memory_space<semaphore_mem>>
      %dma_start3A = tpu.memref_slice %arg2[%add3A_13] : memref<320000xi32, #tpu.memory_space<hbm>> -> memref<2000xi32, #tpu.memory_space<hbm>>
      %dma_start3A_27 = tpu.memref_slice %arg2[%add3A_13] : memref<320000xi32, #tpu.memory_space<hbm>> -> memref<2000xi32, #tpu.memory_space<hbm>>
      tpu.enqueue_dma source(%dma_start3A_27 : memref<2000xi32, #tpu.memory_space<hbm>>) target(%arg9 : memref<2000xi32, #tpu.memory_space<vmem>>) target_semaphore(%run_scoped3A : memref<!tpu.dma_semaphore, #tpu.memory_space<semaphore_mem>>)
      %dma_wait3A = tpu.memref_slice %arg2[%add3A_13] : memref<320000xi32, #tpu.memory_space<hbm>> -> memref<2000xi32, #tpu.memory_space<hbm>>
      %dma_wait3A_28 = tpu.memref_slice %arg2[%add3A_13] : memref<320000xi32, #tpu.memory_space<hbm>> -> memref<2000xi32, #tpu.memory_space<hbm>>
      tpu.wait_dma2 semaphore(%run_scoped3A : memref<!tpu.dma_semaphore, #tpu.memory_space<semaphore_mem>>) src(%dma_wait3A_28 : memref<2000xi32, #tpu.memory_space<hbm>>) dst(%arg9 : memref<2000xi32, #tpu.memory_space<vmem>>)
      tpu.yield
    }) : () -> ()
    "tpu.region"() ({
      %run_scoped3A = tpu.sem_alloc : memref<!tpu.dma_semaphore, #tpu.memory_space<semaphore_mem>>
      %dma_start3A = tpu.memref_slice %arg3[%add3A_13] : memref<320000xi32, #tpu.memory_space<hbm>> -> memref<2000xi32, #tpu.memory_space<hbm>>
      %dma_start3A_27 = tpu.memref_slice %arg3[%add3A_13] : memref<320000xi32, #tpu.memory_space<hbm>> -> memref<2000xi32, #tpu.memory_space<hbm>>
      tpu.enqueue_dma source(%dma_start3A_27 : memref<2000xi32, #tpu.memory_space<hbm>>) target(%arg10 : memref<2000xi32, #tpu.memory_space<vmem>>) target_semaphore(%run_scoped3A : memref<!tpu.dma_semaphore, #tpu.memory_space<semaphore_mem>>)
      %dma_wait3A = tpu.memref_slice %arg3[%add3A_13] : memref<320000xi32, #tpu.memory_space<hbm>> -> memref<2000xi32, #tpu.memory_space<hbm>>
      %dma_wait3A_28 = tpu.memref_slice %arg3[%add3A_13] : memref<320000xi32, #tpu.memory_space<hbm>> -> memref<2000xi32, #tpu.memory_space<hbm>>
      tpu.wait_dma2 semaphore(%run_scoped3A : memref<!tpu.dma_semaphore, #tpu.memory_space<semaphore_mem>>) src(%dma_wait3A_28 : memref<2000xi32, #tpu.memory_space<hbm>>) dst(%arg10 : memref<2000xi32, #tpu.memory_space<vmem>>)
      tpu.yield
    }) : () -> ()
    "tpu.region"() ({
      %run_scoped3A = tpu.sem_alloc : memref<!tpu.dma_semaphore, #tpu.memory_space<semaphore_mem>>
      %dma_start3A = tpu.memref_slice %arg4[%add3A_13] : memref<320000xf32, #tpu.memory_space<hbm>> -> memref<2000xf32, #tpu.memory_space<hbm>>
      %dma_start3A_27 = tpu.memref_slice %arg4[%add3A_13] : memref<320000xf32, #tpu.memory_space<hbm>> -> memref<2000xf32, #tpu.memory_space<hbm>>
      tpu.enqueue_dma source(%dma_start3A_27 : memref<2000xf32, #tpu.memory_space<hbm>>) target(%arg11 : memref<2000xf32, #tpu.memory_space<vmem>>) target_semaphore(%run_scoped3A : memref<!tpu.dma_semaphore, #tpu.memory_space<semaphore_mem>>)
      %dma_wait3A = tpu.memref_slice %arg4[%add3A_13] : memref<320000xf32, #tpu.memory_space<hbm>> -> memref<2000xf32, #tpu.memory_space<hbm>>
      %dma_wait3A_28 = tpu.memref_slice %arg4[%add3A_13] : memref<320000xf32, #tpu.memory_space<hbm>> -> memref<2000xf32, #tpu.memory_space<hbm>>
      tpu.wait_dma2 semaphore(%run_scoped3A : memref<!tpu.dma_semaphore, #tpu.memory_space<semaphore_mem>>) src(%dma_wait3A_28 : memref<2000xf32, #tpu.memory_space<hbm>>) dst(%arg11 : memref<2000xf32, #tpu.memory_space<vmem>>)
      tpu.yield
    }) : () -> ()
    %parallel_loop3A_14 = arith.constant 0 : i32
    %parallel_loop3A_15 = arith.constant 125 : i32
    %parallel_loop3A_16 = arith.constant 1 : i32
    scf.for %parallel_loop3A_27 = %parallel_loop3A_14 to %parallel_loop3A_15 step %parallel_loop3A_16  : i32 {
      %parallel_loop3A_28 = arith.constant 16 : i32
      %parallel_loop3A_29 = arith.muli %parallel_loop3A_27, %parallel_loop3A_28 : i32
      %parallel_loop3A_30 = arith.index_cast %parallel_loop3A_29 : i32 to index
      %parallel_loop3A_31 = tpu.vector_load %arg9[%parallel_loop3A_30] {strides = array<i32>} : memref<2000xi32, #tpu.memory_space<vmem>>, vector<16xi32>,
      %parallel_loop3A_32 = arith.constant 16 : i32
      %parallel_loop3A_33 = arith.muli %parallel_loop3A_27, %parallel_loop3A_32 : i32
      %parallel_loop3A_34 = arith.index_cast %parallel_loop3A_33 : i32 to index
      %parallel_loop3A_35 = tpu.vector_load %arg10[%parallel_loop3A_34] {strides = array<i32>} : memref<2000xi32, #tpu.memory_space<vmem>>, vector<16xi32>,
      %parallel_loop3A_36 = arith.constant 16 : i32
      %parallel_loop3A_37 = arith.muli %parallel_loop3A_27, %parallel_loop3A_36 : i32
      %parallel_loop3A_38 = arith.index_cast %parallel_loop3A_37 : i32 to index
      %parallel_loop3A_39 = tpu.vector_load %arg11[%parallel_loop3A_38] {strides = array<i32>} : memref<2000xf32, #tpu.memory_space<vmem>>, vector<16xf32>,
      %parallel_loop3A_40 = arith.constant 0.000000e+00 : f32
      %parallel_loop3A_41 = vector.broadcast %parallel_loop3A_40 : f32 to vector<16xf32>
      %parallel_loop3A_42 = arith.cmpf olt, %parallel_loop3A_39, %parallel_loop3A_41 : vector<16xf32>
      %parallel_loop3A_43 = arith.extui %parallel_loop3A_42 : vector<16xi1> to vector<16xi32>
      %parallel_loop3A_44 = arith.constant 10000 : i32
      %parallel_loop3A_45 = vector.broadcast %parallel_loop3A_44 : i32 to vector<16xi32>
      %parallel_loop3A_46 = arith.muli %parallel_loop3A_43, %parallel_loop3A_45 : vector<16xi32>
      %parallel_loop3A_47 = arith.addi %parallel_loop3A_31, %parallel_loop3A_46 : vector<16xi32>
      %parallel_loop3A_48 = tpu.vector_load_idx %arg8[%parallel_loop3A_47] : memref<20000xf32, #tpu.memory_space<vmem>>[vector<16xi32>], vector<16xf32>,
      %parallel_loop3A_49 = arith.addi %parallel_loop3A_35, %parallel_loop3A_46 : vector<16xi32>
      %parallel_loop3A_50 = tpu.vector_load_idx %arg8[%parallel_loop3A_49] : memref<20000xf32, #tpu.memory_space<vmem>>[vector<16xi32>], vector<16xf32>,
      %parallel_loop3A_51 = arith.mulf %parallel_loop3A_48, %parallel_loop3A_50 : vector<16xf32>
      %parallel_loop3A_52 = math.absf %parallel_loop3A_39 : vector<16xf32>
      %parallel_loop3A_53 = arith.mulf %parallel_loop3A_51, %parallel_loop3A_52 : vector<16xf32>
      %parallel_loop3A_54 = arith.constant 16 : i32
      %parallel_loop3A_55 = arith.muli %parallel_loop3A_27, %parallel_loop3A_54 : i32
      %parallel_loop3A_56 = arith.index_cast %parallel_loop3A_55 : i32 to index
      %parallel_loop3A_57 = tpu.vector_load %arg12[%parallel_loop3A_56] {strides = array<i32>} : memref<2000xf32, #tpu.memory_space<vmem>>, vector<16xf32>,
      tpu.vector_store %arg12[%parallel_loop3A_56], %parallel_loop3A_53 {strides = array<i32>} : memref<2000xf32, #tpu.memory_space<vmem>>, vector<16xf32>,
      %parallel_loop3A_58 = arith.constant 40000 : i32
      %parallel_loop3A_59 = vector.broadcast %parallel_loop3A_58 : i32 to vector<16xi32>
      %parallel_loop3A_60 = arith.muli %parallel_loop3A_43, %parallel_loop3A_59 : vector<16xi32>
      %parallel_loop3A_61 = arith.addi %parallel_loop3A_35, %parallel_loop3A_60 : vector<16xi32>
      %parallel_loop3A_62 = arith.constant 16384 : i32
      %parallel_loop3A_63 = vector.broadcast %parallel_loop3A_62 : i32 to vector<16xi32>
      %parallel_loop3A_64 = arith.muli %parallel_loop3A_61, %parallel_loop3A_63 : vector<16xi32>
      %parallel_loop3A_65 = arith.addi %parallel_loop3A_64, %parallel_loop3A_31 : vector<16xi32>
      %parallel_loop3A_66 = arith.constant 16 : i32
      %parallel_loop3A_67 = arith.muli %parallel_loop3A_27, %parallel_loop3A_66 : i32
      %parallel_loop3A_68 = arith.index_cast %parallel_loop3A_67 : i32 to index
      %parallel_loop3A_69 = tpu.vector_load %arg13[%parallel_loop3A_68] {strides = array<i32>} : memref<2000xi32, #tpu.memory_space<vmem>>, vector<16xi32>,
      tpu.vector_store %arg13[%parallel_loop3A_68], %parallel_loop3A_65 {strides = array<i32>} : memref<2000xi32, #tpu.memory_space<vmem>>, vector<16xi32>,
    } {sc.loop_unroll_factor = 4 : i64, sc.parallel_access}
    "tpu.region"() ({
      %run_scoped3A = tpu.sem_alloc : memref<!tpu.dma_semaphore, #tpu.memory_space<semaphore_mem>>
      %dma_start3A = tpu.memref_slice %arg6[%add3A_13] : memref<320000xf32, #tpu.memory_space<hbm>> -> memref<2000xf32, #tpu.memory_space<hbm>>
      %dma_start3A_27 = tpu.memref_slice %arg6[%add3A_13] : memref<320000xf32, #tpu.memory_space<hbm>> -> memref<2000xf32, #tpu.memory_space<hbm>>
      tpu.enqueue_dma source(%arg12 : memref<2000xf32, #tpu.memory_space<vmem>>) target(%dma_start3A_27 : memref<2000xf32, #tpu.memory_space<hbm>>) target_semaphore(%run_scoped3A : memref<!tpu.dma_semaphore, #tpu.memory_space<semaphore_mem>>)
      %dma_wait3A = tpu.memref_slice %arg6[%add3A_13] : memref<320000xf32, #tpu.memory_space<hbm>> -> memref<2000xf32, #tpu.memory_space<hbm>>
      %dma_wait3A_28 = tpu.memref_slice %arg6[%add3A_13] : memref<320000xf32, #tpu.memory_space<hbm>> -> memref<2000xf32, #tpu.memory_space<hbm>>
      tpu.wait_dma2 semaphore(%run_scoped3A : memref<!tpu.dma_semaphore, #tpu.memory_space<semaphore_mem>>) src(%arg12 : memref<2000xf32, #tpu.memory_space<vmem>>) dst(%dma_wait3A_28 : memref<2000xf32, #tpu.memory_space<hbm>>)
      tpu.yield
    }) : () -> ()
    "tpu.region"() ({
      %run_scoped3A = tpu.sem_alloc : memref<!tpu.dma_semaphore, #tpu.memory_space<semaphore_mem>>
      %dma_start3A = tpu.memref_slice %arg7[%add3A_13] : memref<320000xi32, #tpu.memory_space<hbm>> -> memref<2000xi32, #tpu.memory_space<hbm>>
      %dma_start3A_27 = tpu.memref_slice %arg7[%add3A_13] : memref<320000xi32, #tpu.memory_space<hbm>> -> memref<2000xi32, #tpu.memory_space<hbm>>
      tpu.enqueue_dma source(%arg13 : memref<2000xi32, #tpu.memory_space<vmem>>) target(%dma_start3A_27 : memref<2000xi32, #tpu.memory_space<hbm>>) target_semaphore(%run_scoped3A : memref<!tpu.dma_semaphore, #tpu.memory_space<semaphore_mem>>)
      %dma_wait3A = tpu.memref_slice %arg7[%add3A_13] : memref<320000xi32, #tpu.memory_space<hbm>> -> memref<2000xi32, #tpu.memory_space<hbm>>
      %dma_wait3A_28 = tpu.memref_slice %arg7[%add3A_13] : memref<320000xi32, #tpu.memory_space<hbm>> -> memref<2000xi32, #tpu.memory_space<hbm>>
      tpu.wait_dma2 semaphore(%run_scoped3A : memref<!tpu.dma_semaphore, #tpu.memory_space<semaphore_mem>>) src(%arg13 : memref<2000xi32, #tpu.memory_space<vmem>>) dst(%dma_wait3A_28 : memref<2000xi32, #tpu.memory_space<hbm>>)
      tpu.yield
    }) : () -> ()
    %add3A_17 = arith.constant 6000 : i32
    %add3A_18 = arith.addi %mul3A_2, %add3A_17 : i32
    "tpu.region"() ({
      %run_scoped3A = tpu.sem_alloc : memref<!tpu.dma_semaphore, #tpu.memory_space<semaphore_mem>>
      %dma_start3A = tpu.memref_slice %arg2[%add3A_18] : memref<320000xi32, #tpu.memory_space<hbm>> -> memref<2000xi32, #tpu.memory_space<hbm>>
      %dma_start3A_27 = tpu.memref_slice %arg2[%add3A_18] : memref<320000xi32, #tpu.memory_space<hbm>> -> memref<2000xi32, #tpu.memory_space<hbm>>
      tpu.enqueue_dma source(%dma_start3A_27 : memref<2000xi32, #tpu.memory_space<hbm>>) target(%arg9 : memref<2000xi32, #tpu.memory_space<vmem>>) target_semaphore(%run_scoped3A : memref<!tpu.dma_semaphore, #tpu.memory_space<semaphore_mem>>)
      %dma_wait3A = tpu.memref_slice %arg2[%add3A_18] : memref<320000xi32, #tpu.memory_space<hbm>> -> memref<2000xi32, #tpu.memory_space<hbm>>
      %dma_wait3A_28 = tpu.memref_slice %arg2[%add3A_18] : memref<320000xi32, #tpu.memory_space<hbm>> -> memref<2000xi32, #tpu.memory_space<hbm>>
      tpu.wait_dma2 semaphore(%run_scoped3A : memref<!tpu.dma_semaphore, #tpu.memory_space<semaphore_mem>>) src(%dma_wait3A_28 : memref<2000xi32, #tpu.memory_space<hbm>>) dst(%arg9 : memref<2000xi32, #tpu.memory_space<vmem>>)
      tpu.yield
    }) : () -> ()
    "tpu.region"() ({
      %run_scoped3A = tpu.sem_alloc : memref<!tpu.dma_semaphore, #tpu.memory_space<semaphore_mem>>
      %dma_start3A = tpu.memref_slice %arg3[%add3A_18] : memref<320000xi32, #tpu.memory_space<hbm>> -> memref<2000xi32, #tpu.memory_space<hbm>>
      %dma_start3A_27 = tpu.memref_slice %arg3[%add3A_18] : memref<320000xi32, #tpu.memory_space<hbm>> -> memref<2000xi32, #tpu.memory_space<hbm>>
      tpu.enqueue_dma source(%dma_start3A_27 : memref<2000xi32, #tpu.memory_space<hbm>>) target(%arg10 : memref<2000xi32, #tpu.memory_space<vmem>>) target_semaphore(%run_scoped3A : memref<!tpu.dma_semaphore, #tpu.memory_space<semaphore_mem>>)
      %dma_wait3A = tpu.memref_slice %arg3[%add3A_18] : memref<320000xi32, #tpu.memory_space<hbm>> -> memref<2000xi32, #tpu.memory_space<hbm>>
      %dma_wait3A_28 = tpu.memref_slice %arg3[%add3A_18] : memref<320000xi32, #tpu.memory_space<hbm>> -> memref<2000xi32, #tpu.memory_space<hbm>>
      tpu.wait_dma2 semaphore(%run_scoped3A : memref<!tpu.dma_semaphore, #tpu.memory_space<semaphore_mem>>) src(%dma_wait3A_28 : memref<2000xi32, #tpu.memory_space<hbm>>) dst(%arg10 : memref<2000xi32, #tpu.memory_space<vmem>>)
      tpu.yield
    }) : () -> ()
    "tpu.region"() ({
      %run_scoped3A = tpu.sem_alloc : memref<!tpu.dma_semaphore, #tpu.memory_space<semaphore_mem>>
      %dma_start3A = tpu.memref_slice %arg4[%add3A_18] : memref<320000xf32, #tpu.memory_space<hbm>> -> memref<2000xf32, #tpu.memory_space<hbm>>
      %dma_start3A_27 = tpu.memref_slice %arg4[%add3A_18] : memref<320000xf32, #tpu.memory_space<hbm>> -> memref<2000xf32, #tpu.memory_space<hbm>>
      tpu.enqueue_dma source(%dma_start3A_27 : memref<2000xf32, #tpu.memory_space<hbm>>) target(%arg11 : memref<2000xf32, #tpu.memory_space<vmem>>) target_semaphore(%run_scoped3A : memref<!tpu.dma_semaphore, #tpu.memory_space<semaphore_mem>>)
      %dma_wait3A = tpu.memref_slice %arg4[%add3A_18] : memref<320000xf32, #tpu.memory_space<hbm>> -> memref<2000xf32, #tpu.memory_space<hbm>>
      %dma_wait3A_28 = tpu.memref_slice %arg4[%add3A_18] : memref<320000xf32, #tpu.memory_space<hbm>> -> memref<2000xf32, #tpu.memory_space<hbm>>
      tpu.wait_dma2 semaphore(%run_scoped3A : memref<!tpu.dma_semaphore, #tpu.memory_space<semaphore_mem>>) src(%dma_wait3A_28 : memref<2000xf32, #tpu.memory_space<hbm>>) dst(%arg11 : memref<2000xf32, #tpu.memory_space<vmem>>)
      tpu.yield
    }) : () -> ()
    %parallel_loop3A_19 = arith.constant 0 : i32
    %parallel_loop3A_20 = arith.constant 125 : i32
    %parallel_loop3A_21 = arith.constant 1 : i32
    scf.for %parallel_loop3A_27 = %parallel_loop3A_19 to %parallel_loop3A_20 step %parallel_loop3A_21  : i32 {
      %parallel_loop3A_28 = arith.constant 16 : i32
      %parallel_loop3A_29 = arith.muli %parallel_loop3A_27, %parallel_loop3A_28 : i32
      %parallel_loop3A_30 = arith.index_cast %parallel_loop3A_29 : i32 to index
      %parallel_loop3A_31 = tpu.vector_load %arg9[%parallel_loop3A_30] {strides = array<i32>} : memref<2000xi32, #tpu.memory_space<vmem>>, vector<16xi32>,
      %parallel_loop3A_32 = arith.constant 16 : i32
      %parallel_loop3A_33 = arith.muli %parallel_loop3A_27, %parallel_loop3A_32 : i32
      %parallel_loop3A_34 = arith.index_cast %parallel_loop3A_33 : i32 to index
      %parallel_loop3A_35 = tpu.vector_load %arg10[%parallel_loop3A_34] {strides = array<i32>} : memref<2000xi32, #tpu.memory_space<vmem>>, vector<16xi32>,
      %parallel_loop3A_36 = arith.constant 16 : i32
      %parallel_loop3A_37 = arith.muli %parallel_loop3A_27, %parallel_loop3A_36 : i32
      %parallel_loop3A_38 = arith.index_cast %parallel_loop3A_37 : i32 to index
      %parallel_loop3A_39 = tpu.vector_load %arg11[%parallel_loop3A_38] {strides = array<i32>} : memref<2000xf32, #tpu.memory_space<vmem>>, vector<16xf32>,
      %parallel_loop3A_40 = arith.constant 0.000000e+00 : f32
      %parallel_loop3A_41 = vector.broadcast %parallel_loop3A_40 : f32 to vector<16xf32>
      %parallel_loop3A_42 = arith.cmpf olt, %parallel_loop3A_39, %parallel_loop3A_41 : vector<16xf32>
      %parallel_loop3A_43 = arith.extui %parallel_loop3A_42 : vector<16xi1> to vector<16xi32>
      %parallel_loop3A_44 = arith.constant 10000 : i32
      %parallel_loop3A_45 = vector.broadcast %parallel_loop3A_44 : i32 to vector<16xi32>
      %parallel_loop3A_46 = arith.muli %parallel_loop3A_43, %parallel_loop3A_45 : vector<16xi32>
      %parallel_loop3A_47 = arith.addi %parallel_loop3A_31, %parallel_loop3A_46 : vector<16xi32>
      %parallel_loop3A_48 = tpu.vector_load_idx %arg8[%parallel_loop3A_47] : memref<20000xf32, #tpu.memory_space<vmem>>[vector<16xi32>], vector<16xf32>,
      %parallel_loop3A_49 = arith.addi %parallel_loop3A_35, %parallel_loop3A_46 : vector<16xi32>
      %parallel_loop3A_50 = tpu.vector_load_idx %arg8[%parallel_loop3A_49] : memref<20000xf32, #tpu.memory_space<vmem>>[vector<16xi32>], vector<16xf32>,
      %parallel_loop3A_51 = arith.mulf %parallel_loop3A_48, %parallel_loop3A_50 : vector<16xf32>
      %parallel_loop3A_52 = math.absf %parallel_loop3A_39 : vector<16xf32>
      %parallel_loop3A_53 = arith.mulf %parallel_loop3A_51, %parallel_loop3A_52 : vector<16xf32>
      %parallel_loop3A_54 = arith.constant 16 : i32
      %parallel_loop3A_55 = arith.muli %parallel_loop3A_27, %parallel_loop3A_54 : i32
      %parallel_loop3A_56 = arith.index_cast %parallel_loop3A_55 : i32 to index
      %parallel_loop3A_57 = tpu.vector_load %arg12[%parallel_loop3A_56] {strides = array<i32>} : memref<2000xf32, #tpu.memory_space<vmem>>, vector<16xf32>,
      tpu.vector_store %arg12[%parallel_loop3A_56], %parallel_loop3A_53 {strides = array<i32>} : memref<2000xf32, #tpu.memory_space<vmem>>, vector<16xf32>,
      %parallel_loop3A_58 = arith.constant 40000 : i32
      %parallel_loop3A_59 = vector.broadcast %parallel_loop3A_58 : i32 to vector<16xi32>
      %parallel_loop3A_60 = arith.muli %parallel_loop3A_43, %parallel_loop3A_59 : vector<16xi32>
      %parallel_loop3A_61 = arith.addi %parallel_loop3A_35, %parallel_loop3A_60 : vector<16xi32>
      %parallel_loop3A_62 = arith.constant 16384 : i32
      %parallel_loop3A_63 = vector.broadcast %parallel_loop3A_62 : i32 to vector<16xi32>
      %parallel_loop3A_64 = arith.muli %parallel_loop3A_61, %parallel_loop3A_63 : vector<16xi32>
      %parallel_loop3A_65 = arith.addi %parallel_loop3A_64, %parallel_loop3A_31 : vector<16xi32>
      %parallel_loop3A_66 = arith.constant 16 : i32
      %parallel_loop3A_67 = arith.muli %parallel_loop3A_27, %parallel_loop3A_66 : i32
      %parallel_loop3A_68 = arith.index_cast %parallel_loop3A_67 : i32 to index
      %parallel_loop3A_69 = tpu.vector_load %arg13[%parallel_loop3A_68] {strides = array<i32>} : memref<2000xi32, #tpu.memory_space<vmem>>, vector<16xi32>,
      tpu.vector_store %arg13[%parallel_loop3A_68], %parallel_loop3A_65 {strides = array<i32>} : memref<2000xi32, #tpu.memory_space<vmem>>, vector<16xi32>,
    } {sc.loop_unroll_factor = 4 : i64, sc.parallel_access}
    "tpu.region"() ({
      %run_scoped3A = tpu.sem_alloc : memref<!tpu.dma_semaphore, #tpu.memory_space<semaphore_mem>>
      %dma_start3A = tpu.memref_slice %arg6[%add3A_18] : memref<320000xf32, #tpu.memory_space<hbm>> -> memref<2000xf32, #tpu.memory_space<hbm>>
      %dma_start3A_27 = tpu.memref_slice %arg6[%add3A_18] : memref<320000xf32, #tpu.memory_space<hbm>> -> memref<2000xf32, #tpu.memory_space<hbm>>
      tpu.enqueue_dma source(%arg12 : memref<2000xf32, #tpu.memory_space<vmem>>) target(%dma_start3A_27 : memref<2000xf32, #tpu.memory_space<hbm>>) target_semaphore(%run_scoped3A : memref<!tpu.dma_semaphore, #tpu.memory_space<semaphore_mem>>)
      %dma_wait3A = tpu.memref_slice %arg6[%add3A_18] : memref<320000xf32, #tpu.memory_space<hbm>> -> memref<2000xf32, #tpu.memory_space<hbm>>
      %dma_wait3A_28 = tpu.memref_slice %arg6[%add3A_18] : memref<320000xf32, #tpu.memory_space<hbm>> -> memref<2000xf32, #tpu.memory_space<hbm>>
      tpu.wait_dma2 semaphore(%run_scoped3A : memref<!tpu.dma_semaphore, #tpu.memory_space<semaphore_mem>>) src(%arg12 : memref<2000xf32, #tpu.memory_space<vmem>>) dst(%dma_wait3A_28 : memref<2000xf32, #tpu.memory_space<hbm>>)
      tpu.yield
    }) : () -> ()
    "tpu.region"() ({
      %run_scoped3A = tpu.sem_alloc : memref<!tpu.dma_semaphore, #tpu.memory_space<semaphore_mem>>
      %dma_start3A = tpu.memref_slice %arg7[%add3A_18] : memref<320000xi32, #tpu.memory_space<hbm>> -> memref<2000xi32, #tpu.memory_space<hbm>>
      %dma_start3A_27 = tpu.memref_slice %arg7[%add3A_18] : memref<320000xi32, #tpu.memory_space<hbm>> -> memref<2000xi32, #tpu.memory_space<hbm>>
      tpu.enqueue_dma source(%arg13 : memref<2000xi32, #tpu.memory_space<vmem>>) target(%dma_start3A_27 : memref<2000xi32, #tpu.memory_space<hbm>>) target_semaphore(%run_scoped3A : memref<!tpu.dma_semaphore, #tpu.memory_space<semaphore_mem>>)
      %dma_wait3A = tpu.memref_slice %arg7[%add3A_18] : memref<320000xi32, #tpu.memory_space<hbm>> -> memref<2000xi32, #tpu.memory_space<hbm>>
      %dma_wait3A_28 = tpu.memref_slice %arg7[%add3A_18] : memref<320000xi32, #tpu.memory_space<hbm>> -> memref<2000xi32, #tpu.memory_space<hbm>>
      tpu.wait_dma2 semaphore(%run_scoped3A : memref<!tpu.dma_semaphore, #tpu.memory_space<semaphore_mem>>) src(%arg13 : memref<2000xi32, #tpu.memory_space<vmem>>) dst(%dma_wait3A_28 : memref<2000xi32, #tpu.memory_space<hbm>>)
      tpu.yield
    }) : () -> ()
    %add3A_22 = arith.constant 8000 : i32
    %add3A_23 = arith.addi %mul3A_2, %add3A_22 : i32
    "tpu.region"() ({
      %run_scoped3A = tpu.sem_alloc : memref<!tpu.dma_semaphore, #tpu.memory_space<semaphore_mem>>
      %dma_start3A = tpu.memref_slice %arg2[%add3A_23] : memref<320000xi32, #tpu.memory_space<hbm>> -> memref<2000xi32, #tpu.memory_space<hbm>>
      %dma_start3A_27 = tpu.memref_slice %arg2[%add3A_23] : memref<320000xi32, #tpu.memory_space<hbm>> -> memref<2000xi32, #tpu.memory_space<hbm>>
      tpu.enqueue_dma source(%dma_start3A_27 : memref<2000xi32, #tpu.memory_space<hbm>>) target(%arg9 : memref<2000xi32, #tpu.memory_space<vmem>>) target_semaphore(%run_scoped3A : memref<!tpu.dma_semaphore, #tpu.memory_space<semaphore_mem>>)
      %dma_wait3A = tpu.memref_slice %arg2[%add3A_23] : memref<320000xi32, #tpu.memory_space<hbm>> -> memref<2000xi32, #tpu.memory_space<hbm>>
      %dma_wait3A_28 = tpu.memref_slice %arg2[%add3A_23] : memref<320000xi32, #tpu.memory_space<hbm>> -> memref<2000xi32, #tpu.memory_space<hbm>>
      tpu.wait_dma2 semaphore(%run_scoped3A : memref<!tpu.dma_semaphore, #tpu.memory_space<semaphore_mem>>) src(%dma_wait3A_28 : memref<2000xi32, #tpu.memory_space<hbm>>) dst(%arg9 : memref<2000xi32, #tpu.memory_space<vmem>>)
      tpu.yield
    }) : () -> ()
    "tpu.region"() ({
      %run_scoped3A = tpu.sem_alloc : memref<!tpu.dma_semaphore, #tpu.memory_space<semaphore_mem>>
      %dma_start3A = tpu.memref_slice %arg3[%add3A_23] : memref<320000xi32, #tpu.memory_space<hbm>> -> memref<2000xi32, #tpu.memory_space<hbm>>
      %dma_start3A_27 = tpu.memref_slice %arg3[%add3A_23] : memref<320000xi32, #tpu.memory_space<hbm>> -> memref<2000xi32, #tpu.memory_space<hbm>>
      tpu.enqueue_dma source(%dma_start3A_27 : memref<2000xi32, #tpu.memory_space<hbm>>) target(%arg10 : memref<2000xi32, #tpu.memory_space<vmem>>) target_semaphore(%run_scoped3A : memref<!tpu.dma_semaphore, #tpu.memory_space<semaphore_mem>>)
      %dma_wait3A = tpu.memref_slice %arg3[%add3A_23] : memref<320000xi32, #tpu.memory_space<hbm>> -> memref<2000xi32, #tpu.memory_space<hbm>>
      %dma_wait3A_28 = tpu.memref_slice %arg3[%add3A_23] : memref<320000xi32, #tpu.memory_space<hbm>> -> memref<2000xi32, #tpu.memory_space<hbm>>
      tpu.wait_dma2 semaphore(%run_scoped3A : memref<!tpu.dma_semaphore, #tpu.memory_space<semaphore_mem>>) src(%dma_wait3A_28 : memref<2000xi32, #tpu.memory_space<hbm>>) dst(%arg10 : memref<2000xi32, #tpu.memory_space<vmem>>)
      tpu.yield
    }) : () -> ()
    "tpu.region"() ({
      %run_scoped3A = tpu.sem_alloc : memref<!tpu.dma_semaphore, #tpu.memory_space<semaphore_mem>>
      %dma_start3A = tpu.memref_slice %arg4[%add3A_23] : memref<320000xf32, #tpu.memory_space<hbm>> -> memref<2000xf32, #tpu.memory_space<hbm>>
      %dma_start3A_27 = tpu.memref_slice %arg4[%add3A_23] : memref<320000xf32, #tpu.memory_space<hbm>> -> memref<2000xf32, #tpu.memory_space<hbm>>
      tpu.enqueue_dma source(%dma_start3A_27 : memref<2000xf32, #tpu.memory_space<hbm>>) target(%arg11 : memref<2000xf32, #tpu.memory_space<vmem>>) target_semaphore(%run_scoped3A : memref<!tpu.dma_semaphore, #tpu.memory_space<semaphore_mem>>)
      %dma_wait3A = tpu.memref_slice %arg4[%add3A_23] : memref<320000xf32, #tpu.memory_space<hbm>> -> memref<2000xf32, #tpu.memory_space<hbm>>
      %dma_wait3A_28 = tpu.memref_slice %arg4[%add3A_23] : memref<320000xf32, #tpu.memory_space<hbm>> -> memref<2000xf32, #tpu.memory_space<hbm>>
      tpu.wait_dma2 semaphore(%run_scoped3A : memref<!tpu.dma_semaphore, #tpu.memory_space<semaphore_mem>>) src(%dma_wait3A_28 : memref<2000xf32, #tpu.memory_space<hbm>>) dst(%arg11 : memref<2000xf32, #tpu.memory_space<vmem>>)
      tpu.yield
    }) : () -> ()
    %parallel_loop3A_24 = arith.constant 0 : i32
    %parallel_loop3A_25 = arith.constant 125 : i32
    %parallel_loop3A_26 = arith.constant 1 : i32
    scf.for %parallel_loop3A_27 = %parallel_loop3A_24 to %parallel_loop3A_25 step %parallel_loop3A_26  : i32 {
      %parallel_loop3A_28 = arith.constant 16 : i32
      %parallel_loop3A_29 = arith.muli %parallel_loop3A_27, %parallel_loop3A_28 : i32
      %parallel_loop3A_30 = arith.index_cast %parallel_loop3A_29 : i32 to index
      %parallel_loop3A_31 = tpu.vector_load %arg9[%parallel_loop3A_30] {strides = array<i32>} : memref<2000xi32, #tpu.memory_space<vmem>>, vector<16xi32>,
      %parallel_loop3A_32 = arith.constant 16 : i32
      %parallel_loop3A_33 = arith.muli %parallel_loop3A_27, %parallel_loop3A_32 : i32
      %parallel_loop3A_34 = arith.index_cast %parallel_loop3A_33 : i32 to index
      %parallel_loop3A_35 = tpu.vector_load %arg10[%parallel_loop3A_34] {strides = array<i32>} : memref<2000xi32, #tpu.memory_space<vmem>>, vector<16xi32>,
      %parallel_loop3A_36 = arith.constant 16 : i32
      %parallel_loop3A_37 = arith.muli %parallel_loop3A_27, %parallel_loop3A_36 : i32
      %parallel_loop3A_38 = arith.index_cast %parallel_loop3A_37 : i32 to index
      %parallel_loop3A_39 = tpu.vector_load %arg11[%parallel_loop3A_38] {strides = array<i32>} : memref<2000xf32, #tpu.memory_space<vmem>>, vector<16xf32>,
      %parallel_loop3A_40 = arith.constant 0.000000e+00 : f32
      %parallel_loop3A_41 = vector.broadcast %parallel_loop3A_40 : f32 to vector<16xf32>
      %parallel_loop3A_42 = arith.cmpf olt, %parallel_loop3A_39, %parallel_loop3A_41 : vector<16xf32>
      %parallel_loop3A_43 = arith.extui %parallel_loop3A_42 : vector<16xi1> to vector<16xi32>
      %parallel_loop3A_44 = arith.constant 10000 : i32
      %parallel_loop3A_45 = vector.broadcast %parallel_loop3A_44 : i32 to vector<16xi32>
      %parallel_loop3A_46 = arith.muli %parallel_loop3A_43, %parallel_loop3A_45 : vector<16xi32>
      %parallel_loop3A_47 = arith.addi %parallel_loop3A_31, %parallel_loop3A_46 : vector<16xi32>
      %parallel_loop3A_48 = tpu.vector_load_idx %arg8[%parallel_loop3A_47] : memref<20000xf32, #tpu.memory_space<vmem>>[vector<16xi32>], vector<16xf32>,
      %parallel_loop3A_49 = arith.addi %parallel_loop3A_35, %parallel_loop3A_46 : vector<16xi32>
      %parallel_loop3A_50 = tpu.vector_load_idx %arg8[%parallel_loop3A_49] : memref<20000xf32, #tpu.memory_space<vmem>>[vector<16xi32>], vector<16xf32>,
      %parallel_loop3A_51 = arith.mulf %parallel_loop3A_48, %parallel_loop3A_50 : vector<16xf32>
      %parallel_loop3A_52 = math.absf %parallel_loop3A_39 : vector<16xf32>
      %parallel_loop3A_53 = arith.mulf %parallel_loop3A_51, %parallel_loop3A_52 : vector<16xf32>
      %parallel_loop3A_54 = arith.constant 16 : i32
      %parallel_loop3A_55 = arith.muli %parallel_loop3A_27, %parallel_loop3A_54 : i32
      %parallel_loop3A_56 = arith.index_cast %parallel_loop3A_55 : i32 to index
      %parallel_loop3A_57 = tpu.vector_load %arg12[%parallel_loop3A_56] {strides = array<i32>} : memref<2000xf32, #tpu.memory_space<vmem>>, vector<16xf32>,
      tpu.vector_store %arg12[%parallel_loop3A_56], %parallel_loop3A_53 {strides = array<i32>} : memref<2000xf32, #tpu.memory_space<vmem>>, vector<16xf32>,
      %parallel_loop3A_58 = arith.constant 40000 : i32
      %parallel_loop3A_59 = vector.broadcast %parallel_loop3A_58 : i32 to vector<16xi32>
      %parallel_loop3A_60 = arith.muli %parallel_loop3A_43, %parallel_loop3A_59 : vector<16xi32>
      %parallel_loop3A_61 = arith.addi %parallel_loop3A_35, %parallel_loop3A_60 : vector<16xi32>
      %parallel_loop3A_62 = arith.constant 16384 : i32
      %parallel_loop3A_63 = vector.broadcast %parallel_loop3A_62 : i32 to vector<16xi32>
      %parallel_loop3A_64 = arith.muli %parallel_loop3A_61, %parallel_loop3A_63 : vector<16xi32>
      %parallel_loop3A_65 = arith.addi %parallel_loop3A_64, %parallel_loop3A_31 : vector<16xi32>
      %parallel_loop3A_66 = arith.constant 16 : i32
      %parallel_loop3A_67 = arith.muli %parallel_loop3A_27, %parallel_loop3A_66 : i32
      %parallel_loop3A_68 = arith.index_cast %parallel_loop3A_67 : i32 to index
      %parallel_loop3A_69 = tpu.vector_load %arg13[%parallel_loop3A_68] {strides = array<i32>} : memref<2000xi32, #tpu.memory_space<vmem>>, vector<16xi32>,
      tpu.vector_store %arg13[%parallel_loop3A_68], %parallel_loop3A_65 {strides = array<i32>} : memref<2000xi32, #tpu.memory_space<vmem>>, vector<16xi32>,
    } {sc.loop_unroll_factor = 4 : i64, sc.parallel_access}
    "tpu.region"() ({
      %run_scoped3A = tpu.sem_alloc : memref<!tpu.dma_semaphore, #tpu.memory_space<semaphore_mem>>
      %dma_start3A = tpu.memref_slice %arg6[%add3A_23] : memref<320000xf32, #tpu.memory_space<hbm>> -> memref<2000xf32, #tpu.memory_space<hbm>>
      %dma_start3A_27 = tpu.memref_slice %arg6[%add3A_23] : memref<320000xf32, #tpu.memory_space<hbm>> -> memref<2000xf32, #tpu.memory_space<hbm>>
      tpu.enqueue_dma source(%arg12 : memref<2000xf32, #tpu.memory_space<vmem>>) target(%dma_start3A_27 : memref<2000xf32, #tpu.memory_space<hbm>>) target_semaphore(%run_scoped3A : memref<!tpu.dma_semaphore, #tpu.memory_space<semaphore_mem>>)
      %dma_wait3A = tpu.memref_slice %arg6[%add3A_23] : memref<320000xf32, #tpu.memory_space<hbm>> -> memref<2000xf32, #tpu.memory_space<hbm>>
      %dma_wait3A_28 = tpu.memref_slice %arg6[%add3A_23] : memref<320000xf32, #tpu.memory_space<hbm>> -> memref<2000xf32, #tpu.memory_space<hbm>>
      tpu.wait_dma2 semaphore(%run_scoped3A : memref<!tpu.dma_semaphore, #tpu.memory_space<semaphore_mem>>) src(%arg12 : memref<2000xf32, #tpu.memory_space<vmem>>) dst(%dma_wait3A_28 : memref<2000xf32, #tpu.memory_space<hbm>>)
      tpu.yield
    }) : () -> ()
    "tpu.region"() ({
      %run_scoped3A = tpu.sem_alloc : memref<!tpu.dma_semaphore, #tpu.memory_space<semaphore_mem>>
      %dma_start3A = tpu.memref_slice %arg7[%add3A_23] : memref<320000xi32, #tpu.memory_space<hbm>> -> memref<2000xi32, #tpu.memory_space<hbm>>
      %dma_start3A_27 = tpu.memref_slice %arg7[%add3A_23] : memref<320000xi32, #tpu.memory_space<hbm>> -> memref<2000xi32, #tpu.memory_space<hbm>>
      tpu.enqueue_dma source(%arg13 : memref<2000xi32, #tpu.memory_space<vmem>>) target(%dma_start3A_27 : memref<2000xi32, #tpu.memory_space<hbm>>) target_semaphore(%run_scoped3A : memref<!tpu.dma_semaphore, #tpu.memory_space<semaphore_mem>>)
      %dma_wait3A = tpu.memref_slice %arg7[%add3A_23] : memref<320000xi32, #tpu.memory_space<hbm>> -> memref<2000xi32, #tpu.memory_space<hbm>>
      %dma_wait3A_28 = tpu.memref_slice %arg7[%add3A_23] : memref<320000xi32, #tpu.memory_space<hbm>> -> memref<2000xi32, #tpu.memory_space<hbm>>
      tpu.wait_dma2 semaphore(%run_scoped3A : memref<!tpu.dma_semaphore, #tpu.memory_space<semaphore_mem>>) src(%arg13 : memref<2000xi32, #tpu.memory_space<vmem>>) dst(%dma_wait3A_28 : memref<2000xi32, #tpu.memory_space<hbm>>)
      tpu.yield
    }) : () -> ()
    return
  }
}

#map = affine_map<(d0, d1) -> (0, 0)>
#map1 = affine_map<(d0, d1) -> (0)>
#map2 = affine_map<(d0, d1) -> (0, 0, 0)>
module attributes {stable_mosaic.version = 14 : i64} {
  func.func @scat_kernel(%arg0: i32, %arg1: i32, %arg2: memref<32x40000xf32, #tpu.memory_space<hbm>>, %arg3: memref<320000xi32, #tpu.memory_space<hbm>>, %arg4: memref<320000xf32, #tpu.memory_space<hbm>>, %arg5: memref<2x32x40000xf32, #tpu.memory_space<hbm>>, %arg6: memref<40000xf32, #tpu.memory_space<vmem>>, %arg7: memref<80000xf32, #tpu.memory_space<vmem>>, %arg8: memref<2000xi32, #tpu.memory_space<vmem>>, %arg9: memref<2000xi32, #tpu.memory_space<vmem>>, %arg10: memref<2000xf32, #tpu.memory_space<vmem>>, %arg11: memref<2000xf32, #tpu.memory_space<vmem>>, %arg12: memref<!tpu.dma_semaphore, #tpu.memory_space<semaphore_mem>>, %arg13: memref<!tpu.dma_semaphore, #tpu.memory_space<semaphore_mem>>, %arg14: memref<!tpu.dma_semaphore, #tpu.memory_space<semaphore_mem>>) attributes {dimension_semantics = [#tpu.dimension_semantics<core_parallel>, #tpu.dimension_semantics<subcore_parallel>], iteration_bounds = array<i64: 2, 16>, scalar_prefetch = 0 : i64, scratch_operands = 9 : i64, tpu.core_type = #tpu.core_type<sc_vector_subcore>, window_params = [{transform_indices = #map}, {transform_indices = #map1}, {transform_indices = #map1}, {transform_indices = #map2}]} {
    %mul3A = arith.constant 2 : i32
    %mul3A_0 = arith.muli %arg1, %mul3A : i32
    %add3A = arith.addi %mul3A_0, %arg0 : i32
    %dma_start3A = arith.constant 0 : i32
    %dma_start3A_1 = tpu.memref_slice %arg2[%add3A, %dma_start3A] : memref<32x40000xf32, #tpu.memory_space<hbm>> -> memref<1x40000xf32, #tpu.memory_space<hbm>>
    %dma_start3A_2 = tpu.memref_squeeze %dma_start3A_1 : memref<1x40000xf32, #tpu.memory_space<hbm>> -> memref<40000xf32, #tpu.memory_space<hbm>>
    %dma_start3A_3 = arith.constant 0 : i32
    %dma_start3A_4 = tpu.memref_slice %arg2[%add3A, %dma_start3A_3] : memref<32x40000xf32, #tpu.memory_space<hbm>> -> memref<1x40000xf32, #tpu.memory_space<hbm>>
    %dma_start3A_5 = tpu.memref_squeeze %dma_start3A_4 : memref<1x40000xf32, #tpu.memory_space<hbm>> -> memref<40000xf32, #tpu.memory_space<hbm>>
    tpu.enqueue_dma source(%dma_start3A_5 : memref<40000xf32, #tpu.memory_space<hbm>>) target(%arg6 : memref<40000xf32, #tpu.memory_space<vmem>>) target_semaphore(%arg14 : memref<!tpu.dma_semaphore, #tpu.memory_space<semaphore_mem>>)
    %broadcast_in_dim3A = arith.constant 0.000000e+00 : f32
    %broadcast_in_dim3A_6 = vector.broadcast %broadcast_in_dim3A : f32 to vector<16xf32>
    %parallel_loop3A = arith.constant 0 : i32
    %parallel_loop3A_7 = arith.constant 5000 : i32
    %parallel_loop3A_8 = arith.constant 1 : i32
    scf.for %parallel_loop3A_62 = %parallel_loop3A to %parallel_loop3A_7 step %parallel_loop3A_8  : i32 {
      %parallel_loop3A_63 = arith.constant 16 : i32
      %parallel_loop3A_64 = arith.muli %parallel_loop3A_62, %parallel_loop3A_63 : i32
      %parallel_loop3A_65 = arith.index_cast %parallel_loop3A_64 : i32 to index
      %parallel_loop3A_66 = tpu.vector_load %arg7[%parallel_loop3A_65] {strides = array<i32>} : memref<80000xf32, #tpu.memory_space<vmem>>, vector<16xf32>,
      tpu.vector_store %arg7[%parallel_loop3A_65], %broadcast_in_dim3A_6 {strides = array<i32>} : memref<80000xf32, #tpu.memory_space<vmem>>, vector<16xf32>,
    } {sc.loop_unroll_factor = 8 : i64, sc.parallel_access}
    %dma_wait3A = arith.constant 0 : i32
    %dma_wait3A_9 = tpu.memref_slice %arg2[%add3A, %dma_wait3A] : memref<32x40000xf32, #tpu.memory_space<hbm>> -> memref<1x40000xf32, #tpu.memory_space<hbm>>
    %dma_wait3A_10 = tpu.memref_squeeze %dma_wait3A_9 : memref<1x40000xf32, #tpu.memory_space<hbm>> -> memref<40000xf32, #tpu.memory_space<hbm>>
    %dma_wait3A_11 = arith.constant 0 : i32
    %dma_wait3A_12 = tpu.memref_slice %arg2[%add3A, %dma_wait3A_11] : memref<32x40000xf32, #tpu.memory_space<hbm>> -> memref<1x40000xf32, #tpu.memory_space<hbm>>
    %dma_wait3A_13 = tpu.memref_squeeze %dma_wait3A_12 : memref<1x40000xf32, #tpu.memory_space<hbm>> -> memref<40000xf32, #tpu.memory_space<hbm>>
    tpu.wait_dma2 semaphore(%arg14 : memref<!tpu.dma_semaphore, #tpu.memory_space<semaphore_mem>>) src(%dma_wait3A_13 : memref<40000xf32, #tpu.memory_space<hbm>>) dst(%arg6 : memref<40000xf32, #tpu.memory_space<vmem>>)
    %mul3A_14 = arith.constant 5 : i32
    %mul3A_15 = arith.muli %add3A, %mul3A_14 : i32
    %add3A_16 = arith.constant 0 : i32
    %add3A_17 = arith.addi %mul3A_15, %add3A_16 : i32
    %ge3A = arith.constant 160 : i32
    %ge3A_18 = arith.cmpi sge, %add3A_17, %ge3A : i32
    %sub3A = arith.constant 160 : i32
    %sub3A_19 = arith.subi %add3A_17, %sub3A : i32
    %select_n3A = arith.select %ge3A_18, %sub3A_19, %add3A_17 : i32
    %mul3A_20 = arith.constant 2000 : i32
    %mul3A_21 = arith.muli %select_n3A, %mul3A_20 : i32
    %dma_start3A_22 = tpu.memref_slice %arg3[%mul3A_21] : memref<320000xi32, #tpu.memory_space<hbm>> -> memref<2000xi32, #tpu.memory_space<hbm>>
    %dma_start3A_23 = tpu.memref_slice %arg3[%mul3A_21] : memref<320000xi32, #tpu.memory_space<hbm>> -> memref<2000xi32, #tpu.memory_space<hbm>>
    tpu.enqueue_dma source(%dma_start3A_23 : memref<2000xi32, #tpu.memory_space<hbm>>) target(%arg8 : memref<2000xi32, #tpu.memory_space<vmem>>) target_semaphore(%arg12 : memref<!tpu.dma_semaphore, #tpu.memory_space<semaphore_mem>>)
    %add3A_24 = arith.constant 0 : i32
    %add3A_25 = arith.addi %mul3A_15, %add3A_24 : i32
    %ge3A_26 = arith.constant 160 : i32
    %ge3A_27 = arith.cmpi sge, %add3A_25, %ge3A_26 : i32
    %sub3A_28 = arith.constant 160 : i32
    %sub3A_29 = arith.subi %add3A_25, %sub3A_28 : i32
    %select_n3A_30 = arith.select %ge3A_27, %sub3A_29, %add3A_25 : i32
    %mul3A_31 = arith.constant 2000 : i32
    %mul3A_32 = arith.muli %select_n3A_30, %mul3A_31 : i32
    %dma_start3A_33 = tpu.memref_slice %arg4[%mul3A_32] : memref<320000xf32, #tpu.memory_space<hbm>> -> memref<2000xf32, #tpu.memory_space<hbm>>
    %dma_start3A_34 = tpu.memref_slice %arg4[%mul3A_32] : memref<320000xf32, #tpu.memory_space<hbm>> -> memref<2000xf32, #tpu.memory_space<hbm>>
    tpu.enqueue_dma source(%dma_start3A_34 : memref<2000xf32, #tpu.memory_space<hbm>>) target(%arg10 : memref<2000xf32, #tpu.memory_space<vmem>>) target_semaphore(%arg12 : memref<!tpu.dma_semaphore, #tpu.memory_space<semaphore_mem>>)
    %add3A_35 = arith.constant 1 : i32
    %add3A_36 = arith.addi %mul3A_15, %add3A_35 : i32
    %ge3A_37 = arith.constant 160 : i32
    %ge3A_38 = arith.cmpi sge, %add3A_36, %ge3A_37 : i32
    %sub3A_39 = arith.constant 160 : i32
    %sub3A_40 = arith.subi %add3A_36, %sub3A_39 : i32
    %select_n3A_41 = arith.select %ge3A_38, %sub3A_40, %add3A_36 : i32
    %mul3A_42 = arith.constant 2000 : i32
    %mul3A_43 = arith.muli %select_n3A_41, %mul3A_42 : i32
    %dma_start3A_44 = tpu.memref_slice %arg3[%mul3A_43] : memref<320000xi32, #tpu.memory_space<hbm>> -> memref<2000xi32, #tpu.memory_space<hbm>>
    %dma_start3A_45 = tpu.memref_slice %arg3[%mul3A_43] : memref<320000xi32, #tpu.memory_space<hbm>> -> memref<2000xi32, #tpu.memory_space<hbm>>
    tpu.enqueue_dma source(%dma_start3A_45 : memref<2000xi32, #tpu.memory_space<hbm>>) target(%arg9 : memref<2000xi32, #tpu.memory_space<vmem>>) target_semaphore(%arg13 : memref<!tpu.dma_semaphore, #tpu.memory_space<semaphore_mem>>)
    %add3A_46 = arith.constant 1 : i32
    %add3A_47 = arith.addi %mul3A_15, %add3A_46 : i32
    %ge3A_48 = arith.constant 160 : i32
    %ge3A_49 = arith.cmpi sge, %add3A_47, %ge3A_48 : i32
    %sub3A_50 = arith.constant 160 : i32
    %sub3A_51 = arith.subi %add3A_47, %sub3A_50 : i32
    %select_n3A_52 = arith.select %ge3A_49, %sub3A_51, %add3A_47 : i32
    %mul3A_53 = arith.constant 2000 : i32
    %mul3A_54 = arith.muli %select_n3A_52, %mul3A_53 : i32
    %dma_start3A_55 = tpu.memref_slice %arg4[%mul3A_54] : memref<320000xf32, #tpu.memory_space<hbm>> -> memref<2000xf32, #tpu.memory_space<hbm>>
    %dma_start3A_56 = tpu.memref_slice %arg4[%mul3A_54] : memref<320000xf32, #tpu.memory_space<hbm>> -> memref<2000xf32, #tpu.memory_space<hbm>>
    tpu.enqueue_dma source(%dma_start3A_56 : memref<2000xf32, #tpu.memory_space<hbm>>) target(%arg11 : memref<2000xf32, #tpu.memory_space<vmem>>) target_semaphore(%arg13 : memref<!tpu.dma_semaphore, #tpu.memory_space<semaphore_mem>>)
    %scan3A = arith.constant 0 : i32
    %scan3A_57 = arith.constant 80 : i32
    %scan3A_58 = arith.addi %scan3A, %scan3A_57 : i32
    %scan3A_59 = arith.constant 1 : i32
    scf.for %scan3A_62 = %scan3A to %scan3A_58 step %scan3A_59  : i32 {
      %mul3A_63 = arith.constant 2 : i32
      %mul3A_64 = arith.muli %scan3A_62, %mul3A_63 : i32
      %add3A_65 = arith.constant 0 : i32
      %add3A_66 = arith.addi %add3A_65, %mul3A_64 : i32
      %add3A_67 = arith.constant 0 : i32
      %add3A_68 = arith.addi %add3A_66, %add3A_67 : i32
      %add3A_69 = arith.addi %mul3A_15, %add3A_68 : i32
      %ge3A_70 = arith.constant 160 : i32
      %ge3A_71 = arith.cmpi sge, %add3A_69, %ge3A_70 : i32
      %sub3A_72 = arith.constant 160 : i32
      %sub3A_73 = arith.subi %add3A_69, %sub3A_72 : i32
      %select_n3A_74 = arith.select %ge3A_71, %sub3A_73, %add3A_69 : i32
      %mul3A_75 = arith.constant 2000 : i32
      %mul3A_76 = arith.muli %select_n3A_74, %mul3A_75 : i32
      %dma_wait3A_77 = tpu.memref_slice %arg3[%mul3A_76] : memref<320000xi32, #tpu.memory_space<hbm>> -> memref<2000xi32, #tpu.memory_space<hbm>>
      %dma_wait3A_78 = tpu.memref_slice %arg3[%mul3A_76] : memref<320000xi32, #tpu.memory_space<hbm>> -> memref<2000xi32, #tpu.memory_space<hbm>>
      tpu.wait_dma2 semaphore(%arg12 : memref<!tpu.dma_semaphore, #tpu.memory_space<semaphore_mem>>) src(%dma_wait3A_78 : memref<2000xi32, #tpu.memory_space<hbm>>) dst(%arg8 : memref<2000xi32, #tpu.memory_space<vmem>>)
      %dma_wait3A_79 = tpu.memref_slice %arg4[%mul3A_76] : memref<320000xf32, #tpu.memory_space<hbm>> -> memref<2000xf32, #tpu.memory_space<hbm>>
      %dma_wait3A_80 = tpu.memref_slice %arg4[%mul3A_76] : memref<320000xf32, #tpu.memory_space<hbm>> -> memref<2000xf32, #tpu.memory_space<hbm>>
      tpu.wait_dma2 semaphore(%arg12 : memref<!tpu.dma_semaphore, #tpu.memory_space<semaphore_mem>>) src(%dma_wait3A_80 : memref<2000xf32, #tpu.memory_space<hbm>>) dst(%arg10 : memref<2000xf32, #tpu.memory_space<vmem>>)
      %parallel_loop3A_81 = arith.constant 0 : i32
      %parallel_loop3A_82 = arith.constant 125 : i32
      %parallel_loop3A_83 = arith.constant 1 : i32
      scf.for %parallel_loop3A_112 = %parallel_loop3A_81 to %parallel_loop3A_82 step %parallel_loop3A_83  : i32 {
        %parallel_loop3A_113 = arith.constant 16 : i32
        %parallel_loop3A_114 = arith.muli %parallel_loop3A_112, %parallel_loop3A_113 : i32
        %parallel_loop3A_115 = arith.index_cast %parallel_loop3A_114 : i32 to index
        %parallel_loop3A_116 = tpu.vector_load %arg8[%parallel_loop3A_115] {strides = array<i32>} : memref<2000xi32, #tpu.memory_space<vmem>>, vector<16xi32>,
        %parallel_loop3A_117 = arith.constant 16383 : i32
        %parallel_loop3A_118 = vector.broadcast %parallel_loop3A_117 : i32 to vector<16xi32>
        %parallel_loop3A_119 = arith.andi %parallel_loop3A_116, %parallel_loop3A_118 : vector<16xi32>
        %parallel_loop3A_120 = arith.constant 14 : i32
        %parallel_loop3A_121 = vector.broadcast %parallel_loop3A_120 : i32 to vector<16xi32>
        %parallel_loop3A_122 = arith.shrui %parallel_loop3A_116, %parallel_loop3A_121 : vector<16xi32>
        %parallel_loop3A_123 = arith.constant 16 : i32
        %parallel_loop3A_124 = arith.muli %parallel_loop3A_112, %parallel_loop3A_123 : i32
        %parallel_loop3A_125 = arith.index_cast %parallel_loop3A_124 : i32 to index
        %parallel_loop3A_126 = tpu.vector_load %arg10[%parallel_loop3A_125] {strides = array<i32>} : memref<2000xf32, #tpu.memory_space<vmem>>, vector<16xf32>,
        %parallel_loop3A_127 = arith.constant 0 : i32
        %parallel_loop3A_128 = vector.broadcast %parallel_loop3A_127 : i32 to vector<16xi32>
        %parallel_loop3A_129 = arith.addi %parallel_loop3A_119, %parallel_loop3A_128 : vector<16xi32>
        %parallel_loop3A_130 = tpu.vector_load_idx %arg6[%parallel_loop3A_129] : memref<40000xf32, #tpu.memory_space<vmem>>[vector<16xi32>], vector<16xf32>,
        %parallel_loop3A_131 = arith.constant 0 : i32
        %parallel_loop3A_132 = vector.broadcast %parallel_loop3A_131 : i32 to vector<16xi32>
        %parallel_loop3A_133 = arith.addi %parallel_loop3A_122, %parallel_loop3A_132 : vector<16xi32>
        %parallel_loop3A_134 = arith.mulf %parallel_loop3A_130, %parallel_loop3A_126 : vector<16xf32>
        tpu.vector_store_idx %arg7[%parallel_loop3A_133], %parallel_loop3A_134 {add = true} : memref<80000xf32, #tpu.memory_space<vmem>>[vector<16xi32>], vector<16xf32>,
        %parallel_loop3A_135 = arith.constant 10000 : i32
        %parallel_loop3A_136 = vector.broadcast %parallel_loop3A_135 : i32 to vector<16xi32>
        %parallel_loop3A_137 = arith.addi %parallel_loop3A_119, %parallel_loop3A_136 : vector<16xi32>
        %parallel_loop3A_138 = tpu.vector_load_idx %arg6[%parallel_loop3A_137] : memref<40000xf32, #tpu.memory_space<vmem>>[vector<16xi32>], vector<16xf32>,
        %parallel_loop3A_139 = arith.constant 10000 : i32
        %parallel_loop3A_140 = vector.broadcast %parallel_loop3A_139 : i32 to vector<16xi32>
        %parallel_loop3A_141 = arith.addi %parallel_loop3A_122, %parallel_loop3A_140 : vector<16xi32>
        %parallel_loop3A_142 = arith.mulf %parallel_loop3A_138, %parallel_loop3A_126 : vector<16xf32>
        tpu.vector_store_idx %arg7[%parallel_loop3A_141], %parallel_loop3A_142 {add = true} : memref<80000xf32, #tpu.memory_space<vmem>>[vector<16xi32>], vector<16xf32>,
        %parallel_loop3A_143 = arith.constant 20000 : i32
        %parallel_loop3A_144 = vector.broadcast %parallel_loop3A_143 : i32 to vector<16xi32>
        %parallel_loop3A_145 = arith.addi %parallel_loop3A_119, %parallel_loop3A_144 : vector<16xi32>
        %parallel_loop3A_146 = tpu.vector_load_idx %arg6[%parallel_loop3A_145] : memref<40000xf32, #tpu.memory_space<vmem>>[vector<16xi32>], vector<16xf32>,
        %parallel_loop3A_147 = arith.constant 20000 : i32
        %parallel_loop3A_148 = vector.broadcast %parallel_loop3A_147 : i32 to vector<16xi32>
        %parallel_loop3A_149 = arith.addi %parallel_loop3A_122, %parallel_loop3A_148 : vector<16xi32>
        %parallel_loop3A_150 = arith.mulf %parallel_loop3A_146, %parallel_loop3A_126 : vector<16xf32>
        tpu.vector_store_idx %arg7[%parallel_loop3A_149], %parallel_loop3A_150 {add = true} : memref<80000xf32, #tpu.memory_space<vmem>>[vector<16xi32>], vector<16xf32>,
        %parallel_loop3A_151 = arith.constant 30000 : i32
        %parallel_loop3A_152 = vector.broadcast %parallel_loop3A_151 : i32 to vector<16xi32>
        %parallel_loop3A_153 = arith.addi %parallel_loop3A_119, %parallel_loop3A_152 : vector<16xi32>
        %parallel_loop3A_154 = tpu.vector_load_idx %arg6[%parallel_loop3A_153] : memref<40000xf32, #tpu.memory_space<vmem>>[vector<16xi32>], vector<16xf32>,
        %parallel_loop3A_155 = arith.constant 30000 : i32
        %parallel_loop3A_156 = vector.broadcast %parallel_loop3A_155 : i32 to vector<16xi32>
        %parallel_loop3A_157 = arith.addi %parallel_loop3A_122, %parallel_loop3A_156 : vector<16xi32>
        %parallel_loop3A_158 = arith.mulf %parallel_loop3A_154, %parallel_loop3A_126 : vector<16xf32>
        tpu.vector_store_idx %arg7[%parallel_loop3A_157], %parallel_loop3A_158 {add = true} : memref<80000xf32, #tpu.memory_space<vmem>>[vector<16xi32>], vector<16xf32>,
      } {sc.loop_unroll_factor = 8 : i64, sc.parallel_access}
      %add3A_84 = arith.constant 2 : i32
      %add3A_85 = arith.addi %add3A_68, %add3A_84 : i32
      %lt3A = arith.constant 160 : i32
      %lt3A_86 = arith.cmpi slt, %add3A_85, %lt3A : i32
      %convert_element_type3A = arith.extui %lt3A_86 : i1 to i32
      %cond3A = arith.constant 0 : i32
      %cond3A_87 = arith.cmpi ne, %convert_element_type3A, %cond3A : i32
      scf.if %cond3A_87 {
        %add3A_112 = arith.constant 2 : i32
        %add3A_113 = arith.addi %add3A_68, %add3A_112 : i32
        %add3A_114 = arith.addi %mul3A_15, %add3A_113 : i32
        %ge3A_115 = arith.constant 160 : i32
        %ge3A_116 = arith.cmpi sge, %add3A_114, %ge3A_115 : i32
        %sub3A_117 = arith.constant 160 : i32
        %sub3A_118 = arith.subi %add3A_114, %sub3A_117 : i32
        %select_n3A_119 = arith.select %ge3A_116, %sub3A_118, %add3A_114 : i32
        %mul3A_120 = arith.constant 2000 : i32
        %mul3A_121 = arith.muli %select_n3A_119, %mul3A_120 : i32
        %dma_start3A_122 = tpu.memref_slice %arg3[%mul3A_121] : memref<320000xi32, #tpu.memory_space<hbm>> -> memref<2000xi32, #tpu.memory_space<hbm>>
        %dma_start3A_123 = tpu.memref_slice %arg3[%mul3A_121] : memref<320000xi32, #tpu.memory_space<hbm>> -> memref<2000xi32, #tpu.memory_space<hbm>>
        tpu.enqueue_dma source(%dma_start3A_123 : memref<2000xi32, #tpu.memory_space<hbm>>) target(%arg8 : memref<2000xi32, #tpu.memory_space<vmem>>) target_semaphore(%arg12 : memref<!tpu.dma_semaphore, #tpu.memory_space<semaphore_mem>>)
        %dma_start3A_124 = tpu.memref_slice %arg4[%mul3A_121] : memref<320000xf32, #tpu.memory_space<hbm>> -> memref<2000xf32, #tpu.memory_space<hbm>>
        %dma_start3A_125 = tpu.memref_slice %arg4[%mul3A_121] : memref<320000xf32, #tpu.memory_space<hbm>> -> memref<2000xf32, #tpu.memory_space<hbm>>
        tpu.enqueue_dma source(%dma_start3A_125 : memref<2000xf32, #tpu.memory_space<hbm>>) target(%arg10 : memref<2000xf32, #tpu.memory_space<vmem>>) target_semaphore(%arg12 : memref<!tpu.dma_semaphore, #tpu.memory_space<semaphore_mem>>)
      } else {
      }
      %add3A_88 = arith.constant 1 : i32
      %add3A_89 = arith.addi %add3A_66, %add3A_88 : i32
      %add3A_90 = arith.addi %mul3A_15, %add3A_89 : i32
      %ge3A_91 = arith.constant 160 : i32
      %ge3A_92 = arith.cmpi sge, %add3A_90, %ge3A_91 : i32
      %sub3A_93 = arith.constant 160 : i32
      %sub3A_94 = arith.subi %add3A_90, %sub3A_93 : i32
      %select_n3A_95 = arith.select %ge3A_92, %sub3A_94, %add3A_90 : i32
      %mul3A_96 = arith.constant 2000 : i32
      %mul3A_97 = arith.muli %select_n3A_95, %mul3A_96 : i32
      %dma_wait3A_98 = tpu.memref_slice %arg3[%mul3A_97] : memref<320000xi32, #tpu.memory_space<hbm>> -> memref<2000xi32, #tpu.memory_space<hbm>>
      %dma_wait3A_99 = tpu.memref_slice %arg3[%mul3A_97] : memref<320000xi32, #tpu.memory_space<hbm>> -> memref<2000xi32, #tpu.memory_space<hbm>>
      tpu.wait_dma2 semaphore(%arg13 : memref<!tpu.dma_semaphore, #tpu.memory_space<semaphore_mem>>) src(%dma_wait3A_99 : memref<2000xi32, #tpu.memory_space<hbm>>) dst(%arg9 : memref<2000xi32, #tpu.memory_space<vmem>>)
      %dma_wait3A_100 = tpu.memref_slice %arg4[%mul3A_97] : memref<320000xf32, #tpu.memory_space<hbm>> -> memref<2000xf32, #tpu.memory_space<hbm>>
      %dma_wait3A_101 = tpu.memref_slice %arg4[%mul3A_97] : memref<320000xf32, #tpu.memory_space<hbm>> -> memref<2000xf32, #tpu.memory_space<hbm>>
      tpu.wait_dma2 semaphore(%arg13 : memref<!tpu.dma_semaphore, #tpu.memory_space<semaphore_mem>>) src(%dma_wait3A_101 : memref<2000xf32, #tpu.memory_space<hbm>>) dst(%arg11 : memref<2000xf32, #tpu.memory_space<vmem>>)
      %parallel_loop3A_102 = arith.constant 0 : i32
      %parallel_loop3A_103 = arith.constant 125 : i32
      %parallel_loop3A_104 = arith.constant 1 : i32
      scf.for %parallel_loop3A_112 = %parallel_loop3A_102 to %parallel_loop3A_103 step %parallel_loop3A_104  : i32 {
        %parallel_loop3A_113 = arith.constant 16 : i32
        %parallel_loop3A_114 = arith.muli %parallel_loop3A_112, %parallel_loop3A_113 : i32
        %parallel_loop3A_115 = arith.index_cast %parallel_loop3A_114 : i32 to index
        %parallel_loop3A_116 = tpu.vector_load %arg9[%parallel_loop3A_115] {strides = array<i32>} : memref<2000xi32, #tpu.memory_space<vmem>>, vector<16xi32>,
        %parallel_loop3A_117 = arith.constant 16383 : i32
        %parallel_loop3A_118 = vector.broadcast %parallel_loop3A_117 : i32 to vector<16xi32>
        %parallel_loop3A_119 = arith.andi %parallel_loop3A_116, %parallel_loop3A_118 : vector<16xi32>
        %parallel_loop3A_120 = arith.constant 14 : i32
        %parallel_loop3A_121 = vector.broadcast %parallel_loop3A_120 : i32 to vector<16xi32>
        %parallel_loop3A_122 = arith.shrui %parallel_loop3A_116, %parallel_loop3A_121 : vector<16xi32>
        %parallel_loop3A_123 = arith.constant 16 : i32
        %parallel_loop3A_124 = arith.muli %parallel_loop3A_112, %parallel_loop3A_123 : i32
        %parallel_loop3A_125 = arith.index_cast %parallel_loop3A_124 : i32 to index
        %parallel_loop3A_126 = tpu.vector_load %arg11[%parallel_loop3A_125] {strides = array<i32>} : memref<2000xf32, #tpu.memory_space<vmem>>, vector<16xf32>,
        %parallel_loop3A_127 = arith.constant 0 : i32
        %parallel_loop3A_128 = vector.broadcast %parallel_loop3A_127 : i32 to vector<16xi32>
        %parallel_loop3A_129 = arith.addi %parallel_loop3A_119, %parallel_loop3A_128 : vector<16xi32>
        %parallel_loop3A_130 = tpu.vector_load_idx %arg6[%parallel_loop3A_129] : memref<40000xf32, #tpu.memory_space<vmem>>[vector<16xi32>], vector<16xf32>,
        %parallel_loop3A_131 = arith.constant 0 : i32
        %parallel_loop3A_132 = vector.broadcast %parallel_loop3A_131 : i32 to vector<16xi32>
        %parallel_loop3A_133 = arith.addi %parallel_loop3A_122, %parallel_loop3A_132 : vector<16xi32>
        %parallel_loop3A_134 = arith.mulf %parallel_loop3A_130, %parallel_loop3A_126 : vector<16xf32>
        tpu.vector_store_idx %arg7[%parallel_loop3A_133], %parallel_loop3A_134 {add = true} : memref<80000xf32, #tpu.memory_space<vmem>>[vector<16xi32>], vector<16xf32>,
        %parallel_loop3A_135 = arith.constant 10000 : i32
        %parallel_loop3A_136 = vector.broadcast %parallel_loop3A_135 : i32 to vector<16xi32>
        %parallel_loop3A_137 = arith.addi %parallel_loop3A_119, %parallel_loop3A_136 : vector<16xi32>
        %parallel_loop3A_138 = tpu.vector_load_idx %arg6[%parallel_loop3A_137] : memref<40000xf32, #tpu.memory_space<vmem>>[vector<16xi32>], vector<16xf32>,
        %parallel_loop3A_139 = arith.constant 10000 : i32
        %parallel_loop3A_140 = vector.broadcast %parallel_loop3A_139 : i32 to vector<16xi32>
        %parallel_loop3A_141 = arith.addi %parallel_loop3A_122, %parallel_loop3A_140 : vector<16xi32>
        %parallel_loop3A_142 = arith.mulf %parallel_loop3A_138, %parallel_loop3A_126 : vector<16xf32>
        tpu.vector_store_idx %arg7[%parallel_loop3A_141], %parallel_loop3A_142 {add = true} : memref<80000xf32, #tpu.memory_space<vmem>>[vector<16xi32>], vector<16xf32>,
        %parallel_loop3A_143 = arith.constant 20000 : i32
        %parallel_loop3A_144 = vector.broadcast %parallel_loop3A_143 : i32 to vector<16xi32>
        %parallel_loop3A_145 = arith.addi %parallel_loop3A_119, %parallel_loop3A_144 : vector<16xi32>
        %parallel_loop3A_146 = tpu.vector_load_idx %arg6[%parallel_loop3A_145] : memref<40000xf32, #tpu.memory_space<vmem>>[vector<16xi32>], vector<16xf32>,
        %parallel_loop3A_147 = arith.constant 20000 : i32
        %parallel_loop3A_148 = vector.broadcast %parallel_loop3A_147 : i32 to vector<16xi32>
        %parallel_loop3A_149 = arith.addi %parallel_loop3A_122, %parallel_loop3A_148 : vector<16xi32>
        %parallel_loop3A_150 = arith.mulf %parallel_loop3A_146, %parallel_loop3A_126 : vector<16xf32>
        tpu.vector_store_idx %arg7[%parallel_loop3A_149], %parallel_loop3A_150 {add = true} : memref<80000xf32, #tpu.memory_space<vmem>>[vector<16xi32>], vector<16xf32>,
        %parallel_loop3A_151 = arith.constant 30000 : i32
        %parallel_loop3A_152 = vector.broadcast %parallel_loop3A_151 : i32 to vector<16xi32>
        %parallel_loop3A_153 = arith.addi %parallel_loop3A_119, %parallel_loop3A_152 : vector<16xi32>
        %parallel_loop3A_154 = tpu.vector_load_idx %arg6[%parallel_loop3A_153] : memref<40000xf32, #tpu.memory_space<vmem>>[vector<16xi32>], vector<16xf32>,
        %parallel_loop3A_155 = arith.constant 30000 : i32
        %parallel_loop3A_156 = vector.broadcast %parallel_loop3A_155 : i32 to vector<16xi32>
        %parallel_loop3A_157 = arith.addi %parallel_loop3A_122, %parallel_loop3A_156 : vector<16xi32>
        %parallel_loop3A_158 = arith.mulf %parallel_loop3A_154, %parallel_loop3A_126 : vector<16xf32>
        tpu.vector_store_idx %arg7[%parallel_loop3A_157], %parallel_loop3A_158 {add = true} : memref<80000xf32, #tpu.memory_space<vmem>>[vector<16xi32>], vector<16xf32>,
      } {sc.loop_unroll_factor = 8 : i64, sc.parallel_access}
      %add3A_105 = arith.constant 2 : i32
      %add3A_106 = arith.addi %add3A_89, %add3A_105 : i32
      %lt3A_107 = arith.constant 160 : i32
      %lt3A_108 = arith.cmpi slt, %add3A_106, %lt3A_107 : i32
      %convert_element_type3A_109 = arith.extui %lt3A_108 : i1 to i32
      %cond3A_110 = arith.constant 0 : i32
      %cond3A_111 = arith.cmpi ne, %convert_element_type3A_109, %cond3A_110 : i32
      scf.if %cond3A_111 {
        %add3A_112 = arith.constant 2 : i32
        %add3A_113 = arith.addi %add3A_89, %add3A_112 : i32
        %add3A_114 = arith.addi %mul3A_15, %add3A_113 : i32
        %ge3A_115 = arith.constant 160 : i32
        %ge3A_116 = arith.cmpi sge, %add3A_114, %ge3A_115 : i32
        %sub3A_117 = arith.constant 160 : i32
        %sub3A_118 = arith.subi %add3A_114, %sub3A_117 : i32
        %select_n3A_119 = arith.select %ge3A_116, %sub3A_118, %add3A_114 : i32
        %mul3A_120 = arith.constant 2000 : i32
        %mul3A_121 = arith.muli %select_n3A_119, %mul3A_120 : i32
        %dma_start3A_122 = tpu.memref_slice %arg3[%mul3A_121] : memref<320000xi32, #tpu.memory_space<hbm>> -> memref<2000xi32, #tpu.memory_space<hbm>>
        %dma_start3A_123 = tpu.memref_slice %arg3[%mul3A_121] : memref<320000xi32, #tpu.memory_space<hbm>> -> memref<2000xi32, #tpu.memory_space<hbm>>
        tpu.enqueue_dma source(%dma_start3A_123 : memref<2000xi32, #tpu.memory_space<hbm>>) target(%arg9 : memref<2000xi32, #tpu.memory_space<vmem>>) target_semaphore(%arg13 : memref<!tpu.dma_semaphore, #tpu.memory_space<semaphore_mem>>)
        %dma_start3A_124 = tpu.memref_slice %arg4[%mul3A_121] : memref<320000xf32, #tpu.memory_space<hbm>> -> memref<2000xf32, #tpu.memory_space<hbm>>
        %dma_start3A_125 = tpu.memref_slice %arg4[%mul3A_121] : memref<320000xf32, #tpu.memory_space<hbm>> -> memref<2000xf32, #tpu.memory_space<hbm>>
        tpu.enqueue_dma source(%dma_start3A_125 : memref<2000xf32, #tpu.memory_space<hbm>>) target(%arg11 : memref<2000xf32, #tpu.memory_space<vmem>>) target_semaphore(%arg13 : memref<!tpu.dma_semaphore, #tpu.memory_space<semaphore_mem>>)
      } else {
      }
    }
    %scan3A_60 = arith.constant 80 : i32
    %run_scoped3A = arith.constant 0 : i32
    "tpu.region"() ({
      %run_scoped3A_62 = tpu.sem_alloc : memref<!tpu.dma_semaphore, #tpu.memory_space<semaphore_mem>>
      %dma_start3A_63 = arith.constant 0 : i32
      %dma_start3A_64 = tpu.memref_slice %arg7[%dma_start3A_63] : memref<80000xf32, #tpu.memory_space<vmem>> -> memref<40000xf32, #tpu.memory_space<vmem>>
      %dma_start3A_65 = arith.constant 0 : i32
      %dma_start3A_66 = tpu.memref_slice %arg5[%run_scoped3A, %add3A, %dma_start3A_65] : memref<2x32x40000xf32, #tpu.memory_space<hbm>> -> memref<1x1x40000xf32, #tpu.memory_space<hbm>>
      %dma_start3A_67 = tpu.memref_squeeze %dma_start3A_66 : memref<1x1x40000xf32, #tpu.memory_space<hbm>> -> memref<40000xf32, #tpu.memory_space<hbm>>
      %dma_start3A_68 = arith.constant 0 : i32
      %dma_start3A_69 = tpu.memref_slice %arg5[%run_scoped3A, %add3A, %dma_start3A_68] : memref<2x32x40000xf32, #tpu.memory_space<hbm>> -> memref<1x1x40000xf32, #tpu.memory_space<hbm>>
      %dma_start3A_70 = tpu.memref_squeeze %dma_start3A_69 : memref<1x1x40000xf32, #tpu.memory_space<hbm>> -> memref<40000xf32, #tpu.memory_space<hbm>>
      %dma_start3A_71 = arith.constant 0 : i32
      %dma_start3A_72 = tpu.memref_slice %arg7[%dma_start3A_71] : memref<80000xf32, #tpu.memory_space<vmem>> -> memref<40000xf32, #tpu.memory_space<vmem>>
      tpu.enqueue_dma source(%dma_start3A_72 : memref<40000xf32, #tpu.memory_space<vmem>>) target(%dma_start3A_70 : memref<40000xf32, #tpu.memory_space<hbm>>) target_semaphore(%run_scoped3A_62 : memref<!tpu.dma_semaphore, #tpu.memory_space<semaphore_mem>>)
      %dma_wait3A_73 = arith.constant 0 : i32
      %dma_wait3A_74 = tpu.memref_slice %arg7[%dma_wait3A_73] : memref<80000xf32, #tpu.memory_space<vmem>> -> memref<40000xf32, #tpu.memory_space<vmem>>
      %dma_wait3A_75 = arith.constant 0 : i32
      %dma_wait3A_76 = tpu.memref_slice %arg5[%run_scoped3A, %add3A, %dma_wait3A_75] : memref<2x32x40000xf32, #tpu.memory_space<hbm>> -> memref<1x1x40000xf32, #tpu.memory_space<hbm>>
      %dma_wait3A_77 = tpu.memref_squeeze %dma_wait3A_76 : memref<1x1x40000xf32, #tpu.memory_space<hbm>> -> memref<40000xf32, #tpu.memory_space<hbm>>
      %dma_wait3A_78 = arith.constant 0 : i32
      %dma_wait3A_79 = tpu.memref_slice %arg5[%run_scoped3A, %add3A, %dma_wait3A_78] : memref<2x32x40000xf32, #tpu.memory_space<hbm>> -> memref<1x1x40000xf32, #tpu.memory_space<hbm>>
      %dma_wait3A_80 = tpu.memref_squeeze %dma_wait3A_79 : memref<1x1x40000xf32, #tpu.memory_space<hbm>> -> memref<40000xf32, #tpu.memory_space<hbm>>
      %dma_wait3A_81 = arith.constant 0 : i32
      %dma_wait3A_82 = tpu.memref_slice %arg7[%dma_wait3A_81] : memref<80000xf32, #tpu.memory_space<vmem>> -> memref<40000xf32, #tpu.memory_space<vmem>>
      tpu.wait_dma2 semaphore(%run_scoped3A_62 : memref<!tpu.dma_semaphore, #tpu.memory_space<semaphore_mem>>) src(%dma_wait3A_82 : memref<40000xf32, #tpu.memory_space<vmem>>) dst(%dma_wait3A_80 : memref<40000xf32, #tpu.memory_space<hbm>>)
      tpu.yield
    }) : () -> ()
    %run_scoped3A_61 = arith.constant 1 : i32
    "tpu.region"() ({
      %run_scoped3A_62 = tpu.sem_alloc : memref<!tpu.dma_semaphore, #tpu.memory_space<semaphore_mem>>
      %dma_start3A_63 = arith.constant 40000 : i32
      %dma_start3A_64 = tpu.memref_slice %arg7[%dma_start3A_63] : memref<80000xf32, #tpu.memory_space<vmem>> -> memref<40000xf32, #tpu.memory_space<vmem>>
      %dma_start3A_65 = arith.constant 0 : i32
      %dma_start3A_66 = tpu.memref_slice %arg5[%run_scoped3A_61, %add3A, %dma_start3A_65] : memref<2x32x40000xf32, #tpu.memory_space<hbm>> -> memref<1x1x40000xf32, #tpu.memory_space<hbm>>
      %dma_start3A_67 = tpu.memref_squeeze %dma_start3A_66 : memref<1x1x40000xf32, #tpu.memory_space<hbm>> -> memref<40000xf32, #tpu.memory_space<hbm>>
      %dma_start3A_68 = arith.constant 0 : i32
      %dma_start3A_69 = tpu.memref_slice %arg5[%run_scoped3A_61, %add3A, %dma_start3A_68] : memref<2x32x40000xf32, #tpu.memory_space<hbm>> -> memref<1x1x40000xf32, #tpu.memory_space<hbm>>
      %dma_start3A_70 = tpu.memref_squeeze %dma_start3A_69 : memref<1x1x40000xf32, #tpu.memory_space<hbm>> -> memref<40000xf32, #tpu.memory_space<hbm>>
      %dma_start3A_71 = arith.constant 40000 : i32
      %dma_start3A_72 = tpu.memref_slice %arg7[%dma_start3A_71] : memref<80000xf32, #tpu.memory_space<vmem>> -> memref<40000xf32, #tpu.memory_space<vmem>>
      tpu.enqueue_dma source(%dma_start3A_72 : memref<40000xf32, #tpu.memory_space<vmem>>) target(%dma_start3A_70 : memref<40000xf32, #tpu.memory_space<hbm>>) target_semaphore(%run_scoped3A_62 : memref<!tpu.dma_semaphore, #tpu.memory_space<semaphore_mem>>)
      %dma_wait3A_73 = arith.constant 40000 : i32
      %dma_wait3A_74 = tpu.memref_slice %arg7[%dma_wait3A_73] : memref<80000xf32, #tpu.memory_space<vmem>> -> memref<40000xf32, #tpu.memory_space<vmem>>
      %dma_wait3A_75 = arith.constant 0 : i32
      %dma_wait3A_76 = tpu.memref_slice %arg5[%run_scoped3A_61, %add3A, %dma_wait3A_75] : memref<2x32x40000xf32, #tpu.memory_space<hbm>> -> memref<1x1x40000xf32, #tpu.memory_space<hbm>>
      %dma_wait3A_77 = tpu.memref_squeeze %dma_wait3A_76 : memref<1x1x40000xf32, #tpu.memory_space<hbm>> -> memref<40000xf32, #tpu.memory_space<hbm>>
      %dma_wait3A_78 = arith.constant 0 : i32
      %dma_wait3A_79 = tpu.memref_slice %arg5[%run_scoped3A_61, %add3A, %dma_wait3A_78] : memref<2x32x40000xf32, #tpu.memory_space<hbm>> -> memref<1x1x40000xf32, #tpu.memory_space<hbm>>
      %dma_wait3A_80 = tpu.memref_squeeze %dma_wait3A_79 : memref<1x1x40000xf32, #tpu.memory_space<hbm>> -> memref<40000xf32, #tpu.memory_space<hbm>>
      %dma_wait3A_81 = arith.constant 40000 : i32
      %dma_wait3A_82 = tpu.memref_slice %arg7[%dma_wait3A_81] : memref<80000xf32, #tpu.memory_space<vmem>> -> memref<40000xf32, #tpu.memory_space<vmem>>
      tpu.wait_dma2 semaphore(%run_scoped3A_62 : memref<!tpu.dma_semaphore, #tpu.memory_space<semaphore_mem>>) src(%dma_wait3A_82 : memref<40000xf32, #tpu.memory_space<vmem>>) dst(%dma_wait3A_80 : memref<40000xf32, #tpu.memory_space<hbm>>)
      tpu.yield
    }) : () -> ()
    return
  }
}

module attributes {stable_mosaic.version = 14 : i64} {
  func.func @body(%arg0: memref<32x20000xf32, #tpu.memory_space<vmem>>, %arg1: memref<1x20000xf32, #tpu.memory_space<vmem>>, %arg2: memref<1x20000xf32, #tpu.memory_space<vmem>>) attributes {dimension_semantics = [], scalar_prefetch = 0 : i64, scratch_operands = 0 : i64, tpu.core_type = #tpu.core_type<tc>} {
    %get3A = arith.constant 0 : index
    %get3A_0 = arith.constant 0 : index
    %get3A_1 = vector.load %arg0[%get3A, %get3A_0] : memref<32x20000xf32, #tpu.memory_space<vmem>>, vector<32x20000xf32>
    %reduce_sum3A = arith.constant dense<0.000000e+00> : vector<20000xf32>
    %reduce_sum3A_2 = vector.multi_reduction <add>, %get3A_1, %reduce_sum3A [0] : vector<32x20000xf32> to vector<20000xf32>
    %broadcast_in_dim3A = vector.shape_cast %reduce_sum3A_2 : vector<20000xf32> to vector<1x20000xf32>
    %add3A = arith.constant 1.000000e+00 : f32
    %add3A_3 = vector.broadcast %add3A : f32 to vector<1x20000xf32>
    %add3A_4 = arith.addf %add3A_3, %broadcast_in_dim3A : vector<1x20000xf32>
    %rsqrt3A = math.rsqrt %add3A_4 : vector<1x20000xf32>
    %swap3A = arith.constant 0 : index
    %swap3A_5 = arith.constant 0 : index
    %swap3A_6 = vector.load %arg1[%swap3A, %swap3A_5] : memref<1x20000xf32, #tpu.memory_space<vmem>>, vector<1x20000xf32>
    tpu.vector_store %arg1[%swap3A, %swap3A_5], %rsqrt3A {strides = array<i32>} : memref<1x20000xf32, #tpu.memory_space<vmem>>, vector<1x20000xf32>,
    %div3A = arith.constant 1.000000e+00 : f32
    %div3A_7 = vector.broadcast %div3A : f32 to vector<1x20000xf32>
    %div3A_8 = arith.divf %div3A_7, %add3A_4 : vector<1x20000xf32>
    %swap3A_9 = arith.constant 0 : index
    %swap3A_10 = arith.constant 0 : index
    %swap3A_11 = vector.load %arg2[%swap3A_9, %swap3A_10] : memref<1x20000xf32, #tpu.memory_space<vmem>>, vector<1x20000xf32>
    tpu.vector_store %arg2[%swap3A_9, %swap3A_10], %div3A_8 {strides = array<i32>} : memref<1x20000xf32, #tpu.memory_space<vmem>>, vector<1x20000xf32>,
    return
  }
}

module attributes {stable_mosaic.version = 14 : i64} {
  func.func @body(%arg0: memref<2x128x10000xf32, #tpu.memory_space<vmem>>, %arg1: memref<128x10000xf32, #tpu.memory_space<vmem>>, %arg2: memref<2x10000xf32, #tpu.memory_space<vmem>>, %arg3: memref<128x128xf32, #tpu.memory_space<vmem>>, %arg4: memref<128x128xf32, #tpu.memory_space<vmem>>, %arg5: memref<128x1xf32, #tpu.memory_space<vmem>>, %arg6: memref<128x1xf32, #tpu.memory_space<vmem>>, %arg7: memref<128x10000xf32, #tpu.memory_space<vmem>>) attributes {dimension_semantics = [], scalar_prefetch = 0 : i64, scratch_operands = 0 : i64, tpu.core_type = #tpu.core_type<tc>} {
    %get3A = arith.constant 0 : index
    %get3A_0 = arith.constant 0 : index
    %get3A_1 = arith.constant 0 : index
    %get3A_2 = vector.load %arg0[%get3A, %get3A_0, %get3A_1] : memref<2x128x10000xf32, #tpu.memory_space<vmem>>, vector<1x128x10000xf32>
    %get3A_3 = vector.shape_cast %get3A_2 : vector<1x128x10000xf32> to vector<128x10000xf32>
    %get3A_4 = arith.constant 0 : index
    %get3A_5 = arith.constant 0 : index
    %get3A_6 = vector.load %arg1[%get3A_4, %get3A_5] : memref<128x10000xf32, #tpu.memory_space<vmem>>, vector<128x10000xf32>
    %get3A_7 = arith.constant 0 : index
    %get3A_8 = arith.constant 0 : index
    %get3A_9 = vector.load %arg2[%get3A_7, %get3A_8] : memref<2x10000xf32, #tpu.memory_space<vmem>>, vector<1x10000xf32>
    %mul3A = vector.broadcast %get3A_9 : vector<1x10000xf32> to vector<128x10000xf32>
    %mul3A_10 = arith.mulf %get3A_6, %mul3A : vector<128x10000xf32>
    %add3A = arith.addf %get3A_3, %mul3A_10 : vector<128x10000xf32>
    %get3A_11 = arith.constant 1 : index
    %get3A_12 = arith.constant 0 : index
    %get3A_13 = arith.constant 0 : index
    %get3A_14 = vector.load %arg0[%get3A_11, %get3A_12, %get3A_13] : memref<2x128x10000xf32, #tpu.memory_space<vmem>>, vector<1x128x10000xf32>
    %get3A_15 = vector.shape_cast %get3A_14 : vector<1x128x10000xf32> to vector<128x10000xf32>
    %get3A_16 = arith.constant 0 : index
    %get3A_17 = arith.constant 0 : index
    %get3A_18 = vector.load %arg1[%get3A_16, %get3A_17] : memref<128x10000xf32, #tpu.memory_space<vmem>>, vector<128x10000xf32>
    %get3A_19 = arith.constant 1 : index
    %get3A_20 = arith.constant 0 : index
    %get3A_21 = vector.load %arg2[%get3A_19, %get3A_20] : memref<2x10000xf32, #tpu.memory_space<vmem>>, vector<1x10000xf32>
    %mul3A_22 = vector.broadcast %get3A_21 : vector<1x10000xf32> to vector<128x10000xf32>
    %mul3A_23 = arith.mulf %get3A_18, %mul3A_22 : vector<128x10000xf32>
    %add3A_24 = arith.addf %get3A_15, %mul3A_23 : vector<128x10000xf32>
    %get3A_25 = arith.constant 0 : index
    %get3A_26 = arith.constant 0 : index
    %get3A_27 = vector.load %arg3[%get3A_25, %get3A_26] : memref<128x128xf32, #tpu.memory_space<vmem>>, vector<128x128xf32>
    %dot_general3A = arith.constant dense<0.000000e+00> : vector<128x10000xf32>
    %dot_general3A_28 = tpu.matmul %get3A_27, %add3A, %dot_general3A {dimension_numbers = #tpu.dot_dimension_numbers<[1], [0], [0], [1], [0, 0, 1, 1], [], []>, transpose_lhs_hint = false} : vector<128x128xf32>, vector<128x10000xf32>, vector<128x10000xf32> -> vector<128x10000xf32>
    %get3A_29 = arith.constant 0 : index
    %get3A_30 = arith.constant 0 : index
    %get3A_31 = vector.load %arg4[%get3A_29, %get3A_30] : memref<128x128xf32, #tpu.memory_space<vmem>>, vector<128x128xf32>
    %dot_general3A_32 = arith.constant dense<0.000000e+00> : vector<128x10000xf32>
    %dot_general3A_33 = tpu.matmul %get3A_31, %add3A_24, %dot_general3A_32 {dimension_numbers = #tpu.dot_dimension_numbers<[1], [0], [0], [1], [0, 0, 1, 1], [], []>, transpose_lhs_hint = false} : vector<128x128xf32>, vector<128x10000xf32>, vector<128x10000xf32> -> vector<128x10000xf32>
    %get3A_34 = arith.constant 0 : index
    %get3A_35 = arith.constant 0 : index
    %get3A_36 = vector.load %arg5[%get3A_34, %get3A_35] : memref<128x1xf32, #tpu.memory_space<vmem>>, vector<128x1xf32>
    %add3A_37 = vector.broadcast %get3A_36 : vector<128x1xf32> to vector<128x10000xf32>
    %add3A_38 = arith.addf %dot_general3A_28, %add3A_37 : vector<128x10000xf32>
    %sub3A = arith.subf %add3A_38, %dot_general3A_33 : vector<128x10000xf32>
    %get3A_39 = arith.constant 0 : index
    %get3A_40 = arith.constant 0 : index
    %get3A_41 = vector.load %arg6[%get3A_39, %get3A_40] : memref<128x1xf32, #tpu.memory_space<vmem>>, vector<128x1xf32>
    %sub3A_42 = vector.broadcast %get3A_41 : vector<128x1xf32> to vector<128x10000xf32>
    %sub3A_43 = arith.subf %sub3A, %sub3A_42 : vector<128x10000xf32>
    %max3A = arith.constant 0.000000e+00 : f32
    %max3A_44 = vector.broadcast %max3A : f32 to vector<128x10000xf32>
    %max3A_45 = arith.maximumf %sub3A_43, %max3A_44 : vector<128x10000xf32>
    %swap3A = arith.constant 0 : index
    %swap3A_46 = arith.constant 0 : index
    %swap3A_47 = vector.load %arg7[%swap3A, %swap3A_46] : memref<128x10000xf32, #tpu.memory_space<vmem>>, vector<128x10000xf32>
    tpu.vector_store %arg7[%swap3A, %swap3A_46], %max3A_45 {strides = array<i32>} : memref<128x10000xf32, #tpu.memory_space<vmem>>, vector<128x10000xf32>,
    return
  }
}

module attributes {stable_mosaic.version = 14 : i64} {
  func.func @body(%arg0: memref<2x128x10000xf32, #tpu.memory_space<vmem>>, %arg1: memref<128x10000xf32, #tpu.memory_space<vmem>>, %arg2: memref<2x10000xf32, #tpu.memory_space<vmem>>, %arg3: memref<128x128xf32, #tpu.memory_space<vmem>>, %arg4: memref<128x128xf32, #tpu.memory_space<vmem>>, %arg5: memref<1x128xf32, #tpu.memory_space<vmem>>, %arg6: memref<1x128xf32, #tpu.memory_space<vmem>>, %arg7: memref<10000x128xf32, #tpu.memory_space<vmem>>) attributes {dimension_semantics = [], scalar_prefetch = 0 : i64, scratch_operands = 0 : i64, tpu.core_type = #tpu.core_type<tc>} {
    %get3A = arith.constant 0 : index
    %get3A_0 = arith.constant 0 : index
    %get3A_1 = arith.constant 0 : index
    %get3A_2 = vector.load %arg0[%get3A, %get3A_0, %get3A_1] : memref<2x128x10000xf32, #tpu.memory_space<vmem>>, vector<1x128x10000xf32>
    %get3A_3 = vector.shape_cast %get3A_2 : vector<1x128x10000xf32> to vector<128x10000xf32>
    %get3A_4 = arith.constant 0 : index
    %get3A_5 = arith.constant 0 : index
    %get3A_6 = vector.load %arg1[%get3A_4, %get3A_5] : memref<128x10000xf32, #tpu.memory_space<vmem>>, vector<128x10000xf32>
    %get3A_7 = arith.constant 0 : index
    %get3A_8 = arith.constant 0 : index
    %get3A_9 = vector.load %arg2[%get3A_7, %get3A_8] : memref<2x10000xf32, #tpu.memory_space<vmem>>, vector<1x10000xf32>
    %mul3A = vector.broadcast %get3A_9 : vector<1x10000xf32> to vector<128x10000xf32>
    %mul3A_10 = arith.mulf %get3A_6, %mul3A : vector<128x10000xf32>
    %add3A = arith.addf %get3A_3, %mul3A_10 : vector<128x10000xf32>
    %get3A_11 = arith.constant 1 : index
    %get3A_12 = arith.constant 0 : index
    %get3A_13 = arith.constant 0 : index
    %get3A_14 = vector.load %arg0[%get3A_11, %get3A_12, %get3A_13] : memref<2x128x10000xf32, #tpu.memory_space<vmem>>, vector<1x128x10000xf32>
    %get3A_15 = vector.shape_cast %get3A_14 : vector<1x128x10000xf32> to vector<128x10000xf32>
    %get3A_16 = arith.constant 0 : index
    %get3A_17 = arith.constant 0 : index
    %get3A_18 = vector.load %arg1[%get3A_16, %get3A_17] : memref<128x10000xf32, #tpu.memory_space<vmem>>, vector<128x10000xf32>
    %get3A_19 = arith.constant 1 : index
    %get3A_20 = arith.constant 0 : index
    %get3A_21 = vector.load %arg2[%get3A_19, %get3A_20] : memref<2x10000xf32, #tpu.memory_space<vmem>>, vector<1x10000xf32>
    %mul3A_22 = vector.broadcast %get3A_21 : vector<1x10000xf32> to vector<128x10000xf32>
    %mul3A_23 = arith.mulf %get3A_18, %mul3A_22 : vector<128x10000xf32>
    %add3A_24 = arith.addf %get3A_15, %mul3A_23 : vector<128x10000xf32>
    %get3A_25 = arith.constant 0 : index
    %get3A_26 = arith.constant 0 : index
    %get3A_27 = vector.load %arg3[%get3A_25, %get3A_26] : memref<128x128xf32, #tpu.memory_space<vmem>>, vector<128x128xf32>
    %dot_general3A = arith.constant dense<0.000000e+00> : vector<10000x128xf32>
    %dot_general3A_28 = tpu.matmul %add3A, %get3A_27, %dot_general3A {dimension_numbers = #tpu.dot_dimension_numbers<[0], [0], [1], [1], [0, 1, 1, 1], [], []>, transpose_lhs_hint = false} : vector<128x10000xf32>, vector<128x128xf32>, vector<10000x128xf32> -> vector<10000x128xf32>
    %get3A_29 = arith.constant 0 : index
    %get3A_30 = arith.constant 0 : index
    %get3A_31 = vector.load %arg4[%get3A_29, %get3A_30] : memref<128x128xf32, #tpu.memory_space<vmem>>, vector<128x128xf32>
    %dot_general3A_32 = arith.constant dense<0.000000e+00> : vector<10000x128xf32>
    %dot_general3A_33 = tpu.matmul %add3A_24, %get3A_31, %dot_general3A_32 {dimension_numbers = #tpu.dot_dimension_numbers<[0], [0], [1], [1], [0, 1, 1, 1], [], []>, transpose_lhs_hint = false} : vector<128x10000xf32>, vector<128x128xf32>, vector<10000x128xf32> -> vector<10000x128xf32>
    %get3A_34 = arith.constant 0 : index
    %get3A_35 = arith.constant 0 : index
    %get3A_36 = vector.load %arg5[%get3A_34, %get3A_35] : memref<1x128xf32, #tpu.memory_space<vmem>>, vector<1x128xf32>
    %add3A_37 = vector.broadcast %get3A_36 : vector<1x128xf32> to vector<10000x128xf32>
    %add3A_38 = arith.addf %dot_general3A_28, %add3A_37 : vector<10000x128xf32>
    %sub3A = arith.subf %add3A_38, %dot_general3A_33 : vector<10000x128xf32>
    %get3A_39 = arith.constant 0 : index
    %get3A_40 = arith.constant 0 : index
    %get3A_41 = vector.load %arg6[%get3A_39, %get3A_40] : memref<1x128xf32, #tpu.memory_space<vmem>>, vector<1x128xf32>
    %sub3A_42 = vector.broadcast %get3A_41 : vector<1x128xf32> to vector<10000x128xf32>
    %sub3A_43 = arith.subf %sub3A, %sub3A_42 : vector<10000x128xf32>
    %max3A = arith.constant 0.000000e+00 : f32
    %max3A_44 = vector.broadcast %max3A : f32 to vector<10000x128xf32>
    %max3A_45 = arith.maximumf %sub3A_43, %max3A_44 : vector<10000x128xf32>
    %swap3A = arith.constant 0 : index
    %swap3A_46 = arith.constant 0 : index
    %swap3A_47 = vector.load %arg7[%swap3A, %swap3A_46] : memref<10000x128xf32, #tpu.memory_space<vmem>>, vector<10000x128xf32>
    tpu.vector_store %arg7[%swap3A, %swap3A_46], %max3A_45 {strides = array<i32>} : memref<10000x128xf32, #tpu.memory_space<vmem>>, vector<10000x128xf32>,
    return
  }
}

</mosaic_0001>

<sc_bundles>
// kernel: kernel.12.cloned.1.call-start
scs
__scs_entry_jumppad:
0x0: {  	(pc) =	sbr.rel $0x88, $3  }
0x1: {  	(tag) =	ssettag $0x0;
	lr =	simm.s32 $0x1  }
0x2: {  	[smem:$0x3F96] =	sst lr;
	_ =	strace $0xD0000000  }
0x3: {  	_ = 	snop  }
0x4: {  	_ = 	snop  }
0x5: {  	_ = 	snop  }
0x6: {  	_ = 	snop  }
0x7: {  	_ = 	snop  }
__scs_overlays_trampoline_lowered:
0x8: {  	[smem:$0x3FA5] =	sst s0  }
0x9: {  	[smem:$0x3FA6] =	sst s1  }
0xa: {  	[smem:$0x3FA7] =	sst s2  }
0xb: {  	[smem:$0x3FA8] =	sst s3  }
0xc: {  	[smem:$0x3FA9] =	sst s4  }
0xd: {  	[smem:$0x3FAA] =	sst s5  }
0xe: {  	[smem:$0x3FAB] =	sst s6  }
0xf: {  	[smem:$0x3FAC] =	sst s7  }
0x10: {  	[smem:$0x3FAD] =	sst s8  }
0x11: {  	[smem:$0x3FAE] =	sst s9;
	s0 =	simm.s32 @!p0 $0x0  }
0x12: {  	s1 =	sld [smem:$0x3F94];
	s0 =	simm.s32 @p0 $0x1  }
0x13: {  	[smem:$0x3FAF] =	sst s0;
	s0 =	simm.s32 @!p1 $0x0  }
0x14: {  	s2 =	sld [smem:$0x3F93];
	s0 =	simm.s32 @p1 $0x1  }
0x15: {  	[smem:$0x3FB0] =	sst s0;
	s0 =	simm.s32 @!p2 $0x0  }
0x16: {  	s3 =	sld [smem:$0x3FDB];
	s0 =	simm.s32 @p2 $0x1  }
0x17: {  	s4 =	simm.s32 $0x1BF5;
	[smem:$0x3FB2] =	sst s0  }
0x18: {  	s0 =	sld [smem:$0x3F95];
	_ =	swait.ge [sflag:s4], $0x0  }
0x19: {  	s7 =	sld [smem:$0x3F96]  }
0x1a: {  	s8 =	sadd.s32 $0xFFFFE003, lr  }
0x1b: {  	s9 =	sadd.s32 $0xFFFFFEF7, lr;
	s5 =	simm.s32 $0xFFFFFFFF;
	p2 =	slt.u32 s8, $0xFFFFF086  }
0x1c: {  	p1 =	slt.u32 s9, $0xF7A;
	s5 =	simm.s32 @!p2 $0x0  }
0x1d: {  	s5 =	simm.s32 @p1 $0x1;
	p0 =	seq.s32 s7, s2  }
0x1e: {  	s7 =	smul.u32 @!p0 $0xF7A, s2;
	p2 =	seq.s32 @!p0 s5, $0x0  }
0x1f: {  	s9 =	smul.u32 $0xF7A, s1;
	s8 =	simm.s32 @!p0 $0x1BF5;
	p2 =	por !p2, p0  }
0x20: {  	[sflag:s8] =	ssyncset.s32 @!p0 $0xFFFFF086;
	s6 =	sadd.s32 @!p0 s3, s7;
	s7 =	simm.s32 @!p0 $0x108  }
0x21: {  	s3 =	sadd.s32 s3, s9;
	s6 =	sadd.s32 @!p0 $0x88, s6;
	s7 =	simm.s32 @p2 $0x1082  }
0x22: {  	[simem:s7], [sflag:s8] =	dma.local @!p0 [hbm:s6], $0xF7A  }
0x23: {  	s9 =	sor.u32 $0xD0000000, s2;
	s6 =	simm.s32 $0x108;
	_ =	swait.ge @!p0 [sflag:s8], $0x0  }
0x24: {  	s3 =	sadd.s32 $0x88, s3;
	s6 =	simm.s32 @!p1 $0x1082;
	[sflag:s4] =	ssyncset.s32 $0xFFFFF086  }
0x25: {  	[simem:s6], [sflag:s4] =	dma.local [hbm:s3], $0xF7A  }
0x26: {  	[smem:$0x3F96] =	sst s1;
	(tag) =	ssettag s2;
	_ =	strace s9  }
0x27: {  	s1 =	sld [smem:$0x3FA6]  }
0x28: {  	s2 =	sld [smem:$0x3FA7]  }
0x29: {  	s4 =	sld [smem:$0x3FA9]  }
0x2a: {  	p0 =	seq.s32 s5, $0x0;
	s5 =	sld [smem:$0x3FAA]  }
0x2b: {  	s6 =	sld [smem:$0x3FAB]  }
0x2c: {  	s7 =	sld [smem:$0x3FAC]  }
0x2d: {  	s3 =	simm.s32 $0x108;
	s8 =	sld [smem:$0x3FAD]  }
0x2e: {  	s3 =	simm.s32 @!p0 $0x1082;
	s9 =	sld [smem:$0x3FAE]  }
0x2f: {  	lr =	sadd.s32 s0, s3;
	s0 =	sld [smem:$0x3FA5]  }
0x30: {  	s3 =	sld [smem:$0x3FA8]  }
0x31: {  	[smem:$0x3FB1] =	sst s10  }
0x32: {  	s10 =	sld [smem:$0x3FAF];
	_ =	sdelay $0x3  }
0x33: {  	p0 =	seq.s32 s10, $0x1;
	s10 =	sld [smem:$0x3FB1];
	_ =	sdelay $0x3  }
0x34: {  	[smem:$0x3FB1] =	sst s10  }
0x35: {  	s10 =	sld [smem:$0x3FB0];
	_ =	sdelay $0x3  }
0x36: {  	p1 =	seq.s32 s10, $0x1;
	s10 =	sld [smem:$0x3FB1];
	_ =	sdelay $0x3  }
0x37: {  	[smem:$0x3FB1] =	sst s10  }
0x38: {  	s10 =	sld [smem:$0x3FB2]  }
0x39: {  	_ = 	snop;
	(pc) =	sbr.ind lr, $3  }
0x3a: {  	_ = 	snop  }
0x3b: {  	_ = 	snop  }
0x3c: {  	p2 =	seq.s32 s10, $0x1;
	s10 =	sld [smem:$0x3FB1]  }
0x3d: {  	_ =	shalt  }
0x3e: {  	_ =	shalt  }
0x3f: {  	_ =	shalt  }
0x40: {  	_ =	shalt  }
0x41: {  	_ =	shalt  }
0x42: {  	_ =	shalt  }
0x43: {  	_ =	shalt  }
0x44: {  	_ =	shalt  }
0x45: {  	_ =	shalt  }
0x46: {  	_ =	shalt  }
0x47: {  	_ =	shalt  }
0x48: {  	_ =	shalt  }
0x49: {  	_ =	shalt  }
0x4a: {  	_ =	shalt  }
0x4b: {  	_ =	shalt  }
0x4c: {  	_ =	shalt  }
0x4d: {  	_ =	shalt  }
0x4e: {  	_ =	shalt  }
0x4f: {  	_ =	shalt  }
0x50: {  	_ =	shalt  }
0x51: {  	_ =	shalt  }
0x52: {  	_ =	shalt  }
0x53: {  	_ =	shalt  }
0x54: {  	_ =	shalt  }
0x55: {  	_ =	shalt  }
0x56: {  	_ =	shalt  }
0x57: {  	_ =	shalt  }
0x58: {  	_ =	shalt  }
0x59: {  	_ =	shalt  }
0x5a: {  	_ =	shalt  }
0x5b: {  	_ =	shalt  }
0x5c: {  	_ =	shalt  }
0x5d: {  	_ =	shalt  }
0x5e: {  	_ =	shalt  }
0x5f: {  	_ =	shalt  }
0x60: {  	_ =	shalt  }
0x61: {  	_ =	shalt  }
0x62: {  	_ =	shalt  }
0x63: {  	_ =	shalt  }
0x64: {  	_ =	shalt  }
0x65: {  	_ =	shalt  }
0x66: {  	_ =	shalt  }
0x67: {  	_ =	shalt  }
0x68: {  	_ =	shalt  }
0x69: {  	_ =	shalt  }
0x6a: {  	_ =	shalt  }
0x6b: {  	_ =	shalt  }
0x6c: {  	_ =	shalt  }
0x6d: {  	_ =	shalt  }
0x6e: {  	_ =	shalt  }
0x6f: {  	_ =	shalt  }
0x70: {  	_ =	shalt  }
0x71: {  	_ =	shalt  }
0x72: {  	_ =	shalt  }
0x73: {  	_ =	shalt  }
0x74: {  	_ =	shalt  }
0x75: {  	_ =	shalt  }
0x76: {  	_ =	shalt  }
0x77: {  	_ =	shalt  }
0x78: {  	_ =	shalt  }
0x79: {  	_ =	shalt  }
0x7a: {  	_ =	shalt  }
0x7b: {  	_ =	shalt  }
0x7c: {  	_ =	shalt  }
0x7d: {  	_ =	shalt  }
0x7e: {  	_ =	shalt  }
0x7f: {  	_ =	shalt  }
0x80: {  	_ =	shalt  }
0x81: {  	_ =	shalt  }
0x82: {  	_ =	shalt  }
0x83: {  	_ =	shalt  }
0x84: {  	_ =	shalt  }
0x85: {  	_ =	shalt  }
0x86: {  	_ =	shalt  }
0x87: {  	_ =	shalt  }
.Lfunc_end0:
.L_simem_size_0:
called_computation.1_lowered:
.L_overlay_start_0:
0x88: {  	s2 =	sld [smem:$0x3FD9]  }
0x89: {  	s3 =	sld [smem:$0x3FFE];
	_ =	sdelay $0x1  }
0x8a: {  	s1 =	srdreg.scid  }
0x8b: {  	s0 =	sand.u32 $0x1, s1  }
0x8c: {  	s17 =	sshll.u32 s0, $0xA;
	s2 =	sadd.s32 s3, s2  }
0x8d: {  	s2 =	sadd.s32 s2, s17  }
0x8e: {  	[smem:$0x3FBD] =	sst s2  }
0x8f: {  	_ = 	snop  }
0x90: {  	s2 =	sld [smem:$0x3FC7];
	(tm) =	ssettm $0x1  }
0x91: {  	s18 =	sld [smem:$0x3FFB];
	_ =	sdelay $0x3  }
0x92: {  	_ =	strace s18  }
0x93: {  	s3 =	sld [smem:$0x3FFC];
	_ =	sdelay $0x3  }
0x94: {  	_ =	strace s3  }
0x95: {  	s3 =	sld [smem:$0x3FFD];
	_ =	sdelay $0x3  }
0x96: {  	_ =	strace s3  }
0x97: {  	_ =	strace $0x8FFFFFFF  }
0x98: {  	s19 =	sld [smem:$0x3FDB];
	_ =	sdelay $0x1  }
0x99: {  	s4 =	simm.s32 $_scs_section_size  }
0x9a: {  	s5 =	simm.s32 $_size__tile_overlayer_lowered;
	s6 =	simm.s32 $_tile_overlayer_lowered  }
0x9b: {  	s22 =	simm.s32 $0x1BFF;
	s21 =	sshll.u32 s6, $0x1;
	s3 =	sadd.s32 s4, s19  }
0x9c: {  	s7 =	simm.s32 $0x0;
	s20 =	sshll.u32 s5, $0x1;
	s5 =	sadd.s32 s21, s3  }
0x9d: {  	[timem:s7], [sflag:s22] =	dma.local [hbm:s5], s20  }
0x9e: {  	_ =	swait.ge [sflag:s22], s20  }
0x9f: {  	s4 =	ssub.s32 $0x0, s20;
	[sflag:s22] =	ssyncset.done $0x0  }
0xa0: {  	[sflag:s22] =	ssyncadd.s32 s4;
	_ =	sdelay $0x1  }
0xa1: {  	s23 =	simm.s32 $0x1B8B  }
0xa2: {  	_ =	swait.ge [sflag:s23], $0x1  }
0xa3: {  	[sflag:s23] =	ssyncset.done $0x0  }
0xa4: {  	s25 =	simm.s32 $0x1B8E;
	s24 =	sld [smem:$0x3FFE];
	[sflag:s23] =	ssyncadd.s32 $0xFFFFFFFF  }
0xa5: {  	s26 =	simm.s32 $execute0_lowered;
	[smem:$0x3FD2] =	sst s25  }
0xa6: {  	s5 =	sshll.u32 s26, $0x1;
	_ =	strace $0x80000049;
	[dreg:$0x1] =	wrdreg $0xFFFFFFFF  }
0xa7: {  	s28 =	simm.s32 $_size_execute0_lowered;
	s3 =	sadd.s32 s3, s5;
	[dreg:$0x0] =	wrdreg $0x0  }
0xa8: {  	s5 =	sshll.u32 s28, $0x1;
	[dreg:$0x2] =	wrdreg s3  }
0xa9: {  	[dreg:$0x3] =	wrdreg s5  }
0xaa: {  	[dreg:$0x4] =	wrdreg $0xC0  }
0xab: {  	_ =	task [dreg:s7], $0x5FFFF  }
0xac: {  	[dreg:$0x1] =	wrdreg $0xFFFFFFFF  }
0xad: {  	[dreg:$0x0] =	wrdreg $0x60  }
0xae: {  	[dreg:$0x2] =	wrdreg s24  }
0xaf: {  	[dreg:$0x3] =	wrdreg s2  }
0xb0: {  	[dreg:$0x4] =	wrdreg $0x9  }
0xb1: {  	_ =	task.clear_ibuf [dreg:s7], $0x5FFFF;
	_ =	strace $0x90000049  }
0xb2: {  	s29 =	simm.s32 $0x9;
	_ =	strace $0x8000004B  }
0xb3: {  	_ =	swait.ge [sflag:s29], $0x1  }
0xb4: {  	[sflag:s29] =	ssyncadd.s32 $0xFFFFFFFF  }
0xb5: {  	_ =	strace $0x9000004B  }
0xb6: {  	_ =	sfence  }
0xb7: {  	s30 =	sld [smem:$0x0];
	_ =	sdelay $0x2  }
0xb8: {  	s31 =	sshll.u32 s1, $0xD;
	s1 =	sshrl.u32 s1, $0x2  }
0xb9: {  	s3 =	sand.u32 $0x4000, s31;
	s1 =	sadd.s32 s1, s30  }
0xba: {  	s0 =	sor.u32 s3, s0;
	s1 =	sshll.u32 s1, $0x11  }
0xbb: {  	s0 =	sor.u32 s1, s0  }
0xbc: {  	s0 =	sadd.s32 $0x8F2B, s0  }
0xbd: {  	[sflag:s0] =	ssyncadd.remote.s32 $0x1  }
0xbe: {  	_ =	sfence.sel $0xFFFF  }
0xbf: {  	[dreg:$0x0] =	wrdreg $0xFFFFFFFF;
	(pc) =	sbr.abs _section_cstart, $3  }
0xc0: {  	[dreg:$0x1] =	wrdreg $0xFFFFFFFF  }
0xc1: {  	_ =	task.clear_ibuf [dreg:s7], $0x2FFFF;
	_ =	strace $0x9FFFFFFF  }
0xc2: {  	(tm) =	ssettm $0x7FFFFFFF  }
0xc3: {  	_ =	shalt  }
tec
execute0_lowered:
.L_overlay_start_1:
0x0: {  	(tag) =	ssettag $0x1  }
0x1: {  	s0 =	srdreg.scid  }
0x2: {  	s1 =	stileid.u32;
	s2 =	rddreg [dreg:$0x0]  }
0x3: {  	s4 =	rddreg [dreg:$0x1];
	s31 =	simm.s32 $0x1;
	s0 =	sand.u32 $0x1, s0  }
0x4: {  	s3 =	sshll.u32 s1, $0x1;
	s1 =	simm.s32 $0x0;
	s5 =	sadd.s32 $0xB800, s2  }
0x5: {  	s6 =	sadd.s32 $0x1A00, s2;
	s7 =	sadd.s32 $0x16000, s2;
	s3 =	sor.u32 s0, s3  }
0x6: {  	s9 =	sadd.s32 $0x1FE00, s2;
	s0 =	ssub.s32 $0x2, s0;
	s3 =	smul.u32 $0x2710, s3  }
0x7: {  	s29 =	sadd.s32 $0x15600, s2;
	s2 =	simm.s32 $0x5DC0;
	s8 =	sshrl.u32 s0, $0x1  }
0x8: {  	[smem:$0x7FF] =	sst s1;
	s0 =	ssub.s32 s0, s8;
	s3 =	sshrl.u32 s3, $0x3  }
0x9: {  	s30 =	smax.u32 s0, $0x1;
	s0 =	simm.s32 $0x55F0;
	s15 =	sadd.s32 s5, s3  }
0xa: {  	s16 =	sadd.s32 s6, s3;
	s17 =	sadd.s32 s4, s3;
	[dreg:$0x3] =	wrdreg s15  }
0xb: {  	s18 =	sadd.s32 $0xFA, s3;
	s10 =	sadd.s32 s7, s3;
	[dreg:$0x4] =	wrdreg s16  }
0xc: {  	s19 =	sadd.s32 s9, s3;
	s23 =	sadd.s32 $0x1F4, s3;
	[dreg:$0x5] =	wrdreg s17  }
0xd: {  	s26 =	sadd.s32 $0x2EE, s3;
	s3 =	sadd.s32 $0x3E8, s3;
	[dreg:$0x6] =	wrdreg s10  }
0xe: {  	[dreg:$0x7] =	wrdreg s19;
	s20 =	sadd.s32 s5, s18;
	s21 =	sadd.s32 s6, s18  }
0xf: {  	s22 =	sadd.s32 s4, s18;
	s11 =	sadd.s32 s7, s18;
	[dreg:$0x8] =	wrdreg s20  }
0x10: {  	s8 =	sadd.s32 s9, s18;
	s24 =	sadd.s32 s5, s23;
	[dreg:$0x9] =	wrdreg s21  }
0x11: {  	s25 =	sadd.s32 s6, s23;
	s14 =	sadd.s32 s4, s23;
	[dreg:$0xa] =	wrdreg s22  }
0x12: {  	s15 =	sadd.s32 s7, s23;
	s16 =	sadd.s32 s9, s23;
	[dreg:$0xb] =	wrdreg s11  }
0x13: {  	s17 =	sadd.s32 s5, s26;
	s18 =	sadd.s32 s6, s26;
	[dreg:$0xc] =	wrdreg s8  }
0x14: {  	s23 =	sadd.s32 s5, s3;
	s28 =	sadd.s32 s9, s3;
	[dreg:$0xd] =	wrdreg s24  }
0x15: {  	s19 =	simm.s32 $0x4E20;
	s5 =	simm.s32 $0x0;
	[dreg:$0xe] =	wrdreg s25  }
0x16: {  	s20 =	sadd.s32 s4, s26;
	s21 =	sadd.s32 s7, s26;
	s22 =	sadd.s32 s9, s26  }
0x17: {  	s24 =	sadd.s32 s6, s3;
	s25 =	sadd.s32 s4, s3;
	s26 =	sadd.s32 s7, s3  }
0x18: {  	v0 =	vimm.s32 $0x0;
	s3 =	simm.s32 $0x6590;
	s4 =	simm.s32 $0x6D60;
	_ =	strace $0x8000004A  }
.LBB2_1:
0x19: {  	[tilespmem:s1], [sflag:$0x1] =	stream.linear.gather [hbm4b:s29+s1], $0x4E20, $0x38;
	[tilespmem:$0x7530] =	vst v63  }
0x1a: {  	_ =	swait.ge [sflag:s31], $0x4E20  }
0x1b: {  	[sflag:s31] =	ssyncset.done $0x0  }
0x1c: {  	s6 =	rddreg [dreg:$0x3];
	[sflag:s31] =	ssyncadd.s32 $0xFFFFB1E0  }
0x1d: {  	[tilespmem:s19], [sflag:$0x1] =	stream.linear.gather [hbm4b:s6+s1], $0x7D0, $0x38;
	[tilespmem:$0x7530] =	vst v63  }
0x1e: {  	_ =	swait.ge [sflag:s31], $0x7D0  }
0x1f: {  	[sflag:s31] =	ssyncset.done $0x0  }
0x20: {  	s10 =	rddreg [dreg:$0x4];
	[sflag:s31] =	ssyncadd.s32 $0xFFFFF830  }
0x21: {  	[tilespmem:s0], [sflag:$0x1] =	stream.linear.gather [hbm4b:s10+s1], $0x7D0, $0x38;
	[tilespmem:$0x7530] =	vst v63  }
0x22: {  	_ =	swait.ge [sflag:s31], $0x7D0  }
0x23: {  	[sflag:s31] =	ssyncset.done $0x0  }
0x24: {  	s11 =	rddreg [dreg:$0x5];
	[sflag:s31] =	ssyncadd.s32 $0xFFFFF830  }
0x25: {  	[tilespmem:s2], [sflag:$0x1] =	stream.linear.gather [hbm4b:s11+s1], $0x7D0, $0x38;
	[tilespmem:$0x7530] =	vst v63  }
0x26: {  	_ =	swait.ge [sflag:s31], $0x7D0  }
0x27: {  	[sflag:s31] =	ssyncset.done $0x0  }
0x28: {  	s12 =	simm.s32 $0x5DE0;
	[sflag:s31] =	ssyncadd.s32 $0xFFFFF830  }
0x29: {  	v8 =	vld [tilespmem:s12+$0x10]  }
0x2a: {  	s7 =	simm.s32 $0x4E40;
	v9 =	vld [tilespmem:s12+$0xFFFFFFE0]  }
0x2b: {  	s8 =	simm.s32 $0x5610;
	v10 =	vld [tilespmem:s7+$0x10]  }
0x2c: {  	v11 =	vld [tilespmem:s8+$0x10]  }
0x2d: {  	v1 =	vld [tilespmem:s12+$0xFFFFFFF0]  }
0x2e: {  	v12 =	vld [tilespmem:s12+$0x0]  }
0x2f: {  	v3 =	vld [tilespmem:s8+$0xFFFFFFE0]  }
0x30: {  	v6 =	vld [tilespmem:s7+$0xFFFFFFF0];
	vm1 =	vlt.f32 v8, $0.0e+00  }
0x31: {  	v7 =	vld [tilespmem:s8+$0xFFFFFFF0];
	v2 =	vsel vm1, $0x2710, v0  }
0x32: {  	v13 =	vld [tilespmem:s7+$0x0];
	vm0 =	vlt.f32 v9, $0.0e+00;
	v4 =	vadd.s32 v10, v2  }
0x33: {  	vm2 =	vlt.f32 v1, $0.0e+00;
	v14 =	vsel vm0, $0x2710, v0;
	v2 =	vadd.s32 v11, v2  }
0x34: {  	v5 =	vsel vm2, $0x2710, v0;
	v15 =	vadd.s32 v3, v14  }
0x35: {  	v16 =	vld [tilespmem:s8+$0x0];
	vm3 =	vlt.f32 v12, $0.0e+00;
	v17 =	vadd.s32 v6, v5  }
0x36: {  	v18 =	vld [tilespmem:s7+$0xFFFFFFE0];
	v19 =	vsel vm3, $0x2710, v0;
	v5 =	vadd.s32 v7, v5  }
0x37: {  	v21 =	vadd.s32 v13, v19;
	v20 =	vld.idx.msk [tilespmem:v4+s1+$0x0], $0xffff  }
0x38: {  	v22 =	vld.idx.msk [tilespmem:v2+s1+$0x0], $0xffff  }
0x39: {  	v4 =	vld.idx.msk [tilespmem:v15+s1+$0x0], $0xffff  }
0x3a: {  	v15 =	vld.idx.msk [tilespmem:v17+s1+$0x0], $0xffff  }
0x3b: {  	v17 =	vld.idx.msk [tilespmem:v5+s1+$0x0], $0xffff  }
0x3c: {  	s13 =	simm.s32 $0x5E20;
	v5 =	vld.idx.msk [tilespmem:v21+s1+$0x0], $0xffff;
	v21 =	vsel vm2, $0x9C40, v0  }
0x3d: {  	v24 =	vand.u32 $0x7FFFFFFF, v1;
	v8 =	vand.u32 $0x7FFFFFFF, v8;
	v2 =	vld [tilespmem:s13+$0x10];
	v1 =	vadd.s32 v7, v21  }
0x3e: {  	s6 =	simm.s32 $0x4E80;
	v23 =	vsel vm0, $0x9C40, v0;
	v25 =	vsel vm3, $0x9C40, v0;
	v21 =	vld [tilespmem:s13+$0xFFFFFFE0];
	v1 =	vshll.u32 v1, $0xE  }
0x3f: {  	s7 =	simm.s32 $0x5650;
	v3 =	vadd.s32 v3, v23;
	v7 =	vld [tilespmem:s6+$0x10];
	v26 =	vadd.s32 v6, v1;
	v1 =	vadd.s32 v16, v25  }
0x40: {  	v14 =	vadd.s32 v18, v14;
	v3 =	vshll.u32 v3, $0xE;
	v6 =	vld [tilespmem:s7+$0x10];
	v1 =	vshll.u32 v1, $0xE  }
0x41: {  	v3 =	vadd.s32 v18, v3;
	v16 =	vadd.s32 v16, v19;
	v19 =	vld [tilespmem:s13+$0xFFFFFFF0];
	v1 =	vadd.s32 v13, v1  }
0x42: {  	v13 =	vld [tilespmem:s13+$0x0];
	vm0 =	vlt.f32 v2, $0.0e+00;
	v18 =	vmul.f32 v22, v20;
	v20 =	vsel vm1, $0x9C40, v0  }
0x43: {  	v22 =	vld [tilespmem:s7+$0xFFFFFFE0];
	v23 =	vsel vm0, $0x2710, v0;
	v11 =	vadd.s32 v11, v20;
	vm1 =	vlt.f32 v21, $0.0e+00  }
0x44: {  	v20 =	vld [tilespmem:s6+$0xFFFFFFF0];
	v25 =	vadd.s32 v7, v23;
	v18 =	vmul.f32 v18, v8;
	v8 =	vshll.u32 v11, $0xE  }
0x45: {  	v11 =	vld [tilespmem:s7+$0xFFFFFFF0];
	v23 =	vadd.s32 v6, v23;
	v27 =	vadd.s32 v10, v8;
	v8 =	vmul.f32 v17, v15  }
0x46: {  	v28 =	vld [tilespmem:s6+$0x0];
	v17 =	vsel vm1, $0x2710, v0;
	v10 =	vsel vm1, $0x9C40, v0;
	vm1 =	vlt.f32 v19, $0.0e+00  }
0x47: {  	v30 =	vld [tilespmem:s6+$0xFFFFFFE0];
	v15 =	vsel vm1, $0x9C40, v0  }
0x48: {  	v29 =	vld [tilespmem:s7+$0x0];
	v24 =	vmul.f32 v8, v24;
	v8 =	vsel vm1, $0x2710, v0;
	v31 =	vadd.s32 v22, v17  }
0x49: {  	vm1 =	vlt.f32 v13, $0.0e+00;
	v33 =	vadd.s32 v22, v10;
	v22 =	vld.idx.msk [tilespmem:v16+s1+$0x0], $0xffff;
	v32 =	vadd.s32 v20, v8  }
0x4a: {  	v34 =	vsel vm1, $0x2710, v0;
	v25 =	vld.idx.msk [tilespmem:v25+s1+$0x0], $0xffff;
	v35 =	vadd.s32 v11, v8  }
0x4b: {  	s8 =	simm.s32 $0x65B0;
	v10 =	vand.u32 $0x7FFFFFFF, v19;
	v16 =	vshll.u32 v33, $0xE;
	v38 =	vadd.s32 v28, v34;
	v36 =	vld.idx.msk [tilespmem:v23+s1+$0x0], $0xffff  }
0x4c: {  	s9 =	simm.s32 $0x6D80;
	[tilespmem:s8+$0x10] =	vst v18;
	v8 =	vand.u32 $0x7FFFFFFF, v9;
	v37 =	vadd.s32 v11, v15;
	v9 =	vand.u32 $0x7FFFFFFF, v12;
	v23 =	vld.idx.msk [tilespmem:v14+s1+$0x0], $0xffff  }
0x4d: {  	[tilespmem:s9+$0x10] =	vst v27;
	v11 =	vand.u32 $0x7FFFFFFF, v21;
	v14 =	vsel vm1, $0x9C40, v0;
	v12 =	vshll.u32 v37, $0xE;
	v18 =	vld.idx.msk [tilespmem:v31+s1+$0x0], $0xffff  }
0x4e: {  	v15 =	vand.u32 $0x7FFFFFFF, v13;
	[tilespmem:s8+$0xFFFFFFF0] =	vst v24;
	v12 =	vadd.s32 v20, v12;
	v20 =	vadd.s32 v29, v14;
	v19 =	vld.idx.msk [tilespmem:v32+s1+$0x0], $0xffff  }
0x4f: {  	s10 =	simm.s32 $0x6D80;
	v13 =	vadd.s32 v29, v34;
	[tilespmem:s9+$0xFFFFFFF0] =	vst v26;
	v14 =	vadd.s32 v30, v17;
	v20 =	vshll.u32 v20, $0xE;
	v21 =	vld.idx.msk [tilespmem:v35+s1+$0x0], $0xffff  }
0x50: {  	s11 =	simm.s32 $0x65B0;
	s12 =	simm.s32 $0x4;
	s13 =	simm.s32 $0x5E60;
	v17 =	vadd.s32 v30, v16;
	v16 =	vadd.s32 v28, v20;
	v20 =	vld.idx.msk [tilespmem:v38+s1+$0x0], $0xffff;
	v24 =	vmul.f32 v36, v25  }
.LBB2_2:
0x51: {  	v25 =	vand.u32 $0x7FFFFFFF, v2;
	v2 =	vld [tilespmem:s13+$0x10];
	v26 =	vsel vm0, $0x9C40, v0;
	v27 =	vmul.f32 v4, v23  }
0x52: {  	s6 =	sadd.s32 $0x40, s6;
	v5 =	vmul.f32 v22, v5;
	v23 =	vld [tilespmem:s13+$0xFFFFFFE0];
	v24 =	vmul.f32 v24, v25;
	v6 =	vadd.s32 v6, v26  }
0x53: {  	s12 =	sadd.s32 $0x4, s12;
	s7 =	sadd.s32 $0x40, s7;
	s8 =	sadd.s32 $0x40, s8;
	v4 =	vmovc v18;
	v22 =	vld [tilespmem:s6+$0x10];
	v25 =	vshll.u32 v6, $0xE;
	v26 =	vmul.f32 v27, v8;
	v8 =	vmov v11  }
0x54: {  	s9 =	sadd.s32 $0x40, s9;
	p0 =	slt.u32 s12, $0x78;
	v18 =	vmul.f32 v5, v9;
	v9 =	vmov v15;
	v6 =	vld [tilespmem:s7+$0x10];
	[tilespmem:s8+$0x10] =	vst v24;
	v7 =	vadd.s32 v7, v25  }
0x55: {  	v19 =	vmul.f32 v21, v19;
	v15 =	vld [tilespmem:s13+$0xFFFFFFF0];
	[tilespmem:s9+$0x10] =	vst v7  }
0x56: {  	v5 =	vmov v20;
	v21 =	vld [tilespmem:s13+$0x0];
	vm0 =	vlt.f32 v2, $0.0e+00;
	[tilespmem:s11+$0xFFFFFFE0] =	vst v26  }
0x57: {  	v20 =	vld [tilespmem:s7+$0xFFFFFFE0];
	vm1 =	vlt.f32 v23, $0.0e+00;
	v11 =	vand.u32 $0x7FFFFFFF, v23;
	v23 =	vsel vm0, $0x2710, v0;
	[tilespmem:s10+$0xFFFFFFE0] =	vst v3;
	v3 =	vmovc v17  }
0x58: {  	v17 =	vsel vm1, $0x2710, v0;
	v24 =	vsel vm1, $0x9C40, v0;
	v25 =	vld [tilespmem:s6+$0xFFFFFFF0];
	v26 =	vadd.s32 v22, v23;
	[tilespmem:s11+$0x0] =	vst v18;
	v7 =	vmovc v22;
	s11 =	smov.u32 s8  }
0x59: {  	v19 =	vmul.f32 v19, v10;
	v18 =	vld [tilespmem:s7+$0xFFFFFFF0];
	v22 =	vadd.s32 v6, v23;
	[tilespmem:s10+$0x0] =	vst v1;
	v1 =	vmov v16;
	s10 =	smov.u32 s9  }
0x5a: {  	vm1 =	vlt.f32 v15, $0.0e+00;
	v10 =	vand.u32 $0x7FFFFFFF, v15;
	v16 =	vld [tilespmem:s6+$0x0]  }
0x5b: {  	v23 =	vsel vm1, $0x2710, v0;
	v27 =	vsel vm1, $0x9C40, v0;
	v28 =	vld [tilespmem:s7+$0x0];
	vm1 =	vlt.f32 v21, $0.0e+00;
	[tilespmem:s8+$0xFFFFFFF0] =	vst v19  }
0x5c: {  	v19 =	vld [tilespmem:s6+$0xFFFFFFE0];
	v29 =	vadd.s32 v20, v17;
	v30 =	vsel vm1, $0x2710, v0;
	v31 =	vsel vm1, $0x9C40, v0;
	[tilespmem:s9+$0xFFFFFFF0] =	vst v12  }
0x5d: {  	v15 =	vand.u32 $0x7FFFFFFF, v21;
	v12 =	vadd.s32 v20, v24;
	v20 =	vadd.s32 v25, v23;
	v24 =	vld.idx.msk [tilespmem:v26+s1+$0x0], $0xffff  }
0x5e: {  	v21 =	vshll.u32 v12, $0xE;
	v26 =	vadd.s32 v18, v23;
	v12 =	vadd.s32 v18, v27;
	v27 =	vld.idx.msk [tilespmem:v22+s1+$0x0], $0xffff  }
0x5f: {  	v12 =	vshll.u32 v12, $0xE;
	v32 =	vadd.s32 v16, v30;
	v23 =	vld.idx.msk [tilespmem:v14+s1+$0x0], $0xffff  }
.Ltmp0:
0x60: {  	v12 =	vadd.s32 v25, v12;
	v25 =	vadd.s32 v28, v31;
	v22 =	vld.idx.msk [tilespmem:v13+s1+$0x0], $0xffff;
	v13 =	vadd.s32 v28, v30;
	(pc) =	sbr.rel @p0 .LBB2_2-.Ltmp0, $4  }
0x61: {  	v14 =	vadd.s32 v19, v17;
	v18 =	vld.idx.msk [tilespmem:v29+s1+$0x0], $0xffff;
	v17 =	vadd.s32 v19, v21;
	v21 =	vshll.u32 v25, $0xE  }
0x62: {  	v19 =	vld.idx.msk [tilespmem:v20+s1+$0x0], $0xffff;
	v16 =	vadd.s32 v16, v21  }
0x63: {  	v21 =	vld.idx.msk [tilespmem:v26+s1+$0x0], $0xffff  }
0x64: {  	s13 =	sadd.s32 $0x40, s13;
	v24 =	vmul.f32 v27, v24;
	v20 =	vld.idx.msk [tilespmem:v32+s1+$0x0], $0xffff  }
0x65: {  	_ =	sdelay $0x1  }
0x66: {  	v2 =	vand.u32 $0x7FFFFFFF, v2;
	v25 =	vsel vm0, $0x9C40, v0  }
0x67: {  	v4 =	vmul.f32 v4, v23;
	v2 =	vmul.f32 v24, v2;
	v6 =	vadd.s32 v6, v25  }
0x68: {  	s6 =	sadd.s32 $0x40, s8;
	v14 =	vld.idx.msk [tilespmem:v14+s1+$0x0], $0xffff;
	v5 =	vmul.f32 v22, v5;
	v6 =	vshll.u32 v6, $0xE  }
0x69: {  	s7 =	sadd.s32 $0x40, s9;
	v4 =	vmul.f32 v4, v8;
	[tilespmem:s6+$0x10] =	vst v2;
	v2 =	vadd.s32 v7, v6  }
0x6a: {  	v5 =	vmul.f32 v5, v9;
	[tilespmem:s7+$0x10] =	vst v2;
	v2 =	vld.idx.msk [tilespmem:v13+s1+$0x0], $0xffff  }
0x6b: {  	v6 =	vmul.f32 v21, v19;
	[tilespmem:s11+$0xFFFFFFE0] =	vst v4  }
0x6c: {  	[tilespmem:s11+$0x0] =	vst v5  }
0x6d: {  	[tilespmem:s10+$0xFFFFFFE0] =	vst v3;
	v3 =	vmul.f32 v6, v10;
	v4 =	vmul.f32 v18, v14  }
0x6e: {  	[tilespmem:s10+$0x0] =	vst v1  }
0x6f: {  	[tilespmem:s6+$0xFFFFFFF0] =	vst v3;
	v1 =	vmul.f32 v2, v20;
	v2 =	vmul.f32 v4, v11  }
0x70: {  	[tilespmem:s7+$0xFFFFFFF0] =	vst v12  }
0x71: {  	v1 =	vmul.f32 v1, v15;
	[tilespmem:s6+$0xFFFFFFE0] =	vst v2  }
0x72: {  	[tilespmem:s7+$0xFFFFFFE0] =	vst v17  }
0x73: {  	[tilespmem:s6+$0x0] =	vst v1  }
0x74: {  	[tilespmem:s7+$0x0] =	vst v16  }
0x75: {  	v1 =	vld [tilespmem:$0x6580];
	_ =	sdelay $0x1  }
0x76: {  	v2 =	vld [tilespmem:$0x55E0]  }
0x77: {  	v3 =	vld [tilespmem:$0x5DB0];
	_ =	sdelay $0x1  }
0x78: {  	vm0 =	vlt.f32 v1, $0.0e+00  }
0x79: {  	v4 =	vsel vm0, $0x2710, v0  }
0x7a: {  	v5 =	vadd.s32 v2, v4  }
0x7b: {  	v4 =	vadd.s32 v3, v4;
	_ =	sdelay $0x3  }
0x7c: {  	v5 =	vld.idx.msk [tilespmem:v5+s1+$0x0], $0xffff  }
0x7d: {  	v4 =	vld.idx.msk [tilespmem:v4+s1+$0x0], $0xffff;
	_ =	sdelay $0x4  }
0x7e: {  	v4 =	vmul.f32 v4, v5  }
0x7f: {  	v1 =	vand.u32 $0x7FFFFFFF, v1;
	v5 =	vsel vm0, $0x9C40, v0  }
0x80: {  	v3 =	vadd.s32 v3, v5;
	v1 =	vmul.f32 v4, v1  }
0x81: {  	v3 =	vshll.u32 v3, $0xE  }
0x82: {  	[tilespmem:$0x6D50] =	vst v1;
	v1 =	vadd.s32 v2, v3  }
0x83: {  	s6 =	rddreg [dreg:$0x6];
	[tilespmem:$0x7520] =	vst v1  }
0x84: {  	[hbm4b:s6+s1] =	stream.linear.scatter [tilespmem:s3], [sflag:$0x1], $0x7D0, $0x38;
	[tilespmem:$0x7530] =	vst v63  }
0x85: {  	_ =	swait.ge [sflag:s31], $0x7D0  }
0x86: {  	[sflag:s31] =	ssyncset.done $0x0  }
0x87: {  	s13 =	rddreg [dreg:$0x7];
	[sflag:s31] =	ssyncadd.s32 $0xFFFFF830  }
0x88: {  	[hbm4b:s13+s1] =	stream.linear.scatter [tilespmem:s4], [sflag:$0x1], $0x7D0, $0x38;
	[tilespmem:$0x7530] =	vst v63  }
0x89: {  	_ =	swait.ge [sflag:s31], $0x7D0  }
0x8a: {  	[sflag:s31] =	ssyncset.done $0x0  }
0x8b: {  	s7 =	rddreg [dreg:$0x8];
	[sflag:s31] =	ssyncadd.s32 $0xFFFFF830  }
0x8c: {  	[tilespmem:s19], [sflag:$0x1] =	stream.linear.gather [hbm4b:s7+s1], $0x7D0, $0x38;
	[tilespmem:$0x7530] =	vst v63  }
0x8d: {  	_ =	swait.ge [sflag:s31], $0x7D0  }
0x8e: {  	[sflag:s31] =	ssyncset.done $0x0  }
0x8f: {  	s8 =	rddreg [dreg:$0x9];
	[sflag:s31] =	ssyncadd.s32 $0xFFFFF830  }
0x90: {  	[tilespmem:s0], [sflag:$0x1] =	stream.linear.gather [hbm4b:s8+s1], $0x7D0, $0x38;
	[tilespmem:$0x7530] =	vst v63  }
0x91: {  	_ =	swait.ge [sflag:s31], $0x7D0  }
0x92: {  	[sflag:s31] =	ssyncset.done $0x0  }
0x93: {  	s9 =	rddreg [dreg:$0xa];
	[sflag:s31] =	ssyncadd.s32 $0xFFFFF830  }
0x94: {  	[tilespmem:s2], [sflag:$0x1] =	stream.linear.gather [hbm4b:s9+s1], $0x7D0, $0x38;
	[tilespmem:$0x7530] =	vst v63  }
0x95: {  	_ =	swait.ge [sflag:s31], $0x7D0  }
0x96: {  	[sflag:s31] =	ssyncset.done $0x0  }
0x97: {  	s10 =	simm.s32 $0x5DE0;
	[sflag:s31] =	ssyncadd.s32 $0xFFFFF830  }
0x98: {  	v8 =	vld [tilespmem:s10+$0x10]  }
0x99: {  	s11 =	simm.s32 $0x4E40;
	v9 =	vld [tilespmem:s10+$0xFFFFFFE0]  }
0x9a: {  	s12 =	simm.s32 $0x5610;
	v10 =	vld [tilespmem:s11+$0x10]  }
0x9b: {  	v11 =	vld [tilespmem:s12+$0x10]  }
0x9c: {  	v1 =	vld [tilespmem:s10+$0xFFFFFFF0]  }
0x9d: {  	v12 =	vld [tilespmem:s10+$0x0]  }
0x9e: {  	v3 =	vld [tilespmem:s12+$0xFFFFFFE0]  }
0x9f: {  	v6 =	vld [tilespmem:s11+$0xFFFFFFF0];
	vm1 =	vlt.f32 v8, $0.0e+00  }
0xa0: {  	v7 =	vld [tilespmem:s12+$0xFFFFFFF0];
	v2 =	vsel vm1, $0x2710, v0  }
0xa1: {  	v13 =	vld [tilespmem:s11+$0x0];
	vm0 =	vlt.f32 v9, $0.0e+00;
	v4 =	vadd.s32 v10, v2  }
0xa2: {  	vm2 =	vlt.f32 v1, $0.0e+00;
	v14 =	vsel vm0, $0x2710, v0;
	v2 =	vadd.s32 v11, v2  }
0xa3: {  	v5 =	vsel vm2, $0x2710, v0;
	v15 =	vadd.s32 v3, v14  }
0xa4: {  	v16 =	vld [tilespmem:s12+$0x0];
	vm3 =	vlt.f32 v12, $0.0e+00;
	v17 =	vadd.s32 v6, v5  }
0xa5: {  	v18 =	vld [tilespmem:s11+$0xFFFFFFE0];
	v19 =	vsel vm3, $0x2710, v0;
	v5 =	vadd.s32 v7, v5  }
0xa6: {  	v21 =	vadd.s32 v13, v19;
	v20 =	vld.idx.msk [tilespmem:v4+s1+$0x0], $0xffff  }
0xa7: {  	v22 =	vld.idx.msk [tilespmem:v2+s1+$0x0], $0xffff  }
0xa8: {  	v4 =	vld.idx.msk [tilespmem:v15+s1+$0x0], $0xffff  }
0xa9: {  	v15 =	vld.idx.msk [tilespmem:v17+s1+$0x0], $0xffff  }
0xaa: {  	v17 =	vld.idx.msk [tilespmem:v5+s1+$0x0], $0xffff  }
0xab: {  	s13 =	simm.s32 $0x5E20;
	v5 =	vld.idx.msk [tilespmem:v21+s1+$0x0], $0xffff;
	v21 =	vsel vm2, $0x9C40, v0  }
0xac: {  	v24 =	vand.u32 $0x7FFFFFFF, v1;
	v8 =	vand.u32 $0x7FFFFFFF, v8;
	v2 =	vld [tilespmem:s13+$0x10];
	v1 =	vadd.s32 v7, v21  }
0xad: {  	s6 =	simm.s32 $0x4E80;
	v23 =	vsel vm0, $0x9C40, v0;
	v25 =	vsel vm3, $0x9C40, v0;
	v21 =	vld [tilespmem:s13+$0xFFFFFFE0];
	v1 =	vshll.u32 v1, $0xE  }
0xae: {  	s7 =	simm.s32 $0x5650;
	v3 =	vadd.s32 v3, v23;
	v7 =	vld [tilespmem:s6+$0x10];
	v26 =	vadd.s32 v6, v1;
	v1 =	vadd.s32 v16, v25  }
0xaf: {  	v14 =	vadd.s32 v18, v14;
	v3 =	vshll.u32 v3, $0xE;
	v6 =	vld [tilespmem:s7+$0x10];
	v1 =	vshll.u32 v1, $0xE  }
0xb0: {  	v3 =	vadd.s32 v18, v3;
	v16 =	vadd.s32 v16, v19;
	v19 =	vld [tilespmem:s13+$0xFFFFFFF0];
	v1 =	vadd.s32 v13, v1  }
0xb1: {  	v13 =	vld [tilespmem:s13+$0x0];
	vm0 =	vlt.f32 v2, $0.0e+00;
	v18 =	vmul.f32 v22, v20;
	v20 =	vsel vm1, $0x9C40, v0  }
0xb2: {  	v22 =	vld [tilespmem:s7+$0xFFFFFFE0];
	v23 =	vsel vm0, $0x2710, v0;
	v11 =	vadd.s32 v11, v20;
	vm1 =	vlt.f32 v21, $0.0e+00  }
0xb3: {  	v20 =	vld [tilespmem:s6+$0xFFFFFFF0];
	v25 =	vadd.s32 v7, v23;
	v18 =	vmul.f32 v18, v8;
	v8 =	vshll.u32 v11, $0xE  }
0xb4: {  	v11 =	vld [tilespmem:s7+$0xFFFFFFF0];
	v23 =	vadd.s32 v6, v23;
	v27 =	vadd.s32 v10, v8;
	v8 =	vmul.f32 v17, v15  }
0xb5: {  	v28 =	vld [tilespmem:s6+$0x0];
	v17 =	vsel vm1, $0x2710, v0;
	v10 =	vsel vm1, $0x9C40, v0;
	vm1 =	vlt.f32 v19, $0.0e+00  }
0xb6: {  	v29 =	vld [tilespmem:s7+$0x0];
	v15 =	vsel vm1, $0x9C40, v0  }
0xb7: {  	v30 =	vld [tilespmem:s6+$0xFFFFFFE0];
	v24 =	vmul.f32 v8, v24;
	v8 =	vsel vm1, $0x2710, v0;
	v31 =	vadd.s32 v22, v17  }
0xb8: {  	vm1 =	vlt.f32 v13, $0.0e+00;
	v33 =	vadd.s32 v22, v10;
	v22 =	vld.idx.msk [tilespmem:v16+s1+$0x0], $0xffff;
	v32 =	vadd.s32 v20, v8  }
0xb9: {  	v34 =	vsel vm1, $0x2710, v0;
	v25 =	vld.idx.msk [tilespmem:v25+s1+$0x0], $0xffff;
	v35 =	vadd.s32 v11, v8  }
0xba: {  	s8 =	simm.s32 $0x65B0;
	v10 =	vand.u32 $0x7FFFFFFF, v19;
	v16 =	vshll.u32 v33, $0xE;
	v38 =	vadd.s32 v28, v34;
	v36 =	vld.idx.msk [tilespmem:v23+s1+$0x0], $0xffff  }
0xbb: {  	s9 =	simm.s32 $0x6D80;
	[tilespmem:s8+$0x10] =	vst v18;
	v8 =	vand.u32 $0x7FFFFFFF, v9;
	v37 =	vadd.s32 v11, v15;
	v9 =	vand.u32 $0x7FFFFFFF, v12;
	v23 =	vld.idx.msk [tilespmem:v14+s1+$0x0], $0xffff  }
0xbc: {  	[tilespmem:s9+$0x10] =	vst v27;
	v11 =	vand.u32 $0x7FFFFFFF, v21;
	v14 =	vsel vm1, $0x9C40, v0;
	v12 =	vshll.u32 v37, $0xE;
	v18 =	vld.idx.msk [tilespmem:v31+s1+$0x0], $0xffff  }
0xbd: {  	v15 =	vand.u32 $0x7FFFFFFF, v13;
	[tilespmem:s8+$0xFFFFFFF0] =	vst v24;
	v12 =	vadd.s32 v20, v12;
	v20 =	vadd.s32 v29, v14;
	v19 =	vld.idx.msk [tilespmem:v32+s1+$0x0], $0xffff  }
0xbe: {  	s12 =	simm.s32 $0x4;
	v13 =	vadd.s32 v29, v34;
	[tilespmem:s9+$0xFFFFFFF0] =	vst v26;
	v14 =	vadd.s32 v30, v17;
	v20 =	vshll.u32 v20, $0xE;
	v21 =	vld.idx.msk [tilespmem:v35+s1+$0x0], $0xffff  }
0xbf: {  	s11 =	simm.s32 $0x65B0;
	s10 =	simm.s32 $0x6D80;
	s13 =	simm.s32 $0x5E60;
	v17 =	vadd.s32 v30, v16;
	v16 =	vadd.s32 v28, v20;
	v20 =	vld.idx.msk [tilespmem:v38+s1+$0x0], $0xffff;
	v24 =	vmul.f32 v36, v25  }
.LBB2_4:
0xc0: {  	v25 =	vand.u32 $0x7FFFFFFF, v2;
	v2 =	vld [tilespmem:s13+$0x10];
	v26 =	vsel vm0, $0x9C40, v0;
	v27 =	vmul.f32 v4, v23  }
0xc1: {  	s6 =	sadd.s32 $0x40, s6;
	v5 =	vmul.f32 v22, v5;
	v23 =	vld [tilespmem:s13+$0xFFFFFFE0];
	v24 =	vmul.f32 v24, v25;
	v6 =	vadd.s32 v6, v26  }
0xc2: {  	s12 =	sadd.s32 $0x4, s12;
	s7 =	sadd.s32 $0x40, s7;
	s8 =	sadd.s32 $0x40, s8;
	v4 =	vmovc v18;
	v22 =	vld [tilespmem:s6+$0x10];
	v25 =	vshll.u32 v6, $0xE;
	v26 =	vmul.f32 v27, v8;
	v8 =	vmov v11  }
0xc3: {  	s9 =	sadd.s32 $0x40, s9;
	p0 =	slt.u32 s12, $0x78;
	v18 =	vmul.f32 v5, v9;
	v9 =	vmov v15;
	v6 =	vld [tilespmem:s7+$0x10];
	[tilespmem:s8+$0x10] =	vst v24;
	v7 =	vadd.s32 v7, v25  }
0xc4: {  	v19 =	vmul.f32 v21, v19;
	v15 =	vld [tilespmem:s13+$0xFFFFFFF0];
	[tilespmem:s9+$0x10] =	vst v7  }
0xc5: {  	v5 =	vmov v20;
	v21 =	vld [tilespmem:s13+$0x0];
	vm0 =	vlt.f32 v2, $0.0e+00;
	[tilespmem:s11+$0xFFFFFFE0] =	vst v26  }
0xc6: {  	v20 =	vld [tilespmem:s7+$0xFFFFFFE0];
	vm1 =	vlt.f32 v23, $0.0e+00;
	v11 =	vand.u32 $0x7FFFFFFF, v23;
	v23 =	vsel vm0, $0x2710, v0;
	[tilespmem:s10+$0xFFFFFFE0] =	vst v3;
	v3 =	vmovc v17  }
0xc7: {  	v17 =	vsel vm1, $0x2710, v0;
	v24 =	vsel vm1, $0x9C40, v0;
	v25 =	vld [tilespmem:s6+$0xFFFFFFF0];
	v26 =	vadd.s32 v22, v23;
	[tilespmem:s11+$0x0] =	vst v18;
	v7 =	vmovc v22;
	s11 =	smov.u32 s8  }
0xc8: {  	v19 =	vmul.f32 v19, v10;
	v18 =	vld [tilespmem:s7+$0xFFFFFFF0];
	v22 =	vadd.s32 v6, v23;
	[tilespmem:s10+$0x0] =	vst v1;
	v1 =	vmov v16;
	s10 =	smov.u32 s9  }
0xc9: {  	vm1 =	vlt.f32 v15, $0.0e+00;
	v10 =	vand.u32 $0x7FFFFFFF, v15;
	v16 =	vld [tilespmem:s6+$0x0]  }
0xca: {  	v23 =	vsel vm1, $0x2710, v0;
	v27 =	vsel vm1, $0x9C40, v0;
	v28 =	vld [tilespmem:s7+$0x0];
	vm1 =	vlt.f32 v21, $0.0e+00;
	[tilespmem:s8+$0xFFFFFFF0] =	vst v19  }
0xcb: {  	v19 =	vld [tilespmem:s6+$0xFFFFFFE0];
	v29 =	vadd.s32 v20, v17;
	v30 =	vsel vm1, $0x2710, v0;
	v31 =	vsel vm1, $0x9C40, v0;
	[tilespmem:s9+$0xFFFFFFF0] =	vst v12  }
0xcc: {  	v15 =	vand.u32 $0x7FFFFFFF, v21;
	v12 =	vadd.s32 v20, v24;
	v20 =	vadd.s32 v25, v23;
	v24 =	vld.idx.msk [tilespmem:v26+s1+$0x0], $0xffff  }
0xcd: {  	v21 =	vshll.u32 v12, $0xE;
	v26 =	vadd.s32 v18, v23;
	v12 =	vadd.s32 v18, v27;
	v27 =	vld.idx.msk [tilespmem:v22+s1+$0x0], $0xffff  }
0xce: {  	v12 =	vshll.u32 v12, $0xE;
	v32 =	vadd.s32 v16, v30;
	v23 =	vld.idx.msk [tilespmem:v14+s1+$0x0], $0xffff  }
.Ltmp1:
0xcf: {  	v12 =	vadd.s32 v25, v12;
	v25 =	vadd.s32 v28, v31;
	v22 =	vld.idx.msk [tilespmem:v13+s1+$0x0], $0xffff;
	v13 =	vadd.s32 v28, v30;
	(pc) =	sbr.rel @p0 .LBB2_4-.Ltmp1, $4  }
0xd0: {  	v14 =	vadd.s32 v19, v17;
	v18 =	vld.idx.msk [tilespmem:v29+s1+$0x0], $0xffff;
	v17 =	vadd.s32 v19, v21;
	v21 =	vshll.u32 v25, $0xE  }
0xd1: {  	v19 =	vld.idx.msk [tilespmem:v20+s1+$0x0], $0xffff;
	v16 =	vadd.s32 v16, v21  }
0xd2: {  	v21 =	vld.idx.msk [tilespmem:v26+s1+$0x0], $0xffff  }
0xd3: {  	s13 =	sadd.s32 $0x40, s13;
	v24 =	vmul.f32 v27, v24;
	v20 =	vld.idx.msk [tilespmem:v32+s1+$0x0], $0xffff  }
0xd4: {  	_ =	sdelay $0x1  }
0xd5: {  	v2 =	vand.u32 $0x7FFFFFFF, v2;
	v25 =	vsel vm0, $0x9C40, v0  }
0xd6: {  	v4 =	vmul.f32 v4, v23;
	v2 =	vmul.f32 v24, v2;
	v6 =	vadd.s32 v6, v25  }
0xd7: {  	s6 =	sadd.s32 $0x40, s8;
	v14 =	vld.idx.msk [tilespmem:v14+s1+$0x0], $0xffff;
	v5 =	vmul.f32 v22, v5;
	v6 =	vshll.u32 v6, $0xE  }
0xd8: {  	s7 =	sadd.s32 $0x40, s9;
	v4 =	vmul.f32 v4, v8;
	[tilespmem:s6+$0x10] =	vst v2;
	v2 =	vadd.s32 v7, v6  }
0xd9: {  	v5 =	vmul.f32 v5, v9;
	[tilespmem:s7+$0x10] =	vst v2;
	v2 =	vld.idx.msk [tilespmem:v13+s1+$0x0], $0xffff  }
0xda: {  	v6 =	vmul.f32 v21, v19;
	[tilespmem:s11+$0xFFFFFFE0] =	vst v4  }
0xdb: {  	[tilespmem:s11+$0x0] =	vst v5  }
0xdc: {  	[tilespmem:s10+$0xFFFFFFE0] =	vst v3;
	v3 =	vmul.f32 v6, v10;
	v4 =	vmul.f32 v18, v14  }
0xdd: {  	[tilespmem:s10+$0x0] =	vst v1  }
0xde: {  	[tilespmem:s6+$0xFFFFFFF0] =	vst v3;
	v1 =	vmul.f32 v2, v20;
	v2 =	vmul.f32 v4, v11  }
0xdf: {  	[tilespmem:s7+$0xFFFFFFF0] =	vst v12  }
0xe0: {  	v1 =	vmul.f32 v1, v15;
	[tilespmem:s6+$0xFFFFFFE0] =	vst v2  }
0xe1: {  	[tilespmem:s7+$0xFFFFFFE0] =	vst v17  }
0xe2: {  	[tilespmem:s6+$0x0] =	vst v1  }
0xe3: {  	[tilespmem:s7+$0x0] =	vst v16  }
0xe4: {  	v1 =	vld [tilespmem:$0x6580];
	_ =	sdelay $0x1  }
0xe5: {  	v2 =	vld [tilespmem:$0x55E0]  }
0xe6: {  	v3 =	vld [tilespmem:$0x5DB0];
	_ =	sdelay $0x1  }
0xe7: {  	vm0 =	vlt.f32 v1, $0.0e+00  }
0xe8: {  	v4 =	vsel vm0, $0x2710, v0  }
0xe9: {  	v5 =	vadd.s32 v2, v4  }
0xea: {  	v4 =	vadd.s32 v3, v4;
	_ =	sdelay $0x3  }
0xeb: {  	v5 =	vld.idx.msk [tilespmem:v5+s1+$0x0], $0xffff  }
0xec: {  	v4 =	vld.idx.msk [tilespmem:v4+s1+$0x0], $0xffff;
	_ =	sdelay $0x4  }
0xed: {  	v4 =	vmul.f32 v4, v5  }
0xee: {  	v1 =	vand.u32 $0x7FFFFFFF, v1;
	v5 =	vsel vm0, $0x9C40, v0  }
0xef: {  	v3 =	vadd.s32 v3, v5;
	v1 =	vmul.f32 v4, v1  }
0xf0: {  	v3 =	vshll.u32 v3, $0xE  }
0xf1: {  	[tilespmem:$0x6D50] =	vst v1;
	v1 =	vadd.s32 v2, v3  }
0xf2: {  	s6 =	rddreg [dreg:$0xb];
	[tilespmem:$0x7520] =	vst v1  }
0xf3: {  	[hbm4b:s6+s1] =	stream.linear.scatter [tilespmem:s3], [sflag:$0x1], $0x7D0, $0x38;
	[tilespmem:$0x7530] =	vst v63  }
0xf4: {  	_ =	swait.ge [sflag:s31], $0x7D0  }
0xf5: {  	[sflag:s31] =	ssyncset.done $0x0  }
0xf6: {  	s7 =	rddreg [dreg:$0xc];
	[sflag:s31] =	ssyncadd.s32 $0xFFFFF830  }
0xf7: {  	[hbm4b:s7+s1] =	stream.linear.scatter [tilespmem:s4], [sflag:$0x1], $0x7D0, $0x38;
	[tilespmem:$0x7530] =	vst v63  }
0xf8: {  	_ =	swait.ge [sflag:s31], $0x7D0  }
0xf9: {  	[sflag:s31] =	ssyncset.done $0x0  }
0xfa: {  	s8 =	rddreg [dreg:$0xd];
	[sflag:s31] =	ssyncadd.s32 $0xFFFFF830  }
0xfb: {  	[tilespmem:s19], [sflag:$0x1] =	stream.linear.gather [hbm4b:s8+s1], $0x7D0, $0x38;
	[tilespmem:$0x7530] =	vst v63  }
0xfc: {  	_ =	swait.ge [sflag:s31], $0x7D0  }
0xfd: {  	[sflag:s31] =	ssyncset.done $0x0  }
0xfe: {  	s9 =	rddreg [dreg:$0xe];
	[sflag:s31] =	ssyncadd.s32 $0xFFFFF830  }
0xff: {  	[tilespmem:s0], [sflag:$0x1] =	stream.linear.gather [hbm4b:s9+s1], $0x7D0, $0x38;
	[tilespmem:$0x7530] =	vst v63  }
0x100: {  	_ =	swait.ge [sflag:s31], $0x7D0  }
0x101: {  	[sflag:s31] =	ssyncset.done $0x0  }
0x102: {  	[sflag:s31] =	ssyncadd.s32 $0xFFFFF830  }
0x103: {  	[tilespmem:s2], [sflag:$0x1] =	stream.linear.gather [hbm4b:s14+s1], $0x7D0, $0x38;
	[tilespmem:$0x7530] =	vst v63  }
0x104: {  	_ =	swait.ge [sflag:s31], $0x7D0  }
0x105: {  	[sflag:s31] =	ssyncset.done $0x0  }
0x106: {  	s10 =	simm.s32 $0x5DE0;
	[sflag:s31] =	ssyncadd.s32 $0xFFFFF830  }
0x107: {  	v8 =	vld [tilespmem:s10+$0x10]  }
0x108: {  	s11 =	simm.s32 $0x4E40;
	v9 =	vld [tilespmem:s10+$0xFFFFFFE0]  }
0x109: {  	s12 =	simm.s32 $0x5610;
	v10 =	vld [tilespmem:s11+$0x10]  }
0x10a: {  	v11 =	vld [tilespmem:s12+$0x10]  }
0x10b: {  	v1 =	vld [tilespmem:s10+$0xFFFFFFF0]  }
0x10c: {  	v12 =	vld [tilespmem:s10+$0x0]  }
0x10d: {  	v3 =	vld [tilespmem:s12+$0xFFFFFFE0]  }
0x10e: {  	v6 =	vld [tilespmem:s11+$0xFFFFFFF0];
	vm1 =	vlt.f32 v8, $0.0e+00  }
0x10f: {  	v7 =	vld [tilespmem:s12+$0xFFFFFFF0];
	v2 =	vsel vm1, $0x2710, v0  }
0x110: {  	v13 =	vld [tilespmem:s11+$0x0];
	vm0 =	vlt.f32 v9, $0.0e+00;
	v4 =	vadd.s32 v10, v2  }
0x111: {  	vm2 =	vlt.f32 v1, $0.0e+00;
	v14 =	vsel vm0, $0x2710, v0;
	v2 =	vadd.s32 v11, v2  }
0x112: {  	v5 =	vsel vm2, $0x2710, v0;
	v15 =	vadd.s32 v3, v14  }
0x113: {  	v16 =	vld [tilespmem:s12+$0x0];
	vm3 =	vlt.f32 v12, $0.0e+00;
	v17 =	vadd.s32 v6, v5  }
0x114: {  	v18 =	vld [tilespmem:s11+$0xFFFFFFE0];
	v19 =	vsel vm3, $0x2710, v0;
	v5 =	vadd.s32 v7, v5  }
0x115: {  	v21 =	vadd.s32 v13, v19;
	v20 =	vld.idx.msk [tilespmem:v4+s1+$0x0], $0xffff  }
0x116: {  	v22 =	vld.idx.msk [tilespmem:v2+s1+$0x0], $0xffff  }
0x117: {  	v4 =	vld.idx.msk [tilespmem:v15+s1+$0x0], $0xffff  }
0x118: {  	v15 =	vld.idx.msk [tilespmem:v17+s1+$0x0], $0xffff  }
0x119: {  	v17 =	vld.idx.msk [tilespmem:v5+s1+$0x0], $0xffff  }
0x11a: {  	s13 =	simm.s32 $0x5E20;
	v5 =	vld.idx.msk [tilespmem:v21+s1+$0x0], $0xffff;
	v21 =	vsel vm2, $0x9C40, v0  }
0x11b: {  	v24 =	vand.u32 $0x7FFFFFFF, v1;
	v8 =	vand.u32 $0x7FFFFFFF, v8;
	v2 =	vld [tilespmem:s13+$0x10];
	v1 =	vadd.s32 v7, v21  }
0x11c: {  	s6 =	simm.s32 $0x4E80;
	v23 =	vsel vm0, $0x9C40, v0;
	v25 =	vsel vm3, $0x9C40, v0;
	v21 =	vld [tilespmem:s13+$0xFFFFFFE0];
	v1 =	vshll.u32 v1, $0xE  }
0x11d: {  	s7 =	simm.s32 $0x5650;
	v3 =	vadd.s32 v3, v23;
	v7 =	vld [tilespmem:s6+$0x10];
	v26 =	vadd.s32 v6, v1;
	v1 =	vadd.s32 v16, v25  }
0x11e: {  	v14 =	vadd.s32 v18, v14;
	v3 =	vshll.u32 v3, $0xE;
	v6 =	vld [tilespmem:s7+$0x10];
	v1 =	vshll.u32 v1, $0xE  }
0x11f: {  	v3 =	vadd.s32 v18, v3;
	v16 =	vadd.s32 v16, v19;
	v19 =	vld [tilespmem:s13+$0xFFFFFFF0];
	v1 =	vadd.s32 v13, v1  }
0x120: {  	v13 =	vld [tilespmem:s13+$0x0];
	vm0 =	vlt.f32 v2, $0.0e+00;
	v18 =	vmul.f32 v22, v20;
	v20 =	vsel vm1, $0x9C40, v0  }
0x121: {  	v22 =	vld [tilespmem:s7+$0xFFFFFFE0];
	v23 =	vsel vm0, $0x2710, v0;
	v11 =	vadd.s32 v11, v20;
	vm1 =	vlt.f32 v21, $0.0e+00  }
0x122: {  	v20 =	vld [tilespmem:s6+$0xFFFFFFF0];
	v25 =	vadd.s32 v7, v23;
	v18 =	vmul.f32 v18, v8;
	v8 =	vshll.u32 v11, $0xE  }
0x123: {  	v11 =	vld [tilespmem:s7+$0xFFFFFFF0];
	v23 =	vadd.s32 v6, v23;
	v27 =	vadd.s32 v10, v8;
	v8 =	vmul.f32 v17, v15  }
0x124: {  	v28 =	vld [tilespmem:s6+$0x0];
	v17 =	vsel vm1, $0x2710, v0;
	v10 =	vsel vm1, $0x9C40, v0;
	vm1 =	vlt.f32 v19, $0.0e+00  }
0x125: {  	v29 =	vld [tilespmem:s7+$0x0];
	v15 =	vsel vm1, $0x9C40, v0  }
0x126: {  	v30 =	vld [tilespmem:s6+$0xFFFFFFE0];
	v24 =	vmul.f32 v8, v24;
	v8 =	vsel vm1, $0x2710, v0;
	v31 =	vadd.s32 v22, v17  }
0x127: {  	vm1 =	vlt.f32 v13, $0.0e+00;
	v33 =	vadd.s32 v22, v10;
	v22 =	vld.idx.msk [tilespmem:v16+s1+$0x0], $0xffff;
	v32 =	vadd.s32 v20, v8  }
0x128: {  	v34 =	vsel vm1, $0x2710, v0;
	v25 =	vld.idx.msk [tilespmem:v25+s1+$0x0], $0xffff;
	v35 =	vadd.s32 v11, v8  }
0x129: {  	s8 =	simm.s32 $0x65B0;
	v10 =	vand.u32 $0x7FFFFFFF, v19;
	v16 =	vshll.u32 v33, $0xE;
	v38 =	vadd.s32 v28, v34;
	v36 =	vld.idx.msk [tilespmem:v23+s1+$0x0], $0xffff  }
0x12a: {  	s9 =	simm.s32 $0x6D80;
	[tilespmem:s8+$0x10] =	vst v18;
	v8 =	vand.u32 $0x7FFFFFFF, v9;
	v37 =	vadd.s32 v11, v15;
	v9 =	vand.u32 $0x7FFFFFFF, v12;
	v23 =	vld.idx.msk [tilespmem:v14+s1+$0x0], $0xffff  }
0x12b: {  	[tilespmem:s9+$0x10] =	vst v27;
	v11 =	vand.u32 $0x7FFFFFFF, v21;
	v14 =	vsel vm1, $0x9C40, v0;
	v12 =	vshll.u32 v37, $0xE;
	v18 =	vld.idx.msk [tilespmem:v31+s1+$0x0], $0xffff  }
0x12c: {  	v15 =	vand.u32 $0x7FFFFFFF, v13;
	[tilespmem:s8+$0xFFFFFFF0] =	vst v24;
	v12 =	vadd.s32 v20, v12;
	v20 =	vadd.s32 v29, v14;
	v19 =	vld.idx.msk [tilespmem:v32+s1+$0x0], $0xffff  }
0x12d: {  	s12 =	simm.s32 $0x4;
	v13 =	vadd.s32 v29, v34;
	[tilespmem:s9+$0xFFFFFFF0] =	vst v26;
	v14 =	vadd.s32 v30, v17;
	v20 =	vshll.u32 v20, $0xE;
	v21 =	vld.idx.msk [tilespmem:v35+s1+$0x0], $0xffff  }
0x12e: {  	s11 =	simm.s32 $0x65B0;
	s10 =	simm.s32 $0x6D80;
	s13 =	simm.s32 $0x5E60;
	v17 =	vadd.s32 v30, v16;
	v16 =	vadd.s32 v28, v20;
	v20 =	vld.idx.msk [tilespmem:v38+s1+$0x0], $0xffff;
	v24 =	vmul.f32 v36, v25  }
.LBB2_6:
0x12f: {  	v25 =	vand.u32 $0x7FFFFFFF, v2;
	v2 =	vld [tilespmem:s13+$0x10];
	v26 =	vsel vm0, $0x9C40, v0;
	v27 =	vmul.f32 v4, v23  }
0x130: {  	s6 =	sadd.s32 $0x40, s6;
	v5 =	vmul.f32 v22, v5;
	v23 =	vld [tilespmem:s13+$0xFFFFFFE0];
	v24 =	vmul.f32 v24, v25;
	v6 =	vadd.s32 v6, v26  }
0x131: {  	s12 =	sadd.s32 $0x4, s12;
	s7 =	sadd.s32 $0x40, s7;
	s8 =	sadd.s32 $0x40, s8;
	v4 =	vmovc v18;
	v22 =	vld [tilespmem:s6+$0x10];
	v25 =	vshll.u32 v6, $0xE;
	v26 =	vmul.f32 v27, v8;
	v8 =	vmov v11  }
0x132: {  	s9 =	sadd.s32 $0x40, s9;
	p0 =	slt.u32 s12, $0x78;
	v18 =	vmul.f32 v5, v9;
	v9 =	vmov v15;
	v6 =	vld [tilespmem:s7+$0x10];
	[tilespmem:s8+$0x10] =	vst v24;
	v7 =	vadd.s32 v7, v25  }
0x133: {  	v19 =	vmul.f32 v21, v19;
	v15 =	vld [tilespmem:s13+$0xFFFFFFF0];
	[tilespmem:s9+$0x10] =	vst v7  }
0x134: {  	v5 =	vmov v20;
	v21 =	vld [tilespmem:s13+$0x0];
	vm0 =	vlt.f32 v2, $0.0e+00;
	[tilespmem:s11+$0xFFFFFFE0] =	vst v26  }
0x135: {  	v20 =	vld [tilespmem:s7+$0xFFFFFFE0];
	vm1 =	vlt.f32 v23, $0.0e+00;
	v11 =	vand.u32 $0x7FFFFFFF, v23;
	v23 =	vsel vm0, $0x2710, v0;
	[tilespmem:s10+$0xFFFFFFE0] =	vst v3;
	v3 =	vmovc v17  }
0x136: {  	v17 =	vsel vm1, $0x2710, v0;
	v24 =	vsel vm1, $0x9C40, v0;
	v25 =	vld [tilespmem:s6+$0xFFFFFFF0];
	v26 =	vadd.s32 v22, v23;
	[tilespmem:s11+$0x0] =	vst v18;
	v7 =	vmovc v22;
	s11 =	smov.u32 s8  }
0x137: {  	v19 =	vmul.f32 v19, v10;
	v18 =	vld [tilespmem:s7+$0xFFFFFFF0];
	v22 =	vadd.s32 v6, v23;
	[tilespmem:s10+$0x0] =	vst v1;
	v1 =	vmov v16;
	s10 =	smov.u32 s9  }
0x138: {  	vm1 =	vlt.f32 v15, $0.0e+00;
	v10 =	vand.u32 $0x7FFFFFFF, v15;
	v16 =	vld [tilespmem:s6+$0x0]  }
0x139: {  	v23 =	vsel vm1, $0x2710, v0;
	v27 =	vsel vm1, $0x9C40, v0;
	v28 =	vld [tilespmem:s7+$0x0];
	vm1 =	vlt.f32 v21, $0.0e+00;
	[tilespmem:s8+$0xFFFFFFF0] =	vst v19  }
0x13a: {  	v19 =	vld [tilespmem:s6+$0xFFFFFFE0];
	v29 =	vadd.s32 v20, v17;
	v30 =	vsel vm1, $0x2710, v0;
	v31 =	vsel vm1, $0x9C40, v0;
	[tilespmem:s9+$0xFFFFFFF0] =	vst v12  }
0x13b: {  	v15 =	vand.u32 $0x7FFFFFFF, v21;
	v12 =	vadd.s32 v20, v24;
	v20 =	vadd.s32 v25, v23;
	v24 =	vld.idx.msk [tilespmem:v26+s1+$0x0], $0xffff  }
0x13c: {  	v21 =	vshll.u32 v12, $0xE;
	v26 =	vadd.s32 v18, v23;
	v12 =	vadd.s32 v18, v27;
	v27 =	vld.idx.msk [tilespmem:v22+s1+$0x0], $0xffff  }
0x13d: {  	v12 =	vshll.u32 v12, $0xE;
	v32 =	vadd.s32 v16, v30;
	v23 =	vld.idx.msk [tilespmem:v14+s1+$0x0], $0xffff  }
.Ltmp2:
0x13e: {  	v12 =	vadd.s32 v25, v12;
	v25 =	vadd.s32 v28, v31;
	v22 =	vld.idx.msk [tilespmem:v13+s1+$0x0], $0xffff;
	v13 =	vadd.s32 v28, v30;
	(pc) =	sbr.rel @p0 .LBB2_6-.Ltmp2, $4  }
0x13f: {  	v14 =	vadd.s32 v19, v17;
	v18 =	vld.idx.msk [tilespmem:v29+s1+$0x0], $0xffff;
	v17 =	vadd.s32 v19, v21;
	v21 =	vshll.u32 v25, $0xE  }
0x140: {  	v19 =	vld.idx.msk [tilespmem:v20+s1+$0x0], $0xffff;
	v16 =	vadd.s32 v16, v21  }
0x141: {  	v21 =	vld.idx.msk [tilespmem:v26+s1+$0x0], $0xffff  }
0x142: {  	s13 =	sadd.s32 $0x40, s13;
	v24 =	vmul.f32 v27, v24;
	v20 =	vld.idx.msk [tilespmem:v32+s1+$0x0], $0xffff  }
0x143: {  	_ =	sdelay $0x1  }
0x144: {  	v2 =	vand.u32 $0x7FFFFFFF, v2;
	v25 =	vsel vm0, $0x9C40, v0  }
0x145: {  	v4 =	vmul.f32 v4, v23;
	v2 =	vmul.f32 v24, v2;
	v6 =	vadd.s32 v6, v25  }
0x146: {  	s6 =	sadd.s32 $0x40, s8;
	v14 =	vld.idx.msk [tilespmem:v14+s1+$0x0], $0xffff;
	v5 =	vmul.f32 v22, v5;
	v6 =	vshll.u32 v6, $0xE  }
0x147: {  	s7 =	sadd.s32 $0x40, s9;
	v4 =	vmul.f32 v4, v8;
	[tilespmem:s6+$0x10] =	vst v2;
	v2 =	vadd.s32 v7, v6  }
0x148: {  	v5 =	vmul.f32 v5, v9;
	[tilespmem:s7+$0x10] =	vst v2;
	v2 =	vld.idx.msk [tilespmem:v13+s1+$0x0], $0xffff  }
0x149: {  	v6 =	vmul.f32 v21, v19;
	[tilespmem:s11+$0xFFFFFFE0] =	vst v4  }
0x14a: {  	[tilespmem:s11+$0x0] =	vst v5  }
0x14b: {  	[tilespmem:s10+$0xFFFFFFE0] =	vst v3;
	v3 =	vmul.f32 v6, v10;
	v4 =	vmul.f32 v18, v14  }
0x14c: {  	[tilespmem:s10+$0x0] =	vst v1  }
0x14d: {  	[tilespmem:s6+$0xFFFFFFF0] =	vst v3;
	v1 =	vmul.f32 v2, v20;
	v2 =	vmul.f32 v4, v11  }
0x14e: {  	[tilespmem:s7+$0xFFFFFFF0] =	vst v12  }
0x14f: {  	v1 =	vmul.f32 v1, v15;
	[tilespmem:s6+$0xFFFFFFE0] =	vst v2  }
0x150: {  	[tilespmem:s7+$0xFFFFFFE0] =	vst v17  }
0x151: {  	[tilespmem:s6+$0x0] =	vst v1  }
0x152: {  	[tilespmem:s7+$0x0] =	vst v16  }
0x153: {  	v1 =	vld [tilespmem:$0x6580];
	_ =	sdelay $0x1  }
0x154: {  	v2 =	vld [tilespmem:$0x55E0]  }
0x155: {  	v3 =	vld [tilespmem:$0x5DB0];
	_ =	sdelay $0x1  }
0x156: {  	vm0 =	vlt.f32 v1, $0.0e+00  }
0x157: {  	v4 =	vsel vm0, $0x2710, v0  }
0x158: {  	v5 =	vadd.s32 v2, v4  }
0x159: {  	v4 =	vadd.s32 v3, v4;
	_ =	sdelay $0x3  }
0x15a: {  	v5 =	vld.idx.msk [tilespmem:v5+s1+$0x0], $0xffff  }
0x15b: {  	v4 =	vld.idx.msk [tilespmem:v4+s1+$0x0], $0xffff;
	_ =	sdelay $0x4  }
0x15c: {  	v4 =	vmul.f32 v4, v5  }
0x15d: {  	v1 =	vand.u32 $0x7FFFFFFF, v1;
	v5 =	vsel vm0, $0x9C40, v0  }
0x15e: {  	v3 =	vadd.s32 v3, v5;
	v1 =	vmul.f32 v4, v1  }
0x15f: {  	v3 =	vshll.u32 v3, $0xE  }
0x160: {  	[tilespmem:$0x6D50] =	vst v1;
	v1 =	vadd.s32 v2, v3  }
0x161: {  	[tilespmem:$0x7520] =	vst v1  }
0x162: {  	[hbm4b:s15+s1] =	stream.linear.scatter [tilespmem:s3], [sflag:$0x1], $0x7D0, $0x38;
	[tilespmem:$0x7530] =	vst v63  }
0x163: {  	_ =	swait.ge [sflag:s31], $0x7D0  }
0x164: {  	[sflag:s31] =	ssyncset.done $0x0  }
0x165: {  	[sflag:s31] =	ssyncadd.s32 $0xFFFFF830  }
0x166: {  	[hbm4b:s16+s1] =	stream.linear.scatter [tilespmem:s4], [sflag:$0x1], $0x7D0, $0x38;
	[tilespmem:$0x7530] =	vst v63  }
0x167: {  	_ =	swait.ge [sflag:s31], $0x7D0  }
0x168: {  	[sflag:s31] =	ssyncset.done $0x0  }
0x169: {  	[sflag:s31] =	ssyncadd.s32 $0xFFFFF830  }
0x16a: {  	[tilespmem:s19], [sflag:$0x1] =	stream.linear.gather [hbm4b:s17+s1], $0x7D0, $0x38;
	[tilespmem:$0x7530] =	vst v63  }
0x16b: {  	_ =	swait.ge [sflag:s31], $0x7D0  }
0x16c: {  	[sflag:s31] =	ssyncset.done $0x0  }
0x16d: {  	[sflag:s31] =	ssyncadd.s32 $0xFFFFF830  }
0x16e: {  	[tilespmem:s0], [sflag:$0x1] =	stream.linear.gather [hbm4b:s18+s1], $0x7D0, $0x38;
	[tilespmem:$0x7530] =	vst v63  }
0x16f: {  	_ =	swait.ge [sflag:s31], $0x7D0  }
0x170: {  	[sflag:s31] =	ssyncset.done $0x0  }
0x171: {  	[sflag:s31] =	ssyncadd.s32 $0xFFFFF830  }
0x172: {  	[tilespmem:s2], [sflag:$0x1] =	stream.linear.gather [hbm4b:s20+s1], $0x7D0, $0x38;
	[tilespmem:$0x7530] =	vst v63  }
0x173: {  	_ =	swait.ge [sflag:s31], $0x7D0  }
0x174: {  	[sflag:s31] =	ssyncset.done $0x0  }
0x175: {  	s10 =	simm.s32 $0x5DE0;
	[sflag:s31] =	ssyncadd.s32 $0xFFFFF830  }
0x176: {  	v8 =	vld [tilespmem:s10+$0x10]  }
0x177: {  	s11 =	simm.s32 $0x4E40;
	v9 =	vld [tilespmem:s10+$0xFFFFFFE0]  }
0x178: {  	s12 =	simm.s32 $0x5610;
	v10 =	vld [tilespmem:s11+$0x10]  }
0x179: {  	v11 =	vld [tilespmem:s12+$0x10]  }
0x17a: {  	v1 =	vld [tilespmem:s10+$0xFFFFFFF0]  }
0x17b: {  	v12 =	vld [tilespmem:s10+$0x0]  }
0x17c: {  	v3 =	vld [tilespmem:s12+$0xFFFFFFE0]  }
0x17d: {  	v6 =	vld [tilespmem:s11+$0xFFFFFFF0];
	vm1 =	vlt.f32 v8, $0.0e+00  }
0x17e: {  	v7 =	vld [tilespmem:s12+$0xFFFFFFF0];
	v2 =	vsel vm1, $0x2710, v0  }
0x17f: {  	v13 =	vld [tilespmem:s11+$0x0];
	vm0 =	vlt.f32 v9, $0.0e+00;
	v4 =	vadd.s32 v10, v2  }
0x180: {  	vm2 =	vlt.f32 v1, $0.0e+00;
	v14 =	vsel vm0, $0x2710, v0;
	v2 =	vadd.s32 v11, v2  }
0x181: {  	v5 =	vsel vm2, $0x2710, v0;
	v15 =	vadd.s32 v3, v14  }
0x182: {  	v16 =	vld [tilespmem:s12+$0x0];
	vm3 =	vlt.f32 v12, $0.0e+00;
	v17 =	vadd.s32 v6, v5  }
0x183: {  	v18 =	vld [tilespmem:s11+$0xFFFFFFE0];
	v19 =	vsel vm3, $0x2710, v0;
	v5 =	vadd.s32 v7, v5  }
0x184: {  	v21 =	vadd.s32 v13, v19;
	v20 =	vld.idx.msk [tilespmem:v4+s1+$0x0], $0xffff  }
0x185: {  	v22 =	vld.idx.msk [tilespmem:v2+s1+$0x0], $0xffff  }
0x186: {  	v4 =	vld.idx.msk [tilespmem:v15+s1+$0x0], $0xffff  }
0x187: {  	v15 =	vld.idx.msk [tilespmem:v17+s1+$0x0], $0xffff  }
0x188: {  	v17 =	vld.idx.msk [tilespmem:v5+s1+$0x0], $0xffff  }
0x189: {  	s13 =	simm.s32 $0x5E20;
	v5 =	vld.idx.msk [tilespmem:v21+s1+$0x0], $0xffff;
	v21 =	vsel vm2, $0x9C40, v0  }
0x18a: {  	v24 =	vand.u32 $0x7FFFFFFF, v1;
	v8 =	vand.u32 $0x7FFFFFFF, v8;
	v2 =	vld [tilespmem:s13+$0x10];
	v1 =	vadd.s32 v7, v21  }
0x18b: {  	s6 =	simm.s32 $0x4E80;
	v23 =	vsel vm0, $0x9C40, v0;
	v25 =	vsel vm3, $0x9C40, v0;
	v21 =	vld [tilespmem:s13+$0xFFFFFFE0];
	v1 =	vshll.u32 v1, $0xE  }
0x18c: {  	s7 =	simm.s32 $0x5650;
	v3 =	vadd.s32 v3, v23;
	v7 =	vld [tilespmem:s6+$0x10];
	v26 =	vadd.s32 v6, v1;
	v1 =	vadd.s32 v16, v25  }
0x18d: {  	v14 =	vadd.s32 v18, v14;
	v3 =	vshll.u32 v3, $0xE;
	v6 =	vld [tilespmem:s7+$0x10];
	v1 =	vshll.u32 v1, $0xE  }
0x18e: {  	v3 =	vadd.s32 v18, v3;
	v16 =	vadd.s32 v16, v19;
	v19 =	vld [tilespmem:s13+$0xFFFFFFF0];
	v1 =	vadd.s32 v13, v1  }
0x18f: {  	v13 =	vld [tilespmem:s13+$0x0];
	vm0 =	vlt.f32 v2, $0.0e+00;
	v18 =	vmul.f32 v22, v20;
	v20 =	vsel vm1, $0x9C40, v0  }
0x190: {  	v22 =	vld [tilespmem:s7+$0xFFFFFFE0];
	v23 =	vsel vm0, $0x2710, v0;
	v11 =	vadd.s32 v11, v20;
	vm1 =	vlt.f32 v21, $0.0e+00  }
0x191: {  	v20 =	vld [tilespmem:s6+$0xFFFFFFF0];
	v25 =	vadd.s32 v7, v23;
	v18 =	vmul.f32 v18, v8;
	v8 =	vshll.u32 v11, $0xE  }
0x192: {  	v11 =	vld [tilespmem:s7+$0xFFFFFFF0];
	v23 =	vadd.s32 v6, v23;
	v27 =	vadd.s32 v10, v8;
	v8 =	vmul.f32 v17, v15  }
0x193: {  	v28 =	vld [tilespmem:s6+$0x0];
	v17 =	vsel vm1, $0x2710, v0;
	v10 =	vsel vm1, $0x9C40, v0;
	vm1 =	vlt.f32 v19, $0.0e+00  }
0x194: {  	v29 =	vld [tilespmem:s7+$0x0];
	v15 =	vsel vm1, $0x9C40, v0  }
0x195: {  	v30 =	vld [tilespmem:s6+$0xFFFFFFE0];
	v24 =	vmul.f32 v8, v24;
	v8 =	vsel vm1, $0x2710, v0;
	v31 =	vadd.s32 v22, v17  }
0x196: {  	vm1 =	vlt.f32 v13, $0.0e+00;
	v33 =	vadd.s32 v22, v10;
	v22 =	vld.idx.msk [tilespmem:v16+s1+$0x0], $0xffff;
	v32 =	vadd.s32 v20, v8  }
0x197: {  	v34 =	vsel vm1, $0x2710, v0;
	v25 =	vld.idx.msk [tilespmem:v25+s1+$0x0], $0xffff;
	v35 =	vadd.s32 v11, v8  }
0x198: {  	s8 =	simm.s32 $0x65B0;
	v10 =	vand.u32 $0x7FFFFFFF, v19;
	v16 =	vshll.u32 v33, $0xE;
	v38 =	vadd.s32 v28, v34;
	v36 =	vld.idx.msk [tilespmem:v23+s1+$0x0], $0xffff  }
0x199: {  	s9 =	simm.s32 $0x6D80;
	[tilespmem:s8+$0x10] =	vst v18;
	v8 =	vand.u32 $0x7FFFFFFF, v9;
	v37 =	vadd.s32 v11, v15;
	v9 =	vand.u32 $0x7FFFFFFF, v12;
	v23 =	vld.idx.msk [tilespmem:v14+s1+$0x0], $0xffff  }
0x19a: {  	[tilespmem:s9+$0x10] =	vst v27;
	v11 =	vand.u32 $0x7FFFFFFF, v21;
	v14 =	vsel vm1, $0x9C40, v0;
	v12 =	vshll.u32 v37, $0xE;
	v18 =	vld.idx.msk [tilespmem:v31+s1+$0x0], $0xffff  }
0x19b: {  	v15 =	vand.u32 $0x7FFFFFFF, v13;
	[tilespmem:s8+$0xFFFFFFF0] =	vst v24;
	v12 =	vadd.s32 v20, v12;
	v20 =	vadd.s32 v29, v14;
	v19 =	vld.idx.msk [tilespmem:v32+s1+$0x0], $0xffff  }
0x19c: {  	s12 =	simm.s32 $0x4;
	v13 =	vadd.s32 v29, v34;
	[tilespmem:s9+$0xFFFFFFF0] =	vst v26;
	v14 =	vadd.s32 v30, v17;
	v20 =	vshll.u32 v20, $0xE;
	v21 =	vld.idx.msk [tilespmem:v35+s1+$0x0], $0xffff  }
0x19d: {  	s11 =	simm.s32 $0x65B0;
	s10 =	simm.s32 $0x6D80;
	s13 =	simm.s32 $0x5E60;
	v17 =	vadd.s32 v30, v16;
	v16 =	vadd.s32 v28, v20;
	v20 =	vld.idx.msk [tilespmem:v38+s1+$0x0], $0xffff;
	v24 =	vmul.f32 v36, v25  }
.LBB2_8:
0x19e: {  	v25 =	vand.u32 $0x7FFFFFFF, v2;
	v2 =	vld [tilespmem:s13+$0x10];
	v26 =	vsel vm0, $0x9C40, v0;
	v27 =	vmul.f32 v4, v23  }
0x19f: {  	s6 =	sadd.s32 $0x40, s6;
	v5 =	vmul.f32 v22, v5;
	v23 =	vld [tilespmem:s13+$0xFFFFFFE0];
	v24 =	vmul.f32 v24, v25;
	v6 =	vadd.s32 v6, v26  }
0x1a0: {  	s12 =	sadd.s32 $0x4, s12;
	s7 =	sadd.s32 $0x40, s7;
	s8 =	sadd.s32 $0x40, s8;
	v4 =	vmovc v18;
	v22 =	vld [tilespmem:s6+$0x10];
	v25 =	vshll.u32 v6, $0xE;
	v26 =	vmul.f32 v27, v8;
	v8 =	vmov v11  }
0x1a1: {  	s9 =	sadd.s32 $0x40, s9;
	p0 =	slt.u32 s12, $0x78;
	v18 =	vmul.f32 v5, v9;
	v9 =	vmov v15;
	v6 =	vld [tilespmem:s7+$0x10];
	[tilespmem:s8+$0x10] =	vst v24;
	v7 =	vadd.s32 v7, v25  }
0x1a2: {  	v19 =	vmul.f32 v21, v19;
	v15 =	vld [tilespmem:s13+$0xFFFFFFF0];
	[tilespmem:s9+$0x10] =	vst v7  }
0x1a3: {  	v5 =	vmov v20;
	v21 =	vld [tilespmem:s13+$0x0];
	vm0 =	vlt.f32 v2, $0.0e+00;
	[tilespmem:s11+$0xFFFFFFE0] =	vst v26  }
0x1a4: {  	v20 =	vld [tilespmem:s7+$0xFFFFFFE0];
	vm1 =	vlt.f32 v23, $0.0e+00;
	v11 =	vand.u32 $0x7FFFFFFF, v23;
	v23 =	vsel vm0, $0x2710, v0;
	[tilespmem:s10+$0xFFFFFFE0] =	vst v3;
	v3 =	vmovc v17  }
0x1a5: {  	v17 =	vsel vm1, $0x2710, v0;
	v24 =	vsel vm1, $0x9C40, v0;
	v25 =	vld [tilespmem:s6+$0xFFFFFFF0];
	v26 =	vadd.s32 v22, v23;
	[tilespmem:s11+$0x0] =	vst v18;
	v7 =	vmovc v22;
	s11 =	smov.u32 s8  }
0x1a6: {  	v19 =	vmul.f32 v19, v10;
	v18 =	vld [tilespmem:s7+$0xFFFFFFF0];
	v22 =	vadd.s32 v6, v23;
	[tilespmem:s10+$0x0] =	vst v1;
	v1 =	vmov v16;
	s10 =	smov.u32 s9  }
0x1a7: {  	vm1 =	vlt.f32 v15, $0.0e+00;
	v10 =	vand.u32 $0x7FFFFFFF, v15;
	v16 =	vld [tilespmem:s6+$0x0]  }
0x1a8: {  	v23 =	vsel vm1, $0x2710, v0;
	v27 =	vsel vm1, $0x9C40, v0;
	v28 =	vld [tilespmem:s7+$0x0];
	vm1 =	vlt.f32 v21, $0.0e+00;
	[tilespmem:s8+$0xFFFFFFF0] =	vst v19  }
0x1a9: {  	v19 =	vld [tilespmem:s6+$0xFFFFFFE0];
	v29 =	vadd.s32 v20, v17;
	v30 =	vsel vm1, $0x2710, v0;
	v31 =	vsel vm1, $0x9C40, v0;
	[tilespmem:s9+$0xFFFFFFF0] =	vst v12  }
0x1aa: {  	v15 =	vand.u32 $0x7FFFFFFF, v21;
	v12 =	vadd.s32 v20, v24;
	v20 =	vadd.s32 v25, v23;
	v24 =	vld.idx.msk [tilespmem:v26+s1+$0x0], $0xffff  }
0x1ab: {  	v21 =	vshll.u32 v12, $0xE;
	v26 =	vadd.s32 v18, v23;
	v12 =	vadd.s32 v18, v27;
	v27 =	vld.idx.msk [tilespmem:v22+s1+$0x0], $0xffff  }
0x1ac: {  	v12 =	vshll.u32 v12, $0xE;
	v32 =	vadd.s32 v16, v30;
	v23 =	vld.idx.msk [tilespmem:v14+s1+$0x0], $0xffff  }
.Ltmp3:
0x1ad: {  	v12 =	vadd.s32 v25, v12;
	v25 =	vadd.s32 v28, v31;
	v22 =	vld.idx.msk [tilespmem:v13+s1+$0x0], $0xffff;
	v13 =	vadd.s32 v28, v30;
	(pc) =	sbr.rel @p0 .LBB2_8-.Ltmp3, $4  }
0x1ae: {  	v14 =	vadd.s32 v19, v17;
	v18 =	vld.idx.msk [tilespmem:v29+s1+$0x0], $0xffff;
	v17 =	vadd.s32 v19, v21;
	v21 =	vshll.u32 v25, $0xE  }
0x1af: {  	v19 =	vld.idx.msk [tilespmem:v20+s1+$0x0], $0xffff;
	v16 =	vadd.s32 v16, v21  }
0x1b0: {  	v21 =	vld.idx.msk [tilespmem:v26+s1+$0x0], $0xffff  }
0x1b1: {  	s13 =	sadd.s32 $0x40, s13;
	v24 =	vmul.f32 v27, v24;
	v20 =	vld.idx.msk [tilespmem:v32+s1+$0x0], $0xffff  }
0x1b2: {  	_ =	sdelay $0x1  }
0x1b3: {  	v2 =	vand.u32 $0x7FFFFFFF, v2;
	v25 =	vsel vm0, $0x9C40, v0  }
0x1b4: {  	v4 =	vmul.f32 v4, v23;
	v2 =	vmul.f32 v24, v2;
	v6 =	vadd.s32 v6, v25  }
0x1b5: {  	s6 =	sadd.s32 $0x40, s8;
	v14 =	vld.idx.msk [tilespmem:v14+s1+$0x0], $0xffff;
	v5 =	vmul.f32 v22, v5;
	v6 =	vshll.u32 v6, $0xE  }
0x1b6: {  	s7 =	sadd.s32 $0x40, s9;
	v4 =	vmul.f32 v4, v8;
	[tilespmem:s6+$0x10] =	vst v2;
	v2 =	vadd.s32 v7, v6  }
0x1b7: {  	v5 =	vmul.f32 v5, v9;
	[tilespmem:s7+$0x10] =	vst v2;
	v2 =	vld.idx.msk [tilespmem:v13+s1+$0x0], $0xffff  }
0x1b8: {  	v6 =	vmul.f32 v21, v19;
	[tilespmem:s11+$0xFFFFFFE0] =	vst v4  }
0x1b9: {  	[tilespmem:s11+$0x0] =	vst v5  }
0x1ba: {  	[tilespmem:s10+$0xFFFFFFE0] =	vst v3;
	v3 =	vmul.f32 v6, v10;
	v4 =	vmul.f32 v18, v14  }
0x1bb: {  	[tilespmem:s10+$0x0] =	vst v1  }
0x1bc: {  	[tilespmem:s6+$0xFFFFFFF0] =	vst v3;
	v1 =	vmul.f32 v2, v20;
	v2 =	vmul.f32 v4, v11  }
0x1bd: {  	[tilespmem:s7+$0xFFFFFFF0] =	vst v12  }
0x1be: {  	v1 =	vmul.f32 v1, v15;
	[tilespmem:s6+$0xFFFFFFE0] =	vst v2  }
0x1bf: {  	[tilespmem:s7+$0xFFFFFFE0] =	vst v17  }
0x1c0: {  	[tilespmem:s6+$0x0] =	vst v1  }
0x1c1: {  	[tilespmem:s7+$0x0] =	vst v16  }
0x1c2: {  	v1 =	vld [tilespmem:$0x6580];
	_ =	sdelay $0x1  }
0x1c3: {  	v2 =	vld [tilespmem:$0x55E0]  }
0x1c4: {  	v3 =	vld [tilespmem:$0x5DB0];
	_ =	sdelay $0x1  }
0x1c5: {  	vm0 =	vlt.f32 v1, $0.0e+00  }
0x1c6: {  	v4 =	vsel vm0, $0x2710, v0  }
0x1c7: {  	v5 =	vadd.s32 v2, v4  }
0x1c8: {  	v4 =	vadd.s32 v3, v4;
	_ =	sdelay $0x3  }
0x1c9: {  	v5 =	vld.idx.msk [tilespmem:v5+s1+$0x0], $0xffff  }
0x1ca: {  	v4 =	vld.idx.msk [tilespmem:v4+s1+$0x0], $0xffff;
	_ =	sdelay $0x4  }
0x1cb: {  	v4 =	vmul.f32 v4, v5  }
0x1cc: {  	v1 =	vand.u32 $0x7FFFFFFF, v1;
	v5 =	vsel vm0, $0x9C40, v0  }
0x1cd: {  	v3 =	vadd.s32 v3, v5;
	v1 =	vmul.f32 v4, v1  }
0x1ce: {  	v3 =	vshll.u32 v3, $0xE  }
0x1cf: {  	[tilespmem:$0x6D50] =	vst v1;
	v1 =	vadd.s32 v2, v3  }
0x1d0: {  	[tilespmem:$0x7520] =	vst v1  }
0x1d1: {  	[hbm4b:s21+s1] =	stream.linear.scatter [tilespmem:s3], [sflag:$0x1], $0x7D0, $0x38;
	[tilespmem:$0x7530] =	vst v63  }
0x1d2: {  	_ =	swait.ge [sflag:s31], $0x7D0  }
0x1d3: {  	[sflag:s31] =	ssyncset.done $0x0  }
0x1d4: {  	[sflag:s31] =	ssyncadd.s32 $0xFFFFF830  }
0x1d5: {  	[hbm4b:s22+s1] =	stream.linear.scatter [tilespmem:s4], [sflag:$0x1], $0x7D0, $0x38;
	[tilespmem:$0x7530] =	vst v63  }
0x1d6: {  	_ =	swait.ge [sflag:s31], $0x7D0  }
0x1d7: {  	[sflag:s31] =	ssyncset.done $0x0  }
0x1d8: {  	[sflag:s31] =	ssyncadd.s32 $0xFFFFF830  }
0x1d9: {  	[tilespmem:s19], [sflag:$0x1] =	stream.linear.gather [hbm4b:s23+s1], $0x7D0, $0x38;
	[tilespmem:$0x7530] =	vst v63  }
0x1da: {  	_ =	swait.ge [sflag:s31], $0x7D0  }
0x1db: {  	[sflag:s31] =	ssyncset.done $0x0  }
0x1dc: {  	[sflag:s31] =	ssyncadd.s32 $0xFFFFF830  }
0x1dd: {  	[tilespmem:s0], [sflag:$0x1] =	stream.linear.gather [hbm4b:s24+s1], $0x7D0, $0x38;
	[tilespmem:$0x7530] =	vst v63  }
0x1de: {  	_ =	swait.ge [sflag:s31], $0x7D0  }
0x1df: {  	[sflag:s31] =	ssyncset.done $0x0  }
0x1e0: {  	[sflag:s31] =	ssyncadd.s32 $0xFFFFF830  }
0x1e1: {  	[tilespmem:s2], [sflag:$0x1] =	stream.linear.gather [hbm4b:s25+s1], $0x7D0, $0x38;
	[tilespmem:$0x7530] =	vst v63  }
0x1e2: {  	_ =	swait.ge [sflag:s31], $0x7D0  }
0x1e3: {  	[sflag:s31] =	ssyncset.done $0x0  }
0x1e4: {  	s10 =	simm.s32 $0x5DE0;
	[sflag:s31] =	ssyncadd.s32 $0xFFFFF830  }
0x1e5: {  	v8 =	vld [tilespmem:s10+$0x10]  }
0x1e6: {  	s11 =	simm.s32 $0x4E40;
	v9 =	vld [tilespmem:s10+$0xFFFFFFE0]  }
0x1e7: {  	s12 =	simm.s32 $0x5610;
	v10 =	vld [tilespmem:s11+$0x10]  }
0x1e8: {  	v11 =	vld [tilespmem:s12+$0x10]  }
0x1e9: {  	v1 =	vld [tilespmem:s10+$0xFFFFFFF0]  }
0x1ea: {  	v12 =	vld [tilespmem:s10+$0x0]  }
0x1eb: {  	v3 =	vld [tilespmem:s12+$0xFFFFFFE0]  }
0x1ec: {  	v6 =	vld [tilespmem:s11+$0xFFFFFFF0];
	vm1 =	vlt.f32 v8, $0.0e+00  }
0x1ed: {  	v7 =	vld [tilespmem:s12+$0xFFFFFFF0];
	v2 =	vsel vm1, $0x2710, v0  }
0x1ee: {  	v13 =	vld [tilespmem:s11+$0x0];
	vm0 =	vlt.f32 v9, $0.0e+00;
	v4 =	vadd.s32 v10, v2  }
0x1ef: {  	vm2 =	vlt.f32 v1, $0.0e+00;
	v14 =	vsel vm0, $0x2710, v0;
	v2 =	vadd.s32 v11, v2  }
0x1f0: {  	v5 =	vsel vm2, $0x2710, v0;
	v15 =	vadd.s32 v3, v14  }
0x1f1: {  	v16 =	vld [tilespmem:s12+$0x0];
	vm3 =	vlt.f32 v12, $0.0e+00;
	v17 =	vadd.s32 v6, v5  }
0x1f2: {  	v18 =	vld [tilespmem:s11+$0xFFFFFFE0];
	v19 =	vsel vm3, $0x2710, v0;
	v5 =	vadd.s32 v7, v5  }
0x1f3: {  	v21 =	vadd.s32 v13, v19;
	v20 =	vld.idx.msk [tilespmem:v4+s1+$0x0], $0xffff  }
0x1f4: {  	v22 =	vld.idx.msk [tilespmem:v2+s1+$0x0], $0xffff  }
0x1f5: {  	v4 =	vld.idx.msk [tilespmem:v15+s1+$0x0], $0xffff  }
0x1f6: {  	v15 =	vld.idx.msk [tilespmem:v17+s1+$0x0], $0xffff  }
0x1f7: {  	v17 =	vld.idx.msk [tilespmem:v5+s1+$0x0], $0xffff  }
0x1f8: {  	s13 =	simm.s32 $0x5E20;
	v5 =	vld.idx.msk [tilespmem:v21+s1+$0x0], $0xffff;
	v21 =	vsel vm2, $0x9C40, v0  }
0x1f9: {  	v24 =	vand.u32 $0x7FFFFFFF, v1;
	v8 =	vand.u32 $0x7FFFFFFF, v8;
	v2 =	vld [tilespmem:s13+$0x10];
	v1 =	vadd.s32 v7, v21  }
0x1fa: {  	s6 =	simm.s32 $0x4E80;
	v23 =	vsel vm0, $0x9C40, v0;
	v25 =	vsel vm3, $0x9C40, v0;
	v21 =	vld [tilespmem:s13+$0xFFFFFFE0];
	v1 =	vshll.u32 v1, $0xE  }
0x1fb: {  	s7 =	simm.s32 $0x5650;
	v3 =	vadd.s32 v3, v23;
	v7 =	vld [tilespmem:s6+$0x10];
	v26 =	vadd.s32 v6, v1;
	v1 =	vadd.s32 v16, v25  }
0x1fc: {  	v14 =	vadd.s32 v18, v14;
	v3 =	vshll.u32 v3, $0xE;
	v6 =	vld [tilespmem:s7+$0x10];
	v1 =	vshll.u32 v1, $0xE  }
0x1fd: {  	v3 =	vadd.s32 v18, v3;
	v16 =	vadd.s32 v16, v19;
	v19 =	vld [tilespmem:s13+$0xFFFFFFF0];
	v1 =	vadd.s32 v13, v1  }
0x1fe: {  	v13 =	vld [tilespmem:s13+$0x0];
	vm0 =	vlt.f32 v2, $0.0e+00;
	v18 =	vmul.f32 v22, v20;
	v20 =	vsel vm1, $0x9C40, v0  }
0x1ff: {  	v22 =	vld [tilespmem:s7+$0xFFFFFFE0];
	v23 =	vsel vm0, $0x2710, v0;
	v11 =	vadd.s32 v11, v20;
	vm1 =	vlt.f32 v21, $0.0e+00  }
0x200: {  	v20 =	vld [tilespmem:s6+$0xFFFFFFF0];
	v25 =	vadd.s32 v7, v23;
	v18 =	vmul.f32 v18, v8;
	v8 =	vshll.u32 v11, $0xE  }
0x201: {  	v11 =	vld [tilespmem:s7+$0xFFFFFFF0];
	v23 =	vadd.s32 v6, v23;
	v27 =	vadd.s32 v10, v8;
	v8 =	vmul.f32 v17, v15  }
0x202: {  	v28 =	vld [tilespmem:s6+$0x0];
	v17 =	vsel vm1, $0x2710, v0;
	v10 =	vsel vm1, $0x9C40, v0;
	vm1 =	vlt.f32 v19, $0.0e+00  }
0x203: {  	v29 =	vld [tilespmem:s7+$0x0];
	v15 =	vsel vm1, $0x9C40, v0  }
0x204: {  	v30 =	vld [tilespmem:s6+$0xFFFFFFE0];
	v24 =	vmul.f32 v8, v24;
	v8 =	vsel vm1, $0x2710, v0;
	v31 =	vadd.s32 v22, v17  }
0x205: {  	vm1 =	vlt.f32 v13, $0.0e+00;
	v33 =	vadd.s32 v22, v10;
	v22 =	vld.idx.msk [tilespmem:v16+s1+$0x0], $0xffff;
	v32 =	vadd.s32 v20, v8  }
0x206: {  	v34 =	vsel vm1, $0x2710, v0;
	v25 =	vld.idx.msk [tilespmem:v25+s1+$0x0], $0xffff;
	v35 =	vadd.s32 v11, v8  }
0x207: {  	s8 =	simm.s32 $0x65B0;
	v10 =	vand.u32 $0x7FFFFFFF, v19;
	v16 =	vshll.u32 v33, $0xE;
	v38 =	vadd.s32 v28, v34;
	v36 =	vld.idx.msk [tilespmem:v23+s1+$0x0], $0xffff  }
0x208: {  	s9 =	simm.s32 $0x6D80;
	[tilespmem:s8+$0x10] =	vst v18;
	v8 =	vand.u32 $0x7FFFFFFF, v9;
	v37 =	vadd.s32 v11, v15;
	v9 =	vand.u32 $0x7FFFFFFF, v12;
	v23 =	vld.idx.msk [tilespmem:v14+s1+$0x0], $0xffff  }
0x209: {  	[tilespmem:s9+$0x10] =	vst v27;
	v11 =	vand.u32 $0x7FFFFFFF, v21;
	v14 =	vsel vm1, $0x9C40, v0;
	v12 =	vshll.u32 v37, $0xE;
	v18 =	vld.idx.msk [tilespmem:v31+s1+$0x0], $0xffff  }
0x20a: {  	v15 =	vand.u32 $0x7FFFFFFF, v13;
	[tilespmem:s8+$0xFFFFFFF0] =	vst v24;
	v12 =	vadd.s32 v20, v12;
	v20 =	vadd.s32 v29, v14;
	v19 =	vld.idx.msk [tilespmem:v32+s1+$0x0], $0xffff  }
0x20b: {  	s12 =	simm.s32 $0x4;
	v13 =	vadd.s32 v29, v34;
	[tilespmem:s9+$0xFFFFFFF0] =	vst v26;
	v14 =	vadd.s32 v30, v17;
	v20 =	vshll.u32 v20, $0xE;
	v21 =	vld.idx.msk [tilespmem:v35+s1+$0x0], $0xffff  }
0x20c: {  	s11 =	simm.s32 $0x65B0;
	s10 =	simm.s32 $0x6D80;
	s13 =	simm.s32 $0x5E60;
	v17 =	vadd.s32 v30, v16;
	v16 =	vadd.s32 v28, v20;
	v20 =	vld.idx.msk [tilespmem:v38+s1+$0x0], $0xffff;
	v24 =	vmul.f32 v36, v25  }
.LBB2_10:
0x20d: {  	v25 =	vand.u32 $0x7FFFFFFF, v2;
	v2 =	vld [tilespmem:s13+$0x10];
	v26 =	vsel vm0, $0x9C40, v0;
	v27 =	vmul.f32 v4, v23  }
0x20e: {  	s6 =	sadd.s32 $0x40, s6;
	v5 =	vmul.f32 v22, v5;
	v23 =	vld [tilespmem:s13+$0xFFFFFFE0];
	v24 =	vmul.f32 v24, v25;
	v6 =	vadd.s32 v6, v26  }
0x20f: {  	s12 =	sadd.s32 $0x4, s12;
	s7 =	sadd.s32 $0x40, s7;
	s8 =	sadd.s32 $0x40, s8;
	v4 =	vmovc v18;
	v22 =	vld [tilespmem:s6+$0x10];
	v25 =	vshll.u32 v6, $0xE;
	v26 =	vmul.f32 v27, v8;
	v8 =	vmov v11  }
0x210: {  	s9 =	sadd.s32 $0x40, s9;
	p0 =	slt.u32 s12, $0x78;
	v18 =	vmul.f32 v5, v9;
	v9 =	vmov v15;
	v6 =	vld [tilespmem:s7+$0x10];
	[tilespmem:s8+$0x10] =	vst v24;
	v7 =	vadd.s32 v7, v25  }
0x211: {  	v19 =	vmul.f32 v21, v19;
	v15 =	vld [tilespmem:s13+$0xFFFFFFF0];
	[tilespmem:s9+$0x10] =	vst v7  }
0x212: {  	v5 =	vmov v20;
	v21 =	vld [tilespmem:s13+$0x0];
	vm0 =	vlt.f32 v2, $0.0e+00;
	[tilespmem:s11+$0xFFFFFFE0] =	vst v26  }
0x213: {  	v20 =	vld [tilespmem:s7+$0xFFFFFFE0];
	vm1 =	vlt.f32 v23, $0.0e+00;
	v11 =	vand.u32 $0x7FFFFFFF, v23;
	v23 =	vsel vm0, $0x2710, v0;
	[tilespmem:s10+$0xFFFFFFE0] =	vst v3;
	v3 =	vmovc v17  }
0x214: {  	v17 =	vsel vm1, $0x2710, v0;
	v24 =	vsel vm1, $0x9C40, v0;
	v25 =	vld [tilespmem:s6+$0xFFFFFFF0];
	v26 =	vadd.s32 v22, v23;
	[tilespmem:s11+$0x0] =	vst v18;
	v7 =	vmovc v22;
	s11 =	smov.u32 s8  }
0x215: {  	v19 =	vmul.f32 v19, v10;
	v18 =	vld [tilespmem:s7+$0xFFFFFFF0];
	v22 =	vadd.s32 v6, v23;
	[tilespmem:s10+$0x0] =	vst v1;
	v1 =	vmov v16;
	s10 =	smov.u32 s9  }
0x216: {  	vm1 =	vlt.f32 v15, $0.0e+00;
	v10 =	vand.u32 $0x7FFFFFFF, v15;
	v16 =	vld [tilespmem:s6+$0x0]  }
0x217: {  	v23 =	vsel vm1, $0x2710, v0;
	v27 =	vsel vm1, $0x9C40, v0;
	v28 =	vld [tilespmem:s7+$0x0];
	vm1 =	vlt.f32 v21, $0.0e+00;
	[tilespmem:s8+$0xFFFFFFF0] =	vst v19  }
0x218: {  	v19 =	vld [tilespmem:s6+$0xFFFFFFE0];
	v29 =	vadd.s32 v20, v17;
	v30 =	vsel vm1, $0x2710, v0;
	v31 =	vsel vm1, $0x9C40, v0;
	[tilespmem:s9+$0xFFFFFFF0] =	vst v12  }
0x219: {  	v15 =	vand.u32 $0x7FFFFFFF, v21;
	v12 =	vadd.s32 v20, v24;
	v20 =	vadd.s32 v25, v23;
	v24 =	vld.idx.msk [tilespmem:v26+s1+$0x0], $0xffff  }
0x21a: {  	v21 =	vshll.u32 v12, $0xE;
	v26 =	vadd.s32 v18, v23;
	v12 =	vadd.s32 v18, v27;
	v27 =	vld.idx.msk [tilespmem:v22+s1+$0x0], $0xffff  }
0x21b: {  	v12 =	vshll.u32 v12, $0xE;
	v32 =	vadd.s32 v16, v30;
	v23 =	vld.idx.msk [tilespmem:v14+s1+$0x0], $0xffff  }
.Ltmp4:
0x21c: {  	v12 =	vadd.s32 v25, v12;
	v25 =	vadd.s32 v28, v31;
	v22 =	vld.idx.msk [tilespmem:v13+s1+$0x0], $0xffff;
	v13 =	vadd.s32 v28, v30;
	(pc) =	sbr.rel @p0 .LBB2_10-.Ltmp4, $4  }
0x21d: {  	v14 =	vadd.s32 v19, v17;
	v18 =	vld.idx.msk [tilespmem:v29+s1+$0x0], $0xffff;
	v17 =	vadd.s32 v19, v21;
	v21 =	vshll.u32 v25, $0xE  }
0x21e: {  	v19 =	vld.idx.msk [tilespmem:v20+s1+$0x0], $0xffff;
	v16 =	vadd.s32 v16, v21  }
0x21f: {  	v21 =	vld.idx.msk [tilespmem:v26+s1+$0x0], $0xffff  }
0x220: {  	s13 =	sadd.s32 $0x40, s13;
	v24 =	vmul.f32 v27, v24;
	v20 =	vld.idx.msk [tilespmem:v32+s1+$0x0], $0xffff  }
0x221: {  	_ =	sdelay $0x1  }
0x222: {  	v2 =	vand.u32 $0x7FFFFFFF, v2;
	v25 =	vsel vm0, $0x9C40, v0  }
0x223: {  	v4 =	vmul.f32 v4, v23;
	v2 =	vmul.f32 v24, v2;
	v6 =	vadd.s32 v6, v25  }
0x224: {  	s6 =	sadd.s32 $0x40, s8;
	v14 =	vld.idx.msk [tilespmem:v14+s1+$0x0], $0xffff;
	v5 =	vmul.f32 v22, v5;
	v6 =	vshll.u32 v6, $0xE  }
0x225: {  	s7 =	sadd.s32 $0x40, s9;
	v4 =	vmul.f32 v4, v8;
	[tilespmem:s6+$0x10] =	vst v2;
	v2 =	vadd.s32 v7, v6  }
0x226: {  	v5 =	vmul.f32 v5, v9;
	[tilespmem:s7+$0x10] =	vst v2;
	v2 =	vld.idx.msk [tilespmem:v13+s1+$0x0], $0xffff  }
0x227: {  	v59 =	vmul.f32 v21, v19;
	[tilespmem:s11+$0xFFFFFFE0] =	vst v4  }
0x228: {  	[tilespmem:s11+$0x0] =	vst v5  }
0x229: {  	[tilespmem:s10+$0xFFFFFFE0] =	vst v3;
	v3 =	vmul.f32 v59, v10;
	v60 =	vmul.f32 v18, v14  }
0x22a: {  	[tilespmem:s10+$0x0] =	vst v1  }
0x22b: {  	[tilespmem:s6+$0xFFFFFFF0] =	vst v3;
	v1 =	vmul.f32 v2, v20;
	v2 =	vmul.f32 v60, v11  }
0x22c: {  	[tilespmem:s7+$0xFFFFFFF0] =	vst v12  }
0x22d: {  	v1 =	vmul.f32 v1, v15;
	[tilespmem:s6+$0xFFFFFFE0] =	vst v2  }
0x22e: {  	[tilespmem:s7+$0xFFFFFFE0] =	vst v17  }
0x22f: {  	[tilespmem:s6+$0x0] =	vst v1  }
0x230: {  	[tilespmem:s7+$0x0] =	vst v16  }
0x231: {  	v1 =	vld [tilespmem:$0x6580];
	_ =	sdelay $0x1  }
0x232: {  	v2 =	vld [tilespmem:$0x55E0]  }
0x233: {  	v3 =	vld [tilespmem:$0x5DB0];
	_ =	sdelay $0x1  }
0x234: {  	vm15 =	vlt.f32 v1, $0.0e+00  }
0x235: {  	v61 =	vsel vm15, $0x2710, v0  }
0x236: {  	v62 =	vadd.s32 v2, v61  }
0x237: {  	v4 =	vadd.s32 v3, v61;
	_ =	sdelay $0x3  }
0x238: {  	v5 =	vld.idx.msk [tilespmem:v62+s1+$0x0], $0xffff  }
0x239: {  	v4 =	vld.idx.msk [tilespmem:v4+s1+$0x0], $0xffff;
	_ =	sdelay $0x4  }
0x23a: {  	v4 =	vmul.f32 v4, v5  }
0x23b: {  	v1 =	vand.u32 $0x7FFFFFFF, v1;
	v63 =	vsel vm15, $0x9C40, v0  }
0x23c: {  	v3 =	vadd.s32 v3, v63;
	v1 =	vmul.f32 v4, v1  }
0x23d: {  	v3 =	vshll.u32 v3, $0xE  }
0x23e: {  	[tilespmem:$0x6D50] =	vst v1;
	v1 =	vadd.s32 v2, v3  }
0x23f: {  	[tilespmem:$0x7520] =	vst v1  }
0x240: {  	[hbm4b:s26+s1] =	stream.linear.scatter [tilespmem:s3], [sflag:$0x1], $0x7D0, $0x38;
	[tilespmem:$0x7530] =	vst v63  }
0x241: {  	s5 =	sadd.s32 $0x1, s5;
	_ =	swait.ge [sflag:s31], $0x7D0  }
0x242: {  	p0 =	sne.s32 s5, s30;
	[sflag:s31] =	ssyncset.done $0x0  }
.Ltmp5:
0x243: {  	[sflag:s31] =	ssyncadd.s32 $0xFFFFF830;
	(pc) =	sbr.rel @p0 .LBB2_1-.Ltmp5, $4  }
0x244: {  	[hbm4b:s28+s1] =	stream.linear.scatter [tilespmem:s4], [sflag:$0x1], $0x7D0, $0x38;
	[tilespmem:$0x7530] =	vst v63  }
0x245: {  	_ =	swait.ge [sflag:s31], $0x7D0  }
0x246: {  	[sflag:s31] =	ssyncset.done $0x0  }
0x247: {  	[sflag:s31] =	ssyncadd.s32 $0xFFFFF830  }
0x248: {  	_ =	sfence.sel $0x180000  }
0x249: {  	[bflag:$0x0] =	sbarrier.arrive $0xFFFF  }
0x24a: {  	_ =	strace $0x9000004A  }
0x24b: {  	s0 =	stileid.u32;
	[bflag:$0x2] =	sbarrier.arrive $0xFFFF  }
0x24c: {  	p0 =	sne.s32 s0, $0x0;
	s0 =	rddreg [dreg:$0x2]  }
0x24d: {  	s0 =	sadd.s32 @!p0 $0x100000, s0  }
0x24e: {  	[sflag:s0] =	ssyncadd.tile.s32 @!p0 $0x1;
	_ =	shalt  }
.Lfunc_end2:
_tile_overlayer_lowered:
.L_overlay_start_2:
0x24f: {  	(tag) =	ssettag $0x2  }
0x250: {  	s0 =	rddreg [dreg:$0x0];
	s2 =	stileid.u32  }
0x251: {  	s1 =	rddreg [dreg:$0x1];
	p0 =	sne.s32 s2, $0x0  }
0x252: {  	s3 =	rddreg [dreg:$0x2];
	[bflag:$0x3] =	sbarrier.arrive $0xFFFF;
	s2 =	simm.s32 @!p0 $0x1C01  }
0x253: {  	[timem:s3], [sflag:s2] =	dma.local @!p0 [hbm:s0], s1  }
0x254: {  	s0 =	simm.s32 @!p0 $0x1  }
0x255: {  	_ =	swait.ge @!p0 [sflag:s0], s1  }
0x256: {  	s1 =	ssub.s32 @!p0 $0x0, s1;
	[sflag:s0] =	ssyncset.done @!p0 $0x0  }
0x257: {  	[sflag:s0] =	ssyncadd.s32 @!p0 s1  }
0x258: {  	[bflag:$0x3] =	sbarrier.arrive $0xFFFF  }
0x259: {  	_ =	shalt  }

// kernel: kernel.15.cloned.1.call-start
scs
__scs_entry_jumppad:
0x0: {  	(pc) =	sbr.rel $0x88, $3  }
0x1: {  	(tag) =	ssettag $0x0;
	lr =	simm.s32 $0x1  }
0x2: {  	[smem:$0x3F96] =	sst lr;
	_ =	strace $0xD0000000  }
0x3: {  	_ = 	snop  }
0x4: {  	_ = 	snop  }
0x5: {  	_ = 	snop  }
0x6: {  	_ = 	snop  }
0x7: {  	_ = 	snop  }
__scs_overlays_trampoline_lowered:
0x8: {  	[smem:$0x3FA5] =	sst s0  }
0x9: {  	[smem:$0x3FA6] =	sst s1  }
0xa: {  	[smem:$0x3FA7] =	sst s2  }
0xb: {  	[smem:$0x3FA8] =	sst s3  }
0xc: {  	[smem:$0x3FA9] =	sst s4  }
0xd: {  	[smem:$0x3FAA] =	sst s5  }
0xe: {  	[smem:$0x3FAB] =	sst s6  }
0xf: {  	[smem:$0x3FAC] =	sst s7  }
0x10: {  	[smem:$0x3FAD] =	sst s8  }
0x11: {  	[smem:$0x3FAE] =	sst s9;
	s0 =	simm.s32 @!p0 $0x0  }
0x12: {  	s1 =	sld [smem:$0x3F94];
	s0 =	simm.s32 @p0 $0x1  }
0x13: {  	[smem:$0x3FAF] =	sst s0;
	s0 =	simm.s32 @!p1 $0x0  }
0x14: {  	s2 =	sld [smem:$0x3F93];
	s0 =	simm.s32 @p1 $0x1  }
0x15: {  	[smem:$0x3FB0] =	sst s0;
	s0 =	simm.s32 @!p2 $0x0  }
0x16: {  	s3 =	sld [smem:$0x3FDB];
	s0 =	simm.s32 @p2 $0x1  }
0x17: {  	s4 =	simm.s32 $0x1BF5;
	[smem:$0x3FB2] =	sst s0  }
0x18: {  	s0 =	sld [smem:$0x3F95];
	_ =	swait.ge [sflag:s4], $0x0  }
0x19: {  	s7 =	sld [smem:$0x3F96]  }
0x1a: {  	s8 =	sadd.s32 $0xFFFFE003, lr  }
0x1b: {  	s9 =	sadd.s32 $0xFFFFFEF7, lr;
	s5 =	simm.s32 $0xFFFFFFFF;
	p2 =	slt.u32 s8, $0xFFFFF086  }
0x1c: {  	p1 =	slt.u32 s9, $0xF7A;
	s5 =	simm.s32 @!p2 $0x0  }
0x1d: {  	s5 =	simm.s32 @p1 $0x1;
	p0 =	seq.s32 s7, s2  }
0x1e: {  	s7 =	smul.u32 @!p0 $0xF7A, s2;
	p2 =	seq.s32 @!p0 s5, $0x0  }
0x1f: {  	s9 =	smul.u32 $0xF7A, s1;
	s8 =	simm.s32 @!p0 $0x1BF5;
	p2 =	por !p2, p0  }
0x20: {  	[sflag:s8] =	ssyncset.s32 @!p0 $0xFFFFF086;
	s6 =	sadd.s32 @!p0 s3, s7;
	s7 =	simm.s32 @!p0 $0x108  }
0x21: {  	s3 =	sadd.s32 s3, s9;
	s6 =	sadd.s32 @!p0 $0x88, s6;
	s7 =	simm.s32 @p2 $0x1082  }
0x22: {  	[simem:s7], [sflag:s8] =	dma.local @!p0 [hbm:s6], $0xF7A  }
0x23: {  	s9 =	sor.u32 $0xD0000000, s2;
	s6 =	simm.s32 $0x108;
	_ =	swait.ge @!p0 [sflag:s8], $0x0  }
0x24: {  	s3 =	sadd.s32 $0x88, s3;
	s6 =	simm.s32 @!p1 $0x1082;
	[sflag:s4] =	ssyncset.s32 $0xFFFFF086  }
0x25: {  	[simem:s6], [sflag:s4] =	dma.local [hbm:s3], $0xF7A  }
0x26: {  	[smem:$0x3F96] =	sst s1;
	(tag) =	ssettag s2;
	_ =	strace s9  }
0x27: {  	s1 =	sld [smem:$0x3FA6]  }
0x28: {  	s2 =	sld [smem:$0x3FA7]  }
0x29: {  	s4 =	sld [smem:$0x3FA9]  }
0x2a: {  	p0 =	seq.s32 s5, $0x0;
	s5 =	sld [smem:$0x3FAA]  }
0x2b: {  	s6 =	sld [smem:$0x3FAB]  }
0x2c: {  	s7 =	sld [smem:$0x3FAC]  }
0x2d: {  	s3 =	simm.s32 $0x108;
	s8 =	sld [smem:$0x3FAD]  }
0x2e: {  	s3 =	simm.s32 @!p0 $0x1082;
	s9 =	sld [smem:$0x3FAE]  }
0x2f: {  	lr =	sadd.s32 s0, s3;
	s0 =	sld [smem:$0x3FA5]  }
0x30: {  	s3 =	sld [smem:$0x3FA8]  }
0x31: {  	[smem:$0x3FB1] =	sst s10  }
0x32: {  	s10 =	sld [smem:$0x3FAF];
	_ =	sdelay $0x3  }
0x33: {  	p0 =	seq.s32 s10, $0x1;
	s10 =	sld [smem:$0x3FB1];
	_ =	sdelay $0x3  }
0x34: {  	[smem:$0x3FB1] =	sst s10  }
0x35: {  	s10 =	sld [smem:$0x3FB0];
	_ =	sdelay $0x3  }
0x36: {  	p1 =	seq.s32 s10, $0x1;
	s10 =	sld [smem:$0x3FB1];
	_ =	sdelay $0x3  }
0x37: {  	[smem:$0x3FB1] =	sst s10  }
0x38: {  	s10 =	sld [smem:$0x3FB2]  }
0x39: {  	_ = 	snop;
	(pc) =	sbr.ind lr, $3  }
0x3a: {  	_ = 	snop  }
0x3b: {  	_ = 	snop  }
0x3c: {  	p2 =	seq.s32 s10, $0x1;
	s10 =	sld [smem:$0x3FB1]  }
0x3d: {  	_ =	shalt  }
0x3e: {  	_ =	shalt  }
0x3f: {  	_ =	shalt  }
0x40: {  	_ =	shalt  }
0x41: {  	_ =	shalt  }
0x42: {  	_ =	shalt  }
0x43: {  	_ =	shalt  }
0x44: {  	_ =	shalt  }
0x45: {  	_ =	shalt  }
0x46: {  	_ =	shalt  }
0x47: {  	_ =	shalt  }
0x48: {  	_ =	shalt  }
0x49: {  	_ =	shalt  }
0x4a: {  	_ =	shalt  }
0x4b: {  	_ =	shalt  }
0x4c: {  	_ =	shalt  }
0x4d: {  	_ =	shalt  }
0x4e: {  	_ =	shalt  }
0x4f: {  	_ =	shalt  }
0x50: {  	_ =	shalt  }
0x51: {  	_ =	shalt  }
0x52: {  	_ =	shalt  }
0x53: {  	_ =	shalt  }
0x54: {  	_ =	shalt  }
0x55: {  	_ =	shalt  }
0x56: {  	_ =	shalt  }
0x57: {  	_ =	shalt  }
0x58: {  	_ =	shalt  }
0x59: {  	_ =	shalt  }
0x5a: {  	_ =	shalt  }
0x5b: {  	_ =	shalt  }
0x5c: {  	_ =	shalt  }
0x5d: {  	_ =	shalt  }
0x5e: {  	_ =	shalt  }
0x5f: {  	_ =	shalt  }
0x60: {  	_ =	shalt  }
0x61: {  	_ =	shalt  }
0x62: {  	_ =	shalt  }
0x63: {  	_ =	shalt  }
0x64: {  	_ =	shalt  }
0x65: {  	_ =	shalt  }
0x66: {  	_ =	shalt  }
0x67: {  	_ =	shalt  }
0x68: {  	_ =	shalt  }
0x69: {  	_ =	shalt  }
0x6a: {  	_ =	shalt  }
0x6b: {  	_ =	shalt  }
0x6c: {  	_ =	shalt  }
0x6d: {  	_ =	shalt  }
0x6e: {  	_ =	shalt  }
0x6f: {  	_ =	shalt  }
0x70: {  	_ =	shalt  }
0x71: {  	_ =	shalt  }
0x72: {  	_ =	shalt  }
0x73: {  	_ =	shalt  }
0x74: {  	_ =	shalt  }
0x75: {  	_ =	shalt  }
0x76: {  	_ =	shalt  }
0x77: {  	_ =	shalt  }
0x78: {  	_ =	shalt  }
0x79: {  	_ =	shalt  }
0x7a: {  	_ =	shalt  }
0x7b: {  	_ =	shalt  }
0x7c: {  	_ =	shalt  }
0x7d: {  	_ =	shalt  }
0x7e: {  	_ =	shalt  }
0x7f: {  	_ =	shalt  }
0x80: {  	_ =	shalt  }
0x81: {  	_ =	shalt  }
0x82: {  	_ =	shalt  }
0x83: {  	_ =	shalt  }
0x84: {  	_ =	shalt  }
0x85: {  	_ =	shalt  }
0x86: {  	_ =	shalt  }
0x87: {  	_ =	shalt  }
.Lfunc_end0:
.L_simem_size_0:
called_computation.2_lowered:
.L_overlay_start_0:
0x88: {  	s2 =	sld [smem:$0x3FD9]  }
0x89: {  	s3 =	sld [smem:$0x3FFE];
	_ =	sdelay $0x1  }
0x8a: {  	s1 =	srdreg.scid  }
0x8b: {  	s0 =	sand.u32 $0x1, s1  }
0x8c: {  	s17 =	sshll.u32 s0, $0xA;
	s2 =	sadd.s32 s3, s2  }
0x8d: {  	s2 =	sadd.s32 s2, s17  }
0x8e: {  	[smem:$0x3FBD] =	sst s2  }
0x8f: {  	_ = 	snop  }
0x90: {  	s2 =	sld [smem:$0x3FD0];
	(tm) =	ssettm $0x1  }
0x91: {  	s18 =	sld [smem:$0x3FFB];
	_ =	sdelay $0x3  }
0x92: {  	_ =	strace s18  }
0x93: {  	s3 =	sld [smem:$0x3FFC];
	_ =	sdelay $0x3  }
0x94: {  	_ =	strace s3  }
0x95: {  	s3 =	sld [smem:$0x3FFD];
	_ =	sdelay $0x3  }
0x96: {  	_ =	strace s3  }
0x97: {  	_ =	strace $0x8FFFFFFF  }
0x98: {  	s19 =	sld [smem:$0x3FDB];
	_ =	sdelay $0x1  }
0x99: {  	s4 =	simm.s32 $_scs_section_size  }
0x9a: {  	s5 =	simm.s32 $_size__tile_overlayer_lowered;
	s6 =	simm.s32 $_tile_overlayer_lowered  }
0x9b: {  	s22 =	simm.s32 $0x1BFF;
	s21 =	sshll.u32 s6, $0x1;
	s3 =	sadd.s32 s4, s19  }
0x9c: {  	s7 =	simm.s32 $0x0;
	s20 =	sshll.u32 s5, $0x1;
	s5 =	sadd.s32 s21, s3  }
0x9d: {  	[timem:s7], [sflag:s22] =	dma.local [hbm:s5], s20  }
0x9e: {  	_ =	swait.ge [sflag:s22], s20  }
0x9f: {  	s4 =	ssub.s32 $0x0, s20;
	[sflag:s22] =	ssyncset.done $0x0  }
0xa0: {  	[sflag:s22] =	ssyncadd.s32 s4;
	_ =	sdelay $0x1  }
0xa1: {  	s23 =	simm.s32 $0x1B8B  }
0xa2: {  	_ =	swait.ge [sflag:s23], $0x1  }
0xa3: {  	[sflag:s23] =	ssyncset.done $0x0  }
0xa4: {  	s25 =	simm.s32 $0x1B8E;
	s24 =	sld [smem:$0x3FFE];
	[sflag:s23] =	ssyncadd.s32 $0xFFFFFFFF  }
0xa5: {  	s26 =	simm.s32 $execute0_lowered;
	[smem:$0x3FD2] =	sst s25  }
0xa6: {  	s5 =	sshll.u32 s26, $0x1;
	_ =	strace $0x8000004C;
	[dreg:$0x1] =	wrdreg $0xFFFFFFFF  }
0xa7: {  	s28 =	simm.s32 $_size_execute0_lowered;
	s3 =	sadd.s32 s3, s5;
	[dreg:$0x0] =	wrdreg $0x0  }
0xa8: {  	s5 =	sshll.u32 s28, $0x1;
	[dreg:$0x2] =	wrdreg s3  }
0xa9: {  	[dreg:$0x3] =	wrdreg s5  }
0xaa: {  	[dreg:$0x4] =	wrdreg $0xC0  }
0xab: {  	_ =	task [dreg:s7], $0x5FFFF  }
0xac: {  	[dreg:$0x1] =	wrdreg $0xFFFFFFFF  }
0xad: {  	[dreg:$0x0] =	wrdreg $0x60  }
0xae: {  	[dreg:$0x2] =	wrdreg s2  }
0xaf: {  	[dreg:$0x3] =	wrdreg s24  }
0xb0: {  	[dreg:$0x4] =	wrdreg $0x9  }
0xb1: {  	_ =	task.clear_ibuf [dreg:s7], $0x5FFFF;
	_ =	strace $0x9000004C  }
0xb2: {  	s29 =	simm.s32 $0x9;
	_ =	strace $0x8000004E  }
0xb3: {  	_ =	swait.ge [sflag:s29], $0x1  }
0xb4: {  	[sflag:s29] =	ssyncadd.s32 $0xFFFFFFFF  }
0xb5: {  	_ =	strace $0x9000004E  }
0xb6: {  	_ =	sfence  }
0xb7: {  	s30 =	sld [smem:$0x0];
	_ =	sdelay $0x2  }
0xb8: {  	s31 =	sshll.u32 s1, $0xD;
	s1 =	sshrl.u32 s1, $0x2  }
0xb9: {  	s3 =	sand.u32 $0x4000, s31;
	s1 =	sadd.s32 s1, s30  }
0xba: {  	s0 =	sor.u32 s3, s0;
	s1 =	sshll.u32 s1, $0x11  }
0xbb: {  	s0 =	sor.u32 s1, s0  }
0xbc: {  	s0 =	sadd.s32 $0x8F2B, s0  }
0xbd: {  	[sflag:s0] =	ssyncadd.remote.s32 $0x1  }
0xbe: {  	_ =	sfence.sel $0xFFFF  }
0xbf: {  	[dreg:$0x0] =	wrdreg $0xFFFFFFFF;
	(pc) =	sbr.abs _section_cstart, $3  }
0xc0: {  	[dreg:$0x1] =	wrdreg $0xFFFFFFFF  }
0xc1: {  	_ =	task.clear_ibuf [dreg:s7], $0x2FFFF;
	_ =	strace $0x9FFFFFFF  }
0xc2: {  	(tm) =	ssettm $0x7FFFFFFF  }
0xc3: {  	_ =	shalt  }
tec
execute0_lowered:
.L_overlay_start_1:
0x0: {  	(tag) =	ssettag $0x1  }
0x1: {  	s0 =	rddreg [dreg:$0x0]  }
0x2: {  	s1 =	rddreg [dreg:$0x1]  }
0x3: {  	s3 =	srdreg.scid;
	s4 =	stileid.u32  }
0x4: {  	s2 =	simm.s32 $0x0;
	s15 =	simm.s32 $0x3;
	s16 =	simm.s32 $0x1D4C0  }
0x5: {  	s17 =	simm.s32 $0x1E460;
	s18 =	simm.s32 $0x1DC90;
	s19 =	simm.s32 $0x1EC30  }
0x6: {  	s20 =	simm.s32 $0x1;
	s21 =	simm.s32 $0x9C40;
	s22 =	simm.s32 $0x2  }
0x7: {  	s23 =	simm.s32 $0x4;
	s5 =	sand.u32 $0x1, s3;
	s29 =	sshll.u32 s4, $0x1  }
0x8: {  	s24 =	simm.s32 $0x13880;
	s25 =	simm.s32 $0x0;
	s6 =	sor.u32 s5, s29  }
0x9: {  	s26 =	simm.s32 $0x0;
	[smem:$0x7FF] =	sst s2;
	s7 =	smul.u32 $0x9C40, s6  }
0xa: {  	s3 =	sadd.s32 $0x1FE00, s1;
	s5 =	ssub.s32 $0x2, s5;
	s9 =	smul.u32 $0x2710, s6  }
0xb: {  	s4 =	sadd.s32 $0x16000, s1;
	s8 =	sshrl.u32 s5, $0x1;
	s30 =	smul.u32 $0x4E2, s6  }
0xc: {  	_ =	strace $0x8000004D;
	s31 =	smul.u32 $0x5, s6;
	s14 =	ssub.s32 s5, s8  }
.Ltmp0:
0xd: {  	s7 =	sshrl.u32 s7, $0x3;
	s9 =	sshrl.u32 s9, $0x3;
	(pc) =	sbr.rel .LBB2_1-.Ltmp0, $4  }
0xe: {  	s6 =	sadd.s32 s3, s30;
	s10 =	sadd.s32 $0x2, s31;
	s11 =	sadd.s32 $0x3, s31  }
0xf: {  	s14 =	smax.u32 s14, $0x1;
	s1 =	sadd.s32 s7, s1;
	s9 =	sadd.s32 $0xFA, s9  }
0x10: {  	s5 =	sadd.s32 s0, s7;
	s7 =	sadd.s32 s4, s30;
	s8 =	sadd.s32 s3, s9  }
0x11: {  	v0 =	vimm.f32 $0.0e+00;
	s9 =	sadd.s32 s4, s9;
	s12 =	sadd.s32 $0x29C00, s1;
	s13 =	sadd.s32 $0x50D00, s1  }
.LBB2_14:
0x12: {  	[hbm4b:s12+s2] =	stream.linear.scatter [tilespmem:s21], [sflag:$0x4], $0x9C40, $0x38;
	[tilespmem:$0x1F400] =	vst v63  }
0x13: {  	s25 =	sadd.s32 $0x1, s25;
	_ =	swait.ge [sflag:s23], $0x9C40  }
0x14: {  	p0 =	sne.s32 s25, s14;
	[sflag:s23] =	ssyncset.done $0x0  }
.Ltmp1:
0x15: {  	[sflag:s23] =	ssyncadd.s32 $0xFFFF63C0;
	(pc) =	sbr.rel @!p0 .LBB2_15-.Ltmp1, $4  }
0x16: {  	[hbm4b:s13+s2] =	stream.linear.scatter [tilespmem:s24], [sflag:$0x4], $0x9C40, $0x38;
	[tilespmem:$0x1F400] =	vst v63  }
0x17: {  	_ =	swait.ge [sflag:s23], $0x9C40  }
0x18: {  	[sflag:s23] =	ssyncset.done $0x0  }
0x19: {  	[sflag:s23] =	ssyncadd.s32 $0xFFFF63C0  }
.LBB2_1:
0x1a: {  	[tilespmem:s2], [sflag:$0x3] =	stream.linear.gather [hbm4b:s5+s2], $0x9C40, $0x38;
	[tilespmem:$0x1F400] =	vst v63  }
0x1b: {  	s0 =	simm.s32 $0x9C80  }
0x1c: {  	[tilespmem:s0+$0xFFFFFFC0] =	vst v0  }
0x1d: {  	[tilespmem:s0+$0x30] =	vst v0  }
0x1e: {  	[tilespmem:s0+$0x20] =	vst v0  }
0x1f: {  	[tilespmem:s0+$0x10] =	vst v0  }
0x20: {  	[tilespmem:s0+$0x0] =	vst v0  }
0x21: {  	[tilespmem:s0+$0xFFFFFFF0] =	vst v0  }
0x22: {  	s1 =	simm.s32 $0x0;
	[tilespmem:s0+$0xFFFFFFE0] =	vst v0  }
.LBB2_2:
0x23: {  	s1 =	sadd.s32 $0x8, s1;
	[tilespmem:s0+$0xFFFFFFD0] =	vst v0;
	s0 =	sadd.s32 $0x80, s0  }
0x24: {  	[tilespmem:s0+$0xFFFFFFC0] =	vst v0;
	p0 =	slt.u32 s1, $0x1380  }
0x25: {  	[tilespmem:s0+$0x30] =	vst v0  }
.Ltmp2:
0x26: {  	[tilespmem:s0+$0x20] =	vst v0;
	(pc) =	sbr.rel @p0 .LBB2_2-.Ltmp2, $4  }
0x27: {  	[tilespmem:s0+$0x10] =	vst v0  }
0x28: {  	[tilespmem:s0+$0x0] =	vst v0  }
0x29: {  	[tilespmem:s0+$0xFFFFFFF0] =	vst v0  }
0x2a: {  	[tilespmem:s0+$0xFFFFFFE0] =	vst v0  }
0x2b: {  	[tilespmem:s0+$0xFFFFFFD0] =	vst v0  }
0x2c: {  	_ =	swait.ge [sflag:s15], $0x9C40  }
0x2d: {  	[sflag:s15] =	ssyncset.done $0x0  }
0x2e: {  	[sflag:s15] =	ssyncadd.s32 $0xFFFF63C0  }
0x2f: {  	[tilespmem:s16], [sflag:$0x1] =	stream.linear.gather [hbm4b:s6+s26], $0x7D0, $0x38;
	[tilespmem:$0x1F400] =	vst v63  }
0x30: {  	_ = 	snop  }
0x31: {  	[tilespmem:s17], [sflag:$0x1] =	stream.linear.gather [hbm4b:s7+s26], $0x7D0, $0x38;
	[tilespmem:$0x1F400] =	vst v63  }
0x32: {  	_ = 	snop  }
0x33: {  	[tilespmem:s18], [sflag:$0x2] =	stream.linear.gather [hbm4b:s8+s26], $0x7D0, $0x38;
	[tilespmem:$0x1F400] =	vst v63  }
0x34: {  	s28 =	simm.s32 $0x0  }
0x35: {  	[tilespmem:s19], [sflag:$0x2] =	stream.linear.gather [hbm4b:s9+s26], $0x7D0, $0x38;
	[tilespmem:$0x1F400] =	vst v63  }
.LBB2_4:
0x36: {  	_ =	swait.ge [sflag:s20], $0x7D0  }
0x37: {  	[sflag:s20] =	ssyncset.done $0x0  }
0x38: {  	[sflag:s20] =	ssyncadd.s32 $0xFFFFF830  }
0x39: {  	_ =	swait.ge [sflag:s20], $0x7D0  }
0x3a: {  	[sflag:s20] =	ssyncset.done $0x0  }
0x3b: {  	s0 =	simm.s32 $0x1D500;
	[sflag:s20] =	ssyncadd.s32 $0xFFFFF830  }
0x3c: {  	v1 =	vld [tilespmem:s0+$0x30]  }
0x3d: {  	v3 =	vld [tilespmem:s0+$0xFFFFFFD0]  }
0x3e: {  	v6 =	vld [tilespmem:s0+$0xFFFFFFE0]  }
0x3f: {  	v7 =	vld [tilespmem:s0+$0xFFFFFFF0];
	_ =	sdelay $0x1  }
0x40: {  	v9 =	vld [tilespmem:s0+$0xFFFFFFC0];
	_ =	sdelay $0x1  }
0x41: {  	v29 =	vand.u32 $0x3FFF, v1  }
0x42: {  	v12 =	vld [tilespmem:s0+$0x20];
	v20 =	vand.u32 $0x3FFF, v3;
	v16 =	vand.u32 $0x3FFF, v6;
	v15 =	vand.u32 $0x3FFF, v7  }
0x43: {  	v2 =	vshrl.u32 v3, $0xE;
	v5 =	vand.u32 $0x7, v3;
	v3 =	vshrl.u32 v6, $0xE  }
0x44: {  	v8 =	vld [tilespmem:s0+$0x0];
	v22 =	vand.u32 $0x3FFF, v9;
	v34 =	vshrl.u32 v1, $0xE;
	v32 =	vand.u32 $0x7, v1  }
0x45: {  	s29 =	simm.s32 $0x1E4A0;
	v10 =	vld [tilespmem:s0+$0x10];
	v28 =	vand.u32 $0x7, v9;
	v23 =	vand.u32 $0x7, v6;
	v11 =	vadd.s32 $0x2710, v20  }
0x46: {  	v36 =	vld [tilespmem:s29+$0x30];
	v21 =	vadd.s32 $0x2710, v22;
	v1 =	vand.u32 $0x7FF8, v11;
	v11 =	vadd.s32 $0x2710, v16  }
0x47: {  	v6 =	vld [tilespmem:s29+$0xFFFFFFC0];
	v27 =	vand.u32 $0x7, v12;
	v21 =	vand.u32 $0x7FF8, v21;
	v35 =	vand.u32 $0x7FF8, v11  }
0x48: {  	v11 =	vand.u32 $0x3FFF, v12;
	v49 =	vor.u32 v28, v21;
	v21 =	vshrl.u32 v12, $0xE;
	v12 =	vld [tilespmem:s29+$0x10]  }
0x49: {  	v14 =	vand.u32 $0x3FFF, v8;
	v50 =	vor.u32 v5, v1;
	v1 =	vld [tilespmem:s29+$0x20]  }
0x4a: {  	v13 =	vld.idx.msk [tilespmem:v29+s26+$0x0], $0xffff  }
0x4b: {  	v30 =	vld.idx.msk [tilespmem:v20+s26+$0x0], $0xffff  }
0x4c: {  	v4 =	vand.u32 $0x3FFF, v10;
	v17 =	vadd.s32 $0x2710, v29;
	v31 =	vld.idx.msk [tilespmem:v16+s26+$0x0], $0xffff  }
0x4d: {  	v17 =	vand.u32 $0x7FF8, v17;
	v33 =	vld.idx.msk [tilespmem:v15+s26+$0x0], $0xffff  }
0x4e: {  	v18 =	vor.u32 v32, v17;
	v17 =	vshrl.u32 v9, $0xE;
	v9 =	vadd.s32 $0x2710, v34;
	v37 =	vld.idx.msk [tilespmem:v14+s26+$0x0], $0xffff  }
0x4f: {  	v24 =	vand.u32 $0x7, v7;
	v46 =	vand.u32 $0x7, v34;
	v9 =	vand.u32 $0x7FFF8, v9;
	v41 =	vld.idx.msk [tilespmem:v22+s26+$0x0], $0xffff  }
0x50: {  	v25 =	vand.u32 $0x7, v8;
	v26 =	vand.u32 $0x7, v10;
	v47 =	vor.u32 v46, v9;
	v9 =	vld [tilespmem:s29+$0xFFFFFFE0]  }
0x51: {  	v56 =	vadd.s32 $0x2710, v15;
	v57 =	vadd.s32 $0x2710, v14;
	v19 =	vadd.s32 $0x2710, v11;
	v39 =	vld.idx.msk [tilespmem:v4+s26+$0x0], $0xffff  }
0x52: {  	v43 =	vand.u32 $0x7FF8, v19;
	v19 =	vshrl.u32 v10, $0xE;
	v10 =	vld [tilespmem:s29+$0xFFFFFFF0];
	v13 =	vmul.f32 v13, v36  }
0x53: {  	v58 =	vadd.s32 $0x2710, v4;
	v59 =	vadd.s32 $0x4E20, v29;
	v62 =	vadd.s32 $0x2710, v2;
	v45 =	vld.idx.msk [tilespmem:v11+s26+$0x0], $0xffff  }
0x54: {  	v63 =	vadd.s32 $0x2710, v3;
	v52 =	vadd.s32 $0x4E20, v34;
	v41 =	vmul.f32 v41, v6;
	[tilespmem:v34+s21+$0x0] =	vst.idx.add.f32.msk $0xffff, v13  }
0x55: {  	v54 =	vadd.s32 $0x4E20, v20;
	v31 =	vmul.f32 v31, v9;
	v13 =	vshrl.u32 v7, $0xE;
	v7 =	vld [tilespmem:s29+$0xFFFFFFD0]  }
0x56: {  	v38 =	vand.u32 $0x7FF8, v56;
	v40 =	vand.u32 $0x7FF8, v57;
	v39 =	vmul.f32 v39, v12;
	[tilespmem:v17+s21+$0x0] =	vst.idx.add.f32.msk $0xffff, v41  }
0x57: {  	v42 =	vand.u32 $0x7FF8, v58;
	v60 =	vand.u32 $0xFFF8, v59;
	v51 =	vor.u32 v23, v35;
	[tilespmem:v3+s21+$0x0] =	vst.idx.add.f32.msk $0xffff, v31  }
0x58: {  	v55 =	vand.u32 $0x7FFF8, v52;
	v48 =	vor.u32 v32, v60;
	v42 =	vor.u32 v26, v42;
	[tilespmem:v19+s21+$0x0] =	vst.idx.add.f32.msk $0xffff, v39  }
0x59: {  	v38 =	vor.u32 v24, v38;
	v40 =	vor.u32 v25, v40;
	v56 =	vor.u32 v46, v55;
	v44 =	vld.idx.msk [tilespmem:v18+s26+$0x0], $0xffff  }
0x5a: {  	v55 =	vadd.s32 $0x4E20, v16;
	v61 =	vadd.s32 $0x2710, v17;
	v18 =	vshrl.u32 v8, $0xE;
	v8 =	vld [tilespmem:s29+$0x0]  }
0x5b: {  	v60 =	vadd.s32 $0x2710, v21;
	v29 =	vadd.s32 $0x7530, v29;
	v52 =	vand.u32 $0x7FFF8, v61;
	v49 =	vld.idx.msk [tilespmem:v49+s26+$0x0], $0xffff  }
0x5c: {  	v60 =	vand.u32 $0x7FFF8, v60;
	v20 =	vadd.s32 $0x7530, v20;
	v33 =	vmul.f32 v33, v10;
	v51 =	vld.idx.msk [tilespmem:v51+s26+$0x0], $0xffff  }
0x5d: {  	v16 =	vadd.s32 $0x7530, v16;
	v43 =	vor.u32 v27, v43;
	v29 =	vand.u32 $0xFFF8, v29;
	v42 =	vld.idx.msk [tilespmem:v42+s26+$0x0], $0xffff  }
0x5e: {  	v59 =	vadd.s32 $0x2710, v19;
	v20 =	vand.u32 $0xFFF8, v20;
	v30 =	vmul.f32 v30, v7;
	[tilespmem:v13+s21+$0x0] =	vst.idx.add.f32.msk $0xffff, v33  }
0x5f: {  	v29 =	vor.u32 v32, v29;
	v32 =	vand.u32 $0x7, v17;
	v44 =	vmul.f32 v44, v36;
	v38 =	vld.idx.msk [tilespmem:v38+s26+$0x0], $0xffff  }
0x60: {  	v52 =	vor.u32 v32, v52;
	v31 =	vand.u32 $0x7, v21;
	v57 =	vadd.s32 $0x2710, v13;
	[tilespmem:v2+s21+$0x0] =	vst.idx.add.f32.msk $0xffff, v30  }
0x61: {  	v35 =	vand.u32 $0x7, v13;
	v58 =	vadd.s32 $0x2710, v18;
	v37 =	vmul.f32 v37, v8;
	[tilespmem:v47+s21+$0x0] =	vst.idx.add.f32.msk $0xffff, v44  }
0x62: {  	v41 =	vand.u32 $0x7FFF8, v57;
	v57 =	vadd.s32 $0x4E20, v14;
	v39 =	vand.u32 $0x7FFF8, v58;
	v47 =	vld.idx.msk [tilespmem:v48+s26+$0x0], $0xffff  }
0x63: {  	v58 =	vadd.s32 $0x4E20, v4;
	v41 =	vor.u32 v35, v41;
	v4 =	vadd.s32 $0x7530, v4;
	[tilespmem:v18+s21+$0x0] =	vst.idx.add.f32.msk $0xffff, v37  }
0x64: {  	v4 =	vand.u32 $0xFFF8, v4;
	v33 =	vand.u32 $0x7, v2;
	v49 =	vmul.f32 v49, v6;
	v50 =	vld.idx.msk [tilespmem:v50+s26+$0x0], $0xffff  }
0x65: {  	v30 =	vand.u32 $0x7, v18;
	v37 =	vand.u32 $0x7FFF8, v62;
	v62 =	vmul.f32 v45, v1;
	v40 =	vld.idx.msk [tilespmem:v40+s26+$0x0], $0xffff  }
0x66: {  	v44 =	vand.u32 $0x7FFF8, v63;
	v63 =	vadd.s32 $0x4E20, v22;
	v39 =	vor.u32 v30, v39;
	[tilespmem:v52+s21+$0x0] =	vst.idx.add.f32.msk $0xffff, v49  }
0x67: {  	v45 =	vand.u32 $0xFFF8, v54;
	v37 =	vor.u32 v33, v37;
	[tilespmem:v21+s21+$0x0] =	vst.idx.add.f32.msk $0xffff, v62;
	v61 =	vmul.f32 v47, v36  }
0x68: {  	v48 =	vor.u32 v31, v60;
	v45 =	vor.u32 v5, v45;
	v62 =	vand.u32 $0xFFF8, v63;
	v43 =	vld.idx.msk [tilespmem:v43+s26+$0x0], $0xffff  }
0x69: {  	v60 =	vmul.f32 v38, v10;
	v63 =	vmul.f32 v50, v7;
	v47 =	vand.u32 $0x7FFF8, v59;
	[tilespmem:v56+s21+$0x0] =	vst.idx.add.f32.msk $0xffff, v61  }
0x6a: {  	v40 =	vmul.f32 v40, v8;
	v61 =	vadd.s32 $0x7530, v34;
	v34 =	vand.u32 $0x7, v3;
	v53 =	vld.idx.msk [tilespmem:v29+s26+$0x0], $0xffff  }
0x6b: {  	[tilespmem:v41+s21+$0x0] =	vst.idx.add.f32.msk $0xffff, v60;
	v56 =	vadd.s32 $0x4E20, v15;
	v29 =	vand.u32 $0x7FFF8, v61;
	v44 =	vor.u32 v34, v44  }
0x6c: {  	[tilespmem:v37+s21+$0x0] =	vst.idx.add.f32.msk $0xffff, v63;
	v54 =	vand.u32 $0xFFF8, v56;
	v61 =	vand.u32 $0xFFF8, v58;
	v46 =	vor.u32 v46, v29  }
0x6d: {  	[tilespmem:v39+s21+$0x0] =	vst.idx.add.f32.msk $0xffff, v40;
	v58 =	vmul.f32 v43, v1;
	v29 =	vand.u32 $0x7, v19;
	v54 =	vor.u32 v24, v54  }
0x6e: {  	v4 =	vor.u32 v26, v4;
	v45 =	vld.idx.msk [tilespmem:v45+s26+$0x0], $0xffff;
	v56 =	vmul.f32 v51, v9;
	v47 =	vor.u32 v29, v47  }
0x6f: {  	v59 =	vand.u32 $0xFFF8, v57;
	v38 =	vor.u32 v26, v61;
	[tilespmem:v48+s21+$0x0] =	vst.idx.add.f32.msk $0xffff, v58;
	v36 =	vmul.f32 v53, v36  }
0x70: {  	v16 =	vand.u32 $0xFFF8, v16;
	v52 =	vmul.f32 v42, v12;
	[tilespmem:v44+s21+$0x0] =	vst.idx.add.f32.msk $0xffff, v56;
	v56 =	vor.u32 v25, v59  }
0x71: {  	v50 =	vand.u32 $0xFFF8, v55;
	v53 =	vadd.s32 $0x4E20, v11;
	[tilespmem:v46+s21+$0x0] =	vst.idx.add.f32.msk $0xffff, v36;
	v36 =	vor.u32 v28, v62  }
0x72: {  	v59 =	vadd.s32 $0x4E20, v13;
	v42 =	vld.idx.msk [tilespmem:v54+s26+$0x0], $0xffff;
	v62 =	vand.u32 $0xFFF8, v53;
	v53 =	vor.u32 v23, v50  }
0x73: {  	v55 =	vadd.s32 $0x4E20, v2;
	v43 =	vand.u32 $0x7FFF8, v59;
	[tilespmem:v47+s21+$0x0] =	vst.idx.add.f32.msk $0xffff, v52;
	v46 =	vor.u32 v27, v62  }
0x74: {  	v15 =	vadd.s32 $0x7530, v15;
	v43 =	vor.u32 v35, v43;
	v62 =	vand.u32 $0x7FFF8, v55;
	v38 =	vld.idx.msk [tilespmem:v38+s26+$0x0], $0xffff  }
0x75: {  	v15 =	vand.u32 $0xFFF8, v15;
	v61 =	vadd.s32 $0x4E20, v19;
	v37 =	vor.u32 v33, v62;
	v39 =	vld.idx.msk [tilespmem:v56+s26+$0x0], $0xffff  }
0x76: {  	v22 =	vadd.s32 $0x7530, v22;
	v15 =	vor.u32 v24, v15;
	v52 =	vand.u32 $0x7FFF8, v61;
	v36 =	vld.idx.msk [tilespmem:v36+s26+$0x0], $0xffff  }
0x77: {  	v5 =	vor.u32 v5, v20;
	v49 =	vor.u32 v29, v52;
	v55 =	vmul.f32 v42, v10;
	v41 =	vld.idx.msk [tilespmem:v53+s26+$0x0], $0xffff  }
0x78: {  	v60 =	vadd.s32 $0x4E20, v18;
	v57 =	vadd.s32 $0x4E20, v3;
	v45 =	vmul.f32 v45, v7;
	v46 =	vld.idx.msk [tilespmem:v46+s26+$0x0], $0xffff  }
0x79: {  	v63 =	vadd.s32 $0x4E20, v17;
	v40 =	vand.u32 $0x7FFF8, v57;
	v47 =	vand.u32 $0x7FFF8, v60;
	[tilespmem:v43+s21+$0x0] =	vst.idx.add.f32.msk $0xffff, v55  }
0x7a: {  	v44 =	vand.u32 $0x7FFF8, v63;
	v47 =	vor.u32 v30, v47;
	v57 =	vmul.f32 v38, v12;
	[tilespmem:v37+s21+$0x0] =	vst.idx.add.f32.msk $0xffff, v45  }
0x7b: {  	v14 =	vadd.s32 $0x7530, v14;
	v22 =	vand.u32 $0xFFF8, v22;
	v44 =	vor.u32 v32, v44;
	v15 =	vld.idx.msk [tilespmem:v15+s26+$0x0], $0xffff  }
0x7c: {  	v16 =	vor.u32 v23, v16;
	v14 =	vand.u32 $0xFFF8, v14;
	v22 =	vor.u32 v28, v22;
	[tilespmem:v49+s21+$0x0] =	vst.idx.add.f32.msk $0xffff, v57  }
0x7d: {  	v14 =	vor.u32 v25, v14;
	v40 =	vor.u32 v34, v40;
	v56 =	vmul.f32 v39, v8;
	v5 =	vld.idx.msk [tilespmem:v5+s26+$0x0], $0xffff  }
0x7e: {  	v2 =	vadd.s32 $0x7530, v2;
	v63 =	vadd.s32 $0x4E20, v21;
	v62 =	vld.idx.msk [tilespmem:v4+s26+$0x0], $0xffff;
	v36 =	vmul.f32 v36, v6  }
0x7f: {  	v2 =	vand.u32 $0x7FFF8, v2;
	v11 =	vadd.s32 $0x7530, v11;
	v48 =	vand.u32 $0x7FFF8, v63;
	[tilespmem:v47+s21+$0x0] =	vst.idx.add.f32.msk $0xffff, v56  }
0x80: {  	v11 =	vand.u32 $0xFFF8, v11;
	v54 =	vor.u32 v31, v48;
	v53 =	vmul.f32 v41, v9;
	[tilespmem:v44+s21+$0x0] =	vst.idx.add.f32.msk $0xffff, v36  }
0x81: {  	v17 =	vadd.s32 $0x7530, v17;
	v2 =	vor.u32 v33, v2;
	v11 =	vor.u32 v27, v11;
	v59 =	vld.idx.msk [tilespmem:v22+s26+$0x0], $0xffff  }
0x82: {  	v17 =	vand.u32 $0x7FFF8, v17;
	v3 =	vadd.s32 $0x7530, v3;
	v13 =	vadd.s32 $0x7530, v13;
	[tilespmem:v40+s21+$0x0] =	vst.idx.add.f32.msk $0xffff, v53  }
0x83: {  	v17 =	vor.u32 v32, v17;
	v13 =	vand.u32 $0x7FFF8, v13;
	v58 =	vmul.f32 v46, v1;
	v16 =	vld.idx.msk [tilespmem:v16+s26+$0x0], $0xffff  }
0x84: {  	v3 =	vand.u32 $0x7FFF8, v3;
	v61 =	vor.u32 v35, v13;
	v60 =	vld.idx.msk [tilespmem:v14+s26+$0x0], $0xffff  }
0x85: {  	v3 =	vor.u32 v34, v3;
	[tilespmem:v54+s21+$0x0] =	vst.idx.add.f32.msk $0xffff, v58;
	v5 =	vmul.f32 v5, v7  }
0x86: {  	v63 =	vadd.s32 $0x7530, v21;
	v14 =	vadd.s32 $0x7530, v18;
	v4 =	vld.idx.msk [tilespmem:v11+s26+$0x0], $0xffff;
	v6 =	vmul.f32 v59, v6  }
0x87: {  	v13 =	vadd.s32 $0x7530, v19;
	v7 =	vand.u32 $0x7FFF8, v14;
	[tilespmem:v2+s21+$0x0] =	vst.idx.add.f32.msk $0xffff, v5;
	v5 =	vmul.f32 v15, v10  }
0x88: {  	v11 =	vand.u32 $0x7FFF8, v13;
	v14 =	vor.u32 v30, v7;
	[tilespmem:v17+s21+$0x0] =	vst.idx.add.f32.msk $0xffff, v6;
	v6 =	vmul.f32 v16, v9  }
0x89: {  	v7 =	vmul.f32 v62, v12;
	v13 =	vor.u32 v29, v11;
	[tilespmem:v61+s21+$0x0] =	vst.idx.add.f32.msk $0xffff, v5;
	v9 =	vand.u32 $0x7FFF8, v63  }
0x8a: {  	s31 =	simm.s32 $0x0;
	s0 =	simm.s32 $0x1D580;
	v8 =	vmul.f32 v60, v8;
	v2 =	vor.u32 v31, v9;
	[tilespmem:v3+s21+$0x0] =	vst.idx.add.f32.msk $0xffff, v6  }
.LBB2_5:
0x8b: {  	v9 =	vld [tilespmem:s0+$0x30];
	s31 =	sadd.s32 $0x8, s31;
	v3 =	vmul.f32 v4, v1  }
0x8c: {  	v1 =	vld [tilespmem:s0+$0xFFFFFFD0];
	p0 =	slt.u32 s31, $0x70  }
0x8d: {  	v10 =	vld [tilespmem:s0+$0xFFFFFFE0]  }
0x8e: {  	v11 =	vld [tilespmem:s0+$0xFFFFFFF0]  }
0x8f: {  	v12 =	vld [tilespmem:s0+$0x0]  }
0x90: {  	v17 =	vld [tilespmem:s0+$0x10];
	v31 =	vand.u32 $0x3FFF, v9  }
0x91: {  	v15 =	vand.u32 $0x3FFF, v1;
	v4 =	vshrl.u32 v1, $0xE;
	v6 =	vand.u32 $0x7, v1;
	v1 =	vld [tilespmem:s0+$0x20]  }
0x92: {  	v16 =	vld [tilespmem:s0+$0xFFFFFFC0];
	v18 =	vadd.s32 $0x2710, v15;
	v19 =	vand.u32 $0x3FFF, v10;
	v5 =	vshrl.u32 v10, $0xE  }
0x93: {  	v32 =	vand.u32 $0x7FF8, v18;
	v18 =	vadd.s32 $0x2710, v19;
	v20 =	vand.u32 $0x3FFF, v11;
	[tilespmem:v14+s21+$0x0] =	vst.idx.add.f32.msk $0xffff, v8  }
0x94: {  	s30 =	simm.s32 $0x0;
	v8 =	vand.u32 $0x7FF8, v18;
	v14 =	vadd.s32 $0x2710, v20;
	v25 =	vand.u32 $0x3FFF, v12;
	[tilespmem:v13+s21+$0x0] =	vst.idx.add.f32.msk $0xffff, v7  }
0x95: {  	s29 =	sadd.s32 $0x80, s29;
	v33 =	vand.u32 $0x7FF8, v14;
	v7 =	vadd.s32 $0x2710, v25;
	v27 =	vand.u32 $0x3FFF, v17;
	v13 =	vld.idx.msk [tilespmem:v31+s30+$0x0], $0xffff  }
0x96: {  	v34 =	vand.u32 $0x7FF8, v7;
	v7 =	vadd.s32 $0x2710, v27;
	v29 =	vand.u32 $0x3FFF, v1;
	v38 =	vld [tilespmem:s29+$0x30]  }
0x97: {  	v18 =	vadd.s32 $0x2710, v31;
	v30 =	vand.u32 $0x3FFF, v16;
	v35 =	vld.idx.msk [tilespmem:v15+s30+$0x0], $0xffff;
	v14 =	vadd.s32 $0x2710, v29  }
0x98: {  	v39 =	vshrl.u32 v9, $0xE;
	v37 =	vand.u32 $0x7, v9;
	v18 =	vand.u32 $0x7FF8, v18;
	v36 =	vld.idx.msk [tilespmem:v19+s30+$0x0], $0xffff  }
0x99: {  	v41 =	vand.u32 $0x7FF8, v7;
	v7 =	vor.u32 v37, v18;
	v9 =	vadd.s32 $0x2710, v30;
	v40 =	vld.idx.msk [tilespmem:v20+s30+$0x0], $0xffff  }
0x9a: {  	v18 =	vshrl.u32 v16, $0xE;
	v43 =	vand.u32 $0x7FF8, v14;
	v9 =	vand.u32 $0x7FF8, v9;
	v42 =	vld.idx.msk [tilespmem:v25+s30+$0x0], $0xffff  }
0x9b: {  	v24 =	vand.u32 $0x7, v10;
	v28 =	vand.u32 $0x7, v16;
	v44 =	vld.idx.msk [tilespmem:v27+s30+$0x0], $0xffff;
	v10 =	vmul.f32 v13, v38  }
0x9c: {  	v26 =	vand.u32 $0x7, v11;
	v16 =	vshrl.u32 v11, $0xE;
	v13 =	vshrl.u32 v12, $0xE;
	v45 =	vld.idx.msk [tilespmem:v30+s30+$0x0], $0xffff  }
0x9d: {  	v23 =	vand.u32 $0x7, v12;
	v21 =	vand.u32 $0x7, v17;
	v14 =	vshrl.u32 v17, $0xE;
	[tilespmem:v39+s21+$0x0] =	vst.idx.add.f32.msk $0xffff, v10  }
0x9e: {  	v22 =	vand.u32 $0x7, v1;
	v17 =	vshrl.u32 v1, $0xE;
	v46 =	vor.u32 v28, v9;
	v1 =	vld.idx.msk [tilespmem:v7+s30+$0x0], $0xffff  }
0x9f: {  	v47 =	vor.u32 v6, v32;
	v48 =	vor.u32 v24, v8;
	v8 =	vadd.s32 $0x2710, v39;
	v49 =	vld.idx.msk [tilespmem:v29+s30+$0x0], $0xffff  }
0xa0: {  	v50 =	vand.u32 $0x7, v39;
	v9 =	vand.u32 $0x7FFF8, v8;
	v10 =	vadd.s32 $0x4E20, v31;
	v7 =	vld [tilespmem:s29+$0xFFFFFFC0]  }
0xa1: {  	v51 =	vor.u32 v26, v33;
	v32 =	vor.u32 v50, v9;
	v10 =	vand.u32 $0xFFF8, v10;
	v8 =	vld [tilespmem:s29+$0xFFFFFFD0]  }
0xa2: {  	v52 =	vor.u32 v23, v34;
	v41 =	vor.u32 v21, v41;
	v33 =	vor.u32 v37, v10;
	v9 =	vld [tilespmem:s29+$0xFFFFFFE0]  }
0xa3: {  	v53 =	vadd.s32 $0x2710, v4;
	v34 =	vadd.s32 $0x2710, v18;
	v43 =	vor.u32 v22, v43;
	v10 =	vld [tilespmem:s29+$0xFFFFFFF0]  }
0xa4: {  	v54 =	vadd.s32 $0x2710, v5;
	v55 =	vadd.s32 $0x2710, v16;
	v1 =	vmul.f32 v1, v38;
	v11 =	vld [tilespmem:s29+$0x0]  }
0xa5: {  	v57 =	vadd.s32 $0x2710, v14;
	v56 =	vadd.s32 $0x2710, v13;
	v45 =	vmul.f32 v45, v7;
	v12 =	vld [tilespmem:s29+$0x10]  }
0xa6: {  	v58 =	vand.u32 $0x7FFF8, v34;
	v34 =	vmul.f32 v35, v8;
	v35 =	vadd.s32 $0x2710, v17;
	[tilespmem:v32+s21+$0x0] =	vst.idx.add.f32.msk $0xffff, v1  }
0xa7: {  	v53 =	vand.u32 $0x7FFF8, v53;
	v54 =	vand.u32 $0x7FFF8, v54;
	v32 =	vmul.f32 v36, v9;
	v33 =	vld.idx.msk [tilespmem:v33+s30+$0x0], $0xffff  }
0xa8: {  	v36 =	vmul.f32 v40, v10;
	v40 =	vand.u32 $0x7FFF8, v55;
	v1 =	vld [tilespmem:s29+$0x20];
	v55 =	vadd.s32 $0x4E20, v39  }
0xa9: {  	v31 =	vadd.s32 $0x7530, v31;
	[tilespmem:v18+s21+$0x0] =	vst.idx.add.f32.msk $0xffff, v45;
	v42 =	vmul.f32 v42, v11;
	v45 =	vand.u32 $0x7FFF8, v55  }
0xaa: {  	v31 =	vand.u32 $0xFFF8, v31;
	[tilespmem:v4+s21+$0x0] =	vst.idx.add.f32.msk $0xffff, v34;
	v34 =	vmul.f32 v44, v12;
	v44 =	vor.u32 v50, v45  }
0xab: {  	v37 =	vor.u32 v37, v31;
	v55 =	vand.u32 $0x7FFF8, v57;
	v45 =	vand.u32 $0x7FFF8, v56;
	[tilespmem:v5+s21+$0x0] =	vst.idx.add.f32.msk $0xffff, v32  }
0xac: {  	v31 =	vand.u32 $0x7, v18;
	v57 =	vand.u32 $0x7FFF8, v35;
	v56 =	vadd.s32 $0x4E20, v30;
	[tilespmem:v16+s21+$0x0] =	vst.idx.add.f32.msk $0xffff, v36  }
0xad: {  	v32 =	vand.u32 $0x7, v4;
	v36 =	vmul.f32 v33, v38;
	[tilespmem:v13+s21+$0x0] =	vst.idx.add.f32.msk $0xffff, v42;
	v42 =	vmul.f32 v49, v1  }
0xae: {  	v59 =	vadd.s32 $0x4E20, v19;
	v33 =	vand.u32 $0x7, v5;
	v49 =	vadd.s32 $0x4E20, v15;
	[tilespmem:v14+s21+$0x0] =	vst.idx.add.f32.msk $0xffff, v34  }
0xaf: {  	v60 =	vadd.s32 $0x4E20, v20;
	v35 =	vand.u32 $0x7, v13;
	v34 =	vand.u32 $0x7, v16;
	[tilespmem:v44+s21+$0x0] =	vst.idx.add.f32.msk $0xffff, v36  }
0xb0: {  	v61 =	vadd.s32 $0x4E20, v27;
	v44 =	vadd.s32 $0x4E20, v25;
	v36 =	vand.u32 $0x7, v14;
	v62 =	vld.idx.msk [tilespmem:v37+s30+$0x0], $0xffff  }
0xb1: {  	v39 =	vadd.s32 $0x7530, v39;
	v37 =	vand.u32 $0x7, v17;
	[tilespmem:v17+s21+$0x0] =	vst.idx.add.f32.msk $0xffff, v42;
	v42 =	vadd.s32 $0x4E20, v29  }
0xb2: {  	v58 =	vor.u32 v31, v58;
	v39 =	vand.u32 $0x7FFF8, v39;
	v53 =	vor.u32 v32, v53;
	v46 =	vld.idx.msk [tilespmem:v46+s30+$0x0], $0xffff  }
0xb3: {  	v39 =	vor.u32 v50, v39;
	v54 =	vor.u32 v33, v54;
	v40 =	vor.u32 v34, v40;
	v47 =	vld.idx.msk [tilespmem:v47+s30+$0x0], $0xffff  }
0xb4: {  	v45 =	vor.u32 v35, v45;
	v50 =	vor.u32 v36, v55;
	v55 =	vor.u32 v37, v57;
	v48 =	vld.idx.msk [tilespmem:v48+s30+$0x0], $0xffff  }
0xb5: {  	v56 =	vand.u32 $0xFFF8, v56;
	v49 =	vand.u32 $0xFFF8, v49;
	v57 =	vand.u32 $0xFFF8, v59;
	v51 =	vld.idx.msk [tilespmem:v51+s30+$0x0], $0xffff  }
0xb6: {  	v44 =	vand.u32 $0xFFF8, v44;
	v59 =	vand.u32 $0xFFF8, v60;
	v38 =	vmul.f32 v62, v38;
	v52 =	vld.idx.msk [tilespmem:v52+s30+$0x0], $0xffff  }
0xb7: {  	v56 =	vor.u32 v28, v56;
	v60 =	vand.u32 $0xFFF8, v61;
	v42 =	vand.u32 $0xFFF8, v42;
	v41 =	vld.idx.msk [tilespmem:v41+s30+$0x0], $0xffff  }
0xb8: {  	v49 =	vor.u32 v6, v49;
	v61 =	vadd.s32 $0x4E20, v18;
	v46 =	vmul.f32 v46, v7;
	[tilespmem:v39+s21+$0x0] =	vst.idx.add.f32.msk $0xffff, v38  }
0xb9: {  	v38 =	vmul.f32 v47, v8;
	v39 =	vor.u32 v24, v57;
	v47 =	vor.u32 v26, v59;
	v43 =	vld.idx.msk [tilespmem:v43+s30+$0x0], $0xffff  }
0xba: {  	v44 =	vor.u32 v23, v44;
	v48 =	vmul.f32 v48, v9;
	[tilespmem:v58+s21+$0x0] =	vst.idx.add.f32.msk $0xffff, v46;
	v46 =	vadd.s32 $0x4E20, v4  }
0xbb: {  	v51 =	vmul.f32 v51, v10;
	[tilespmem:v53+s21+$0x0] =	vst.idx.add.f32.msk $0xffff, v38;
	v38 =	vadd.s32 $0x4E20, v5;
	v53 =	vor.u32 v21, v60  }
0xbc: {  	v42 =	vor.u32 v22, v42;
	v52 =	vmul.f32 v52, v11;
	[tilespmem:v54+s21+$0x0] =	vst.idx.add.f32.msk $0xffff, v48;
	v48 =	vadd.s32 $0x4E20, v16  }
0xbd: {  	v41 =	vmul.f32 v41, v12;
	[tilespmem:v40+s21+$0x0] =	vst.idx.add.f32.msk $0xffff, v51;
	v40 =	vadd.s32 $0x4E20, v13;
	v51 =	vadd.s32 $0x4E20, v14  }
0xbe: {  	v46 =	vand.u32 $0x7FFF8, v46;
	v54 =	vand.u32 $0x7FFF8, v61;
	[tilespmem:v45+s21+$0x0] =	vst.idx.add.f32.msk $0xffff, v52;
	v45 =	vadd.s32 $0x4E20, v17  }
0xbf: {  	v38 =	vand.u32 $0x7FFF8, v38;
	v48 =	vand.u32 $0x7FFF8, v48;
	[tilespmem:v50+s21+$0x0] =	vst.idx.add.f32.msk $0xffff, v41;
	v41 =	vmul.f32 v43, v1  }
0xc0: {  	v40 =	vand.u32 $0x7FFF8, v40;
	v50 =	vand.u32 $0x7FFF8, v51;
	v45 =	vand.u32 $0x7FFF8, v45;
	v43 =	vld.idx.msk [tilespmem:v56+s30+$0x0], $0xffff  }
0xc1: {  	v19 =	vadd.s32 $0x7530, v19;
	v30 =	vadd.s32 $0x7530, v30;
	v15 =	vadd.s32 $0x7530, v15;
	[tilespmem:v55+s21+$0x0] =	vst.idx.add.f32.msk $0xffff, v41  }
0xc2: {  	v20 =	vadd.s32 $0x7530, v20;
	v27 =	vadd.s32 $0x7530, v27;
	v25 =	vadd.s32 $0x7530, v25;
	v41 =	vld.idx.msk [tilespmem:v49+s30+$0x0], $0xffff  }
0xc3: {  	v29 =	vadd.s32 $0x7530, v29;
	v46 =	vor.u32 v32, v46;
	v49 =	vor.u32 v31, v54;
	v39 =	vld.idx.msk [tilespmem:v39+s30+$0x0], $0xffff  }
0xc4: {  	v38 =	vor.u32 v33, v38;
	v48 =	vor.u32 v34, v48;
	v40 =	vor.u32 v35, v40;
	v47 =	vld.idx.msk [tilespmem:v47+s30+$0x0], $0xffff  }
0xc5: {  	v30 =	vand.u32 $0xFFF8, v30;
	v50 =	vor.u32 v36, v50;
	v45 =	vor.u32 v37, v45;
	v44 =	vld.idx.msk [tilespmem:v44+s30+$0x0], $0xffff  }
0xc6: {  	v19 =	vand.u32 $0xFFF8, v19;
	v15 =	vand.u32 $0xFFF8, v15;
	v43 =	vmul.f32 v43, v7;
	v51 =	vld.idx.msk [tilespmem:v53+s30+$0x0], $0xffff  }
0xc7: {  	v20 =	vand.u32 $0xFFF8, v20;
	v27 =	vand.u32 $0xFFF8, v27;
	v25 =	vand.u32 $0xFFF8, v25;
	v42 =	vld.idx.msk [tilespmem:v42+s30+$0x0], $0xffff  }
0xc8: {  	v28 =	vor.u32 v28, v30;
	v29 =	vand.u32 $0xFFF8, v29;
	v30 =	vmul.f32 v41, v8;
	[tilespmem:v49+s21+$0x0] =	vst.idx.add.f32.msk $0xffff, v43  }
0xc9: {  	v19 =	vor.u32 v24, v19;
	v6 =	vor.u32 v6, v15;
	v15 =	vmul.f32 v39, v9  }
0xca: {  	v20 =	vor.u32 v26, v20;
	v18 =	vadd.s32 $0x7530, v18;
	v24 =	vmul.f32 v47, v10;
	[tilespmem:v46+s21+$0x0] =	vst.idx.add.f32.msk $0xffff, v30  }
0xcb: {  	v23 =	vor.u32 v23, v25;
	v4 =	vadd.s32 $0x7530, v4;
	[tilespmem:v38+s21+$0x0] =	vst.idx.add.f32.msk $0xffff, v15;
	v15 =	vmul.f32 v44, v11  }
0xcc: {  	v5 =	vadd.s32 $0x7530, v5;
	v21 =	vor.u32 v21, v27;
	[tilespmem:v48+s21+$0x0] =	vst.idx.add.f32.msk $0xffff, v24;
	v24 =	vmul.f32 v51, v12  }
0xcd: {  	v22 =	vor.u32 v22, v29;
	v16 =	vadd.s32 $0x7530, v16;
	[tilespmem:v40+s21+$0x0] =	vst.idx.add.f32.msk $0xffff, v15;
	v15 =	vmul.f32 v42, v1  }
0xce: {  	v13 =	vadd.s32 $0x7530, v13;
	v14 =	vadd.s32 $0x7530, v14;
	v17 =	vadd.s32 $0x7530, v17;
	[tilespmem:v50+s21+$0x0] =	vst.idx.add.f32.msk $0xffff, v24  }
0xcf: {  	v18 =	vand.u32 $0x7FFF8, v18;
	v4 =	vand.u32 $0x7FFF8, v4;
	v5 =	vand.u32 $0x7FFF8, v5;
	[tilespmem:v45+s21+$0x0] =	vst.idx.add.f32.msk $0xffff, v15  }
0xd0: {  	v16 =	vand.u32 $0x7FFF8, v16;
	v13 =	vand.u32 $0x7FFF8, v13;
	v24 =	vand.u32 $0x7FFF8, v14;
	v15 =	vld.idx.msk [tilespmem:v28+s30+$0x0], $0xffff  }
0xd1: {  	v18 =	vor.u32 v31, v18;
	v25 =	vor.u32 v32, v4;
	v4 =	vand.u32 $0x7FFF8, v17;
	v6 =	vld.idx.msk [tilespmem:v6+s30+$0x0], $0xffff  }
0xd2: {  	v5 =	vor.u32 v33, v5;
	v16 =	vor.u32 v34, v16;
	v14 =	vor.u32 v35, v13;
	v17 =	vld.idx.msk [tilespmem:v19+s30+$0x0], $0xffff  }
0xd3: {  	v13 =	vor.u32 v36, v24;
	v19 =	vld.idx.msk [tilespmem:v20+s30+$0x0], $0xffff;
	v20 =	vor.u32 v37, v4  }
0xd4: {  	v23 =	vld.idx.msk [tilespmem:v23+s30+$0x0], $0xffff  }
0xd5: {  	v21 =	vld.idx.msk [tilespmem:v21+s30+$0x0], $0xffff  }
0xd6: {  	v7 =	vmul.f32 v15, v7;
	v4 =	vld.idx.msk [tilespmem:v22+s30+$0x0], $0xffff  }
.Ltmp3:
0xd7: {  	v6 =	vmul.f32 v6, v8;
	[tilespmem:v2+s21+$0x0] =	vst.idx.add.f32.msk $0xffff, v3;
	v2 =	vmov v20;
	(pc) =	sbr.rel @p0 .LBB2_5-.Ltmp3, $4  }
0xd8: {  	v3 =	vmul.f32 v17, v9;
	[tilespmem:v18+s21+$0x0] =	vst.idx.add.f32.msk $0xffff, v7  }
0xd9: {  	[tilespmem:v25+s21+$0x0] =	vst.idx.add.f32.msk $0xffff, v6;
	v6 =	vmul.f32 v19, v10  }
0xda: {  	v8 =	vmul.f32 v23, v11;
	[tilespmem:v5+s21+$0x0] =	vst.idx.add.f32.msk $0xffff, v3  }
0xdb: {  	s0 =	sadd.s32 $0x80, s0;
	v7 =	vmul.f32 v21, v12;
	[tilespmem:v16+s21+$0x0] =	vst.idx.add.f32.msk $0xffff, v6  }
0xdc: {  	_ =	sdelay $0x3  }
0xdd: {  	v1 =	vmul.f32 v4, v1;
	[tilespmem:v14+s21+$0x0] =	vst.idx.add.f32.msk $0xffff, v8  }
0xde: {  	[tilespmem:v13+s21+$0x0] =	vst.idx.add.f32.msk $0xffff, v7  }
0xdf: {  	[tilespmem:v2+s21+$0x0] =	vst.idx.add.f32.msk $0xffff, v1  }
.LBB2_7:
0xe0: {  	s0 =	sshra.s32 s30, $0x2  }
0xe1: {  	v1 =	vld [tilespmem:s0+$0x1DC40];
	_ =	sdelay $0x4  }
0xe2: {  	v2 =	vand.u32 $0x3FFF, v1;
	_ =	sdelay $0x3  }
0xe3: {  	v3 =	vld [tilespmem:s0+$0x1EBE0]  }
0xe4: {  	v4 =	vld.idx.msk [tilespmem:v2+s2+$0x0], $0xffff  }
0xe5: {  	v5 =	vadd.s32 $0x2710, v2  }
0xe6: {  	v6 =	vshrl.u32 v1, $0xE;
	v1 =	vand.u32 $0x7, v1;
	v5 =	vand.u32 $0x7FF8, v5  }
0xe7: {  	v5 =	vor.u32 v1, v5;
	_ =	sdelay $0x1  }
0xe8: {  	v4 =	vmul.f32 v4, v3;
	_ =	sdelay $0x1  }
0xe9: {  	[tilespmem:v6+s21+$0x0] =	vst.idx.add.f32.msk $0xffff, v4  }
0xea: {  	v62 =	vadd.s32 $0x2710, v6;
	v4 =	vld.idx.msk [tilespmem:v5+s2+$0x0], $0xffff  }
0xeb: {  	v7 =	vand.u32 $0x7, v6;
	v8 =	vadd.s32 $0x4E20, v2;
	v5 =	vand.u32 $0x7FFF8, v62  }
0xec: {  	v8 =	vand.u32 $0xFFF8, v8;
	v5 =	vor.u32 v7, v5  }
0xed: {  	v8 =	vor.u32 v1, v8;
	_ =	sdelay $0x1  }
0xee: {  	v4 =	vmul.f32 v4, v3;
	_ =	sdelay $0x1  }
0xef: {  	[tilespmem:v5+s21+$0x0] =	vst.idx.add.f32.msk $0xffff, v4  }
0xf0: {  	v63 =	vadd.s32 $0x4E20, v6;
	v4 =	vld.idx.msk [tilespmem:v8+s2+$0x0], $0xffff  }
0xf1: {  	v2 =	vadd.s32 $0x7530, v2;
	v5 =	vand.u32 $0x7FFF8, v63  }
0xf2: {  	v2 =	vand.u32 $0xFFF8, v2;
	v5 =	vor.u32 v7, v5  }
0xf3: {  	v1 =	vor.u32 v1, v2;
	_ =	sdelay $0x1  }
0xf4: {  	v2 =	vmul.f32 v4, v3;
	_ =	sdelay $0x1  }
0xf5: {  	[tilespmem:v5+s21+$0x0] =	vst.idx.add.f32.msk $0xffff, v2  }
0xf6: {  	v2 =	vadd.s32 $0x7530, v6;
	v1 =	vld.idx.msk [tilespmem:v1+s2+$0x0], $0xffff  }
0xf7: {  	v2 =	vand.u32 $0x7FFF8, v2  }
0xf8: {  	p0 =	sne.s32 s30, $0x100;
	v2 =	vor.u32 v7, v2  }
.Ltmp4:
0xf9: {  	_ = 	snop;
	(pc) =	sbr.rel @p0 .LBB2_7-.Ltmp4, $3  }
0xfa: {  	_ = 	snop  }
0xfb: {  	v1 =	vmul.f32 v1, v3;
	_ =	sdelay $0x1  }
0xfc: {  	s30 =	sadd.s32 $0x40, s30;
	[tilespmem:v2+s21+$0x0] =	vst.idx.add.f32.msk $0xffff, v1  }
0xfd: {  	s29 =	sshll.u32 s28, $0x1;
	p0 =	seq.s32 s28, $0x4F  }
0xfe: {  	s0 =	sadd.s32 @!p0 s29, s10  }
0xff: {  	s1 =	sadd.s32 @!p0 $0xFFFFFF60, s0  }
0x100: {  	s0 =	smin.u32 @!p0 s1, s0  }
0x101: {  	s0 =	smul.u32 @!p0 $0x7D0, s0;
	_ =	sdelay $0x1  }
0x102: {  	s0 =	sshrl.u32 @!p0 s0, $0x3  }
0x103: {  	s30 =	simm.s32 @!p0 $0x0;
	s31 =	simm.s32 @!p0 $0x1D4C0;
	s1 =	sadd.s32 @!p0 s3, s0  }
0x104: {  	[tilespmem:s31], [sflag:$0x1] =	stream.linear.gather @!p0 [hbm4b:s1+s30], $0x7D0, $0x38;
	[tilespmem:$0x1F400] =	vst v63  }
0x105: {  	s0 =	sadd.s32 @!p0 s4, s0;
	s1 =	simm.s32 @!p0 $0x1E460  }
0x106: {  	[tilespmem:s1], [sflag:$0x1] =	stream.linear.gather @!p0 [hbm4b:s0+s30], $0x7D0, $0x38;
	[tilespmem:$0x1F400] =	vst v63  }
0x107: {  	_ =	swait.ge [sflag:s22], $0x7D0  }
0x108: {  	[sflag:s22] =	ssyncset.done $0x0  }
0x109: {  	[sflag:s22] =	ssyncadd.s32 $0xFFFFF830  }
0x10a: {  	_ =	swait.ge [sflag:s22], $0x7D0  }
0x10b: {  	[sflag:s22] =	ssyncset.done $0x0  }
0x10c: {  	s1 =	simm.s32 $0x1DCD0;
	[sflag:s22] =	ssyncadd.s32 $0xFFFFF830  }
0x10d: {  	v1 =	vld [tilespmem:s1+$0x30]  }
0x10e: {  	v3 =	vld [tilespmem:s1+$0xFFFFFFD0]  }
0x10f: {  	v6 =	vld [tilespmem:s1+$0xFFFFFFE0]  }
0x110: {  	v7 =	vld [tilespmem:s1+$0xFFFFFFF0];
	_ =	sdelay $0x1  }
0x111: {  	v9 =	vld [tilespmem:s1+$0xFFFFFFC0];
	_ =	sdelay $0x1  }
0x112: {  	v29 =	vand.u32 $0x3FFF, v1  }
0x113: {  	v12 =	vld [tilespmem:s1+$0x20];
	v17 =	vand.u32 $0x3FFF, v3;
	v16 =	vand.u32 $0x3FFF, v6;
	v14 =	vand.u32 $0x3FFF, v7  }
0x114: {  	v2 =	vshrl.u32 v3, $0xE;
	v5 =	vand.u32 $0x7, v3;
	v3 =	vshrl.u32 v6, $0xE  }
0x115: {  	v8 =	vld [tilespmem:s1+$0x0];
	v22 =	vand.u32 $0x3FFF, v9;
	v34 =	vshrl.u32 v1, $0xE;
	v32 =	vand.u32 $0x7, v1  }
0x116: {  	s31 =	simm.s32 $0x1EC70;
	v10 =	vld [tilespmem:s1+$0x10];
	v28 =	vand.u32 $0x7, v9;
	v23 =	vand.u32 $0x7, v6;
	v11 =	vadd.s32 $0x2710, v17  }
0x117: {  	v36 =	vld [tilespmem:s31+$0x30];
	v21 =	vadd.s32 $0x2710, v22;
	v1 =	vand.u32 $0x7FF8, v11;
	v11 =	vadd.s32 $0x2710, v16  }
0x118: {  	v6 =	vld [tilespmem:s31+$0xFFFFFFC0];
	v27 =	vand.u32 $0x7, v12;
	v21 =	vand.u32 $0x7FF8, v21;
	v35 =	vand.u32 $0x7FF8, v11  }
0x119: {  	v11 =	vand.u32 $0x3FFF, v12;
	v49 =	vor.u32 v28, v21;
	v21 =	vshrl.u32 v12, $0xE;
	v12 =	vld [tilespmem:s31+$0x10]  }
0x11a: {  	s30 =	simm.s32 $0x0;
	v15 =	vand.u32 $0x3FFF, v8;
	v50 =	vor.u32 v5, v1;
	v1 =	vld [tilespmem:s31+$0x20]  }
0x11b: {  	v13 =	vld.idx.msk [tilespmem:v29+s30+$0x0], $0xffff  }
0x11c: {  	v30 =	vld.idx.msk [tilespmem:v17+s30+$0x0], $0xffff  }
0x11d: {  	v4 =	vand.u32 $0x3FFF, v10;
	v18 =	vadd.s32 $0x2710, v29;
	v31 =	vld.idx.msk [tilespmem:v16+s30+$0x0], $0xffff  }
0x11e: {  	v18 =	vand.u32 $0x7FF8, v18;
	v33 =	vld.idx.msk [tilespmem:v14+s30+$0x0], $0xffff  }
0x11f: {  	v19 =	vor.u32 v32, v18;
	v18 =	vshrl.u32 v9, $0xE;
	v9 =	vadd.s32 $0x2710, v34;
	v37 =	vld.idx.msk [tilespmem:v15+s30+$0x0], $0xffff  }
0x120: {  	v24 =	vand.u32 $0x7, v7;
	v46 =	vand.u32 $0x7, v34;
	v9 =	vand.u32 $0x7FFF8, v9;
	v41 =	vld.idx.msk [tilespmem:v22+s30+$0x0], $0xffff  }
0x121: {  	v25 =	vand.u32 $0x7, v8;
	v26 =	vand.u32 $0x7, v10;
	v47 =	vor.u32 v46, v9;
	v9 =	vld [tilespmem:s31+$0xFFFFFFE0]  }
0x122: {  	v56 =	vadd.s32 $0x2710, v14;
	v57 =	vadd.s32 $0x2710, v15;
	v20 =	vadd.s32 $0x2710, v11;
	v39 =	vld.idx.msk [tilespmem:v4+s30+$0x0], $0xffff  }
0x123: {  	v43 =	vand.u32 $0x7FF8, v20;
	v20 =	vshrl.u32 v10, $0xE;
	v10 =	vld [tilespmem:s31+$0xFFFFFFF0];
	v13 =	vmul.f32 v13, v36  }
0x124: {  	v58 =	vadd.s32 $0x2710, v4;
	v59 =	vadd.s32 $0x4E20, v29;
	v62 =	vadd.s32 $0x2710, v2;
	v45 =	vld.idx.msk [tilespmem:v11+s30+$0x0], $0xffff  }
0x125: {  	v63 =	vadd.s32 $0x2710, v3;
	v52 =	vadd.s32 $0x4E20, v34;
	v41 =	vmul.f32 v41, v6;
	[tilespmem:v34+s21+$0x0] =	vst.idx.add.f32.msk $0xffff, v13  }
0x126: {  	v54 =	vadd.s32 $0x4E20, v17;
	v31 =	vmul.f32 v31, v9;
	v13 =	vshrl.u32 v7, $0xE;
	v7 =	vld [tilespmem:s31+$0xFFFFFFD0]  }
0x127: {  	v38 =	vand.u32 $0x7FF8, v56;
	v40 =	vand.u32 $0x7FF8, v57;
	v39 =	vmul.f32 v39, v12;
	[tilespmem:v18+s21+$0x0] =	vst.idx.add.f32.msk $0xffff, v41  }
0x128: {  	v42 =	vand.u32 $0x7FF8, v58;
	v60 =	vand.u32 $0xFFF8, v59;
	v51 =	vor.u32 v23, v35;
	[tilespmem:v3+s21+$0x0] =	vst.idx.add.f32.msk $0xffff, v31  }
0x129: {  	v55 =	vand.u32 $0x7FFF8, v52;
	v48 =	vor.u32 v32, v60;
	v42 =	vor.u32 v26, v42;
	[tilespmem:v20+s21+$0x0] =	vst.idx.add.f32.msk $0xffff, v39  }
0x12a: {  	v38 =	vor.u32 v24, v38;
	v40 =	vor.u32 v25, v40;
	v56 =	vor.u32 v46, v55;
	v44 =	vld.idx.msk [tilespmem:v19+s30+$0x0], $0xffff  }
0x12b: {  	v55 =	vadd.s32 $0x4E20, v16;
	v61 =	vadd.s32 $0x2710, v18;
	v19 =	vshrl.u32 v8, $0xE;
	v8 =	vld [tilespmem:s31+$0x0]  }
0x12c: {  	v60 =	vadd.s32 $0x2710, v21;
	v29 =	vadd.s32 $0x7530, v29;
	v52 =	vand.u32 $0x7FFF8, v61;
	v49 =	vld.idx.msk [tilespmem:v49+s30+$0x0], $0xffff  }
0x12d: {  	v60 =	vand.u32 $0x7FFF8, v60;
	v17 =	vadd.s32 $0x7530, v17;
	v33 =	vmul.f32 v33, v10;
	v51 =	vld.idx.msk [tilespmem:v51+s30+$0x0], $0xffff  }
0x12e: {  	v16 =	vadd.s32 $0x7530, v16;
	v43 =	vor.u32 v27, v43;
	v29 =	vand.u32 $0xFFF8, v29;
	v42 =	vld.idx.msk [tilespmem:v42+s30+$0x0], $0xffff  }
0x12f: {  	v59 =	vadd.s32 $0x2710, v20;
	v17 =	vand.u32 $0xFFF8, v17;
	v30 =	vmul.f32 v30, v7;
	[tilespmem:v13+s21+$0x0] =	vst.idx.add.f32.msk $0xffff, v33  }
0x130: {  	v29 =	vor.u32 v32, v29;
	v32 =	vand.u32 $0x7, v18;
	v44 =	vmul.f32 v44, v36;
	v38 =	vld.idx.msk [tilespmem:v38+s30+$0x0], $0xffff  }
0x131: {  	v52 =	vor.u32 v32, v52;
	v31 =	vand.u32 $0x7, v21;
	v57 =	vadd.s32 $0x2710, v13;
	[tilespmem:v2+s21+$0x0] =	vst.idx.add.f32.msk $0xffff, v30  }
0x132: {  	v35 =	vand.u32 $0x7, v13;
	v58 =	vadd.s32 $0x2710, v19;
	v37 =	vmul.f32 v37, v8;
	[tilespmem:v47+s21+$0x0] =	vst.idx.add.f32.msk $0xffff, v44  }
0x133: {  	v41 =	vand.u32 $0x7FFF8, v57;
	v57 =	vadd.s32 $0x4E20, v15;
	v39 =	vand.u32 $0x7FFF8, v58;
	v47 =	vld.idx.msk [tilespmem:v48+s30+$0x0], $0xffff  }
0x134: {  	v58 =	vadd.s32 $0x4E20, v4;
	v41 =	vor.u32 v35, v41;
	v4 =	vadd.s32 $0x7530, v4;
	[tilespmem:v19+s21+$0x0] =	vst.idx.add.f32.msk $0xffff, v37  }
0x135: {  	v4 =	vand.u32 $0xFFF8, v4;
	v33 =	vand.u32 $0x7, v2;
	v49 =	vmul.f32 v49, v6;
	v50 =	vld.idx.msk [tilespmem:v50+s30+$0x0], $0xffff  }
0x136: {  	v30 =	vand.u32 $0x7, v19;
	v37 =	vand.u32 $0x7FFF8, v62;
	v62 =	vmul.f32 v45, v1;
	v40 =	vld.idx.msk [tilespmem:v40+s30+$0x0], $0xffff  }
0x137: {  	v44 =	vand.u32 $0x7FFF8, v63;
	v63 =	vadd.s32 $0x4E20, v22;
	v39 =	vor.u32 v30, v39;
	[tilespmem:v52+s21+$0x0] =	vst.idx.add.f32.msk $0xffff, v49  }
0x138: {  	v45 =	vand.u32 $0xFFF8, v54;
	v37 =	vor.u32 v33, v37;
	[tilespmem:v21+s21+$0x0] =	vst.idx.add.f32.msk $0xffff, v62;
	v61 =	vmul.f32 v47, v36  }
0x139: {  	v48 =	vor.u32 v31, v60;
	v45 =	vor.u32 v5, v45;
	v62 =	vand.u32 $0xFFF8, v63;
	v43 =	vld.idx.msk [tilespmem:v43+s30+$0x0], $0xffff  }
0x13a: {  	v60 =	vmul.f32 v38, v10;
	v63 =	vmul.f32 v50, v7;
	v47 =	vand.u32 $0x7FFF8, v59;
	[tilespmem:v56+s21+$0x0] =	vst.idx.add.f32.msk $0xffff, v61  }
0x13b: {  	v40 =	vmul.f32 v40, v8;
	v61 =	vadd.s32 $0x7530, v34;
	v34 =	vand.u32 $0x7, v3;
	v53 =	vld.idx.msk [tilespmem:v29+s30+$0x0], $0xffff  }
0x13c: {  	[tilespmem:v41+s21+$0x0] =	vst.idx.add.f32.msk $0xffff, v60;
	v56 =	vadd.s32 $0x4E20, v14;
	v29 =	vand.u32 $0x7FFF8, v61;
	v44 =	vor.u32 v34, v44  }
0x13d: {  	[tilespmem:v37+s21+$0x0] =	vst.idx.add.f32.msk $0xffff, v63;
	v54 =	vand.u32 $0xFFF8, v56;
	v61 =	vand.u32 $0xFFF8, v58;
	v46 =	vor.u32 v46, v29  }
0x13e: {  	[tilespmem:v39+s21+$0x0] =	vst.idx.add.f32.msk $0xffff, v40;
	v58 =	vmul.f32 v43, v1;
	v29 =	vand.u32 $0x7, v20;
	v54 =	vor.u32 v24, v54  }
0x13f: {  	v4 =	vor.u32 v26, v4;
	v45 =	vld.idx.msk [tilespmem:v45+s30+$0x0], $0xffff;
	v56 =	vmul.f32 v51, v9;
	v47 =	vor.u32 v29, v47  }
0x140: {  	v59 =	vand.u32 $0xFFF8, v57;
	v38 =	vor.u32 v26, v61;
	[tilespmem:v48+s21+$0x0] =	vst.idx.add.f32.msk $0xffff, v58;
	v36 =	vmul.f32 v53, v36  }
0x141: {  	v16 =	vand.u32 $0xFFF8, v16;
	v52 =	vmul.f32 v42, v12;
	[tilespmem:v44+s21+$0x0] =	vst.idx.add.f32.msk $0xffff, v56;
	v56 =	vor.u32 v25, v59  }
0x142: {  	v50 =	vand.u32 $0xFFF8, v55;
	v53 =	vadd.s32 $0x4E20, v11;
	[tilespmem:v46+s21+$0x0] =	vst.idx.add.f32.msk $0xffff, v36;
	v36 =	vor.u32 v28, v62  }
0x143: {  	v59 =	vadd.s32 $0x4E20, v13;
	v42 =	vld.idx.msk [tilespmem:v54+s30+$0x0], $0xffff;
	v62 =	vand.u32 $0xFFF8, v53;
	v53 =	vor.u32 v23, v50  }
0x144: {  	v55 =	vadd.s32 $0x4E20, v2;
	v43 =	vand.u32 $0x7FFF8, v59;
	[tilespmem:v47+s21+$0x0] =	vst.idx.add.f32.msk $0xffff, v52;
	v46 =	vor.u32 v27, v62  }
0x145: {  	v14 =	vadd.s32 $0x7530, v14;
	v43 =	vor.u32 v35, v43;
	v62 =	vand.u32 $0x7FFF8, v55;
	v38 =	vld.idx.msk [tilespmem:v38+s30+$0x0], $0xffff  }
0x146: {  	v14 =	vand.u32 $0xFFF8, v14;
	v61 =	vadd.s32 $0x4E20, v20;
	v37 =	vor.u32 v33, v62;
	v39 =	vld.idx.msk [tilespmem:v56+s30+$0x0], $0xffff  }
0x147: {  	v22 =	vadd.s32 $0x7530, v22;
	v14 =	vor.u32 v24, v14;
	v52 =	vand.u32 $0x7FFF8, v61;
	v36 =	vld.idx.msk [tilespmem:v36+s30+$0x0], $0xffff  }
0x148: {  	v5 =	vor.u32 v5, v17;
	v49 =	vor.u32 v29, v52;
	v55 =	vmul.f32 v42, v10;
	v41 =	vld.idx.msk [tilespmem:v53+s30+$0x0], $0xffff  }
0x149: {  	v60 =	vadd.s32 $0x4E20, v19;
	v57 =	vadd.s32 $0x4E20, v3;
	v45 =	vmul.f32 v45, v7;
	v46 =	vld.idx.msk [tilespmem:v46+s30+$0x0], $0xffff  }
0x14a: {  	v63 =	vadd.s32 $0x4E20, v18;
	v40 =	vand.u32 $0x7FFF8, v57;
	v47 =	vand.u32 $0x7FFF8, v60;
	[tilespmem:v43+s21+$0x0] =	vst.idx.add.f32.msk $0xffff, v55  }
0x14b: {  	v44 =	vand.u32 $0x7FFF8, v63;
	v47 =	vor.u32 v30, v47;
	v57 =	vmul.f32 v38, v12;
	[tilespmem:v37+s21+$0x0] =	vst.idx.add.f32.msk $0xffff, v45  }
0x14c: {  	v15 =	vadd.s32 $0x7530, v15;
	v22 =	vand.u32 $0xFFF8, v22;
	v44 =	vor.u32 v32, v44;
	v14 =	vld.idx.msk [tilespmem:v14+s30+$0x0], $0xffff  }
0x14d: {  	v16 =	vor.u32 v23, v16;
	v15 =	vand.u32 $0xFFF8, v15;
	v22 =	vor.u32 v28, v22;
	[tilespmem:v49+s21+$0x0] =	vst.idx.add.f32.msk $0xffff, v57  }
0x14e: {  	v15 =	vor.u32 v25, v15;
	v40 =	vor.u32 v34, v40;
	v56 =	vmul.f32 v39, v8;
	v5 =	vld.idx.msk [tilespmem:v5+s30+$0x0], $0xffff  }
0x14f: {  	v2 =	vadd.s32 $0x7530, v2;
	v63 =	vadd.s32 $0x4E20, v21;
	v62 =	vld.idx.msk [tilespmem:v4+s30+$0x0], $0xffff;
	v36 =	vmul.f32 v36, v6  }
0x150: {  	v2 =	vand.u32 $0x7FFF8, v2;
	v11 =	vadd.s32 $0x7530, v11;
	v48 =	vand.u32 $0x7FFF8, v63;
	[tilespmem:v47+s21+$0x0] =	vst.idx.add.f32.msk $0xffff, v56  }
0x151: {  	v11 =	vand.u32 $0xFFF8, v11;
	v54 =	vor.u32 v31, v48;
	v53 =	vmul.f32 v41, v9;
	[tilespmem:v44+s21+$0x0] =	vst.idx.add.f32.msk $0xffff, v36  }
0x152: {  	v2 =	vor.u32 v33, v2;
	v59 =	vadd.s32 $0x7530, v18;
	v11 =	vor.u32 v27, v11;
	v60 =	vld.idx.msk [tilespmem:v22+s30+$0x0], $0xffff  }
0x153: {  	v3 =	vadd.s32 $0x7530, v3;
	v13 =	vadd.s32 $0x7530, v13;
	v17 =	vand.u32 $0x7FFF8, v59;
	[tilespmem:v40+s21+$0x0] =	vst.idx.add.f32.msk $0xffff, v53  }
0x154: {  	v13 =	vand.u32 $0x7FFF8, v13;
	v17 =	vor.u32 v32, v17;
	v58 =	vmul.f32 v46, v1;
	v16 =	vld.idx.msk [tilespmem:v16+s30+$0x0], $0xffff  }
0x155: {  	v3 =	vand.u32 $0x7FFF8, v3;
	v61 =	vor.u32 v35, v13;
	v15 =	vld.idx.msk [tilespmem:v15+s30+$0x0], $0xffff  }
0x156: {  	v3 =	vor.u32 v34, v3;
	[tilespmem:v54+s21+$0x0] =	vst.idx.add.f32.msk $0xffff, v58;
	v5 =	vmul.f32 v5, v7  }
0x157: {  	v19 =	vadd.s32 $0x7530, v19;
	v63 =	vadd.s32 $0x7530, v21;
	v4 =	vld.idx.msk [tilespmem:v11+s30+$0x0], $0xffff;
	v6 =	vmul.f32 v60, v6  }
0x158: {  	v13 =	vadd.s32 $0x7530, v20;
	v7 =	vand.u32 $0x7FFF8, v19;
	[tilespmem:v2+s21+$0x0] =	vst.idx.add.f32.msk $0xffff, v5;
	v5 =	vmul.f32 v14, v10  }
0x159: {  	v11 =	vand.u32 $0x7FFF8, v13;
	v13 =	vor.u32 v30, v7;
	[tilespmem:v17+s21+$0x0] =	vst.idx.add.f32.msk $0xffff, v6;
	v6 =	vmul.f32 v16, v9  }
0x15a: {  	v7 =	vmul.f32 v62, v12;
	v14 =	vor.u32 v29, v11;
	[tilespmem:v61+s21+$0x0] =	vst.idx.add.f32.msk $0xffff, v5;
	v9 =	vand.u32 $0x7FFF8, v63  }
0x15b: {  	s0 =	simm.s32 $0x0;
	s1 =	simm.s32 $0x1DD50;
	v8 =	vmul.f32 v15, v8;
	v2 =	vor.u32 v31, v9;
	[tilespmem:v3+s21+$0x0] =	vst.idx.add.f32.msk $0xffff, v6  }
.LBB2_9:
0x15c: {  	v9 =	vld [tilespmem:s1+$0x30];
	s0 =	sadd.s32 $0x8, s0;
	v3 =	vmul.f32 v4, v1  }
0x15d: {  	v1 =	vld [tilespmem:s1+$0xFFFFFFD0];
	p1 =	slt.u32 s0, $0x70  }
0x15e: {  	v10 =	vld [tilespmem:s1+$0xFFFFFFE0]  }
0x15f: {  	v11 =	vld [tilespmem:s1+$0xFFFFFFF0]  }
0x160: {  	v12 =	vld [tilespmem:s1+$0x0]  }
0x161: {  	v17 =	vld [tilespmem:s1+$0x10];
	v31 =	vand.u32 $0x3FFF, v9  }
0x162: {  	v16 =	vand.u32 $0x3FFF, v1;
	v4 =	vshrl.u32 v1, $0xE;
	v6 =	vand.u32 $0x7, v1;
	v1 =	vld [tilespmem:s1+$0x20]  }
0x163: {  	v15 =	vld [tilespmem:s1+$0xFFFFFFC0];
	v18 =	vadd.s32 $0x2710, v16;
	v19 =	vand.u32 $0x3FFF, v10;
	v5 =	vshrl.u32 v10, $0xE  }
0x164: {  	v32 =	vand.u32 $0x7FF8, v18;
	v18 =	vadd.s32 $0x2710, v19;
	v20 =	vand.u32 $0x3FFF, v11;
	[tilespmem:v13+s21+$0x0] =	vst.idx.add.f32.msk $0xffff, v8  }
0x165: {  	v8 =	vand.u32 $0x7FF8, v18;
	v13 =	vadd.s32 $0x2710, v20;
	v25 =	vand.u32 $0x3FFF, v12;
	[tilespmem:v14+s21+$0x0] =	vst.idx.add.f32.msk $0xffff, v7  }
0x166: {  	s31 =	sadd.s32 $0x80, s31;
	v33 =	vand.u32 $0x7FF8, v13;
	v7 =	vadd.s32 $0x2710, v25;
	v27 =	vand.u32 $0x3FFF, v17;
	v13 =	vld.idx.msk [tilespmem:v31+s30+$0x0], $0xffff  }
0x167: {  	v34 =	vand.u32 $0x7FF8, v7;
	v7 =	vadd.s32 $0x2710, v27;
	v29 =	vand.u32 $0x3FFF, v1;
	v38 =	vld [tilespmem:s31+$0x30]  }
0x168: {  	v18 =	vadd.s32 $0x2710, v31;
	v30 =	vand.u32 $0x3FFF, v15;
	v35 =	vld.idx.msk [tilespmem:v16+s30+$0x0], $0xffff;
	v14 =	vadd.s32 $0x2710, v29  }
0x169: {  	v39 =	vshrl.u32 v9, $0xE;
	v37 =	vand.u32 $0x7, v9;
	v18 =	vand.u32 $0x7FF8, v18;
	v36 =	vld.idx.msk [tilespmem:v19+s30+$0x0], $0xffff  }
0x16a: {  	v41 =	vand.u32 $0x7FF8, v7;
	v7 =	vor.u32 v37, v18;
	v9 =	vadd.s32 $0x2710, v30;
	v40 =	vld.idx.msk [tilespmem:v20+s30+$0x0], $0xffff  }
0x16b: {  	v18 =	vshrl.u32 v15, $0xE;
	v43 =	vand.u32 $0x7FF8, v14;
	v9 =	vand.u32 $0x7FF8, v9;
	v42 =	vld.idx.msk [tilespmem:v25+s30+$0x0], $0xffff  }
0x16c: {  	v24 =	vand.u32 $0x7, v10;
	v28 =	vand.u32 $0x7, v15;
	v44 =	vld.idx.msk [tilespmem:v27+s30+$0x0], $0xffff;
	v10 =	vmul.f32 v13, v38  }
0x16d: {  	v26 =	vand.u32 $0x7, v11;
	v15 =	vshrl.u32 v11, $0xE;
	v13 =	vshrl.u32 v12, $0xE;
	v45 =	vld.idx.msk [tilespmem:v30+s30+$0x0], $0xffff  }
0x16e: {  	v23 =	vand.u32 $0x7, v12;
	v21 =	vand.u32 $0x7, v17;
	v14 =	vshrl.u32 v17, $0xE;
	[tilespmem:v39+s21+$0x0] =	vst.idx.add.f32.msk $0xffff, v10  }
0x16f: {  	v22 =	vand.u32 $0x7, v1;
	v17 =	vshrl.u32 v1, $0xE;
	v46 =	vor.u32 v28, v9;
	v1 =	vld.idx.msk [tilespmem:v7+s30+$0x0], $0xffff  }
0x170: {  	v47 =	vor.u32 v6, v32;
	v48 =	vor.u32 v24, v8;
	v8 =	vadd.s32 $0x2710, v39;
	v49 =	vld.idx.msk [tilespmem:v29+s30+$0x0], $0xffff  }
0x171: {  	v50 =	vand.u32 $0x7, v39;
	v9 =	vand.u32 $0x7FFF8, v8;
	v10 =	vadd.s32 $0x4E20, v31;
	v7 =	vld [tilespmem:s31+$0xFFFFFFC0]  }
0x172: {  	v51 =	vor.u32 v26, v33;
	v32 =	vor.u32 v50, v9;
	v10 =	vand.u32 $0xFFF8, v10;
	v8 =	vld [tilespmem:s31+$0xFFFFFFD0]  }
0x173: {  	v52 =	vor.u32 v23, v34;
	v41 =	vor.u32 v21, v41;
	v33 =	vor.u32 v37, v10;
	v9 =	vld [tilespmem:s31+$0xFFFFFFE0]  }
0x174: {  	v53 =	vadd.s32 $0x2710, v4;
	v34 =	vadd.s32 $0x2710, v18;
	v43 =	vor.u32 v22, v43;
	v10 =	vld [tilespmem:s31+$0xFFFFFFF0]  }
0x175: {  	v54 =	vadd.s32 $0x2710, v5;
	v55 =	vadd.s32 $0x2710, v15;
	v1 =	vmul.f32 v1, v38;
	v11 =	vld [tilespmem:s31+$0x0]  }
0x176: {  	v57 =	vadd.s32 $0x2710, v14;
	v56 =	vadd.s32 $0x2710, v13;
	v45 =	vmul.f32 v45, v7;
	v12 =	vld [tilespmem:s31+$0x10]  }
0x177: {  	v58 =	vand.u32 $0x7FFF8, v34;
	v34 =	vmul.f32 v35, v8;
	v35 =	vadd.s32 $0x2710, v17;
	[tilespmem:v32+s21+$0x0] =	vst.idx.add.f32.msk $0xffff, v1  }
0x178: {  	v53 =	vand.u32 $0x7FFF8, v53;
	v54 =	vand.u32 $0x7FFF8, v54;
	v32 =	vmul.f32 v36, v9;
	v33 =	vld.idx.msk [tilespmem:v33+s30+$0x0], $0xffff  }
0x179: {  	v36 =	vmul.f32 v40, v10;
	v40 =	vand.u32 $0x7FFF8, v55;
	v1 =	vld [tilespmem:s31+$0x20];
	v55 =	vadd.s32 $0x4E20, v39  }
0x17a: {  	v31 =	vadd.s32 $0x7530, v31;
	[tilespmem:v18+s21+$0x0] =	vst.idx.add.f32.msk $0xffff, v45;
	v42 =	vmul.f32 v42, v11;
	v45 =	vand.u32 $0x7FFF8, v55  }
0x17b: {  	v31 =	vand.u32 $0xFFF8, v31;
	[tilespmem:v4+s21+$0x0] =	vst.idx.add.f32.msk $0xffff, v34;
	v34 =	vmul.f32 v44, v12;
	v44 =	vor.u32 v50, v45  }
0x17c: {  	v37 =	vor.u32 v37, v31;
	v55 =	vand.u32 $0x7FFF8, v57;
	v45 =	vand.u32 $0x7FFF8, v56;
	[tilespmem:v5+s21+$0x0] =	vst.idx.add.f32.msk $0xffff, v32  }
0x17d: {  	v31 =	vand.u32 $0x7, v18;
	v57 =	vand.u32 $0x7FFF8, v35;
	v56 =	vadd.s32 $0x4E20, v30;
	[tilespmem:v15+s21+$0x0] =	vst.idx.add.f32.msk $0xffff, v36  }
0x17e: {  	v32 =	vand.u32 $0x7, v4;
	v36 =	vmul.f32 v33, v38;
	[tilespmem:v13+s21+$0x0] =	vst.idx.add.f32.msk $0xffff, v42;
	v42 =	vmul.f32 v49, v1  }
0x17f: {  	v59 =	vadd.s32 $0x4E20, v19;
	v33 =	vand.u32 $0x7, v5;
	v49 =	vadd.s32 $0x4E20, v16;
	[tilespmem:v14+s21+$0x0] =	vst.idx.add.f32.msk $0xffff, v34  }
0x180: {  	v60 =	vadd.s32 $0x4E20, v20;
	v35 =	vand.u32 $0x7, v13;
	v34 =	vand.u32 $0x7, v15;
	[tilespmem:v44+s21+$0x0] =	vst.idx.add.f32.msk $0xffff, v36  }
0x181: {  	v61 =	vadd.s32 $0x4E20, v27;
	v44 =	vadd.s32 $0x4E20, v25;
	v36 =	vand.u32 $0x7, v14;
	v62 =	vld.idx.msk [tilespmem:v37+s30+$0x0], $0xffff  }
0x182: {  	v39 =	vadd.s32 $0x7530, v39;
	v37 =	vand.u32 $0x7, v17;
	[tilespmem:v17+s21+$0x0] =	vst.idx.add.f32.msk $0xffff, v42;
	v42 =	vadd.s32 $0x4E20, v29  }
0x183: {  	v58 =	vor.u32 v31, v58;
	v39 =	vand.u32 $0x7FFF8, v39;
	v53 =	vor.u32 v32, v53;
	v46 =	vld.idx.msk [tilespmem:v46+s30+$0x0], $0xffff  }
0x184: {  	v39 =	vor.u32 v50, v39;
	v54 =	vor.u32 v33, v54;
	v40 =	vor.u32 v34, v40;
	v47 =	vld.idx.msk [tilespmem:v47+s30+$0x0], $0xffff  }
0x185: {  	v45 =	vor.u32 v35, v45;
	v50 =	vor.u32 v36, v55;
	v55 =	vor.u32 v37, v57;
	v48 =	vld.idx.msk [tilespmem:v48+s30+$0x0], $0xffff  }
0x186: {  	v56 =	vand.u32 $0xFFF8, v56;
	v49 =	vand.u32 $0xFFF8, v49;
	v57 =	vand.u32 $0xFFF8, v59;
	v51 =	vld.idx.msk [tilespmem:v51+s30+$0x0], $0xffff  }
0x187: {  	v44 =	vand.u32 $0xFFF8, v44;
	v59 =	vand.u32 $0xFFF8, v60;
	v38 =	vmul.f32 v62, v38;
	v52 =	vld.idx.msk [tilespmem:v52+s30+$0x0], $0xffff  }
0x188: {  	v56 =	vor.u32 v28, v56;
	v60 =	vand.u32 $0xFFF8, v61;
	v42 =	vand.u32 $0xFFF8, v42;
	v41 =	vld.idx.msk [tilespmem:v41+s30+$0x0], $0xffff  }
0x189: {  	v49 =	vor.u32 v6, v49;
	v61 =	vadd.s32 $0x4E20, v18;
	v46 =	vmul.f32 v46, v7;
	[tilespmem:v39+s21+$0x0] =	vst.idx.add.f32.msk $0xffff, v38  }
0x18a: {  	v38 =	vmul.f32 v47, v8;
	v39 =	vor.u32 v24, v57;
	v47 =	vor.u32 v26, v59;
	v43 =	vld.idx.msk [tilespmem:v43+s30+$0x0], $0xffff  }
0x18b: {  	v44 =	vor.u32 v23, v44;
	v48 =	vmul.f32 v48, v9;
	[tilespmem:v58+s21+$0x0] =	vst.idx.add.f32.msk $0xffff, v46;
	v46 =	vadd.s32 $0x4E20, v4  }
0x18c: {  	v51 =	vmul.f32 v51, v10;
	[tilespmem:v53+s21+$0x0] =	vst.idx.add.f32.msk $0xffff, v38;
	v38 =	vadd.s32 $0x4E20, v5;
	v53 =	vor.u32 v21, v60  }
0x18d: {  	v42 =	vor.u32 v22, v42;
	v52 =	vmul.f32 v52, v11;
	[tilespmem:v54+s21+$0x0] =	vst.idx.add.f32.msk $0xffff, v48;
	v48 =	vadd.s32 $0x4E20, v15  }
0x18e: {  	v41 =	vmul.f32 v41, v12;
	[tilespmem:v40+s21+$0x0] =	vst.idx.add.f32.msk $0xffff, v51;
	v40 =	vadd.s32 $0x4E20, v13;
	v51 =	vadd.s32 $0x4E20, v14  }
0x18f: {  	v46 =	vand.u32 $0x7FFF8, v46;
	v54 =	vand.u32 $0x7FFF8, v61;
	[tilespmem:v45+s21+$0x0] =	vst.idx.add.f32.msk $0xffff, v52;
	v45 =	vadd.s32 $0x4E20, v17  }
0x190: {  	v38 =	vand.u32 $0x7FFF8, v38;
	v48 =	vand.u32 $0x7FFF8, v48;
	[tilespmem:v50+s21+$0x0] =	vst.idx.add.f32.msk $0xffff, v41;
	v41 =	vmul.f32 v43, v1  }
0x191: {  	v40 =	vand.u32 $0x7FFF8, v40;
	v50 =	vand.u32 $0x7FFF8, v51;
	v45 =	vand.u32 $0x7FFF8, v45;
	v43 =	vld.idx.msk [tilespmem:v56+s30+$0x0], $0xffff  }
0x192: {  	v19 =	vadd.s32 $0x7530, v19;
	v30 =	vadd.s32 $0x7530, v30;
	v16 =	vadd.s32 $0x7530, v16;
	[tilespmem:v55+s21+$0x0] =	vst.idx.add.f32.msk $0xffff, v41  }
0x193: {  	v20 =	vadd.s32 $0x7530, v20;
	v27 =	vadd.s32 $0x7530, v27;
	v25 =	vadd.s32 $0x7530, v25;
	v41 =	vld.idx.msk [tilespmem:v49+s30+$0x0], $0xffff  }
0x194: {  	v29 =	vadd.s32 $0x7530, v29;
	v46 =	vor.u32 v32, v46;
	v49 =	vor.u32 v31, v54;
	v39 =	vld.idx.msk [tilespmem:v39+s30+$0x0], $0xffff  }
0x195: {  	v38 =	vor.u32 v33, v38;
	v48 =	vor.u32 v34, v48;
	v40 =	vor.u32 v35, v40;
	v47 =	vld.idx.msk [tilespmem:v47+s30+$0x0], $0xffff  }
0x196: {  	v30 =	vand.u32 $0xFFF8, v30;
	v50 =	vor.u32 v36, v50;
	v45 =	vor.u32 v37, v45;
	v44 =	vld.idx.msk [tilespmem:v44+s30+$0x0], $0xffff  }
0x197: {  	v19 =	vand.u32 $0xFFF8, v19;
	v16 =	vand.u32 $0xFFF8, v16;
	v43 =	vmul.f32 v43, v7;
	v51 =	vld.idx.msk [tilespmem:v53+s30+$0x0], $0xffff  }
0x198: {  	v20 =	vand.u32 $0xFFF8, v20;
	v27 =	vand.u32 $0xFFF8, v27;
	v25 =	vand.u32 $0xFFF8, v25;
	v42 =	vld.idx.msk [tilespmem:v42+s30+$0x0], $0xffff  }
0x199: {  	v28 =	vor.u32 v28, v30;
	v29 =	vand.u32 $0xFFF8, v29;
	v30 =	vmul.f32 v41, v8;
	[tilespmem:v49+s21+$0x0] =	vst.idx.add.f32.msk $0xffff, v43  }
0x19a: {  	v19 =	vor.u32 v24, v19;
	v6 =	vor.u32 v6, v16;
	v16 =	vmul.f32 v39, v9  }
0x19b: {  	v20 =	vor.u32 v26, v20;
	v18 =	vadd.s32 $0x7530, v18;
	v24 =	vmul.f32 v47, v10;
	[tilespmem:v46+s21+$0x0] =	vst.idx.add.f32.msk $0xffff, v30  }
0x19c: {  	v23 =	vor.u32 v23, v25;
	v4 =	vadd.s32 $0x7530, v4;
	[tilespmem:v38+s21+$0x0] =	vst.idx.add.f32.msk $0xffff, v16;
	v16 =	vmul.f32 v44, v11  }
0x19d: {  	v5 =	vadd.s32 $0x7530, v5;
	v21 =	vor.u32 v21, v27;
	[tilespmem:v48+s21+$0x0] =	vst.idx.add.f32.msk $0xffff, v24;
	v24 =	vmul.f32 v51, v12  }
0x19e: {  	v22 =	vor.u32 v22, v29;
	v15 =	vadd.s32 $0x7530, v15;
	[tilespmem:v40+s21+$0x0] =	vst.idx.add.f32.msk $0xffff, v16;
	v16 =	vmul.f32 v42, v1  }
0x19f: {  	v13 =	vadd.s32 $0x7530, v13;
	v14 =	vadd.s32 $0x7530, v14;
	v17 =	vadd.s32 $0x7530, v17;
	[tilespmem:v50+s21+$0x0] =	vst.idx.add.f32.msk $0xffff, v24  }
0x1a0: {  	v18 =	vand.u32 $0x7FFF8, v18;
	v4 =	vand.u32 $0x7FFF8, v4;
	v5 =	vand.u32 $0x7FFF8, v5;
	[tilespmem:v45+s21+$0x0] =	vst.idx.add.f32.msk $0xffff, v16  }
0x1a1: {  	v15 =	vand.u32 $0x7FFF8, v15;
	v13 =	vand.u32 $0x7FFF8, v13;
	v14 =	vand.u32 $0x7FFF8, v14;
	v16 =	vld.idx.msk [tilespmem:v28+s30+$0x0], $0xffff  }
0x1a2: {  	v18 =	vor.u32 v31, v18;
	v24 =	vor.u32 v32, v4;
	v4 =	vand.u32 $0x7FFF8, v17;
	v6 =	vld.idx.msk [tilespmem:v6+s30+$0x0], $0xffff  }
0x1a3: {  	v5 =	vor.u32 v33, v5;
	v15 =	vor.u32 v34, v15;
	v13 =	vor.u32 v35, v13;
	v17 =	vld.idx.msk [tilespmem:v19+s30+$0x0], $0xffff  }
0x1a4: {  	v14 =	vor.u32 v36, v14;
	v19 =	vld.idx.msk [tilespmem:v20+s30+$0x0], $0xffff;
	v20 =	vor.u32 v37, v4  }
0x1a5: {  	v23 =	vld.idx.msk [tilespmem:v23+s30+$0x0], $0xffff  }
0x1a6: {  	v21 =	vld.idx.msk [tilespmem:v21+s30+$0x0], $0xffff  }
0x1a7: {  	v7 =	vmul.f32 v16, v7;
	v4 =	vld.idx.msk [tilespmem:v22+s30+$0x0], $0xffff  }
.Ltmp5:
0x1a8: {  	v6 =	vmul.f32 v6, v8;
	[tilespmem:v2+s21+$0x0] =	vst.idx.add.f32.msk $0xffff, v3;
	v2 =	vmov v20;
	(pc) =	sbr.rel @p1 .LBB2_9-.Ltmp5, $4  }
0x1a9: {  	v3 =	vmul.f32 v17, v9;
	[tilespmem:v18+s21+$0x0] =	vst.idx.add.f32.msk $0xffff, v7  }
0x1aa: {  	[tilespmem:v24+s21+$0x0] =	vst.idx.add.f32.msk $0xffff, v6;
	v6 =	vmul.f32 v19, v10  }
0x1ab: {  	v8 =	vmul.f32 v23, v11;
	[tilespmem:v5+s21+$0x0] =	vst.idx.add.f32.msk $0xffff, v3  }
0x1ac: {  	s1 =	sadd.s32 $0x80, s1;
	v7 =	vmul.f32 v21, v12;
	[tilespmem:v15+s21+$0x0] =	vst.idx.add.f32.msk $0xffff, v6  }
0x1ad: {  	_ =	sdelay $0x3  }
0x1ae: {  	v1 =	vmul.f32 v4, v1;
	[tilespmem:v13+s21+$0x0] =	vst.idx.add.f32.msk $0xffff, v8  }
0x1af: {  	[tilespmem:v14+s21+$0x0] =	vst.idx.add.f32.msk $0xffff, v7  }
0x1b0: {  	[tilespmem:v2+s21+$0x0] =	vst.idx.add.f32.msk $0xffff, v1  }
.LBB2_11:
0x1b1: {  	s0 =	sshra.s32 s30, $0x2  }
0x1b2: {  	v1 =	vld [tilespmem:s0+$0x1E410];
	_ =	sdelay $0x4  }
0x1b3: {  	v2 =	vand.u32 $0x3FFF, v1;
	_ =	sdelay $0x3  }
0x1b4: {  	v3 =	vld [tilespmem:s0+$0x1F3B0]  }
0x1b5: {  	v4 =	vld.idx.msk [tilespmem:v2+s2+$0x0], $0xffff  }
0x1b6: {  	v5 =	vadd.s32 $0x2710, v2  }
0x1b7: {  	v6 =	vshrl.u32 v1, $0xE;
	v1 =	vand.u32 $0x7, v1;
	v5 =	vand.u32 $0x7FF8, v5  }
0x1b8: {  	v5 =	vor.u32 v1, v5;
	_ =	sdelay $0x1  }
0x1b9: {  	v4 =	vmul.f32 v4, v3;
	_ =	sdelay $0x1  }
0x1ba: {  	[tilespmem:v6+s21+$0x0] =	vst.idx.add.f32.msk $0xffff, v4  }
0x1bb: {  	v62 =	vadd.s32 $0x2710, v6;
	v4 =	vld.idx.msk [tilespmem:v5+s2+$0x0], $0xffff  }
0x1bc: {  	v7 =	vand.u32 $0x7, v6;
	v8 =	vadd.s32 $0x4E20, v2;
	v5 =	vand.u32 $0x7FFF8, v62  }
0x1bd: {  	v8 =	vand.u32 $0xFFF8, v8;
	v5 =	vor.u32 v7, v5  }
0x1be: {  	v8 =	vor.u32 v1, v8;
	_ =	sdelay $0x1  }
0x1bf: {  	v4 =	vmul.f32 v4, v3;
	_ =	sdelay $0x1  }
0x1c0: {  	[tilespmem:v5+s21+$0x0] =	vst.idx.add.f32.msk $0xffff, v4  }
0x1c1: {  	v63 =	vadd.s32 $0x4E20, v6;
	v4 =	vld.idx.msk [tilespmem:v8+s2+$0x0], $0xffff  }
0x1c2: {  	v2 =	vadd.s32 $0x7530, v2;
	v5 =	vand.u32 $0x7FFF8, v63  }
0x1c3: {  	v2 =	vand.u32 $0xFFF8, v2;
	v5 =	vor.u32 v7, v5  }
0x1c4: {  	v1 =	vor.u32 v1, v2;
	_ =	sdelay $0x1  }
0x1c5: {  	v2 =	vmul.f32 v4, v3;
	_ =	sdelay $0x1  }
0x1c6: {  	[tilespmem:v5+s21+$0x0] =	vst.idx.add.f32.msk $0xffff, v2  }
0x1c7: {  	v2 =	vadd.s32 $0x7530, v6;
	v1 =	vld.idx.msk [tilespmem:v1+s2+$0x0], $0xffff  }
0x1c8: {  	v2 =	vand.u32 $0x7FFF8, v2  }
0x1c9: {  	p1 =	sne.s32 s30, $0x100;
	v2 =	vor.u32 v7, v2  }
.Ltmp6:
0x1ca: {  	_ = 	snop;
	(pc) =	sbr.rel @p1 .LBB2_11-.Ltmp6, $3  }
0x1cb: {  	_ = 	snop  }
0x1cc: {  	v1 =	vmul.f32 v1, v3;
	_ =	sdelay $0x1  }
0x1cd: {  	s30 =	sadd.s32 $0x40, s30;
	[tilespmem:v2+s21+$0x0] =	vst.idx.add.f32.msk $0xffff, v1  }
.Ltmp7:
0x1ce: {  	(pc) =	sbr.rel @p0 .LBB2_14-.Ltmp7, $1  }
0x1cf: {  	_ =	sdelay $0x3  }
0x1d0: {  	s0 =	sadd.s32 s29, s11  }
0x1d1: {  	s1 =	sadd.s32 $0xFFFFFF60, s0  }
0x1d2: {  	s0 =	smin.u32 s1, s0  }
0x1d3: {  	s0 =	smul.u32 $0x7D0, s0;
	_ =	sdelay $0x1  }
.Ltmp8:
0x1d4: {  	s0 =	sshrl.u32 s0, $0x3;
	(pc) =	sbr.rel .LBB2_4-.Ltmp8, $4  }
0x1d5: {  	s31 =	sadd.s32 s3, s0  }
0x1d6: {  	[tilespmem:s18], [sflag:$0x2] =	stream.linear.gather [hbm4b:s31+s2], $0x7D0, $0x38;
	[tilespmem:$0x1F400] =	vst v63  }
0x1d7: {  	s28 =	sadd.s32 $0x1, s28;
	s0 =	sadd.s32 s4, s0  }
0x1d8: {  	[tilespmem:s19], [sflag:$0x2] =	stream.linear.gather [hbm4b:s0+s2], $0x7D0, $0x38;
	[tilespmem:$0x1F400] =	vst v63  }
.LBB2_15:
0x1d9: {  	_ =	sfence.sel $0x180000  }
0x1da: {  	[bflag:$0x0] =	sbarrier.arrive $0xFFFF  }
0x1db: {  	_ =	strace $0x9000004D  }
0x1dc: {  	s0 =	stileid.u32;
	[bflag:$0x2] =	sbarrier.arrive $0xFFFF  }
0x1dd: {  	p0 =	sne.s32 s0, $0x0;
	s0 =	rddreg [dreg:$0x2]  }
0x1de: {  	s0 =	sadd.s32 @!p0 $0x100000, s0  }
0x1df: {  	[sflag:s0] =	ssyncadd.tile.s32 @!p0 $0x1;
	_ =	shalt  }
.Lfunc_end2:
_tile_overlayer_lowered:
.L_overlay_start_2:
0x1e0: {  	(tag) =	ssettag $0x2  }
0x1e1: {  	s0 =	rddreg [dreg:$0x0];
	s2 =	stileid.u32  }
0x1e2: {  	s1 =	rddreg [dreg:$0x1];
	p0 =	sne.s32 s2, $0x0  }
0x1e3: {  	s3 =	rddreg [dreg:$0x2];
	[bflag:$0x3] =	sbarrier.arrive $0xFFFF;
	s2 =	simm.s32 @!p0 $0x1C04  }
0x1e4: {  	[timem:s3], [sflag:s2] =	dma.local @!p0 [hbm:s0], s1  }
0x1e5: {  	s0 =	simm.s32 @!p0 $0x4  }
0x1e6: {  	_ =	swait.ge @!p0 [sflag:s0], s1  }
0x1e7: {  	s1 =	ssub.s32 @!p0 $0x0, s1;
	[sflag:s0] =	ssyncset.done @!p0 $0x0  }
0x1e8: {  	[sflag:s0] =	ssyncadd.s32 @!p0 s1  }
0x1e9: {  	[bflag:$0x3] =	sbarrier.arrive $0xFFFF  }
0x1ea: {  	_ =	shalt  }

// kernel: kernel.18.cloned.1.call-start
scs
__scs_entry_jumppad:
0x0: {  	(pc) =	sbr.rel $0x88, $3  }
0x1: {  	(tag) =	ssettag $0x0;
	lr =	simm.s32 $0x1  }
0x2: {  	[smem:$0x3F96] =	sst lr;
	_ =	strace $0xD0000000  }
0x3: {  	_ = 	snop  }
0x4: {  	_ = 	snop  }
0x5: {  	_ = 	snop  }
0x6: {  	_ = 	snop  }
0x7: {  	_ = 	snop  }
__scs_overlays_trampoline_lowered:
0x8: {  	[smem:$0x3FA5] =	sst s0  }
0x9: {  	[smem:$0x3FA6] =	sst s1  }
0xa: {  	[smem:$0x3FA7] =	sst s2  }
0xb: {  	[smem:$0x3FA8] =	sst s3  }
0xc: {  	[smem:$0x3FA9] =	sst s4  }
0xd: {  	[smem:$0x3FAA] =	sst s5  }
0xe: {  	[smem:$0x3FAB] =	sst s6  }
0xf: {  	[smem:$0x3FAC] =	sst s7  }
0x10: {  	[smem:$0x3FAD] =	sst s8  }
0x11: {  	[smem:$0x3FAE] =	sst s9;
	s0 =	simm.s32 @!p0 $0x0  }
0x12: {  	s1 =	sld [smem:$0x3F94];
	s0 =	simm.s32 @p0 $0x1  }
0x13: {  	[smem:$0x3FAF] =	sst s0;
	s0 =	simm.s32 @!p1 $0x0  }
0x14: {  	s2 =	sld [smem:$0x3F93];
	s0 =	simm.s32 @p1 $0x1  }
0x15: {  	[smem:$0x3FB0] =	sst s0;
	s0 =	simm.s32 @!p2 $0x0  }
0x16: {  	s3 =	sld [smem:$0x3FDB];
	s0 =	simm.s32 @p2 $0x1  }
0x17: {  	s4 =	simm.s32 $0x1BF5;
	[smem:$0x3FB2] =	sst s0  }
0x18: {  	s0 =	sld [smem:$0x3F95];
	_ =	swait.ge [sflag:s4], $0x0  }
0x19: {  	s7 =	sld [smem:$0x3F96]  }
0x1a: {  	s8 =	sadd.s32 $0xFFFFE003, lr  }
0x1b: {  	s9 =	sadd.s32 $0xFFFFFEF7, lr;
	s5 =	simm.s32 $0xFFFFFFFF;
	p2 =	slt.u32 s8, $0xFFFFF086  }
0x1c: {  	p1 =	slt.u32 s9, $0xF7A;
	s5 =	simm.s32 @!p2 $0x0  }
0x1d: {  	s5 =	simm.s32 @p1 $0x1;
	p0 =	seq.s32 s7, s2  }
0x1e: {  	s7 =	smul.u32 @!p0 $0xF7A, s2;
	p2 =	seq.s32 @!p0 s5, $0x0  }
0x1f: {  	s9 =	smul.u32 $0xF7A, s1;
	s8 =	simm.s32 @!p0 $0x1BF5;
	p2 =	por !p2, p0  }
0x20: {  	[sflag:s8] =	ssyncset.s32 @!p0 $0xFFFFF086;
	s6 =	sadd.s32 @!p0 s3, s7;
	s7 =	simm.s32 @!p0 $0x108  }
0x21: {  	s3 =	sadd.s32 s3, s9;
	s6 =	sadd.s32 @!p0 $0x88, s6;
	s7 =	simm.s32 @p2 $0x1082  }
0x22: {  	[simem:s7], [sflag:s8] =	dma.local @!p0 [hbm:s6], $0xF7A  }
0x23: {  	s9 =	sor.u32 $0xD0000000, s2;
	s6 =	simm.s32 $0x108;
	_ =	swait.ge @!p0 [sflag:s8], $0x0  }
0x24: {  	s3 =	sadd.s32 $0x88, s3;
	s6 =	simm.s32 @!p1 $0x1082;
	[sflag:s4] =	ssyncset.s32 $0xFFFFF086  }
0x25: {  	[simem:s6], [sflag:s4] =	dma.local [hbm:s3], $0xF7A  }
0x26: {  	[smem:$0x3F96] =	sst s1;
	(tag) =	ssettag s2;
	_ =	strace s9  }
0x27: {  	s1 =	sld [smem:$0x3FA6]  }
0x28: {  	s2 =	sld [smem:$0x3FA7]  }
0x29: {  	s4 =	sld [smem:$0x3FA9]  }
0x2a: {  	p0 =	seq.s32 s5, $0x0;
	s5 =	sld [smem:$0x3FAA]  }
0x2b: {  	s6 =	sld [smem:$0x3FAB]  }
0x2c: {  	s7 =	sld [smem:$0x3FAC]  }
0x2d: {  	s3 =	simm.s32 $0x108;
	s8 =	sld [smem:$0x3FAD]  }
0x2e: {  	s3 =	simm.s32 @!p0 $0x1082;
	s9 =	sld [smem:$0x3FAE]  }
0x2f: {  	lr =	sadd.s32 s0, s3;
	s0 =	sld [smem:$0x3FA5]  }
0x30: {  	s3 =	sld [smem:$0x3FA8]  }
0x31: {  	[smem:$0x3FB1] =	sst s10  }
0x32: {  	s10 =	sld [smem:$0x3FAF];
	_ =	sdelay $0x3  }
0x33: {  	p0 =	seq.s32 s10, $0x1;
	s10 =	sld [smem:$0x3FB1];
	_ =	sdelay $0x3  }
0x34: {  	[smem:$0x3FB1] =	sst s10  }
0x35: {  	s10 =	sld [smem:$0x3FB0];
	_ =	sdelay $0x3  }
0x36: {  	p1 =	seq.s32 s10, $0x1;
	s10 =	sld [smem:$0x3FB1];
	_ =	sdelay $0x3  }
0x37: {  	[smem:$0x3FB1] =	sst s10  }
0x38: {  	s10 =	sld [smem:$0x3FB2]  }
0x39: {  	_ = 	snop;
	(pc) =	sbr.ind lr, $3  }
0x3a: {  	_ = 	snop  }
0x3b: {  	_ = 	snop  }
0x3c: {  	p2 =	seq.s32 s10, $0x1;
	s10 =	sld [smem:$0x3FB1]  }
0x3d: {  	_ =	shalt  }
0x3e: {  	_ =	shalt  }
0x3f: {  	_ =	shalt  }
0x40: {  	_ =	shalt  }
0x41: {  	_ =	shalt  }
0x42: {  	_ =	shalt  }
0x43: {  	_ =	shalt  }
0x44: {  	_ =	shalt  }
0x45: {  	_ =	shalt  }
0x46: {  	_ =	shalt  }
0x47: {  	_ =	shalt  }
0x48: {  	_ =	shalt  }
0x49: {  	_ =	shalt  }
0x4a: {  	_ =	shalt  }
0x4b: {  	_ =	shalt  }
0x4c: {  	_ =	shalt  }
0x4d: {  	_ =	shalt  }
0x4e: {  	_ =	shalt  }
0x4f: {  	_ =	shalt  }
0x50: {  	_ =	shalt  }
0x51: {  	_ =	shalt  }
0x52: {  	_ =	shalt  }
0x53: {  	_ =	shalt  }
0x54: {  	_ =	shalt  }
0x55: {  	_ =	shalt  }
0x56: {  	_ =	shalt  }
0x57: {  	_ =	shalt  }
0x58: {  	_ =	shalt  }
0x59: {  	_ =	shalt  }
0x5a: {  	_ =	shalt  }
0x5b: {  	_ =	shalt  }
0x5c: {  	_ =	shalt  }
0x5d: {  	_ =	shalt  }
0x5e: {  	_ =	shalt  }
0x5f: {  	_ =	shalt  }
0x60: {  	_ =	shalt  }
0x61: {  	_ =	shalt  }
0x62: {  	_ =	shalt  }
0x63: {  	_ =	shalt  }
0x64: {  	_ =	shalt  }
0x65: {  	_ =	shalt  }
0x66: {  	_ =	shalt  }
0x67: {  	_ =	shalt  }
0x68: {  	_ =	shalt  }
0x69: {  	_ =	shalt  }
0x6a: {  	_ =	shalt  }
0x6b: {  	_ =	shalt  }
0x6c: {  	_ =	shalt  }
0x6d: {  	_ =	shalt  }
0x6e: {  	_ =	shalt  }
0x6f: {  	_ =	shalt  }
0x70: {  	_ =	shalt  }
0x71: {  	_ =	shalt  }
0x72: {  	_ =	shalt  }
0x73: {  	_ =	shalt  }
0x74: {  	_ =	shalt  }
0x75: {  	_ =	shalt  }
0x76: {  	_ =	shalt  }
0x77: {  	_ =	shalt  }
0x78: {  	_ =	shalt  }
0x79: {  	_ =	shalt  }
0x7a: {  	_ =	shalt  }
0x7b: {  	_ =	shalt  }
0x7c: {  	_ =	shalt  }
0x7d: {  	_ =	shalt  }
0x7e: {  	_ =	shalt  }
0x7f: {  	_ =	shalt  }
0x80: {  	_ =	shalt  }
0x81: {  	_ =	shalt  }
0x82: {  	_ =	shalt  }
0x83: {  	_ =	shalt  }
0x84: {  	_ =	shalt  }
0x85: {  	_ =	shalt  }
0x86: {  	_ =	shalt  }
0x87: {  	_ =	shalt  }
.Lfunc_end0:
.L_simem_size_0:
called_computation.3_lowered:
.L_overlay_start_0:
0x88: {  	s2 =	sld [smem:$0x3FD9]  }
0x89: {  	s3 =	sld [smem:$0x3FFE];
	_ =	sdelay $0x1  }
0x8a: {  	s1 =	srdreg.scid  }
0x8b: {  	s0 =	sand.u32 $0x1, s1  }
0x8c: {  	s17 =	sshll.u32 s0, $0xA;
	s2 =	sadd.s32 s3, s2  }
0x8d: {  	s2 =	sadd.s32 s2, s17  }
0x8e: {  	[smem:$0x3FBD] =	sst s2  }
0x8f: {  	_ = 	snop  }
0x90: {  	s2 =	sld [smem:$0x3FD0];
	(tm) =	ssettm $0x1  }
0x91: {  	s18 =	sld [smem:$0x3FFB];
	_ =	sdelay $0x3  }
0x92: {  	_ =	strace s18  }
0x93: {  	s3 =	sld [smem:$0x3FFC];
	_ =	sdelay $0x3  }
0x94: {  	_ =	strace s3  }
0x95: {  	s3 =	sld [smem:$0x3FFD];
	_ =	sdelay $0x3  }
0x96: {  	_ =	strace s3  }
0x97: {  	_ =	strace $0x8FFFFFFF  }
0x98: {  	s19 =	sld [smem:$0x3FDB];
	_ =	sdelay $0x1  }
0x99: {  	s4 =	simm.s32 $_scs_section_size  }
0x9a: {  	s5 =	simm.s32 $_size__tile_overlayer_lowered;
	s6 =	simm.s32 $_tile_overlayer_lowered  }
0x9b: {  	s22 =	simm.s32 $0x1BFF;
	s21 =	sshll.u32 s6, $0x1;
	s3 =	sadd.s32 s4, s19  }
0x9c: {  	s7 =	simm.s32 $0x0;
	s20 =	sshll.u32 s5, $0x1;
	s5 =	sadd.s32 s21, s3  }
0x9d: {  	[timem:s7], [sflag:s22] =	dma.local [hbm:s5], s20  }
0x9e: {  	_ =	swait.ge [sflag:s22], s20  }
0x9f: {  	s4 =	ssub.s32 $0x0, s20;
	[sflag:s22] =	ssyncset.done $0x0  }
0xa0: {  	[sflag:s22] =	ssyncadd.s32 s4;
	_ =	sdelay $0x1  }
0xa1: {  	s23 =	simm.s32 $0x1B8B  }
0xa2: {  	_ =	swait.ge [sflag:s23], $0x1  }
0xa3: {  	[sflag:s23] =	ssyncset.done $0x0  }
0xa4: {  	s25 =	simm.s32 $0x1B8E;
	s24 =	sld [smem:$0x3FFE];
	[sflag:s23] =	ssyncadd.s32 $0xFFFFFFFF  }
0xa5: {  	s26 =	simm.s32 $execute0_lowered;
	[smem:$0x3FD2] =	sst s25  }
0xa6: {  	s5 =	sshll.u32 s26, $0x1;
	_ =	strace $0x8000004F;
	[dreg:$0x1] =	wrdreg $0xFFFFFFFF  }
0xa7: {  	s28 =	simm.s32 $_size_execute0_lowered;
	s3 =	sadd.s32 s3, s5;
	[dreg:$0x0] =	wrdreg $0x0  }
0xa8: {  	s5 =	sshll.u32 s28, $0x1;
	[dreg:$0x2] =	wrdreg s3  }
0xa9: {  	[dreg:$0x3] =	wrdreg s5  }
0xaa: {  	[dreg:$0x4] =	wrdreg $0xC0  }
0xab: {  	_ =	task [dreg:s7], $0x5FFFF  }
0xac: {  	[dreg:$0x1] =	wrdreg $0xFFFFFFFF  }
0xad: {  	[dreg:$0x0] =	wrdreg $0x60  }
0xae: {  	[dreg:$0x2] =	wrdreg s2  }
0xaf: {  	[dreg:$0x3] =	wrdreg s24  }
0xb0: {  	[dreg:$0x4] =	wrdreg $0x9  }
0xb1: {  	_ =	task.clear_ibuf [dreg:s7], $0x5FFFF;
	_ =	strace $0x9000004F  }
0xb2: {  	s29 =	simm.s32 $0x9;
	_ =	strace $0x80000051  }
0xb3: {  	_ =	swait.ge [sflag:s29], $0x1  }
0xb4: {  	[sflag:s29] =	ssyncadd.s32 $0xFFFFFFFF  }
0xb5: {  	_ =	strace $0x90000051  }
0xb6: {  	_ =	sfence  }
0xb7: {  	s30 =	sld [smem:$0x0];
	_ =	sdelay $0x2  }
0xb8: {  	s31 =	sshll.u32 s1, $0xD;
	s1 =	sshrl.u32 s1, $0x2  }
0xb9: {  	s3 =	sand.u32 $0x4000, s31;
	s1 =	sadd.s32 s1, s30  }
0xba: {  	s0 =	sor.u32 s3, s0;
	s1 =	sshll.u32 s1, $0x11  }
0xbb: {  	s0 =	sor.u32 s1, s0  }
0xbc: {  	s0 =	sadd.s32 $0x8F2B, s0  }
0xbd: {  	[sflag:s0] =	ssyncadd.remote.s32 $0x1  }
0xbe: {  	_ =	sfence.sel $0xFFFF  }
0xbf: {  	[dreg:$0x0] =	wrdreg $0xFFFFFFFF;
	(pc) =	sbr.abs _section_cstart, $3  }
0xc0: {  	[dreg:$0x1] =	wrdreg $0xFFFFFFFF  }
0xc1: {  	_ =	task.clear_ibuf [dreg:s7], $0x2FFFF;
	_ =	strace $0x9FFFFFFF  }
0xc2: {  	(tm) =	ssettm $0x7FFFFFFF  }
0xc3: {  	_ =	shalt  }
tec
execute0_lowered:
.L_overlay_start_1:
0x0: {  	(tag) =	ssettag $0x1  }
0x1: {  	s0 =	rddreg [dreg:$0x0]  }
0x2: {  	s1 =	rddreg [dreg:$0x1]  }
0x3: {  	s3 =	srdreg.scid;
	s4 =	stileid.u32  }
0x4: {  	s2 =	simm.s32 $0x0;
	s15 =	simm.s32 $0x3;
	s16 =	simm.s32 $0x1D4C0  }
0x5: {  	s17 =	simm.s32 $0x1E460;
	s18 =	simm.s32 $0x1DC90;
	s19 =	simm.s32 $0x1EC30  }
0x6: {  	s20 =	simm.s32 $0x1;
	s21 =	simm.s32 $0x9C40;
	s22 =	simm.s32 $0x2  }
0x7: {  	s23 =	simm.s32 $0x4;
	s5 =	sand.u32 $0x1, s3;
	s29 =	sshll.u32 s4, $0x1  }
0x8: {  	s24 =	simm.s32 $0x13880;
	s25 =	simm.s32 $0x0;
	s6 =	sor.u32 s5, s29  }
0x9: {  	s26 =	simm.s32 $0x0;
	[smem:$0x7FF] =	sst s2;
	s7 =	smul.u32 $0x9C40, s6  }
0xa: {  	s3 =	sadd.s32 $0x1FE00, s1;
	s5 =	ssub.s32 $0x2, s5;
	s9 =	smul.u32 $0x2710, s6  }
0xb: {  	s4 =	sadd.s32 $0x16000, s1;
	s8 =	sshrl.u32 s5, $0x1;
	s30 =	smul.u32 $0x4E2, s6  }
0xc: {  	_ =	strace $0x80000050;
	s31 =	smul.u32 $0x5, s6;
	s14 =	ssub.s32 s5, s8  }
.Ltmp0:
0xd: {  	s7 =	sshrl.u32 s7, $0x3;
	s9 =	sshrl.u32 s9, $0x3;
	(pc) =	sbr.rel .LBB2_1-.Ltmp0, $4  }
0xe: {  	s6 =	sadd.s32 s3, s30;
	s10 =	sadd.s32 $0x2, s31;
	s11 =	sadd.s32 $0x3, s31  }
0xf: {  	s14 =	smax.u32 s14, $0x1;
	s1 =	sadd.s32 s7, s1;
	s9 =	sadd.s32 $0xFA, s9  }
0x10: {  	s5 =	sadd.s32 s0, s7;
	s7 =	sadd.s32 s4, s30;
	s8 =	sadd.s32 s3, s9  }
0x11: {  	v0 =	vimm.f32 $0.0e+00;
	s9 =	sadd.s32 s4, s9;
	s12 =	sadd.s32 $0x29C00, s1;
	s13 =	sadd.s32 $0x50D00, s1  }
.LBB2_14:
0x12: {  	[hbm4b:s12+s2] =	stream.linear.scatter [tilespmem:s21], [sflag:$0x4], $0x9C40, $0x38;
	[tilespmem:$0x1F400] =	vst v63  }
0x13: {  	s25 =	sadd.s32 $0x1, s25;
	_ =	swait.ge [sflag:s23], $0x9C40  }
0x14: {  	p0 =	sne.s32 s25, s14;
	[sflag:s23] =	ssyncset.done $0x0  }
.Ltmp1:
0x15: {  	[sflag:s23] =	ssyncadd.s32 $0xFFFF63C0;
	(pc) =	sbr.rel @!p0 .LBB2_15-.Ltmp1, $4  }
0x16: {  	[hbm4b:s13+s2] =	stream.linear.scatter [tilespmem:s24], [sflag:$0x4], $0x9C40, $0x38;
	[tilespmem:$0x1F400] =	vst v63  }
0x17: {  	_ =	swait.ge [sflag:s23], $0x9C40  }
0x18: {  	[sflag:s23] =	ssyncset.done $0x0  }
0x19: {  	[sflag:s23] =	ssyncadd.s32 $0xFFFF63C0  }
.LBB2_1:
0x1a: {  	[tilespmem:s2], [sflag:$0x3] =	stream.linear.gather [hbm4b:s5+s2], $0x9C40, $0x38;
	[tilespmem:$0x1F400] =	vst v63  }
0x1b: {  	s0 =	simm.s32 $0x9C80  }
0x1c: {  	[tilespmem:s0+$0xFFFFFFC0] =	vst v0  }
0x1d: {  	[tilespmem:s0+$0x30] =	vst v0  }
0x1e: {  	[tilespmem:s0+$0x20] =	vst v0  }
0x1f: {  	[tilespmem:s0+$0x10] =	vst v0  }
0x20: {  	[tilespmem:s0+$0x0] =	vst v0  }
0x21: {  	[tilespmem:s0+$0xFFFFFFF0] =	vst v0  }
0x22: {  	s1 =	simm.s32 $0x0;
	[tilespmem:s0+$0xFFFFFFE0] =	vst v0  }
.LBB2_2:
0x23: {  	s1 =	sadd.s32 $0x8, s1;
	[tilespmem:s0+$0xFFFFFFD0] =	vst v0;
	s0 =	sadd.s32 $0x80, s0  }
0x24: {  	[tilespmem:s0+$0xFFFFFFC0] =	vst v0;
	p0 =	slt.u32 s1, $0x1380  }
0x25: {  	[tilespmem:s0+$0x30] =	vst v0  }
.Ltmp2:
0x26: {  	[tilespmem:s0+$0x20] =	vst v0;
	(pc) =	sbr.rel @p0 .LBB2_2-.Ltmp2, $4  }
0x27: {  	[tilespmem:s0+$0x10] =	vst v0  }
0x28: {  	[tilespmem:s0+$0x0] =	vst v0  }
0x29: {  	[tilespmem:s0+$0xFFFFFFF0] =	vst v0  }
0x2a: {  	[tilespmem:s0+$0xFFFFFFE0] =	vst v0  }
0x2b: {  	[tilespmem:s0+$0xFFFFFFD0] =	vst v0  }
0x2c: {  	_ =	swait.ge [sflag:s15], $0x9C40  }
0x2d: {  	[sflag:s15] =	ssyncset.done $0x0  }
0x2e: {  	[sflag:s15] =	ssyncadd.s32 $0xFFFF63C0  }
0x2f: {  	[tilespmem:s16], [sflag:$0x1] =	stream.linear.gather [hbm4b:s6+s26], $0x7D0, $0x38;
	[tilespmem:$0x1F400] =	vst v63  }
0x30: {  	_ = 	snop  }
0x31: {  	[tilespmem:s17], [sflag:$0x1] =	stream.linear.gather [hbm4b:s7+s26], $0x7D0, $0x38;
	[tilespmem:$0x1F400] =	vst v63  }
0x32: {  	_ = 	snop  }
0x33: {  	[tilespmem:s18], [sflag:$0x2] =	stream.linear.gather [hbm4b:s8+s26], $0x7D0, $0x38;
	[tilespmem:$0x1F400] =	vst v63  }
0x34: {  	s28 =	simm.s32 $0x0  }
0x35: {  	[tilespmem:s19], [sflag:$0x2] =	stream.linear.gather [hbm4b:s9+s26], $0x7D0, $0x38;
	[tilespmem:$0x1F400] =	vst v63  }
.LBB2_4:
0x36: {  	_ =	swait.ge [sflag:s20], $0x7D0  }
0x37: {  	[sflag:s20] =	ssyncset.done $0x0  }
0x38: {  	[sflag:s20] =	ssyncadd.s32 $0xFFFFF830  }
0x39: {  	_ =	swait.ge [sflag:s20], $0x7D0  }
0x3a: {  	[sflag:s20] =	ssyncset.done $0x0  }
0x3b: {  	s0 =	simm.s32 $0x1D500;
	[sflag:s20] =	ssyncadd.s32 $0xFFFFF830  }
0x3c: {  	v1 =	vld [tilespmem:s0+$0x30]  }
0x3d: {  	v3 =	vld [tilespmem:s0+$0xFFFFFFD0]  }
0x3e: {  	v6 =	vld [tilespmem:s0+$0xFFFFFFE0]  }
0x3f: {  	v7 =	vld [tilespmem:s0+$0xFFFFFFF0];
	_ =	sdelay $0x1  }
0x40: {  	v9 =	vld [tilespmem:s0+$0xFFFFFFC0];
	_ =	sdelay $0x1  }
0x41: {  	v29 =	vand.u32 $0x3FFF, v1  }
0x42: {  	v12 =	vld [tilespmem:s0+$0x20];
	v20 =	vand.u32 $0x3FFF, v3;
	v16 =	vand.u32 $0x3FFF, v6;
	v15 =	vand.u32 $0x3FFF, v7  }
0x43: {  	v2 =	vshrl.u32 v3, $0xE;
	v5 =	vand.u32 $0x7, v3;
	v3 =	vshrl.u32 v6, $0xE  }
0x44: {  	v8 =	vld [tilespmem:s0+$0x0];
	v22 =	vand.u32 $0x3FFF, v9;
	v34 =	vshrl.u32 v1, $0xE;
	v32 =	vand.u32 $0x7, v1  }
0x45: {  	s29 =	simm.s32 $0x1E4A0;
	v10 =	vld [tilespmem:s0+$0x10];
	v28 =	vand.u32 $0x7, v9;
	v23 =	vand.u32 $0x7, v6;
	v11 =	vadd.s32 $0x2710, v20  }
0x46: {  	v36 =	vld [tilespmem:s29+$0x30];
	v21 =	vadd.s32 $0x2710, v22;
	v1 =	vand.u32 $0x7FF8, v11;
	v11 =	vadd.s32 $0x2710, v16  }
0x47: {  	v6 =	vld [tilespmem:s29+$0xFFFFFFC0];
	v27 =	vand.u32 $0x7, v12;
	v21 =	vand.u32 $0x7FF8, v21;
	v35 =	vand.u32 $0x7FF8, v11  }
0x48: {  	v11 =	vand.u32 $0x3FFF, v12;
	v49 =	vor.u32 v28, v21;
	v21 =	vshrl.u32 v12, $0xE;
	v12 =	vld [tilespmem:s29+$0x10]  }
0x49: {  	v14 =	vand.u32 $0x3FFF, v8;
	v50 =	vor.u32 v5, v1;
	v1 =	vld [tilespmem:s29+$0x20]  }
0x4a: {  	v13 =	vld.idx.msk [tilespmem:v29+s26+$0x0], $0xffff  }
0x4b: {  	v30 =	vld.idx.msk [tilespmem:v20+s26+$0x0], $0xffff  }
0x4c: {  	v4 =	vand.u32 $0x3FFF, v10;
	v17 =	vadd.s32 $0x2710, v29;
	v31 =	vld.idx.msk [tilespmem:v16+s26+$0x0], $0xffff  }
0x4d: {  	v17 =	vand.u32 $0x7FF8, v17;
	v33 =	vld.idx.msk [tilespmem:v15+s26+$0x0], $0xffff  }
0x4e: {  	v18 =	vor.u32 v32, v17;
	v17 =	vshrl.u32 v9, $0xE;
	v9 =	vadd.s32 $0x2710, v34;
	v37 =	vld.idx.msk [tilespmem:v14+s26+$0x0], $0xffff  }
0x4f: {  	v24 =	vand.u32 $0x7, v7;
	v46 =	vand.u32 $0x7, v34;
	v9 =	vand.u32 $0x7FFF8, v9;
	v41 =	vld.idx.msk [tilespmem:v22+s26+$0x0], $0xffff  }
0x50: {  	v25 =	vand.u32 $0x7, v8;
	v26 =	vand.u32 $0x7, v10;
	v47 =	vor.u32 v46, v9;
	v9 =	vld [tilespmem:s29+$0xFFFFFFE0]  }
0x51: {  	v56 =	vadd.s32 $0x2710, v15;
	v57 =	vadd.s32 $0x2710, v14;
	v19 =	vadd.s32 $0x2710, v11;
	v39 =	vld.idx.msk [tilespmem:v4+s26+$0x0], $0xffff  }
0x52: {  	v43 =	vand.u32 $0x7FF8, v19;
	v19 =	vshrl.u32 v10, $0xE;
	v10 =	vld [tilespmem:s29+$0xFFFFFFF0];
	v13 =	vmul.f32 v13, v36  }
0x53: {  	v58 =	vadd.s32 $0x2710, v4;
	v59 =	vadd.s32 $0x4E20, v29;
	v62 =	vadd.s32 $0x2710, v2;
	v45 =	vld.idx.msk [tilespmem:v11+s26+$0x0], $0xffff  }
0x54: {  	v63 =	vadd.s32 $0x2710, v3;
	v52 =	vadd.s32 $0x4E20, v34;
	v41 =	vmul.f32 v41, v6;
	[tilespmem:v34+s21+$0x0] =	vst.idx.add.f32.msk $0xffff, v13  }
0x55: {  	v54 =	vadd.s32 $0x4E20, v20;
	v31 =	vmul.f32 v31, v9;
	v13 =	vshrl.u32 v7, $0xE;
	v7 =	vld [tilespmem:s29+$0xFFFFFFD0]  }
0x56: {  	v38 =	vand.u32 $0x7FF8, v56;
	v40 =	vand.u32 $0x7FF8, v57;
	v39 =	vmul.f32 v39, v12;
	[tilespmem:v17+s21+$0x0] =	vst.idx.add.f32.msk $0xffff, v41  }
0x57: {  	v42 =	vand.u32 $0x7FF8, v58;
	v60 =	vand.u32 $0xFFF8, v59;
	v51 =	vor.u32 v23, v35;
	[tilespmem:v3+s21+$0x0] =	vst.idx.add.f32.msk $0xffff, v31  }
0x58: {  	v55 =	vand.u32 $0x7FFF8, v52;
	v48 =	vor.u32 v32, v60;
	v42 =	vor.u32 v26, v42;
	[tilespmem:v19+s21+$0x0] =	vst.idx.add.f32.msk $0xffff, v39  }
0x59: {  	v38 =	vor.u32 v24, v38;
	v40 =	vor.u32 v25, v40;
	v56 =	vor.u32 v46, v55;
	v44 =	vld.idx.msk [tilespmem:v18+s26+$0x0], $0xffff  }
0x5a: {  	v55 =	vadd.s32 $0x4E20, v16;
	v61 =	vadd.s32 $0x2710, v17;
	v18 =	vshrl.u32 v8, $0xE;
	v8 =	vld [tilespmem:s29+$0x0]  }
0x5b: {  	v60 =	vadd.s32 $0x2710, v21;
	v29 =	vadd.s32 $0x7530, v29;
	v52 =	vand.u32 $0x7FFF8, v61;
	v49 =	vld.idx.msk [tilespmem:v49+s26+$0x0], $0xffff  }
0x5c: {  	v60 =	vand.u32 $0x7FFF8, v60;
	v20 =	vadd.s32 $0x7530, v20;
	v33 =	vmul.f32 v33, v10;
	v51 =	vld.idx.msk [tilespmem:v51+s26+$0x0], $0xffff  }
0x5d: {  	v16 =	vadd.s32 $0x7530, v16;
	v43 =	vor.u32 v27, v43;
	v29 =	vand.u32 $0xFFF8, v29;
	v42 =	vld.idx.msk [tilespmem:v42+s26+$0x0], $0xffff  }
0x5e: {  	v59 =	vadd.s32 $0x2710, v19;
	v20 =	vand.u32 $0xFFF8, v20;
	v30 =	vmul.f32 v30, v7;
	[tilespmem:v13+s21+$0x0] =	vst.idx.add.f32.msk $0xffff, v33  }
0x5f: {  	v29 =	vor.u32 v32, v29;
	v32 =	vand.u32 $0x7, v17;
	v44 =	vmul.f32 v44, v36;
	v38 =	vld.idx.msk [tilespmem:v38+s26+$0x0], $0xffff  }
0x60: {  	v52 =	vor.u32 v32, v52;
	v31 =	vand.u32 $0x7, v21;
	v57 =	vadd.s32 $0x2710, v13;
	[tilespmem:v2+s21+$0x0] =	vst.idx.add.f32.msk $0xffff, v30  }
0x61: {  	v35 =	vand.u32 $0x7, v13;
	v58 =	vadd.s32 $0x2710, v18;
	v37 =	vmul.f32 v37, v8;
	[tilespmem:v47+s21+$0x0] =	vst.idx.add.f32.msk $0xffff, v44  }
0x62: {  	v41 =	vand.u32 $0x7FFF8, v57;
	v57 =	vadd.s32 $0x4E20, v14;
	v39 =	vand.u32 $0x7FFF8, v58;
	v47 =	vld.idx.msk [tilespmem:v48+s26+$0x0], $0xffff  }
0x63: {  	v58 =	vadd.s32 $0x4E20, v4;
	v41 =	vor.u32 v35, v41;
	v4 =	vadd.s32 $0x7530, v4;
	[tilespmem:v18+s21+$0x0] =	vst.idx.add.f32.msk $0xffff, v37  }
0x64: {  	v4 =	vand.u32 $0xFFF8, v4;
	v33 =	vand.u32 $0x7, v2;
	v49 =	vmul.f32 v49, v6;
	v50 =	vld.idx.msk [tilespmem:v50+s26+$0x0], $0xffff  }
0x65: {  	v30 =	vand.u32 $0x7, v18;
	v37 =	vand.u32 $0x7FFF8, v62;
	v62 =	vmul.f32 v45, v1;
	v40 =	vld.idx.msk [tilespmem:v40+s26+$0x0], $0xffff  }
0x66: {  	v44 =	vand.u32 $0x7FFF8, v63;
	v63 =	vadd.s32 $0x4E20, v22;
	v39 =	vor.u32 v30, v39;
	[tilespmem:v52+s21+$0x0] =	vst.idx.add.f32.msk $0xffff, v49  }
0x67: {  	v45 =	vand.u32 $0xFFF8, v54;
	v37 =	vor.u32 v33, v37;
	[tilespmem:v21+s21+$0x0] =	vst.idx.add.f32.msk $0xffff, v62;
	v61 =	vmul.f32 v47, v36  }
0x68: {  	v48 =	vor.u32 v31, v60;
	v45 =	vor.u32 v5, v45;
	v62 =	vand.u32 $0xFFF8, v63;
	v43 =	vld.idx.msk [tilespmem:v43+s26+$0x0], $0xffff  }
0x69: {  	v60 =	vmul.f32 v38, v10;
	v63 =	vmul.f32 v50, v7;
	v47 =	vand.u32 $0x7FFF8, v59;
	[tilespmem:v56+s21+$0x0] =	vst.idx.add.f32.msk $0xffff, v61  }
0x6a: {  	v40 =	vmul.f32 v40, v8;
	v61 =	vadd.s32 $0x7530, v34;
	v34 =	vand.u32 $0x7, v3;
	v53 =	vld.idx.msk [tilespmem:v29+s26+$0x0], $0xffff  }
0x6b: {  	[tilespmem:v41+s21+$0x0] =	vst.idx.add.f32.msk $0xffff, v60;
	v56 =	vadd.s32 $0x4E20, v15;
	v29 =	vand.u32 $0x7FFF8, v61;
	v44 =	vor.u32 v34, v44  }
0x6c: {  	[tilespmem:v37+s21+$0x0] =	vst.idx.add.f32.msk $0xffff, v63;
	v54 =	vand.u32 $0xFFF8, v56;
	v61 =	vand.u32 $0xFFF8, v58;
	v46 =	vor.u32 v46, v29  }
0x6d: {  	[tilespmem:v39+s21+$0x0] =	vst.idx.add.f32.msk $0xffff, v40;
	v58 =	vmul.f32 v43, v1;
	v29 =	vand.u32 $0x7, v19;
	v54 =	vor.u32 v24, v54  }
0x6e: {  	v4 =	vor.u32 v26, v4;
	v45 =	vld.idx.msk [tilespmem:v45+s26+$0x0], $0xffff;
	v56 =	vmul.f32 v51, v9;
	v47 =	vor.u32 v29, v47  }
0x6f: {  	v59 =	vand.u32 $0xFFF8, v57;
	v38 =	vor.u32 v26, v61;
	[tilespmem:v48+s21+$0x0] =	vst.idx.add.f32.msk $0xffff, v58;
	v36 =	vmul.f32 v53, v36  }
0x70: {  	v16 =	vand.u32 $0xFFF8, v16;
	v52 =	vmul.f32 v42, v12;
	[tilespmem:v44+s21+$0x0] =	vst.idx.add.f32.msk $0xffff, v56;
	v56 =	vor.u32 v25, v59  }
0x71: {  	v50 =	vand.u32 $0xFFF8, v55;
	v53 =	vadd.s32 $0x4E20, v11;
	[tilespmem:v46+s21+$0x0] =	vst.idx.add.f32.msk $0xffff, v36;
	v36 =	vor.u32 v28, v62  }
0x72: {  	v59 =	vadd.s32 $0x4E20, v13;
	v42 =	vld.idx.msk [tilespmem:v54+s26+$0x0], $0xffff;
	v62 =	vand.u32 $0xFFF8, v53;
	v53 =	vor.u32 v23, v50  }
0x73: {  	v55 =	vadd.s32 $0x4E20, v2;
	v43 =	vand.u32 $0x7FFF8, v59;
	[tilespmem:v47+s21+$0x0] =	vst.idx.add.f32.msk $0xffff, v52;
	v46 =	vor.u32 v27, v62  }
0x74: {  	v15 =	vadd.s32 $0x7530, v15;
	v43 =	vor.u32 v35, v43;
	v62 =	vand.u32 $0x7FFF8, v55;
	v38 =	vld.idx.msk [tilespmem:v38+s26+$0x0], $0xffff  }
0x75: {  	v15 =	vand.u32 $0xFFF8, v15;
	v61 =	vadd.s32 $0x4E20, v19;
	v37 =	vor.u32 v33, v62;
	v39 =	vld.idx.msk [tilespmem:v56+s26+$0x0], $0xffff  }
0x76: {  	v22 =	vadd.s32 $0x7530, v22;
	v15 =	vor.u32 v24, v15;
	v52 =	vand.u32 $0x7FFF8, v61;
	v36 =	vld.idx.msk [tilespmem:v36+s26+$0x0], $0xffff  }
0x77: {  	v5 =	vor.u32 v5, v20;
	v49 =	vor.u32 v29, v52;
	v55 =	vmul.f32 v42, v10;
	v41 =	vld.idx.msk [tilespmem:v53+s26+$0x0], $0xffff  }
0x78: {  	v60 =	vadd.s32 $0x4E20, v18;
	v57 =	vadd.s32 $0x4E20, v3;
	v45 =	vmul.f32 v45, v7;
	v46 =	vld.idx.msk [tilespmem:v46+s26+$0x0], $0xffff  }
0x79: {  	v63 =	vadd.s32 $0x4E20, v17;
	v40 =	vand.u32 $0x7FFF8, v57;
	v47 =	vand.u32 $0x7FFF8, v60;
	[tilespmem:v43+s21+$0x0] =	vst.idx.add.f32.msk $0xffff, v55  }
0x7a: {  	v44 =	vand.u32 $0x7FFF8, v63;
	v47 =	vor.u32 v30, v47;
	v57 =	vmul.f32 v38, v12;
	[tilespmem:v37+s21+$0x0] =	vst.idx.add.f32.msk $0xffff, v45  }
0x7b: {  	v14 =	vadd.s32 $0x7530, v14;
	v22 =	vand.u32 $0xFFF8, v22;
	v44 =	vor.u32 v32, v44;
	v15 =	vld.idx.msk [tilespmem:v15+s26+$0x0], $0xffff  }
0x7c: {  	v16 =	vor.u32 v23, v16;
	v14 =	vand.u32 $0xFFF8, v14;
	v22 =	vor.u32 v28, v22;
	[tilespmem:v49+s21+$0x0] =	vst.idx.add.f32.msk $0xffff, v57  }
0x7d: {  	v14 =	vor.u32 v25, v14;
	v40 =	vor.u32 v34, v40;
	v56 =	vmul.f32 v39, v8;
	v5 =	vld.idx.msk [tilespmem:v5+s26+$0x0], $0xffff  }
0x7e: {  	v2 =	vadd.s32 $0x7530, v2;
	v63 =	vadd.s32 $0x4E20, v21;
	v62 =	vld.idx.msk [tilespmem:v4+s26+$0x0], $0xffff;
	v36 =	vmul.f32 v36, v6  }
0x7f: {  	v2 =	vand.u32 $0x7FFF8, v2;
	v11 =	vadd.s32 $0x7530, v11;
	v48 =	vand.u32 $0x7FFF8, v63;
	[tilespmem:v47+s21+$0x0] =	vst.idx.add.f32.msk $0xffff, v56  }
0x80: {  	v11 =	vand.u32 $0xFFF8, v11;
	v54 =	vor.u32 v31, v48;
	v53 =	vmul.f32 v41, v9;
	[tilespmem:v44+s21+$0x0] =	vst.idx.add.f32.msk $0xffff, v36  }
0x81: {  	v17 =	vadd.s32 $0x7530, v17;
	v2 =	vor.u32 v33, v2;
	v11 =	vor.u32 v27, v11;
	v59 =	vld.idx.msk [tilespmem:v22+s26+$0x0], $0xffff  }
0x82: {  	v17 =	vand.u32 $0x7FFF8, v17;
	v3 =	vadd.s32 $0x7530, v3;
	v13 =	vadd.s32 $0x7530, v13;
	[tilespmem:v40+s21+$0x0] =	vst.idx.add.f32.msk $0xffff, v53  }
0x83: {  	v17 =	vor.u32 v32, v17;
	v13 =	vand.u32 $0x7FFF8, v13;
	v58 =	vmul.f32 v46, v1;
	v16 =	vld.idx.msk [tilespmem:v16+s26+$0x0], $0xffff  }
0x84: {  	v3 =	vand.u32 $0x7FFF8, v3;
	v61 =	vor.u32 v35, v13;
	v60 =	vld.idx.msk [tilespmem:v14+s26+$0x0], $0xffff  }
0x85: {  	v3 =	vor.u32 v34, v3;
	[tilespmem:v54+s21+$0x0] =	vst.idx.add.f32.msk $0xffff, v58;
	v5 =	vmul.f32 v5, v7  }
0x86: {  	v63 =	vadd.s32 $0x7530, v21;
	v14 =	vadd.s32 $0x7530, v18;
	v4 =	vld.idx.msk [tilespmem:v11+s26+$0x0], $0xffff;
	v6 =	vmul.f32 v59, v6  }
0x87: {  	v13 =	vadd.s32 $0x7530, v19;
	v7 =	vand.u32 $0x7FFF8, v14;
	[tilespmem:v2+s21+$0x0] =	vst.idx.add.f32.msk $0xffff, v5;
	v5 =	vmul.f32 v15, v10  }
0x88: {  	v11 =	vand.u32 $0x7FFF8, v13;
	v14 =	vor.u32 v30, v7;
	[tilespmem:v17+s21+$0x0] =	vst.idx.add.f32.msk $0xffff, v6;
	v6 =	vmul.f32 v16, v9  }
0x89: {  	v7 =	vmul.f32 v62, v12;
	v13 =	vor.u32 v29, v11;
	[tilespmem:v61+s21+$0x0] =	vst.idx.add.f32.msk $0xffff, v5;
	v9 =	vand.u32 $0x7FFF8, v63  }
0x8a: {  	s31 =	simm.s32 $0x0;
	s0 =	simm.s32 $0x1D580;
	v8 =	vmul.f32 v60, v8;
	v2 =	vor.u32 v31, v9;
	[tilespmem:v3+s21+$0x0] =	vst.idx.add.f32.msk $0xffff, v6  }
.LBB2_5:
0x8b: {  	v9 =	vld [tilespmem:s0+$0x30];
	s31 =	sadd.s32 $0x8, s31;
	v3 =	vmul.f32 v4, v1  }
0x8c: {  	v1 =	vld [tilespmem:s0+$0xFFFFFFD0];
	p0 =	slt.u32 s31, $0x70  }
0x8d: {  	v10 =	vld [tilespmem:s0+$0xFFFFFFE0]  }
0x8e: {  	v11 =	vld [tilespmem:s0+$0xFFFFFFF0]  }
0x8f: {  	v12 =	vld [tilespmem:s0+$0x0]  }
0x90: {  	v17 =	vld [tilespmem:s0+$0x10];
	v31 =	vand.u32 $0x3FFF, v9  }
0x91: {  	v15 =	vand.u32 $0x3FFF, v1;
	v4 =	vshrl.u32 v1, $0xE;
	v6 =	vand.u32 $0x7, v1;
	v1 =	vld [tilespmem:s0+$0x20]  }
0x92: {  	v16 =	vld [tilespmem:s0+$0xFFFFFFC0];
	v18 =	vadd.s32 $0x2710, v15;
	v19 =	vand.u32 $0x3FFF, v10;
	v5 =	vshrl.u32 v10, $0xE  }
0x93: {  	v32 =	vand.u32 $0x7FF8, v18;
	v18 =	vadd.s32 $0x2710, v19;
	v20 =	vand.u32 $0x3FFF, v11;
	[tilespmem:v14+s21+$0x0] =	vst.idx.add.f32.msk $0xffff, v8  }
0x94: {  	s30 =	simm.s32 $0x0;
	v8 =	vand.u32 $0x7FF8, v18;
	v14 =	vadd.s32 $0x2710, v20;
	v25 =	vand.u32 $0x3FFF, v12;
	[tilespmem:v13+s21+$0x0] =	vst.idx.add.f32.msk $0xffff, v7  }
0x95: {  	s29 =	sadd.s32 $0x80, s29;
	v33 =	vand.u32 $0x7FF8, v14;
	v7 =	vadd.s32 $0x2710, v25;
	v27 =	vand.u32 $0x3FFF, v17;
	v13 =	vld.idx.msk [tilespmem:v31+s30+$0x0], $0xffff  }
0x96: {  	v34 =	vand.u32 $0x7FF8, v7;
	v7 =	vadd.s32 $0x2710, v27;
	v29 =	vand.u32 $0x3FFF, v1;
	v38 =	vld [tilespmem:s29+$0x30]  }
0x97: {  	v18 =	vadd.s32 $0x2710, v31;
	v30 =	vand.u32 $0x3FFF, v16;
	v35 =	vld.idx.msk [tilespmem:v15+s30+$0x0], $0xffff;
	v14 =	vadd.s32 $0x2710, v29  }
0x98: {  	v39 =	vshrl.u32 v9, $0xE;
	v37 =	vand.u32 $0x7, v9;
	v18 =	vand.u32 $0x7FF8, v18;
	v36 =	vld.idx.msk [tilespmem:v19+s30+$0x0], $0xffff  }
0x99: {  	v41 =	vand.u32 $0x7FF8, v7;
	v7 =	vor.u32 v37, v18;
	v9 =	vadd.s32 $0x2710, v30;
	v40 =	vld.idx.msk [tilespmem:v20+s30+$0x0], $0xffff  }
0x9a: {  	v18 =	vshrl.u32 v16, $0xE;
	v43 =	vand.u32 $0x7FF8, v14;
	v9 =	vand.u32 $0x7FF8, v9;
	v42 =	vld.idx.msk [tilespmem:v25+s30+$0x0], $0xffff  }
0x9b: {  	v24 =	vand.u32 $0x7, v10;
	v28 =	vand.u32 $0x7, v16;
	v44 =	vld.idx.msk [tilespmem:v27+s30+$0x0], $0xffff;
	v10 =	vmul.f32 v13, v38  }
0x9c: {  	v26 =	vand.u32 $0x7, v11;
	v16 =	vshrl.u32 v11, $0xE;
	v13 =	vshrl.u32 v12, $0xE;
	v45 =	vld.idx.msk [tilespmem:v30+s30+$0x0], $0xffff  }
0x9d: {  	v23 =	vand.u32 $0x7, v12;
	v21 =	vand.u32 $0x7, v17;
	v14 =	vshrl.u32 v17, $0xE;
	[tilespmem:v39+s21+$0x0] =	vst.idx.add.f32.msk $0xffff, v10  }
0x9e: {  	v22 =	vand.u32 $0x7, v1;
	v17 =	vshrl.u32 v1, $0xE;
	v46 =	vor.u32 v28, v9;
	v1 =	vld.idx.msk [tilespmem:v7+s30+$0x0], $0xffff  }
0x9f: {  	v47 =	vor.u32 v6, v32;
	v48 =	vor.u32 v24, v8;
	v8 =	vadd.s32 $0x2710, v39;
	v49 =	vld.idx.msk [tilespmem:v29+s30+$0x0], $0xffff  }
0xa0: {  	v50 =	vand.u32 $0x7, v39;
	v9 =	vand.u32 $0x7FFF8, v8;
	v10 =	vadd.s32 $0x4E20, v31;
	v7 =	vld [tilespmem:s29+$0xFFFFFFC0]  }
0xa1: {  	v51 =	vor.u32 v26, v33;
	v32 =	vor.u32 v50, v9;
	v10 =	vand.u32 $0xFFF8, v10;
	v8 =	vld [tilespmem:s29+$0xFFFFFFD0]  }
0xa2: {  	v52 =	vor.u32 v23, v34;
	v41 =	vor.u32 v21, v41;
	v33 =	vor.u32 v37, v10;
	v9 =	vld [tilespmem:s29+$0xFFFFFFE0]  }
0xa3: {  	v53 =	vadd.s32 $0x2710, v4;
	v34 =	vadd.s32 $0x2710, v18;
	v43 =	vor.u32 v22, v43;
	v10 =	vld [tilespmem:s29+$0xFFFFFFF0]  }
0xa4: {  	v54 =	vadd.s32 $0x2710, v5;
	v55 =	vadd.s32 $0x2710, v16;
	v1 =	vmul.f32 v1, v38;
	v11 =	vld [tilespmem:s29+$0x0]  }
0xa5: {  	v57 =	vadd.s32 $0x2710, v14;
	v56 =	vadd.s32 $0x2710, v13;
	v45 =	vmul.f32 v45, v7;
	v12 =	vld [tilespmem:s29+$0x10]  }
0xa6: {  	v58 =	vand.u32 $0x7FFF8, v34;
	v34 =	vmul.f32 v35, v8;
	v35 =	vadd.s32 $0x2710, v17;
	[tilespmem:v32+s21+$0x0] =	vst.idx.add.f32.msk $0xffff, v1  }
0xa7: {  	v53 =	vand.u32 $0x7FFF8, v53;
	v54 =	vand.u32 $0x7FFF8, v54;
	v32 =	vmul.f32 v36, v9;
	v33 =	vld.idx.msk [tilespmem:v33+s30+$0x0], $0xffff  }
0xa8: {  	v36 =	vmul.f32 v40, v10;
	v40 =	vand.u32 $0x7FFF8, v55;
	v1 =	vld [tilespmem:s29+$0x20];
	v55 =	vadd.s32 $0x4E20, v39  }
0xa9: {  	v31 =	vadd.s32 $0x7530, v31;
	[tilespmem:v18+s21+$0x0] =	vst.idx.add.f32.msk $0xffff, v45;
	v42 =	vmul.f32 v42, v11;
	v45 =	vand.u32 $0x7FFF8, v55  }
0xaa: {  	v31 =	vand.u32 $0xFFF8, v31;
	[tilespmem:v4+s21+$0x0] =	vst.idx.add.f32.msk $0xffff, v34;
	v34 =	vmul.f32 v44, v12;
	v44 =	vor.u32 v50, v45  }
0xab: {  	v37 =	vor.u32 v37, v31;
	v55 =	vand.u32 $0x7FFF8, v57;
	v45 =	vand.u32 $0x7FFF8, v56;
	[tilespmem:v5+s21+$0x0] =	vst.idx.add.f32.msk $0xffff, v32  }
0xac: {  	v31 =	vand.u32 $0x7, v18;
	v57 =	vand.u32 $0x7FFF8, v35;
	v56 =	vadd.s32 $0x4E20, v30;
	[tilespmem:v16+s21+$0x0] =	vst.idx.add.f32.msk $0xffff, v36  }
0xad: {  	v32 =	vand.u32 $0x7, v4;
	v36 =	vmul.f32 v33, v38;
	[tilespmem:v13+s21+$0x0] =	vst.idx.add.f32.msk $0xffff, v42;
	v42 =	vmul.f32 v49, v1  }
0xae: {  	v59 =	vadd.s32 $0x4E20, v19;
	v33 =	vand.u32 $0x7, v5;
	v49 =	vadd.s32 $0x4E20, v15;
	[tilespmem:v14+s21+$0x0] =	vst.idx.add.f32.msk $0xffff, v34  }
0xaf: {  	v60 =	vadd.s32 $0x4E20, v20;
	v35 =	vand.u32 $0x7, v13;
	v34 =	vand.u32 $0x7, v16;
	[tilespmem:v44+s21+$0x0] =	vst.idx.add.f32.msk $0xffff, v36  }
0xb0: {  	v61 =	vadd.s32 $0x4E20, v27;
	v44 =	vadd.s32 $0x4E20, v25;
	v36 =	vand.u32 $0x7, v14;
	v62 =	vld.idx.msk [tilespmem:v37+s30+$0x0], $0xffff  }
0xb1: {  	v39 =	vadd.s32 $0x7530, v39;
	v37 =	vand.u32 $0x7, v17;
	[tilespmem:v17+s21+$0x0] =	vst.idx.add.f32.msk $0xffff, v42;
	v42 =	vadd.s32 $0x4E20, v29  }
0xb2: {  	v58 =	vor.u32 v31, v58;
	v39 =	vand.u32 $0x7FFF8, v39;
	v53 =	vor.u32 v32, v53;
	v46 =	vld.idx.msk [tilespmem:v46+s30+$0x0], $0xffff  }
0xb3: {  	v39 =	vor.u32 v50, v39;
	v54 =	vor.u32 v33, v54;
	v40 =	vor.u32 v34, v40;
	v47 =	vld.idx.msk [tilespmem:v47+s30+$0x0], $0xffff  }
0xb4: {  	v45 =	vor.u32 v35, v45;
	v50 =	vor.u32 v36, v55;
	v55 =	vor.u32 v37, v57;
	v48 =	vld.idx.msk [tilespmem:v48+s30+$0x0], $0xffff  }
0xb5: {  	v56 =	vand.u32 $0xFFF8, v56;
	v49 =	vand.u32 $0xFFF8, v49;
	v57 =	vand.u32 $0xFFF8, v59;
	v51 =	vld.idx.msk [tilespmem:v51+s30+$0x0], $0xffff  }
0xb6: {  	v44 =	vand.u32 $0xFFF8, v44;
	v59 =	vand.u32 $0xFFF8, v60;
	v38 =	vmul.f32 v62, v38;
	v52 =	vld.idx.msk [tilespmem:v52+s30+$0x0], $0xffff  }
0xb7: {  	v56 =	vor.u32 v28, v56;
	v60 =	vand.u32 $0xFFF8, v61;
	v42 =	vand.u32 $0xFFF8, v42;
	v41 =	vld.idx.msk [tilespmem:v41+s30+$0x0], $0xffff  }
0xb8: {  	v49 =	vor.u32 v6, v49;
	v61 =	vadd.s32 $0x4E20, v18;
	v46 =	vmul.f32 v46, v7;
	[tilespmem:v39+s21+$0x0] =	vst.idx.add.f32.msk $0xffff, v38  }
0xb9: {  	v38 =	vmul.f32 v47, v8;
	v39 =	vor.u32 v24, v57;
	v47 =	vor.u32 v26, v59;
	v43 =	vld.idx.msk [tilespmem:v43+s30+$0x0], $0xffff  }
0xba: {  	v44 =	vor.u32 v23, v44;
	v48 =	vmul.f32 v48, v9;
	[tilespmem:v58+s21+$0x0] =	vst.idx.add.f32.msk $0xffff, v46;
	v46 =	vadd.s32 $0x4E20, v4  }
0xbb: {  	v51 =	vmul.f32 v51, v10;
	[tilespmem:v53+s21+$0x0] =	vst.idx.add.f32.msk $0xffff, v38;
	v38 =	vadd.s32 $0x4E20, v5;
	v53 =	vor.u32 v21, v60  }
0xbc: {  	v42 =	vor.u32 v22, v42;
	v52 =	vmul.f32 v52, v11;
	[tilespmem:v54+s21+$0x0] =	vst.idx.add.f32.msk $0xffff, v48;
	v48 =	vadd.s32 $0x4E20, v16  }
0xbd: {  	v41 =	vmul.f32 v41, v12;
	[tilespmem:v40+s21+$0x0] =	vst.idx.add.f32.msk $0xffff, v51;
	v40 =	vadd.s32 $0x4E20, v13;
	v51 =	vadd.s32 $0x4E20, v14  }
0xbe: {  	v46 =	vand.u32 $0x7FFF8, v46;
	v54 =	vand.u32 $0x7FFF8, v61;
	[tilespmem:v45+s21+$0x0] =	vst.idx.add.f32.msk $0xffff, v52;
	v45 =	vadd.s32 $0x4E20, v17  }
0xbf: {  	v38 =	vand.u32 $0x7FFF8, v38;
	v48 =	vand.u32 $0x7FFF8, v48;
	[tilespmem:v50+s21+$0x0] =	vst.idx.add.f32.msk $0xffff, v41;
	v41 =	vmul.f32 v43, v1  }
0xc0: {  	v40 =	vand.u32 $0x7FFF8, v40;
	v50 =	vand.u32 $0x7FFF8, v51;
	v45 =	vand.u32 $0x7FFF8, v45;
	v43 =	vld.idx.msk [tilespmem:v56+s30+$0x0], $0xffff  }
0xc1: {  	v19 =	vadd.s32 $0x7530, v19;
	v30 =	vadd.s32 $0x7530, v30;
	v15 =	vadd.s32 $0x7530, v15;
	[tilespmem:v55+s21+$0x0] =	vst.idx.add.f32.msk $0xffff, v41  }
0xc2: {  	v20 =	vadd.s32 $0x7530, v20;
	v27 =	vadd.s32 $0x7530, v27;
	v25 =	vadd.s32 $0x7530, v25;
	v41 =	vld.idx.msk [tilespmem:v49+s30+$0x0], $0xffff  }
0xc3: {  	v29 =	vadd.s32 $0x7530, v29;
	v46 =	vor.u32 v32, v46;
	v49 =	vor.u32 v31, v54;
	v39 =	vld.idx.msk [tilespmem:v39+s30+$0x0], $0xffff  }
0xc4: {  	v38 =	vor.u32 v33, v38;
	v48 =	vor.u32 v34, v48;
	v40 =	vor.u32 v35, v40;
	v47 =	vld.idx.msk [tilespmem:v47+s30+$0x0], $0xffff  }
0xc5: {  	v30 =	vand.u32 $0xFFF8, v30;
	v50 =	vor.u32 v36, v50;
	v45 =	vor.u32 v37, v45;
	v44 =	vld.idx.msk [tilespmem:v44+s30+$0x0], $0xffff  }
0xc6: {  	v19 =	vand.u32 $0xFFF8, v19;
	v15 =	vand.u32 $0xFFF8, v15;
	v43 =	vmul.f32 v43, v7;
	v51 =	vld.idx.msk [tilespmem:v53+s30+$0x0], $0xffff  }
0xc7: {  	v20 =	vand.u32 $0xFFF8, v20;
	v27 =	vand.u32 $0xFFF8, v27;
	v25 =	vand.u32 $0xFFF8, v25;
	v42 =	vld.idx.msk [tilespmem:v42+s30+$0x0], $0xffff  }
0xc8: {  	v28 =	vor.u32 v28, v30;
	v29 =	vand.u32 $0xFFF8, v29;
	v30 =	vmul.f32 v41, v8;
	[tilespmem:v49+s21+$0x0] =	vst.idx.add.f32.msk $0xffff, v43  }
0xc9: {  	v19 =	vor.u32 v24, v19;
	v6 =	vor.u32 v6, v15;
	v15 =	vmul.f32 v39, v9  }
0xca: {  	v20 =	vor.u32 v26, v20;
	v18 =	vadd.s32 $0x7530, v18;
	v24 =	vmul.f32 v47, v10;
	[tilespmem:v46+s21+$0x0] =	vst.idx.add.f32.msk $0xffff, v30  }
0xcb: {  	v23 =	vor.u32 v23, v25;
	v4 =	vadd.s32 $0x7530, v4;
	[tilespmem:v38+s21+$0x0] =	vst.idx.add.f32.msk $0xffff, v15;
	v15 =	vmul.f32 v44, v11  }
0xcc: {  	v5 =	vadd.s32 $0x7530, v5;
	v21 =	vor.u32 v21, v27;
	[tilespmem:v48+s21+$0x0] =	vst.idx.add.f32.msk $0xffff, v24;
	v24 =	vmul.f32 v51, v12  }
0xcd: {  	v22 =	vor.u32 v22, v29;
	v16 =	vadd.s32 $0x7530, v16;
	[tilespmem:v40+s21+$0x0] =	vst.idx.add.f32.msk $0xffff, v15;
	v15 =	vmul.f32 v42, v1  }
0xce: {  	v13 =	vadd.s32 $0x7530, v13;
	v14 =	vadd.s32 $0x7530, v14;
	v17 =	vadd.s32 $0x7530, v17;
	[tilespmem:v50+s21+$0x0] =	vst.idx.add.f32.msk $0xffff, v24  }
0xcf: {  	v18 =	vand.u32 $0x7FFF8, v18;
	v4 =	vand.u32 $0x7FFF8, v4;
	v5 =	vand.u32 $0x7FFF8, v5;
	[tilespmem:v45+s21+$0x0] =	vst.idx.add.f32.msk $0xffff, v15  }
0xd0: {  	v16 =	vand.u32 $0x7FFF8, v16;
	v13 =	vand.u32 $0x7FFF8, v13;
	v24 =	vand.u32 $0x7FFF8, v14;
	v15 =	vld.idx.msk [tilespmem:v28+s30+$0x0], $0xffff  }
0xd1: {  	v18 =	vor.u32 v31, v18;
	v25 =	vor.u32 v32, v4;
	v4 =	vand.u32 $0x7FFF8, v17;
	v6 =	vld.idx.msk [tilespmem:v6+s30+$0x0], $0xffff  }
0xd2: {  	v5 =	vor.u32 v33, v5;
	v16 =	vor.u32 v34, v16;
	v14 =	vor.u32 v35, v13;
	v17 =	vld.idx.msk [tilespmem:v19+s30+$0x0], $0xffff  }
0xd3: {  	v13 =	vor.u32 v36, v24;
	v19 =	vld.idx.msk [tilespmem:v20+s30+$0x0], $0xffff;
	v20 =	vor.u32 v37, v4  }
0xd4: {  	v23 =	vld.idx.msk [tilespmem:v23+s30+$0x0], $0xffff  }
0xd5: {  	v21 =	vld.idx.msk [tilespmem:v21+s30+$0x0], $0xffff  }
0xd6: {  	v7 =	vmul.f32 v15, v7;
	v4 =	vld.idx.msk [tilespmem:v22+s30+$0x0], $0xffff  }
.Ltmp3:
0xd7: {  	v6 =	vmul.f32 v6, v8;
	[tilespmem:v2+s21+$0x0] =	vst.idx.add.f32.msk $0xffff, v3;
	v2 =	vmov v20;
	(pc) =	sbr.rel @p0 .LBB2_5-.Ltmp3, $4  }
0xd8: {  	v3 =	vmul.f32 v17, v9;
	[tilespmem:v18+s21+$0x0] =	vst.idx.add.f32.msk $0xffff, v7  }
0xd9: {  	[tilespmem:v25+s21+$0x0] =	vst.idx.add.f32.msk $0xffff, v6;
	v6 =	vmul.f32 v19, v10  }
0xda: {  	v8 =	vmul.f32 v23, v11;
	[tilespmem:v5+s21+$0x0] =	vst.idx.add.f32.msk $0xffff, v3  }
0xdb: {  	s0 =	sadd.s32 $0x80, s0;
	v7 =	vmul.f32 v21, v12;
	[tilespmem:v16+s21+$0x0] =	vst.idx.add.f32.msk $0xffff, v6  }
0xdc: {  	_ =	sdelay $0x3  }
0xdd: {  	v1 =	vmul.f32 v4, v1;
	[tilespmem:v14+s21+$0x0] =	vst.idx.add.f32.msk $0xffff, v8  }
0xde: {  	[tilespmem:v13+s21+$0x0] =	vst.idx.add.f32.msk $0xffff, v7  }
0xdf: {  	[tilespmem:v2+s21+$0x0] =	vst.idx.add.f32.msk $0xffff, v1  }
.LBB2_7:
0xe0: {  	s0 =	sshra.s32 s30, $0x2  }
0xe1: {  	v1 =	vld [tilespmem:s0+$0x1DC40];
	_ =	sdelay $0x4  }
0xe2: {  	v2 =	vand.u32 $0x3FFF, v1;
	_ =	sdelay $0x3  }
0xe3: {  	v3 =	vld [tilespmem:s0+$0x1EBE0]  }
0xe4: {  	v4 =	vld.idx.msk [tilespmem:v2+s2+$0x0], $0xffff  }
0xe5: {  	v5 =	vadd.s32 $0x2710, v2  }
0xe6: {  	v6 =	vshrl.u32 v1, $0xE;
	v1 =	vand.u32 $0x7, v1;
	v5 =	vand.u32 $0x7FF8, v5  }
0xe7: {  	v5 =	vor.u32 v1, v5;
	_ =	sdelay $0x1  }
0xe8: {  	v4 =	vmul.f32 v4, v3;
	_ =	sdelay $0x1  }
0xe9: {  	[tilespmem:v6+s21+$0x0] =	vst.idx.add.f32.msk $0xffff, v4  }
0xea: {  	v62 =	vadd.s32 $0x2710, v6;
	v4 =	vld.idx.msk [tilespmem:v5+s2+$0x0], $0xffff  }
0xeb: {  	v7 =	vand.u32 $0x7, v6;
	v8 =	vadd.s32 $0x4E20, v2;
	v5 =	vand.u32 $0x7FFF8, v62  }
0xec: {  	v8 =	vand.u32 $0xFFF8, v8;
	v5 =	vor.u32 v7, v5  }
0xed: {  	v8 =	vor.u32 v1, v8;
	_ =	sdelay $0x1  }
0xee: {  	v4 =	vmul.f32 v4, v3;
	_ =	sdelay $0x1  }
0xef: {  	[tilespmem:v5+s21+$0x0] =	vst.idx.add.f32.msk $0xffff, v4  }
0xf0: {  	v63 =	vadd.s32 $0x4E20, v6;
	v4 =	vld.idx.msk [tilespmem:v8+s2+$0x0], $0xffff  }
0xf1: {  	v2 =	vadd.s32 $0x7530, v2;
	v5 =	vand.u32 $0x7FFF8, v63  }
0xf2: {  	v2 =	vand.u32 $0xFFF8, v2;
	v5 =	vor.u32 v7, v5  }
0xf3: {  	v1 =	vor.u32 v1, v2;
	_ =	sdelay $0x1  }
0xf4: {  	v2 =	vmul.f32 v4, v3;
	_ =	sdelay $0x1  }
0xf5: {  	[tilespmem:v5+s21+$0x0] =	vst.idx.add.f32.msk $0xffff, v2  }
0xf6: {  	v2 =	vadd.s32 $0x7530, v6;
	v1 =	vld.idx.msk [tilespmem:v1+s2+$0x0], $0xffff  }
0xf7: {  	v2 =	vand.u32 $0x7FFF8, v2  }
0xf8: {  	p0 =	sne.s32 s30, $0x100;
	v2 =	vor.u32 v7, v2  }
.Ltmp4:
0xf9: {  	_ = 	snop;
	(pc) =	sbr.rel @p0 .LBB2_7-.Ltmp4, $3  }
0xfa: {  	_ = 	snop  }
0xfb: {  	v1 =	vmul.f32 v1, v3;
	_ =	sdelay $0x1  }
0xfc: {  	s30 =	sadd.s32 $0x40, s30;
	[tilespmem:v2+s21+$0x0] =	vst.idx.add.f32.msk $0xffff, v1  }
0xfd: {  	s29 =	sshll.u32 s28, $0x1;
	p0 =	seq.s32 s28, $0x4F  }
0xfe: {  	s0 =	sadd.s32 @!p0 s29, s10  }
0xff: {  	s1 =	sadd.s32 @!p0 $0xFFFFFF60, s0  }
0x100: {  	s0 =	smin.u32 @!p0 s1, s0  }
0x101: {  	s0 =	smul.u32 @!p0 $0x7D0, s0;
	_ =	sdelay $0x1  }
0x102: {  	s0 =	sshrl.u32 @!p0 s0, $0x3  }
0x103: {  	s30 =	simm.s32 @!p0 $0x0;
	s31 =	simm.s32 @!p0 $0x1D4C0;
	s1 =	sadd.s32 @!p0 s3, s0  }
0x104: {  	[tilespmem:s31], [sflag:$0x1] =	stream.linear.gather @!p0 [hbm4b:s1+s30], $0x7D0, $0x38;
	[tilespmem:$0x1F400] =	vst v63  }
0x105: {  	s0 =	sadd.s32 @!p0 s4, s0;
	s1 =	simm.s32 @!p0 $0x1E460  }
0x106: {  	[tilespmem:s1], [sflag:$0x1] =	stream.linear.gather @!p0 [hbm4b:s0+s30], $0x7D0, $0x38;
	[tilespmem:$0x1F400] =	vst v63  }
0x107: {  	_ =	swait.ge [sflag:s22], $0x7D0  }
0x108: {  	[sflag:s22] =	ssyncset.done $0x0  }
0x109: {  	[sflag:s22] =	ssyncadd.s32 $0xFFFFF830  }
0x10a: {  	_ =	swait.ge [sflag:s22], $0x7D0  }
0x10b: {  	[sflag:s22] =	ssyncset.done $0x0  }
0x10c: {  	s1 =	simm.s32 $0x1DCD0;
	[sflag:s22] =	ssyncadd.s32 $0xFFFFF830  }
0x10d: {  	v1 =	vld [tilespmem:s1+$0x30]  }
0x10e: {  	v3 =	vld [tilespmem:s1+$0xFFFFFFD0]  }
0x10f: {  	v6 =	vld [tilespmem:s1+$0xFFFFFFE0]  }
0x110: {  	v7 =	vld [tilespmem:s1+$0xFFFFFFF0];
	_ =	sdelay $0x1  }
0x111: {  	v9 =	vld [tilespmem:s1+$0xFFFFFFC0];
	_ =	sdelay $0x1  }
0x112: {  	v29 =	vand.u32 $0x3FFF, v1  }
0x113: {  	v12 =	vld [tilespmem:s1+$0x20];
	v17 =	vand.u32 $0x3FFF, v3;
	v16 =	vand.u32 $0x3FFF, v6;
	v14 =	vand.u32 $0x3FFF, v7  }
0x114: {  	v2 =	vshrl.u32 v3, $0xE;
	v5 =	vand.u32 $0x7, v3;
	v3 =	vshrl.u32 v6, $0xE  }
0x115: {  	v8 =	vld [tilespmem:s1+$0x0];
	v22 =	vand.u32 $0x3FFF, v9;
	v34 =	vshrl.u32 v1, $0xE;
	v32 =	vand.u32 $0x7, v1  }
0x116: {  	s31 =	simm.s32 $0x1EC70;
	v10 =	vld [tilespmem:s1+$0x10];
	v28 =	vand.u32 $0x7, v9;
	v23 =	vand.u32 $0x7, v6;
	v11 =	vadd.s32 $0x2710, v17  }
0x117: {  	v36 =	vld [tilespmem:s31+$0x30];
	v21 =	vadd.s32 $0x2710, v22;
	v1 =	vand.u32 $0x7FF8, v11;
	v11 =	vadd.s32 $0x2710, v16  }
0x118: {  	v6 =	vld [tilespmem:s31+$0xFFFFFFC0];
	v27 =	vand.u32 $0x7, v12;
	v21 =	vand.u32 $0x7FF8, v21;
	v35 =	vand.u32 $0x7FF8, v11  }
0x119: {  	v11 =	vand.u32 $0x3FFF, v12;
	v49 =	vor.u32 v28, v21;
	v21 =	vshrl.u32 v12, $0xE;
	v12 =	vld [tilespmem:s31+$0x10]  }
0x11a: {  	s30 =	simm.s32 $0x0;
	v15 =	vand.u32 $0x3FFF, v8;
	v50 =	vor.u32 v5, v1;
	v1 =	vld [tilespmem:s31+$0x20]  }
0x11b: {  	v13 =	vld.idx.msk [tilespmem:v29+s30+$0x0], $0xffff  }
0x11c: {  	v30 =	vld.idx.msk [tilespmem:v17+s30+$0x0], $0xffff  }
0x11d: {  	v4 =	vand.u32 $0x3FFF, v10;
	v18 =	vadd.s32 $0x2710, v29;
	v31 =	vld.idx.msk [tilespmem:v16+s30+$0x0], $0xffff  }
0x11e: {  	v18 =	vand.u32 $0x7FF8, v18;
	v33 =	vld.idx.msk [tilespmem:v14+s30+$0x0], $0xffff  }
0x11f: {  	v19 =	vor.u32 v32, v18;
	v18 =	vshrl.u32 v9, $0xE;
	v9 =	vadd.s32 $0x2710, v34;
	v37 =	vld.idx.msk [tilespmem:v15+s30+$0x0], $0xffff  }
0x120: {  	v24 =	vand.u32 $0x7, v7;
	v46 =	vand.u32 $0x7, v34;
	v9 =	vand.u32 $0x7FFF8, v9;
	v41 =	vld.idx.msk [tilespmem:v22+s30+$0x0], $0xffff  }
0x121: {  	v25 =	vand.u32 $0x7, v8;
	v26 =	vand.u32 $0x7, v10;
	v47 =	vor.u32 v46, v9;
	v9 =	vld [tilespmem:s31+$0xFFFFFFE0]  }
0x122: {  	v56 =	vadd.s32 $0x2710, v14;
	v57 =	vadd.s32 $0x2710, v15;
	v20 =	vadd.s32 $0x2710, v11;
	v39 =	vld.idx.msk [tilespmem:v4+s30+$0x0], $0xffff  }
0x123: {  	v43 =	vand.u32 $0x7FF8, v20;
	v20 =	vshrl.u32 v10, $0xE;
	v10 =	vld [tilespmem:s31+$0xFFFFFFF0];
	v13 =	vmul.f32 v13, v36  }
0x124: {  	v58 =	vadd.s32 $0x2710, v4;
	v59 =	vadd.s32 $0x4E20, v29;
	v62 =	vadd.s32 $0x2710, v2;
	v45 =	vld.idx.msk [tilespmem:v11+s30+$0x0], $0xffff  }
0x125: {  	v63 =	vadd.s32 $0x2710, v3;
	v52 =	vadd.s32 $0x4E20, v34;
	v41 =	vmul.f32 v41, v6;
	[tilespmem:v34+s21+$0x0] =	vst.idx.add.f32.msk $0xffff, v13  }
0x126: {  	v54 =	vadd.s32 $0x4E20, v17;
	v31 =	vmul.f32 v31, v9;
	v13 =	vshrl.u32 v7, $0xE;
	v7 =	vld [tilespmem:s31+$0xFFFFFFD0]  }
0x127: {  	v38 =	vand.u32 $0x7FF8, v56;
	v40 =	vand.u32 $0x7FF8, v57;
	v39 =	vmul.f32 v39, v12;
	[tilespmem:v18+s21+$0x0] =	vst.idx.add.f32.msk $0xffff, v41  }
0x128: {  	v42 =	vand.u32 $0x7FF8, v58;
	v60 =	vand.u32 $0xFFF8, v59;
	v51 =	vor.u32 v23, v35;
	[tilespmem:v3+s21+$0x0] =	vst.idx.add.f32.msk $0xffff, v31  }
0x129: {  	v55 =	vand.u32 $0x7FFF8, v52;
	v48 =	vor.u32 v32, v60;
	v42 =	vor.u32 v26, v42;
	[tilespmem:v20+s21+$0x0] =	vst.idx.add.f32.msk $0xffff, v39  }
0x12a: {  	v38 =	vor.u32 v24, v38;
	v40 =	vor.u32 v25, v40;
	v56 =	vor.u32 v46, v55;
	v44 =	vld.idx.msk [tilespmem:v19+s30+$0x0], $0xffff  }
0x12b: {  	v55 =	vadd.s32 $0x4E20, v16;
	v61 =	vadd.s32 $0x2710, v18;
	v19 =	vshrl.u32 v8, $0xE;
	v8 =	vld [tilespmem:s31+$0x0]  }
0x12c: {  	v60 =	vadd.s32 $0x2710, v21;
	v29 =	vadd.s32 $0x7530, v29;
	v52 =	vand.u32 $0x7FFF8, v61;
	v49 =	vld.idx.msk [tilespmem:v49+s30+$0x0], $0xffff  }
0x12d: {  	v60 =	vand.u32 $0x7FFF8, v60;
	v17 =	vadd.s32 $0x7530, v17;
	v33 =	vmul.f32 v33, v10;
	v51 =	vld.idx.msk [tilespmem:v51+s30+$0x0], $0xffff  }
0x12e: {  	v16 =	vadd.s32 $0x7530, v16;
	v43 =	vor.u32 v27, v43;
	v29 =	vand.u32 $0xFFF8, v29;
	v42 =	vld.idx.msk [tilespmem:v42+s30+$0x0], $0xffff  }
0x12f: {  	v59 =	vadd.s32 $0x2710, v20;
	v17 =	vand.u32 $0xFFF8, v17;
	v30 =	vmul.f32 v30, v7;
	[tilespmem:v13+s21+$0x0] =	vst.idx.add.f32.msk $0xffff, v33  }
0x130: {  	v29 =	vor.u32 v32, v29;
	v32 =	vand.u32 $0x7, v18;
	v44 =	vmul.f32 v44, v36;
	v38 =	vld.idx.msk [tilespmem:v38+s30+$0x0], $0xffff  }
0x131: {  	v52 =	vor.u32 v32, v52;
	v31 =	vand.u32 $0x7, v21;
	v57 =	vadd.s32 $0x2710, v13;
	[tilespmem:v2+s21+$0x0] =	vst.idx.add.f32.msk $0xffff, v30  }
0x132: {  	v35 =	vand.u32 $0x7, v13;
	v58 =	vadd.s32 $0x2710, v19;
	v37 =	vmul.f32 v37, v8;
	[tilespmem:v47+s21+$0x0] =	vst.idx.add.f32.msk $0xffff, v44  }
0x133: {  	v41 =	vand.u32 $0x7FFF8, v57;
	v57 =	vadd.s32 $0x4E20, v15;
	v39 =	vand.u32 $0x7FFF8, v58;
	v47 =	vld.idx.msk [tilespmem:v48+s30+$0x0], $0xffff  }
0x134: {  	v58 =	vadd.s32 $0x4E20, v4;
	v41 =	vor.u32 v35, v41;
	v4 =	vadd.s32 $0x7530, v4;
	[tilespmem:v19+s21+$0x0] =	vst.idx.add.f32.msk $0xffff, v37  }
0x135: {  	v4 =	vand.u32 $0xFFF8, v4;
	v33 =	vand.u32 $0x7, v2;
	v49 =	vmul.f32 v49, v6;
	v50 =	vld.idx.msk [tilespmem:v50+s30+$0x0], $0xffff  }
0x136: {  	v30 =	vand.u32 $0x7, v19;
	v37 =	vand.u32 $0x7FFF8, v62;
	v62 =	vmul.f32 v45, v1;
	v40 =	vld.idx.msk [tilespmem:v40+s30+$0x0], $0xffff  }
0x137: {  	v44 =	vand.u32 $0x7FFF8, v63;
	v63 =	vadd.s32 $0x4E20, v22;
	v39 =	vor.u32 v30, v39;
	[tilespmem:v52+s21+$0x0] =	vst.idx.add.f32.msk $0xffff, v49  }
0x138: {  	v45 =	vand.u32 $0xFFF8, v54;
	v37 =	vor.u32 v33, v37;
	[tilespmem:v21+s21+$0x0] =	vst.idx.add.f32.msk $0xffff, v62;
	v61 =	vmul.f32 v47, v36  }
0x139: {  	v48 =	vor.u32 v31, v60;
	v45 =	vor.u32 v5, v45;
	v62 =	vand.u32 $0xFFF8, v63;
	v43 =	vld.idx.msk [tilespmem:v43+s30+$0x0], $0xffff  }
0x13a: {  	v60 =	vmul.f32 v38, v10;
	v63 =	vmul.f32 v50, v7;
	v47 =	vand.u32 $0x7FFF8, v59;
	[tilespmem:v56+s21+$0x0] =	vst.idx.add.f32.msk $0xffff, v61  }
0x13b: {  	v40 =	vmul.f32 v40, v8;
	v61 =	vadd.s32 $0x7530, v34;
	v34 =	vand.u32 $0x7, v3;
	v53 =	vld.idx.msk [tilespmem:v29+s30+$0x0], $0xffff  }
0x13c: {  	[tilespmem:v41+s21+$0x0] =	vst.idx.add.f32.msk $0xffff, v60;
	v56 =	vadd.s32 $0x4E20, v14;
	v29 =	vand.u32 $0x7FFF8, v61;
	v44 =	vor.u32 v34, v44  }
0x13d: {  	[tilespmem:v37+s21+$0x0] =	vst.idx.add.f32.msk $0xffff, v63;
	v54 =	vand.u32 $0xFFF8, v56;
	v61 =	vand.u32 $0xFFF8, v58;
	v46 =	vor.u32 v46, v29  }
0x13e: {  	[tilespmem:v39+s21+$0x0] =	vst.idx.add.f32.msk $0xffff, v40;
	v58 =	vmul.f32 v43, v1;
	v29 =	vand.u32 $0x7, v20;
	v54 =	vor.u32 v24, v54  }
0x13f: {  	v4 =	vor.u32 v26, v4;
	v45 =	vld.idx.msk [tilespmem:v45+s30+$0x0], $0xffff;
	v56 =	vmul.f32 v51, v9;
	v47 =	vor.u32 v29, v47  }
0x140: {  	v59 =	vand.u32 $0xFFF8, v57;
	v38 =	vor.u32 v26, v61;
	[tilespmem:v48+s21+$0x0] =	vst.idx.add.f32.msk $0xffff, v58;
	v36 =	vmul.f32 v53, v36  }
0x141: {  	v16 =	vand.u32 $0xFFF8, v16;
	v52 =	vmul.f32 v42, v12;
	[tilespmem:v44+s21+$0x0] =	vst.idx.add.f32.msk $0xffff, v56;
	v56 =	vor.u32 v25, v59  }
0x142: {  	v50 =	vand.u32 $0xFFF8, v55;
	v53 =	vadd.s32 $0x4E20, v11;
	[tilespmem:v46+s21+$0x0] =	vst.idx.add.f32.msk $0xffff, v36;
	v36 =	vor.u32 v28, v62  }
0x143: {  	v59 =	vadd.s32 $0x4E20, v13;
	v42 =	vld.idx.msk [tilespmem:v54+s30+$0x0], $0xffff;
	v62 =	vand.u32 $0xFFF8, v53;
	v53 =	vor.u32 v23, v50  }
0x144: {  	v55 =	vadd.s32 $0x4E20, v2;
	v43 =	vand.u32 $0x7FFF8, v59;
	[tilespmem:v47+s21+$0x0] =	vst.idx.add.f32.msk $0xffff, v52;
	v46 =	vor.u32 v27, v62  }
0x145: {  	v14 =	vadd.s32 $0x7530, v14;
	v43 =	vor.u32 v35, v43;
	v62 =	vand.u32 $0x7FFF8, v55;
	v38 =	vld.idx.msk [tilespmem:v38+s30+$0x0], $0xffff  }
0x146: {  	v14 =	vand.u32 $0xFFF8, v14;
	v61 =	vadd.s32 $0x4E20, v20;
	v37 =	vor.u32 v33, v62;
	v39 =	vld.idx.msk [tilespmem:v56+s30+$0x0], $0xffff  }
0x147: {  	v22 =	vadd.s32 $0x7530, v22;
	v14 =	vor.u32 v24, v14;
	v52 =	vand.u32 $0x7FFF8, v61;
	v36 =	vld.idx.msk [tilespmem:v36+s30+$0x0], $0xffff  }
0x148: {  	v5 =	vor.u32 v5, v17;
	v49 =	vor.u32 v29, v52;
	v55 =	vmul.f32 v42, v10;
	v41 =	vld.idx.msk [tilespmem:v53+s30+$0x0], $0xffff  }
0x149: {  	v60 =	vadd.s32 $0x4E20, v19;
	v57 =	vadd.s32 $0x4E20, v3;
	v45 =	vmul.f32 v45, v7;
	v46 =	vld.idx.msk [tilespmem:v46+s30+$0x0], $0xffff  }
0x14a: {  	v63 =	vadd.s32 $0x4E20, v18;
	v40 =	vand.u32 $0x7FFF8, v57;
	v47 =	vand.u32 $0x7FFF8, v60;
	[tilespmem:v43+s21+$0x0] =	vst.idx.add.f32.msk $0xffff, v55  }
0x14b: {  	v44 =	vand.u32 $0x7FFF8, v63;
	v47 =	vor.u32 v30, v47;
	v57 =	vmul.f32 v38, v12;
	[tilespmem:v37+s21+$0x0] =	vst.idx.add.f32.msk $0xffff, v45  }
0x14c: {  	v15 =	vadd.s32 $0x7530, v15;
	v22 =	vand.u32 $0xFFF8, v22;
	v44 =	vor.u32 v32, v44;
	v14 =	vld.idx.msk [tilespmem:v14+s30+$0x0], $0xffff  }
0x14d: {  	v16 =	vor.u32 v23, v16;
	v15 =	vand.u32 $0xFFF8, v15;
	v22 =	vor.u32 v28, v22;
	[tilespmem:v49+s21+$0x0] =	vst.idx.add.f32.msk $0xffff, v57  }
0x14e: {  	v15 =	vor.u32 v25, v15;
	v40 =	vor.u32 v34, v40;
	v56 =	vmul.f32 v39, v8;
	v5 =	vld.idx.msk [tilespmem:v5+s30+$0x0], $0xffff  }
0x14f: {  	v2 =	vadd.s32 $0x7530, v2;
	v63 =	vadd.s32 $0x4E20, v21;
	v62 =	vld.idx.msk [tilespmem:v4+s30+$0x0], $0xffff;
	v36 =	vmul.f32 v36, v6  }
0x150: {  	v2 =	vand.u32 $0x7FFF8, v2;
	v11 =	vadd.s32 $0x7530, v11;
	v48 =	vand.u32 $0x7FFF8, v63;
	[tilespmem:v47+s21+$0x0] =	vst.idx.add.f32.msk $0xffff, v56  }
0x151: {  	v11 =	vand.u32 $0xFFF8, v11;
	v54 =	vor.u32 v31, v48;
	v53 =	vmul.f32 v41, v9;
	[tilespmem:v44+s21+$0x0] =	vst.idx.add.f32.msk $0xffff, v36  }
0x152: {  	v2 =	vor.u32 v33, v2;
	v59 =	vadd.s32 $0x7530, v18;
	v11 =	vor.u32 v27, v11;
	v60 =	vld.idx.msk [tilespmem:v22+s30+$0x0], $0xffff  }
0x153: {  	v3 =	vadd.s32 $0x7530, v3;
	v13 =	vadd.s32 $0x7530, v13;
	v17 =	vand.u32 $0x7FFF8, v59;
	[tilespmem:v40+s21+$0x0] =	vst.idx.add.f32.msk $0xffff, v53  }
0x154: {  	v13 =	vand.u32 $0x7FFF8, v13;
	v17 =	vor.u32 v32, v17;
	v58 =	vmul.f32 v46, v1;
	v16 =	vld.idx.msk [tilespmem:v16+s30+$0x0], $0xffff  }
0x155: {  	v3 =	vand.u32 $0x7FFF8, v3;
	v61 =	vor.u32 v35, v13;
	v15 =	vld.idx.msk [tilespmem:v15+s30+$0x0], $0xffff  }
0x156: {  	v3 =	vor.u32 v34, v3;
	[tilespmem:v54+s21+$0x0] =	vst.idx.add.f32.msk $0xffff, v58;
	v5 =	vmul.f32 v5, v7  }
0x157: {  	v19 =	vadd.s32 $0x7530, v19;
	v63 =	vadd.s32 $0x7530, v21;
	v4 =	vld.idx.msk [tilespmem:v11+s30+$0x0], $0xffff;
	v6 =	vmul.f32 v60, v6  }
0x158: {  	v13 =	vadd.s32 $0x7530, v20;
	v7 =	vand.u32 $0x7FFF8, v19;
	[tilespmem:v2+s21+$0x0] =	vst.idx.add.f32.msk $0xffff, v5;
	v5 =	vmul.f32 v14, v10  }
0x159: {  	v11 =	vand.u32 $0x7FFF8, v13;
	v13 =	vor.u32 v30, v7;
	[tilespmem:v17+s21+$0x0] =	vst.idx.add.f32.msk $0xffff, v6;
	v6 =	vmul.f32 v16, v9  }
0x15a: {  	v7 =	vmul.f32 v62, v12;
	v14 =	vor.u32 v29, v11;
	[tilespmem:v61+s21+$0x0] =	vst.idx.add.f32.msk $0xffff, v5;
	v9 =	vand.u32 $0x7FFF8, v63  }
0x15b: {  	s0 =	simm.s32 $0x0;
	s1 =	simm.s32 $0x1DD50;
	v8 =	vmul.f32 v15, v8;
	v2 =	vor.u32 v31, v9;
	[tilespmem:v3+s21+$0x0] =	vst.idx.add.f32.msk $0xffff, v6  }
.LBB2_9:
0x15c: {  	v9 =	vld [tilespmem:s1+$0x30];
	s0 =	sadd.s32 $0x8, s0;
	v3 =	vmul.f32 v4, v1  }
0x15d: {  	v1 =	vld [tilespmem:s1+$0xFFFFFFD0];
	p1 =	slt.u32 s0, $0x70  }
0x15e: {  	v10 =	vld [tilespmem:s1+$0xFFFFFFE0]  }
0x15f: {  	v11 =	vld [tilespmem:s1+$0xFFFFFFF0]  }
0x160: {  	v12 =	vld [tilespmem:s1+$0x0]  }
0x161: {  	v17 =	vld [tilespmem:s1+$0x10];
	v31 =	vand.u32 $0x3FFF, v9  }
0x162: {  	v16 =	vand.u32 $0x3FFF, v1;
	v4 =	vshrl.u32 v1, $0xE;
	v6 =	vand.u32 $0x7, v1;
	v1 =	vld [tilespmem:s1+$0x20]  }
0x163: {  	v15 =	vld [tilespmem:s1+$0xFFFFFFC0];
	v18 =	vadd.s32 $0x2710, v16;
	v19 =	vand.u32 $0x3FFF, v10;
	v5 =	vshrl.u32 v10, $0xE  }
0x164: {  	v32 =	vand.u32 $0x7FF8, v18;
	v18 =	vadd.s32 $0x2710, v19;
	v20 =	vand.u32 $0x3FFF, v11;
	[tilespmem:v13+s21+$0x0] =	vst.idx.add.f32.msk $0xffff, v8  }
0x165: {  	v8 =	vand.u32 $0x7FF8, v18;
	v13 =	vadd.s32 $0x2710, v20;
	v25 =	vand.u32 $0x3FFF, v12;
	[tilespmem:v14+s21+$0x0] =	vst.idx.add.f32.msk $0xffff, v7  }
0x166: {  	s31 =	sadd.s32 $0x80, s31;
	v33 =	vand.u32 $0x7FF8, v13;
	v7 =	vadd.s32 $0x2710, v25;
	v27 =	vand.u32 $0x3FFF, v17;
	v13 =	vld.idx.msk [tilespmem:v31+s30+$0x0], $0xffff  }
0x167: {  	v34 =	vand.u32 $0x7FF8, v7;
	v7 =	vadd.s32 $0x2710, v27;
	v29 =	vand.u32 $0x3FFF, v1;
	v38 =	vld [tilespmem:s31+$0x30]  }
0x168: {  	v18 =	vadd.s32 $0x2710, v31;
	v30 =	vand.u32 $0x3FFF, v15;
	v35 =	vld.idx.msk [tilespmem:v16+s30+$0x0], $0xffff;
	v14 =	vadd.s32 $0x2710, v29  }
0x169: {  	v39 =	vshrl.u32 v9, $0xE;
	v37 =	vand.u32 $0x7, v9;
	v18 =	vand.u32 $0x7FF8, v18;
	v36 =	vld.idx.msk [tilespmem:v19+s30+$0x0], $0xffff  }
0x16a: {  	v41 =	vand.u32 $0x7FF8, v7;
	v7 =	vor.u32 v37, v18;
	v9 =	vadd.s32 $0x2710, v30;
	v40 =	vld.idx.msk [tilespmem:v20+s30+$0x0], $0xffff  }
0x16b: {  	v18 =	vshrl.u32 v15, $0xE;
	v43 =	vand.u32 $0x7FF8, v14;
	v9 =	vand.u32 $0x7FF8, v9;
	v42 =	vld.idx.msk [tilespmem:v25+s30+$0x0], $0xffff  }
0x16c: {  	v24 =	vand.u32 $0x7, v10;
	v28 =	vand.u32 $0x7, v15;
	v44 =	vld.idx.msk [tilespmem:v27+s30+$0x0], $0xffff;
	v10 =	vmul.f32 v13, v38  }
0x16d: {  	v26 =	vand.u32 $0x7, v11;
	v15 =	vshrl.u32 v11, $0xE;
	v13 =	vshrl.u32 v12, $0xE;
	v45 =	vld.idx.msk [tilespmem:v30+s30+$0x0], $0xffff  }
0x16e: {  	v23 =	vand.u32 $0x7, v12;
	v21 =	vand.u32 $0x7, v17;
	v14 =	vshrl.u32 v17, $0xE;
	[tilespmem:v39+s21+$0x0] =	vst.idx.add.f32.msk $0xffff, v10  }
0x16f: {  	v22 =	vand.u32 $0x7, v1;
	v17 =	vshrl.u32 v1, $0xE;
	v46 =	vor.u32 v28, v9;
	v1 =	vld.idx.msk [tilespmem:v7+s30+$0x0], $0xffff  }
0x170: {  	v47 =	vor.u32 v6, v32;
	v48 =	vor.u32 v24, v8;
	v8 =	vadd.s32 $0x2710, v39;
	v49 =	vld.idx.msk [tilespmem:v29+s30+$0x0], $0xffff  }
0x171: {  	v50 =	vand.u32 $0x7, v39;
	v9 =	vand.u32 $0x7FFF8, v8;
	v10 =	vadd.s32 $0x4E20, v31;
	v7 =	vld [tilespmem:s31+$0xFFFFFFC0]  }
0x172: {  	v51 =	vor.u32 v26, v33;
	v32 =	vor.u32 v50, v9;
	v10 =	vand.u32 $0xFFF8, v10;
	v8 =	vld [tilespmem:s31+$0xFFFFFFD0]  }
0x173: {  	v52 =	vor.u32 v23, v34;
	v41 =	vor.u32 v21, v41;
	v33 =	vor.u32 v37, v10;
	v9 =	vld [tilespmem:s31+$0xFFFFFFE0]  }
0x174: {  	v53 =	vadd.s32 $0x2710, v4;
	v34 =	vadd.s32 $0x2710, v18;
	v43 =	vor.u32 v22, v43;
	v10 =	vld [tilespmem:s31+$0xFFFFFFF0]  }
0x175: {  	v54 =	vadd.s32 $0x2710, v5;
	v55 =	vadd.s32 $0x2710, v15;
	v1 =	vmul.f32 v1, v38;
	v11 =	vld [tilespmem:s31+$0x0]  }
0x176: {  	v57 =	vadd.s32 $0x2710, v14;
	v56 =	vadd.s32 $0x2710, v13;
	v45 =	vmul.f32 v45, v7;
	v12 =	vld [tilespmem:s31+$0x10]  }
0x177: {  	v58 =	vand.u32 $0x7FFF8, v34;
	v34 =	vmul.f32 v35, v8;
	v35 =	vadd.s32 $0x2710, v17;
	[tilespmem:v32+s21+$0x0] =	vst.idx.add.f32.msk $0xffff, v1  }
0x178: {  	v53 =	vand.u32 $0x7FFF8, v53;
	v54 =	vand.u32 $0x7FFF8, v54;
	v32 =	vmul.f32 v36, v9;
	v33 =	vld.idx.msk [tilespmem:v33+s30+$0x0], $0xffff  }
0x179: {  	v36 =	vmul.f32 v40, v10;
	v40 =	vand.u32 $0x7FFF8, v55;
	v1 =	vld [tilespmem:s31+$0x20];
	v55 =	vadd.s32 $0x4E20, v39  }
0x17a: {  	v31 =	vadd.s32 $0x7530, v31;
	[tilespmem:v18+s21+$0x0] =	vst.idx.add.f32.msk $0xffff, v45;
	v42 =	vmul.f32 v42, v11;
	v45 =	vand.u32 $0x7FFF8, v55  }
0x17b: {  	v31 =	vand.u32 $0xFFF8, v31;
	[tilespmem:v4+s21+$0x0] =	vst.idx.add.f32.msk $0xffff, v34;
	v34 =	vmul.f32 v44, v12;
	v44 =	vor.u32 v50, v45  }
0x17c: {  	v37 =	vor.u32 v37, v31;
	v55 =	vand.u32 $0x7FFF8, v57;
	v45 =	vand.u32 $0x7FFF8, v56;
	[tilespmem:v5+s21+$0x0] =	vst.idx.add.f32.msk $0xffff, v32  }
0x17d: {  	v31 =	vand.u32 $0x7, v18;
	v57 =	vand.u32 $0x7FFF8, v35;
	v56 =	vadd.s32 $0x4E20, v30;
	[tilespmem:v15+s21+$0x0] =	vst.idx.add.f32.msk $0xffff, v36  }
0x17e: {  	v32 =	vand.u32 $0x7, v4;
	v36 =	vmul.f32 v33, v38;
	[tilespmem:v13+s21+$0x0] =	vst.idx.add.f32.msk $0xffff, v42;
	v42 =	vmul.f32 v49, v1  }
0x17f: {  	v59 =	vadd.s32 $0x4E20, v19;
	v33 =	vand.u32 $0x7, v5;
	v49 =	vadd.s32 $0x4E20, v16;
	[tilespmem:v14+s21+$0x0] =	vst.idx.add.f32.msk $0xffff, v34  }
0x180: {  	v60 =	vadd.s32 $0x4E20, v20;
	v35 =	vand.u32 $0x7, v13;
	v34 =	vand.u32 $0x7, v15;
	[tilespmem:v44+s21+$0x0] =	vst.idx.add.f32.msk $0xffff, v36  }
0x181: {  	v61 =	vadd.s32 $0x4E20, v27;
	v44 =	vadd.s32 $0x4E20, v25;
	v36 =	vand.u32 $0x7, v14;
	v62 =	vld.idx.msk [tilespmem:v37+s30+$0x0], $0xffff  }
0x182: {  	v39 =	vadd.s32 $0x7530, v39;
	v37 =	vand.u32 $0x7, v17;
	[tilespmem:v17+s21+$0x0] =	vst.idx.add.f32.msk $0xffff, v42;
	v42 =	vadd.s32 $0x4E20, v29  }
0x183: {  	v58 =	vor.u32 v31, v58;
	v39 =	vand.u32 $0x7FFF8, v39;
	v53 =	vor.u32 v32, v53;
	v46 =	vld.idx.msk [tilespmem:v46+s30+$0x0], $0xffff  }
0x184: {  	v39 =	vor.u32 v50, v39;
	v54 =	vor.u32 v33, v54;
	v40 =	vor.u32 v34, v40;
	v47 =	vld.idx.msk [tilespmem:v47+s30+$0x0], $0xffff  }
0x185: {  	v45 =	vor.u32 v35, v45;
	v50 =	vor.u32 v36, v55;
	v55 =	vor.u32 v37, v57;
	v48 =	vld.idx.msk [tilespmem:v48+s30+$0x0], $0xffff  }
0x186: {  	v56 =	vand.u32 $0xFFF8, v56;
	v49 =	vand.u32 $0xFFF8, v49;
	v57 =	vand.u32 $0xFFF8, v59;
	v51 =	vld.idx.msk [tilespmem:v51+s30+$0x0], $0xffff  }
0x187: {  	v44 =	vand.u32 $0xFFF8, v44;
	v59 =	vand.u32 $0xFFF8, v60;
	v38 =	vmul.f32 v62, v38;
	v52 =	vld.idx.msk [tilespmem:v52+s30+$0x0], $0xffff  }
0x188: {  	v56 =	vor.u32 v28, v56;
	v60 =	vand.u32 $0xFFF8, v61;
	v42 =	vand.u32 $0xFFF8, v42;
	v41 =	vld.idx.msk [tilespmem:v41+s30+$0x0], $0xffff  }
0x189: {  	v49 =	vor.u32 v6, v49;
	v61 =	vadd.s32 $0x4E20, v18;
	v46 =	vmul.f32 v46, v7;
	[tilespmem:v39+s21+$0x0] =	vst.idx.add.f32.msk $0xffff, v38  }
0x18a: {  	v38 =	vmul.f32 v47, v8;
	v39 =	vor.u32 v24, v57;
	v47 =	vor.u32 v26, v59;
	v43 =	vld.idx.msk [tilespmem:v43+s30+$0x0], $0xffff  }
0x18b: {  	v44 =	vor.u32 v23, v44;
	v48 =	vmul.f32 v48, v9;
	[tilespmem:v58+s21+$0x0] =	vst.idx.add.f32.msk $0xffff, v46;
	v46 =	vadd.s32 $0x4E20, v4  }
0x18c: {  	v51 =	vmul.f32 v51, v10;
	[tilespmem:v53+s21+$0x0] =	vst.idx.add.f32.msk $0xffff, v38;
	v38 =	vadd.s32 $0x4E20, v5;
	v53 =	vor.u32 v21, v60  }
0x18d: {  	v42 =	vor.u32 v22, v42;
	v52 =	vmul.f32 v52, v11;
	[tilespmem:v54+s21+$0x0] =	vst.idx.add.f32.msk $0xffff, v48;
	v48 =	vadd.s32 $0x4E20, v15  }
0x18e: {  	v41 =	vmul.f32 v41, v12;
	[tilespmem:v40+s21+$0x0] =	vst.idx.add.f32.msk $0xffff, v51;
	v40 =	vadd.s32 $0x4E20, v13;
	v51 =	vadd.s32 $0x4E20, v14  }
0x18f: {  	v46 =	vand.u32 $0x7FFF8, v46;
	v54 =	vand.u32 $0x7FFF8, v61;
	[tilespmem:v45+s21+$0x0] =	vst.idx.add.f32.msk $0xffff, v52;
	v45 =	vadd.s32 $0x4E20, v17  }
0x190: {  	v38 =	vand.u32 $0x7FFF8, v38;
	v48 =	vand.u32 $0x7FFF8, v48;
	[tilespmem:v50+s21+$0x0] =	vst.idx.add.f32.msk $0xffff, v41;
	v41 =	vmul.f32 v43, v1  }
0x191: {  	v40 =	vand.u32 $0x7FFF8, v40;
	v50 =	vand.u32 $0x7FFF8, v51;
	v45 =	vand.u32 $0x7FFF8, v45;
	v43 =	vld.idx.msk [tilespmem:v56+s30+$0x0], $0xffff  }
0x192: {  	v19 =	vadd.s32 $0x7530, v19;
	v30 =	vadd.s32 $0x7530, v30;
	v16 =	vadd.s32 $0x7530, v16;
	[tilespmem:v55+s21+$0x0] =	vst.idx.add.f32.msk $0xffff, v41  }
0x193: {  	v20 =	vadd.s32 $0x7530, v20;
	v27 =	vadd.s32 $0x7530, v27;
	v25 =	vadd.s32 $0x7530, v25;
	v41 =	vld.idx.msk [tilespmem:v49+s30+$0x0], $0xffff  }
0x194: {  	v29 =	vadd.s32 $0x7530, v29;
	v46 =	vor.u32 v32, v46;
	v49 =	vor.u32 v31, v54;
	v39 =	vld.idx.msk [tilespmem:v39+s30+$0x0], $0xffff  }
0x195: {  	v38 =	vor.u32 v33, v38;
	v48 =	vor.u32 v34, v48;
	v40 =	vor.u32 v35, v40;
	v47 =	vld.idx.msk [tilespmem:v47+s30+$0x0], $0xffff  }
0x196: {  	v30 =	vand.u32 $0xFFF8, v30;
	v50 =	vor.u32 v36, v50;
	v45 =	vor.u32 v37, v45;
	v44 =	vld.idx.msk [tilespmem:v44+s30+$0x0], $0xffff  }
0x197: {  	v19 =	vand.u32 $0xFFF8, v19;
	v16 =	vand.u32 $0xFFF8, v16;
	v43 =	vmul.f32 v43, v7;
	v51 =	vld.idx.msk [tilespmem:v53+s30+$0x0], $0xffff  }
0x198: {  	v20 =	vand.u32 $0xFFF8, v20;
	v27 =	vand.u32 $0xFFF8, v27;
	v25 =	vand.u32 $0xFFF8, v25;
	v42 =	vld.idx.msk [tilespmem:v42+s30+$0x0], $0xffff  }
0x199: {  	v28 =	vor.u32 v28, v30;
	v29 =	vand.u32 $0xFFF8, v29;
	v30 =	vmul.f32 v41, v8;
	[tilespmem:v49+s21+$0x0] =	vst.idx.add.f32.msk $0xffff, v43  }
0x19a: {  	v19 =	vor.u32 v24, v19;
	v6 =	vor.u32 v6, v16;
	v16 =	vmul.f32 v39, v9  }
0x19b: {  	v20 =	vor.u32 v26, v20;
	v18 =	vadd.s32 $0x7530, v18;
	v24 =	vmul.f32 v47, v10;
	[tilespmem:v46+s21+$0x0] =	vst.idx.add.f32.msk $0xffff, v30  }
0x19c: {  	v23 =	vor.u32 v23, v25;
	v4 =	vadd.s32 $0x7530, v4;
	[tilespmem:v38+s21+$0x0] =	vst.idx.add.f32.msk $0xffff, v16;
	v16 =	vmul.f32 v44, v11  }
0x19d: {  	v5 =	vadd.s32 $0x7530, v5;
	v21 =	vor.u32 v21, v27;
	[tilespmem:v48+s21+$0x0] =	vst.idx.add.f32.msk $0xffff, v24;
	v24 =	vmul.f32 v51, v12  }
0x19e: {  	v22 =	vor.u32 v22, v29;
	v15 =	vadd.s32 $0x7530, v15;
	[tilespmem:v40+s21+$0x0] =	vst.idx.add.f32.msk $0xffff, v16;
	v16 =	vmul.f32 v42, v1  }
0x19f: {  	v13 =	vadd.s32 $0x7530, v13;
	v14 =	vadd.s32 $0x7530, v14;
	v17 =	vadd.s32 $0x7530, v17;
	[tilespmem:v50+s21+$0x0] =	vst.idx.add.f32.msk $0xffff, v24  }
0x1a0: {  	v18 =	vand.u32 $0x7FFF8, v18;
	v4 =	vand.u32 $0x7FFF8, v4;
	v5 =	vand.u32 $0x7FFF8, v5;
	[tilespmem:v45+s21+$0x0] =	vst.idx.add.f32.msk $0xffff, v16  }
0x1a1: {  	v15 =	vand.u32 $0x7FFF8, v15;
	v13 =	vand.u32 $0x7FFF8, v13;
	v14 =	vand.u32 $0x7FFF8, v14;
	v16 =	vld.idx.msk [tilespmem:v28+s30+$0x0], $0xffff  }
0x1a2: {  	v18 =	vor.u32 v31, v18;
	v24 =	vor.u32 v32, v4;
	v4 =	vand.u32 $0x7FFF8, v17;
	v6 =	vld.idx.msk [tilespmem:v6+s30+$0x0], $0xffff  }
0x1a3: {  	v5 =	vor.u32 v33, v5;
	v15 =	vor.u32 v34, v15;
	v13 =	vor.u32 v35, v13;
	v17 =	vld.idx.msk [tilespmem:v19+s30+$0x0], $0xffff  }
0x1a4: {  	v14 =	vor.u32 v36, v14;
	v19 =	vld.idx.msk [tilespmem:v20+s30+$0x0], $0xffff;
	v20 =	vor.u32 v37, v4  }
0x1a5: {  	v23 =	vld.idx.msk [tilespmem:v23+s30+$0x0], $0xffff  }
0x1a6: {  	v21 =	vld.idx.msk [tilespmem:v21+s30+$0x0], $0xffff  }
0x1a7: {  	v7 =	vmul.f32 v16, v7;
	v4 =	vld.idx.msk [tilespmem:v22+s30+$0x0], $0xffff  }
.Ltmp5:
0x1a8: {  	v6 =	vmul.f32 v6, v8;
	[tilespmem:v2+s21+$0x0] =	vst.idx.add.f32.msk $0xffff, v3;
	v2 =	vmov v20;
	(pc) =	sbr.rel @p1 .LBB2_9-.Ltmp5, $4  }
0x1a9: {  	v3 =	vmul.f32 v17, v9;
	[tilespmem:v18+s21+$0x0] =	vst.idx.add.f32.msk $0xffff, v7  }
0x1aa: {  	[tilespmem:v24+s21+$0x0] =	vst.idx.add.f32.msk $0xffff, v6;
	v6 =	vmul.f32 v19, v10  }
0x1ab: {  	v8 =	vmul.f32 v23, v11;
	[tilespmem:v5+s21+$0x0] =	vst.idx.add.f32.msk $0xffff, v3  }
0x1ac: {  	s1 =	sadd.s32 $0x80, s1;
	v7 =	vmul.f32 v21, v12;
	[tilespmem:v15+s21+$0x0] =	vst.idx.add.f32.msk $0xffff, v6  }
0x1ad: {  	_ =	sdelay $0x3  }
0x1ae: {  	v1 =	vmul.f32 v4, v1;
	[tilespmem:v13+s21+$0x0] =	vst.idx.add.f32.msk $0xffff, v8  }
0x1af: {  	[tilespmem:v14+s21+$0x0] =	vst.idx.add.f32.msk $0xffff, v7  }
0x1b0: {  	[tilespmem:v2+s21+$0x0] =	vst.idx.add.f32.msk $0xffff, v1  }
.LBB2_11:
0x1b1: {  	s0 =	sshra.s32 s30, $0x2  }
0x1b2: {  	v1 =	vld [tilespmem:s0+$0x1E410];
	_ =	sdelay $0x4  }
0x1b3: {  	v2 =	vand.u32 $0x3FFF, v1;
	_ =	sdelay $0x3  }
0x1b4: {  	v3 =	vld [tilespmem:s0+$0x1F3B0]  }
0x1b5: {  	v4 =	vld.idx.msk [tilespmem:v2+s2+$0x0], $0xffff  }
0x1b6: {  	v5 =	vadd.s32 $0x2710, v2  }
0x1b7: {  	v6 =	vshrl.u32 v1, $0xE;
	v1 =	vand.u32 $0x7, v1;
	v5 =	vand.u32 $0x7FF8, v5  }
0x1b8: {  	v5 =	vor.u32 v1, v5;
	_ =	sdelay $0x1  }
0x1b9: {  	v4 =	vmul.f32 v4, v3;
	_ =	sdelay $0x1  }
0x1ba: {  	[tilespmem:v6+s21+$0x0] =	vst.idx.add.f32.msk $0xffff, v4  }
0x1bb: {  	v62 =	vadd.s32 $0x2710, v6;
	v4 =	vld.idx.msk [tilespmem:v5+s2+$0x0], $0xffff  }
0x1bc: {  	v7 =	vand.u32 $0x7, v6;
	v8 =	vadd.s32 $0x4E20, v2;
	v5 =	vand.u32 $0x7FFF8, v62  }
0x1bd: {  	v8 =	vand.u32 $0xFFF8, v8;
	v5 =	vor.u32 v7, v5  }
0x1be: {  	v8 =	vor.u32 v1, v8;
	_ =	sdelay $0x1  }
0x1bf: {  	v4 =	vmul.f32 v4, v3;
	_ =	sdelay $0x1  }
0x1c0: {  	[tilespmem:v5+s21+$0x0] =	vst.idx.add.f32.msk $0xffff, v4  }
0x1c1: {  	v63 =	vadd.s32 $0x4E20, v6;
	v4 =	vld.idx.msk [tilespmem:v8+s2+$0x0], $0xffff  }
0x1c2: {  	v2 =	vadd.s32 $0x7530, v2;
	v5 =	vand.u32 $0x7FFF8, v63  }
0x1c3: {  	v2 =	vand.u32 $0xFFF8, v2;
	v5 =	vor.u32 v7, v5  }
0x1c4: {  	v1 =	vor.u32 v1, v2;
	_ =	sdelay $0x1  }
0x1c5: {  	v2 =	vmul.f32 v4, v3;
	_ =	sdelay $0x1  }
0x1c6: {  	[tilespmem:v5+s21+$0x0] =	vst.idx.add.f32.msk $0xffff, v2  }
0x1c7: {  	v2 =	vadd.s32 $0x7530, v6;
	v1 =	vld.idx.msk [tilespmem:v1+s2+$0x0], $0xffff  }
0x1c8: {  	v2 =	vand.u32 $0x7FFF8, v2  }
0x1c9: {  	p1 =	sne.s32 s30, $0x100;
	v2 =	vor.u32 v7, v2  }
.Ltmp6:
0x1ca: {  	_ = 	snop;
	(pc) =	sbr.rel @p1 .LBB2_11-.Ltmp6, $3  }
0x1cb: {  	_ = 	snop  }
0x1cc: {  	v1 =	vmul.f32 v1, v3;
	_ =	sdelay $0x1  }
0x1cd: {  	s30 =	sadd.s32 $0x40, s30;
	[tilespmem:v2+s21+$0x0] =	vst.idx.add.f32.msk $0xffff, v1  }
.Ltmp7:
0x1ce: {  	(pc) =	sbr.rel @p0 .LBB2_14-.Ltmp7, $1  }
0x1cf: {  	_ =	sdelay $0x3  }
0x1d0: {  	s0 =	sadd.s32 s29, s11  }
0x1d1: {  	s1 =	sadd.s32 $0xFFFFFF60, s0  }
0x1d2: {  	s0 =	smin.u32 s1, s0  }
0x1d3: {  	s0 =	smul.u32 $0x7D0, s0;
	_ =	sdelay $0x1  }
.Ltmp8:
0x1d4: {  	s0 =	sshrl.u32 s0, $0x3;
	(pc) =	sbr.rel .LBB2_4-.Ltmp8, $4  }
0x1d5: {  	s31 =	sadd.s32 s3, s0  }
0x1d6: {  	[tilespmem:s18], [sflag:$0x2] =	stream.linear.gather [hbm4b:s31+s2], $0x7D0, $0x38;
	[tilespmem:$0x1F400] =	vst v63  }
0x1d7: {  	s28 =	sadd.s32 $0x1, s28;
	s0 =	sadd.s32 s4, s0  }
0x1d8: {  	[tilespmem:s19], [sflag:$0x2] =	stream.linear.gather [hbm4b:s0+s2], $0x7D0, $0x38;
	[tilespmem:$0x1F400] =	vst v63  }
.LBB2_15:
0x1d9: {  	_ =	sfence.sel $0x180000  }
0x1da: {  	[bflag:$0x0] =	sbarrier.arrive $0xFFFF  }
0x1db: {  	_ =	strace $0x90000050  }
0x1dc: {  	s0 =	stileid.u32;
	[bflag:$0x2] =	sbarrier.arrive $0xFFFF  }
0x1dd: {  	p0 =	sne.s32 s0, $0x0;
	s0 =	rddreg [dreg:$0x2]  }
0x1de: {  	s0 =	sadd.s32 @!p0 $0x100000, s0  }
0x1df: {  	[sflag:s0] =	ssyncadd.tile.s32 @!p0 $0x1;
	_ =	shalt  }
.Lfunc_end2:
_tile_overlayer_lowered:
.L_overlay_start_2:
0x1e0: {  	(tag) =	ssettag $0x2  }
0x1e1: {  	s0 =	rddreg [dreg:$0x0];
	s2 =	stileid.u32  }
0x1e2: {  	s1 =	rddreg [dreg:$0x1];
	p0 =	sne.s32 s2, $0x0  }
0x1e3: {  	s3 =	rddreg [dreg:$0x2];
	[bflag:$0x3] =	sbarrier.arrive $0xFFFF;
	s2 =	simm.s32 @!p0 $0x1C04  }
0x1e4: {  	[timem:s3], [sflag:s2] =	dma.local @!p0 [hbm:s0], s1  }
0x1e5: {  	s0 =	simm.s32 @!p0 $0x4  }
0x1e6: {  	_ =	swait.ge @!p0 [sflag:s0], s1  }
0x1e7: {  	s1 =	ssub.s32 @!p0 $0x0, s1;
	[sflag:s0] =	ssyncset.done @!p0 $0x0  }
0x1e8: {  	[sflag:s0] =	ssyncadd.s32 @!p0 s1  }
0x1e9: {  	[bflag:$0x3] =	sbarrier.arrive $0xFFFF  }
0x1ea: {  	_ =	shalt  }

// kernel: kernel.9.cloned.1.call-start
scs
__scs_entry_jumppad:
0x0: {  	(pc) =	sbr.rel $0x88, $3  }
0x1: {  	(tag) =	ssettag $0x0;
	lr =	simm.s32 $0x1  }
0x2: {  	[smem:$0x3F96] =	sst lr;
	_ =	strace $0xD0000000  }
0x3: {  	_ = 	snop  }
0x4: {  	_ = 	snop  }
0x5: {  	_ = 	snop  }
0x6: {  	_ = 	snop  }
0x7: {  	_ = 	snop  }
__scs_overlays_trampoline_lowered:
0x8: {  	[smem:$0x3FA5] =	sst s0  }
0x9: {  	[smem:$0x3FA6] =	sst s1  }
0xa: {  	[smem:$0x3FA7] =	sst s2  }
0xb: {  	[smem:$0x3FA8] =	sst s3  }
0xc: {  	[smem:$0x3FA9] =	sst s4  }
0xd: {  	[smem:$0x3FAA] =	sst s5  }
0xe: {  	[smem:$0x3FAB] =	sst s6  }
0xf: {  	[smem:$0x3FAC] =	sst s7  }
0x10: {  	[smem:$0x3FAD] =	sst s8  }
0x11: {  	[smem:$0x3FAE] =	sst s9;
	s0 =	simm.s32 @!p0 $0x0  }
0x12: {  	s1 =	sld [smem:$0x3F94];
	s0 =	simm.s32 @p0 $0x1  }
0x13: {  	[smem:$0x3FAF] =	sst s0;
	s0 =	simm.s32 @!p1 $0x0  }
0x14: {  	s2 =	sld [smem:$0x3F93];
	s0 =	simm.s32 @p1 $0x1  }
0x15: {  	[smem:$0x3FB0] =	sst s0;
	s0 =	simm.s32 @!p2 $0x0  }
0x16: {  	s3 =	sld [smem:$0x3FDB];
	s0 =	simm.s32 @p2 $0x1  }
0x17: {  	s4 =	simm.s32 $0x1BF5;
	[smem:$0x3FB2] =	sst s0  }
0x18: {  	s0 =	sld [smem:$0x3F95];
	_ =	swait.ge [sflag:s4], $0x0  }
0x19: {  	s7 =	sld [smem:$0x3F96]  }
0x1a: {  	s8 =	sadd.s32 $0xFFFFE003, lr  }
0x1b: {  	s9 =	sadd.s32 $0xFFFFFEF7, lr;
	s5 =	simm.s32 $0xFFFFFFFF;
	p2 =	slt.u32 s8, $0xFFFFF086  }
0x1c: {  	p1 =	slt.u32 s9, $0xF7A;
	s5 =	simm.s32 @!p2 $0x0  }
0x1d: {  	s5 =	simm.s32 @p1 $0x1;
	p0 =	seq.s32 s7, s2  }
0x1e: {  	s7 =	smul.u32 @!p0 $0xF7A, s2;
	p2 =	seq.s32 @!p0 s5, $0x0  }
0x1f: {  	s9 =	smul.u32 $0xF7A, s1;
	s8 =	simm.s32 @!p0 $0x1BF5;
	p2 =	por !p2, p0  }
0x20: {  	[sflag:s8] =	ssyncset.s32 @!p0 $0xFFFFF086;
	s6 =	sadd.s32 @!p0 s3, s7;
	s7 =	simm.s32 @!p0 $0x108  }
0x21: {  	s3 =	sadd.s32 s3, s9;
	s6 =	sadd.s32 @!p0 $0x88, s6;
	s7 =	simm.s32 @p2 $0x1082  }
0x22: {  	[simem:s7], [sflag:s8] =	dma.local @!p0 [hbm:s6], $0xF7A  }
0x23: {  	s9 =	sor.u32 $0xD0000000, s2;
	s6 =	simm.s32 $0x108;
	_ =	swait.ge @!p0 [sflag:s8], $0x0  }
0x24: {  	s3 =	sadd.s32 $0x88, s3;
	s6 =	simm.s32 @!p1 $0x1082;
	[sflag:s4] =	ssyncset.s32 $0xFFFFF086  }
0x25: {  	[simem:s6], [sflag:s4] =	dma.local [hbm:s3], $0xF7A  }
0x26: {  	[smem:$0x3F96] =	sst s1;
	(tag) =	ssettag s2;
	_ =	strace s9  }
0x27: {  	s1 =	sld [smem:$0x3FA6]  }
0x28: {  	s2 =	sld [smem:$0x3FA7]  }
0x29: {  	s4 =	sld [smem:$0x3FA9]  }
0x2a: {  	p0 =	seq.s32 s5, $0x0;
	s5 =	sld [smem:$0x3FAA]  }
0x2b: {  	s6 =	sld [smem:$0x3FAB]  }
0x2c: {  	s7 =	sld [smem:$0x3FAC]  }
0x2d: {  	s3 =	simm.s32 $0x108;
	s8 =	sld [smem:$0x3FAD]  }
0x2e: {  	s3 =	simm.s32 @!p0 $0x1082;
	s9 =	sld [smem:$0x3FAE]  }
0x2f: {  	lr =	sadd.s32 s0, s3;
	s0 =	sld [smem:$0x3FA5]  }
0x30: {  	s3 =	sld [smem:$0x3FA8]  }
0x31: {  	[smem:$0x3FB1] =	sst s10  }
0x32: {  	s10 =	sld [smem:$0x3FAF];
	_ =	sdelay $0x3  }
0x33: {  	p0 =	seq.s32 s10, $0x1;
	s10 =	sld [smem:$0x3FB1];
	_ =	sdelay $0x3  }
0x34: {  	[smem:$0x3FB1] =	sst s10  }
0x35: {  	s10 =	sld [smem:$0x3FB0];
	_ =	sdelay $0x3  }
0x36: {  	p1 =	seq.s32 s10, $0x1;
	s10 =	sld [smem:$0x3FB1];
	_ =	sdelay $0x3  }
0x37: {  	[smem:$0x3FB1] =	sst s10  }
0x38: {  	s10 =	sld [smem:$0x3FB2]  }
0x39: {  	_ = 	snop;
	(pc) =	sbr.ind lr, $3  }
0x3a: {  	_ = 	snop  }
0x3b: {  	_ = 	snop  }
0x3c: {  	p2 =	seq.s32 s10, $0x1;
	s10 =	sld [smem:$0x3FB1]  }
0x3d: {  	_ =	shalt  }
0x3e: {  	_ =	shalt  }
0x3f: {  	_ =	shalt  }
0x40: {  	_ =	shalt  }
0x41: {  	_ =	shalt  }
0x42: {  	_ =	shalt  }
0x43: {  	_ =	shalt  }
0x44: {  	_ =	shalt  }
0x45: {  	_ =	shalt  }
0x46: {  	_ =	shalt  }
0x47: {  	_ =	shalt  }
0x48: {  	_ =	shalt  }
0x49: {  	_ =	shalt  }
0x4a: {  	_ =	shalt  }
0x4b: {  	_ =	shalt  }
0x4c: {  	_ =	shalt  }
0x4d: {  	_ =	shalt  }
0x4e: {  	_ =	shalt  }
0x4f: {  	_ =	shalt  }
0x50: {  	_ =	shalt  }
0x51: {  	_ =	shalt  }
0x52: {  	_ =	shalt  }
0x53: {  	_ =	shalt  }
0x54: {  	_ =	shalt  }
0x55: {  	_ =	shalt  }
0x56: {  	_ =	shalt  }
0x57: {  	_ =	shalt  }
0x58: {  	_ =	shalt  }
0x59: {  	_ =	shalt  }
0x5a: {  	_ =	shalt  }
0x5b: {  	_ =	shalt  }
0x5c: {  	_ =	shalt  }
0x5d: {  	_ =	shalt  }
0x5e: {  	_ =	shalt  }
0x5f: {  	_ =	shalt  }
0x60: {  	_ =	shalt  }
0x61: {  	_ =	shalt  }
0x62: {  	_ =	shalt  }
0x63: {  	_ =	shalt  }
0x64: {  	_ =	shalt  }
0x65: {  	_ =	shalt  }
0x66: {  	_ =	shalt  }
0x67: {  	_ =	shalt  }
0x68: {  	_ =	shalt  }
0x69: {  	_ =	shalt  }
0x6a: {  	_ =	shalt  }
0x6b: {  	_ =	shalt  }
0x6c: {  	_ =	shalt  }
0x6d: {  	_ =	shalt  }
0x6e: {  	_ =	shalt  }
0x6f: {  	_ =	shalt  }
0x70: {  	_ =	shalt  }
0x71: {  	_ =	shalt  }
0x72: {  	_ =	shalt  }
0x73: {  	_ =	shalt  }
0x74: {  	_ =	shalt  }
0x75: {  	_ =	shalt  }
0x76: {  	_ =	shalt  }
0x77: {  	_ =	shalt  }
0x78: {  	_ =	shalt  }
0x79: {  	_ =	shalt  }
0x7a: {  	_ =	shalt  }
0x7b: {  	_ =	shalt  }
0x7c: {  	_ =	shalt  }
0x7d: {  	_ =	shalt  }
0x7e: {  	_ =	shalt  }
0x7f: {  	_ =	shalt  }
0x80: {  	_ =	shalt  }
0x81: {  	_ =	shalt  }
0x82: {  	_ =	shalt  }
0x83: {  	_ =	shalt  }
0x84: {  	_ =	shalt  }
0x85: {  	_ =	shalt  }
0x86: {  	_ =	shalt  }
0x87: {  	_ =	shalt  }
.Lfunc_end0:
.L_simem_size_0:
called_computation_lowered:
.L_overlay_start_0:
0x88: {  	s2 =	sld [smem:$0x3FD9]  }
0x89: {  	s3 =	sld [smem:$0x3FFE];
	_ =	sdelay $0x1  }
0x8a: {  	s1 =	srdreg.scid  }
0x8b: {  	s0 =	sand.u32 $0x1, s1  }
0x8c: {  	s17 =	sshll.u32 s0, $0xA;
	s2 =	sadd.s32 s3, s2  }
0x8d: {  	s2 =	sadd.s32 s2, s17  }
0x8e: {  	[smem:$0x3FBD] =	sst s2  }
0x8f: {  	_ = 	snop  }
0x90: {  	s2 =	sld [smem:$0x3FC7]  }
0x91: {  	s18 =	sld [smem:$0x3FD0];
	(tm) =	ssettm $0x1  }
0x92: {  	s4 =	sld [smem:$0x3FFB];
	_ =	sdelay $0x3  }
0x93: {  	_ =	strace s4  }
0x94: {  	s4 =	sld [smem:$0x3FFC];
	_ =	sdelay $0x3  }
0x95: {  	_ =	strace s4  }
0x96: {  	s4 =	sld [smem:$0x3FFD];
	_ =	sdelay $0x3  }
0x97: {  	_ =	strace s4  }
0x98: {  	_ =	strace $0x8FFFFFFF  }
0x99: {  	s19 =	sld [smem:$0x3FDB];
	_ =	sdelay $0x1  }
0x9a: {  	s5 =	simm.s32 $_scs_section_size  }
0x9b: {  	s6 =	simm.s32 $_size__tile_overlayer_lowered;
	s7 =	simm.s32 $_tile_overlayer_lowered  }
0x9c: {  	s22 =	simm.s32 $0x1BFF;
	s21 =	sshll.u32 s7, $0x1;
	s4 =	sadd.s32 s5, s19  }
0x9d: {  	s8 =	simm.s32 $0x0;
	s20 =	sshll.u32 s6, $0x1;
	s6 =	sadd.s32 s21, s4  }
0x9e: {  	[timem:s8], [sflag:s22] =	dma.local [hbm:s6], s20  }
0x9f: {  	_ =	swait.ge [sflag:s22], s20  }
0xa0: {  	s5 =	ssub.s32 $0x0, s20;
	[sflag:s22] =	ssyncset.done $0x0  }
0xa1: {  	[sflag:s22] =	ssyncadd.s32 s5;
	_ =	sdelay $0x1  }
0xa2: {  	s23 =	simm.s32 $0x1B8B  }
0xa3: {  	_ =	swait.ge [sflag:s23], $0x1  }
0xa4: {  	[sflag:s23] =	ssyncset.done $0x0  }
0xa5: {  	s25 =	simm.s32 $0x1B8E;
	s24 =	sld [smem:$0x3FFE];
	[sflag:s23] =	ssyncadd.s32 $0xFFFFFFFF  }
0xa6: {  	s26 =	simm.s32 $execute0_lowered;
	[smem:$0x3FD2] =	sst s25  }
0xa7: {  	s6 =	sshll.u32 s26, $0x1;
	_ =	strace $0x80000046;
	[dreg:$0x1] =	wrdreg $0xFFFFFFFF  }
0xa8: {  	s28 =	simm.s32 $_size_execute0_lowered;
	s4 =	sadd.s32 s4, s6;
	[dreg:$0x0] =	wrdreg $0x0  }
0xa9: {  	s6 =	sshll.u32 s28, $0x1;
	[dreg:$0x2] =	wrdreg s4  }
0xaa: {  	[dreg:$0x3] =	wrdreg s6  }
0xab: {  	[dreg:$0x4] =	wrdreg $0xC0  }
0xac: {  	_ =	task [dreg:s8], $0x5FFFF  }
0xad: {  	[dreg:$0x1] =	wrdreg $0xFFFFFFFF  }
0xae: {  	[dreg:$0x0] =	wrdreg $0x60  }
0xaf: {  	[dreg:$0x2] =	wrdreg s24  }
0xb0: {  	[dreg:$0x3] =	wrdreg s2  }
0xb1: {  	[dreg:$0x4] =	wrdreg s18  }
0xb2: {  	[dreg:$0x5] =	wrdreg $0x9  }
0xb3: {  	_ =	task.clear_ibuf [dreg:s8], $0x6FFFF;
	_ =	strace $0x90000046  }
0xb4: {  	s29 =	simm.s32 $0x9;
	_ =	strace $0x80000048  }
0xb5: {  	_ =	swait.ge [sflag:s29], $0x1  }
0xb6: {  	[sflag:s29] =	ssyncadd.s32 $0xFFFFFFFF  }
0xb7: {  	_ =	strace $0x90000048  }
0xb8: {  	_ =	sfence  }
0xb9: {  	s30 =	sld [smem:$0x0];
	_ =	sdelay $0x2  }
0xba: {  	s31 =	sshll.u32 s1, $0xD;
	s1 =	sshrl.u32 s1, $0x2  }
0xbb: {  	s3 =	sand.u32 $0x4000, s31;
	s1 =	sadd.s32 s1, s30  }
0xbc: {  	s0 =	sor.u32 s3, s0;
	s1 =	sshll.u32 s1, $0x11  }
0xbd: {  	s0 =	sor.u32 s1, s0  }
0xbe: {  	s0 =	sadd.s32 $0x8F2B, s0  }
0xbf: {  	[sflag:s0] =	ssyncadd.remote.s32 $0x1  }
0xc0: {  	_ =	sfence.sel $0xFFFF  }
0xc1: {  	[dreg:$0x0] =	wrdreg $0xFFFFFFFF;
	(pc) =	sbr.abs _section_cstart, $3  }
0xc2: {  	[dreg:$0x1] =	wrdreg $0xFFFFFFFF  }
0xc3: {  	_ =	task.clear_ibuf [dreg:s8], $0x2FFFF;
	_ =	strace $0x9FFFFFFF  }
0xc4: {  	(tm) =	ssettm $0x7FFFFFFF  }
0xc5: {  	_ =	shalt  }
tec
execute0_lowered:
.L_overlay_start_1:
0x0: {  	(tag) =	ssettag $0x1  }
0x1: {  	s3 =	rddreg [dreg:$0x0]  }
0x2: {  	s1 =	srdreg.scid;
	s0 =	stileid.u32  }
0x3: {  	s12 =	rddreg [dreg:$0x1];
	s4 =	sand.u32 $0x1, s1;
	s5 =	sshll.u32 s0, $0x1  }
0x4: {  	s13 =	rddreg [dreg:$0x2];
	s2 =	simm.s32 $0x0;
	s10 =	sor.u32 s4, s5  }
0x5: {  	s18 =	simm.s32 $0x0;
	s1 =	rddreg [dreg:$0x3];
	s5 =	smul.u32 $0x2710, s10  }
0x6: {  	[smem:$0x7FF] =	sst s2;
	s4 =	ssub.s32 $0x2, s4;
	s17 =	smul.u32 $0x9C4, s10  }
0x7: {  	s11 =	sadd.s32 $0x1A00, s3;
	_ =	strace $0x80000047;
	s6 =	sshrl.u32 s4, $0x1  }
0x8: {  	s14 =	ssub.s32 s4, s6;
	s15 =	sshrl.u32 s5, $0x3;
	s13 =	sadd.s32 s13, s17  }
0x9: {  	s14 =	smax.u32 s14, $0x1;
	s17 =	simm.s32 $0x55F0;
	s3 =	sadd.s32 s11, s15  }
0xa: {  	s4 =	sadd.s32 s12, s15;
	s31 =	sadd.s32 $0xFA, s15;
	s8 =	sadd.s32 $0x1F4, s15  }
0xb: {  	s16 =	sadd.s32 $0x2EE, s15;
	s15 =	sadd.s32 $0x3E8, s15;
	s5 =	sadd.s32 s11, s31  }
0xc: {  	s6 =	sadd.s32 s12, s31;
	s7 =	sadd.s32 s11, s8;
	s8 =	sadd.s32 s12, s8  }
0xd: {  	s9 =	sadd.s32 s11, s16;
	s10 =	sadd.s32 s12, s16;
	s11 =	sadd.s32 s11, s15  }
0xe: {  	v0 =	vimm.f32 $0.0e+00;
	v1 =	vimm.s32 $0x0;
	s12 =	sadd.s32 s12, s15;
	s15 =	simm.s32 $0x4E20;
	s16 =	simm.s32 $0x1  }
.LBB2_1:
0xf: {  	s19 =	simm.s32 $0x40  }
0x10: {  	[tilespmem:s19+$0xFFFFFFC0] =	vst v0  }
0x11: {  	[tilespmem:s19+$0x30] =	vst v0  }
0x12: {  	[tilespmem:s19+$0x20] =	vst v0  }
0x13: {  	[tilespmem:s19+$0x10] =	vst v0  }
0x14: {  	[tilespmem:s19+$0x0] =	vst v0  }
0x15: {  	[tilespmem:s19+$0xFFFFFFF0] =	vst v0  }
0x16: {  	s20 =	simm.s32 $0x0;
	[tilespmem:s19+$0xFFFFFFE0] =	vst v0  }
.LBB2_2:
0x17: {  	s20 =	sadd.s32 $0x8, s20;
	[tilespmem:s19+$0xFFFFFFD0] =	vst v0;
	s19 =	sadd.s32 $0x80, s19  }
0x18: {  	[tilespmem:s19+$0xFFFFFFC0] =	vst v0;
	p0 =	slt.u32 s20, $0x4D8  }
0x19: {  	[tilespmem:s19+$0x30] =	vst v0  }
.Ltmp0:
0x1a: {  	[tilespmem:s19+$0x20] =	vst v0;
	(pc) =	sbr.rel @p0 .LBB2_2-.Ltmp0, $4  }
0x1b: {  	[tilespmem:s19+$0x10] =	vst v0  }
0x1c: {  	[tilespmem:s19+$0x0] =	vst v0  }
0x1d: {  	[tilespmem:s19+$0xFFFFFFF0] =	vst v0  }
0x1e: {  	[tilespmem:s19+$0xFFFFFFE0] =	vst v0  }
0x1f: {  	[tilespmem:s19+$0xFFFFFFD0] =	vst v0;
	s19 =	simm.s32 $0x0  }
.LBB2_4:
0x20: {  	p0 =	sne.s32 s19, $0x40  }
.Ltmp1:
0x21: {  	_ = 	snop;
	(pc) =	sbr.rel @p0 .LBB2_4-.Ltmp1, $3  }
0x22: {  	_ =	sdelay $0x1  }
0x23: {  	s20 =	sshra.s32 s19, $0x2  }
0x24: {  	s19 =	sadd.s32 $0x40, s19;
	[tilespmem:s20+$0x4E00] =	vst v0  }
0x25: {  	[tilespmem:s15], [sflag:$0x1] =	stream.linear.gather [hbm4b:s3+s2], $0x7D0, $0x38;
	[tilespmem:$0x5DC0] =	vst v63  }
0x26: {  	_ =	swait.ge [sflag:s16], $0x7D0  }
0x27: {  	[sflag:s16] =	ssyncset.done $0x0  }
0x28: {  	[sflag:s16] =	ssyncadd.s32 $0xFFFFF830  }
0x29: {  	[tilespmem:s17], [sflag:$0x1] =	stream.linear.gather [hbm4b:s4+s2], $0x7D0, $0x38;
	[tilespmem:$0x5DC0] =	vst v63  }
0x2a: {  	_ =	swait.ge [sflag:s16], $0x7D0  }
0x2b: {  	[sflag:s16] =	ssyncset.done $0x0  }
0x2c: {  	s20 =	simm.s32 $0x5610;
	[sflag:s16] =	ssyncadd.s32 $0xFFFFF830  }
0x2d: {  	v2 =	vld [tilespmem:s20+$0x10]  }
0x2e: {  	s19 =	simm.s32 $0x4E40;
	v3 =	vld [tilespmem:s20+$0xFFFFFFE0]  }
0x2f: {  	v4 =	vld [tilespmem:s19+$0x10]  }
0x30: {  	v5 =	vld [tilespmem:s20+$0xFFFFFFF0]  }
0x31: {  	v6 =	vld [tilespmem:s20+$0x0];
	_ =	sdelay $0x1  }
0x32: {  	v11 =	vld [tilespmem:s19+$0xFFFFFFF0];
	vm0 =	vlt.f32 v2, $0.0e+00  }
0x33: {  	v9 =	vld [tilespmem:s19+$0x0];
	v7 =	vsel vm0, $0x2710, v1  }
0x34: {  	v10 =	vld [tilespmem:s19+$0xFFFFFFE0];
	vm1 =	vlt.f32 v3, $0.0e+00;
	v7 =	vadd.s32 v4, v7  }
0x35: {  	v3 =	vand.u32 $0x7FFFFFFF, v3;
	vm14 =	vlt.f32 v5, $0.0e+00;
	vm15 =	vlt.f32 v6, $0.0e+00  }
0x36: {  	v8 =	vsel vm1, $0x2710, v1;
	v12 =	vsel vm14, $0x2710, v1;
	v4 =	vand.u32 $0x7FFFFFFF, v5  }
0x37: {  	s21 =	simm.s32 $0x5650;
	s20 =	simm.s32 $0x0;
	v5 =	vand.u32 $0x7FFFFFFF, v6;
	v6 =	vadd.s32 v11, v12;
	v11 =	vsel vm15, $0x2710, v1  }
.LBB2_6:
0x38: {  	v12 =	vadd.s32 v9, v11;
	v9 =	vand.u32 $0x7FFFFFFF, v2;
	v2 =	vld [tilespmem:s21+$0x10]  }
0x39: {  	s20 =	sadd.s32 $0x4, s20;
	v11 =	vadd.s32 v10, v8;
	[tilespmem:v7+s2+$0x0] =	vst.idx.add.f32.msk $0xffff, v9  }
0x3a: {  	s19 =	sadd.s32 $0x40, s19;
	p0 =	slt.u32 s20, $0x78;
	v7 =	vld [tilespmem:s21+$0xFFFFFFE0]  }
0x3b: {  	v13 =	vld [tilespmem:s19+$0x10]  }
0x3c: {  	v14 =	vld [tilespmem:s21+$0xFFFFFFF0]  }
0x3d: {  	v15 =	vld [tilespmem:s21+$0x0]  }
0x3e: {  	vm0 =	vlt.f32 v2, $0.0e+00;
	v16 =	vld [tilespmem:s19+$0xFFFFFFF0]  }
.Ltmp2:
0x3f: {  	vm1 =	vlt.f32 v7, $0.0e+00;
	v17 =	vand.u32 $0x7FFFFFFF, v7;
	v9 =	vld [tilespmem:s19+$0x0];
	v7 =	vsel vm0, $0x2710, v1;
	(pc) =	sbr.rel @p0 .LBB2_6-.Ltmp2, $4  }
0x40: {  	v10 =	vld [tilespmem:s19+$0xFFFFFFE0];
	v8 =	vsel vm1, $0x2710, v1;
	v7 =	vadd.s32 v13, v7  }
0x41: {  	vm0 =	vlt.f32 v14, $0.0e+00;
	v13 =	vand.u32 $0x7FFFFFFF, v14;
	[tilespmem:v11+s2+$0x0] =	vst.idx.add.f32.msk $0xffff, v3;
	v3 =	vmov v17  }
0x42: {  	v11 =	vsel vm0, $0x2710, v1;
	vm0 =	vlt.f32 v15, $0.0e+00;
	v14 =	vand.u32 $0x7FFFFFFF, v15;
	[tilespmem:v6+s2+$0x0] =	vst.idx.add.f32.msk $0xffff, v4;
	v4 =	vmovc v13  }
0x43: {  	s21 =	sadd.s32 $0x40, s21;
	v6 =	vadd.s32 v16, v11;
	v11 =	vsel vm0, $0x2710, v1;
	[tilespmem:v12+s2+$0x0] =	vst.idx.add.f32.msk $0xffff, v5;
	v5 =	vmov v14  }
0x44: {  	_ = 	snop  }
0x45: {  	v9 =	vadd.s32 v9, v11  }
0x46: {  	v8 =	vadd.s32 v10, v8;
	_ =	sdelay $0x1  }
0x47: {  	v2 =	vand.u32 $0x7FFFFFFF, v2;
	[tilespmem:v6+s2+$0x0] =	vst.idx.add.f32.msk $0xffff, v4  }
0x48: {  	[tilespmem:v7+s2+$0x0] =	vst.idx.add.f32.msk $0xffff, v2  }
0x49: {  	[tilespmem:v9+s2+$0x0] =	vst.idx.add.f32.msk $0xffff, v5  }
0x4a: {  	[tilespmem:v8+s2+$0x0] =	vst.idx.add.f32.msk $0xffff, v3  }
0x4b: {  	v2 =	vld [tilespmem:$0x5DB0];
	_ =	sdelay $0x1  }
0x4c: {  	v3 =	vld [tilespmem:$0x55E0];
	_ =	sdelay $0x2  }
0x4d: {  	vm0 =	vlt.f32 v2, $0.0e+00  }
0x4e: {  	v4 =	vsel vm0, $0x2710, v1  }
0x4f: {  	v3 =	vadd.s32 v3, v4;
	_ =	sdelay $0x3  }
0x50: {  	v2 =	vand.u32 $0x7FFFFFFF, v2  }
0x51: {  	[tilespmem:v3+s2+$0x0] =	vst.idx.add.f32.msk $0xffff, v2  }
0x52: {  	[tilespmem:s15], [sflag:$0x1] =	stream.linear.gather [hbm4b:s5+s2], $0x7D0, $0x38;
	[tilespmem:$0x5DC0] =	vst v63  }
0x53: {  	_ =	swait.ge [sflag:s16], $0x7D0  }
0x54: {  	[sflag:s16] =	ssyncset.done $0x0  }
0x55: {  	[sflag:s16] =	ssyncadd.s32 $0xFFFFF830  }
0x56: {  	[tilespmem:s17], [sflag:$0x1] =	stream.linear.gather [hbm4b:s6+s2], $0x7D0, $0x38;
	[tilespmem:$0x5DC0] =	vst v63  }
0x57: {  	_ =	swait.ge [sflag:s16], $0x7D0  }
0x58: {  	[sflag:s16] =	ssyncset.done $0x0  }
0x59: {  	s20 =	simm.s32 $0x5610;
	[sflag:s16] =	ssyncadd.s32 $0xFFFFF830  }
0x5a: {  	v2 =	vld [tilespmem:s20+$0x10]  }
0x5b: {  	s19 =	simm.s32 $0x4E40;
	v3 =	vld [tilespmem:s20+$0xFFFFFFE0]  }
0x5c: {  	v4 =	vld [tilespmem:s19+$0x10]  }
0x5d: {  	v5 =	vld [tilespmem:s20+$0xFFFFFFF0]  }
0x5e: {  	v6 =	vld [tilespmem:s20+$0x0];
	_ =	sdelay $0x1  }
0x5f: {  	v11 =	vld [tilespmem:s19+$0xFFFFFFF0];
	vm13 =	vlt.f32 v2, $0.0e+00  }
0x60: {  	v9 =	vld [tilespmem:s19+$0x0];
	v7 =	vsel vm13, $0x2710, v1  }
0x61: {  	v10 =	vld [tilespmem:s19+$0xFFFFFFE0];
	vm1 =	vlt.f32 v3, $0.0e+00;
	v7 =	vadd.s32 v4, v7  }
0x62: {  	v3 =	vand.u32 $0x7FFFFFFF, v3;
	vm14 =	vlt.f32 v5, $0.0e+00;
	vm15 =	vlt.f32 v6, $0.0e+00  }
0x63: {  	v8 =	vsel vm1, $0x2710, v1;
	v12 =	vsel vm14, $0x2710, v1;
	v4 =	vand.u32 $0x7FFFFFFF, v5  }
0x64: {  	s21 =	simm.s32 $0x5650;
	s20 =	simm.s32 $0x0;
	v5 =	vand.u32 $0x7FFFFFFF, v6;
	v6 =	vadd.s32 v11, v12;
	v11 =	vsel vm15, $0x2710, v1  }
.LBB2_8:
0x65: {  	v12 =	vadd.s32 v9, v11;
	v9 =	vand.u32 $0x7FFFFFFF, v2;
	v2 =	vld [tilespmem:s21+$0x10]  }
0x66: {  	s20 =	sadd.s32 $0x4, s20;
	v11 =	vadd.s32 v10, v8;
	[tilespmem:v7+s2+$0x0] =	vst.idx.add.f32.msk $0xffff, v9  }
0x67: {  	s19 =	sadd.s32 $0x40, s19;
	p0 =	slt.u32 s20, $0x78;
	v7 =	vld [tilespmem:s21+$0xFFFFFFE0]  }
0x68: {  	v13 =	vld [tilespmem:s19+$0x10]  }
0x69: {  	v14 =	vld [tilespmem:s21+$0xFFFFFFF0]  }
0x6a: {  	v15 =	vld [tilespmem:s21+$0x0]  }
0x6b: {  	vm0 =	vlt.f32 v2, $0.0e+00;
	v16 =	vld [tilespmem:s19+$0xFFFFFFF0]  }
.Ltmp3:
0x6c: {  	vm1 =	vlt.f32 v7, $0.0e+00;
	v17 =	vand.u32 $0x7FFFFFFF, v7;
	v9 =	vld [tilespmem:s19+$0x0];
	v7 =	vsel vm0, $0x2710, v1;
	(pc) =	sbr.rel @p0 .LBB2_8-.Ltmp3, $4  }
0x6d: {  	v10 =	vld [tilespmem:s19+$0xFFFFFFE0];
	v8 =	vsel vm1, $0x2710, v1;
	v7 =	vadd.s32 v13, v7  }
0x6e: {  	vm0 =	vlt.f32 v14, $0.0e+00;
	v13 =	vand.u32 $0x7FFFFFFF, v14;
	[tilespmem:v11+s2+$0x0] =	vst.idx.add.f32.msk $0xffff, v3;
	v3 =	vmov v17  }
0x6f: {  	v11 =	vsel vm0, $0x2710, v1;
	vm0 =	vlt.f32 v15, $0.0e+00;
	v14 =	vand.u32 $0x7FFFFFFF, v15;
	[tilespmem:v6+s2+$0x0] =	vst.idx.add.f32.msk $0xffff, v4;
	v4 =	vmovc v13  }
0x70: {  	s21 =	sadd.s32 $0x40, s21;
	v6 =	vadd.s32 v16, v11;
	v11 =	vsel vm0, $0x2710, v1;
	[tilespmem:v12+s2+$0x0] =	vst.idx.add.f32.msk $0xffff, v5;
	v5 =	vmov v14  }
0x71: {  	_ = 	snop  }
0x72: {  	v9 =	vadd.s32 v9, v11  }
0x73: {  	v8 =	vadd.s32 v10, v8;
	_ =	sdelay $0x1  }
0x74: {  	v2 =	vand.u32 $0x7FFFFFFF, v2;
	[tilespmem:v6+s2+$0x0] =	vst.idx.add.f32.msk $0xffff, v4  }
0x75: {  	[tilespmem:v7+s2+$0x0] =	vst.idx.add.f32.msk $0xffff, v2  }
0x76: {  	[tilespmem:v9+s2+$0x0] =	vst.idx.add.f32.msk $0xffff, v5  }
0x77: {  	[tilespmem:v8+s2+$0x0] =	vst.idx.add.f32.msk $0xffff, v3  }
0x78: {  	v2 =	vld [tilespmem:$0x5DB0];
	_ =	sdelay $0x1  }
0x79: {  	v3 =	vld [tilespmem:$0x55E0];
	_ =	sdelay $0x2  }
0x7a: {  	vm0 =	vlt.f32 v2, $0.0e+00  }
0x7b: {  	v4 =	vsel vm0, $0x2710, v1  }
0x7c: {  	v3 =	vadd.s32 v3, v4;
	_ =	sdelay $0x3  }
0x7d: {  	v2 =	vand.u32 $0x7FFFFFFF, v2  }
0x7e: {  	[tilespmem:v3+s2+$0x0] =	vst.idx.add.f32.msk $0xffff, v2  }
0x7f: {  	[tilespmem:s15], [sflag:$0x1] =	stream.linear.gather [hbm4b:s7+s2], $0x7D0, $0x38;
	[tilespmem:$0x5DC0] =	vst v63  }
0x80: {  	_ =	swait.ge [sflag:s16], $0x7D0  }
0x81: {  	[sflag:s16] =	ssyncset.done $0x0  }
0x82: {  	[sflag:s16] =	ssyncadd.s32 $0xFFFFF830  }
0x83: {  	[tilespmem:s17], [sflag:$0x1] =	stream.linear.gather [hbm4b:s8+s2], $0x7D0, $0x38;
	[tilespmem:$0x5DC0] =	vst v63  }
0x84: {  	_ =	swait.ge [sflag:s16], $0x7D0  }
0x85: {  	[sflag:s16] =	ssyncset.done $0x0  }
0x86: {  	s20 =	simm.s32 $0x5610;
	[sflag:s16] =	ssyncadd.s32 $0xFFFFF830  }
0x87: {  	v2 =	vld [tilespmem:s20+$0x10]  }
0x88: {  	s19 =	simm.s32 $0x4E40;
	v3 =	vld [tilespmem:s20+$0xFFFFFFE0]  }
0x89: {  	v4 =	vld [tilespmem:s19+$0x10]  }
0x8a: {  	v5 =	vld [tilespmem:s20+$0xFFFFFFF0]  }
0x8b: {  	v6 =	vld [tilespmem:s20+$0x0];
	_ =	sdelay $0x1  }
0x8c: {  	v11 =	vld [tilespmem:s19+$0xFFFFFFF0];
	vm13 =	vlt.f32 v2, $0.0e+00  }
0x8d: {  	v9 =	vld [tilespmem:s19+$0x0];
	v7 =	vsel vm13, $0x2710, v1  }
0x8e: {  	v10 =	vld [tilespmem:s19+$0xFFFFFFE0];
	vm1 =	vlt.f32 v3, $0.0e+00;
	v7 =	vadd.s32 v4, v7  }
0x8f: {  	v3 =	vand.u32 $0x7FFFFFFF, v3;
	vm14 =	vlt.f32 v5, $0.0e+00;
	vm15 =	vlt.f32 v6, $0.0e+00  }
0x90: {  	v8 =	vsel vm1, $0x2710, v1;
	v12 =	vsel vm14, $0x2710, v1;
	v4 =	vand.u32 $0x7FFFFFFF, v5  }
0x91: {  	s21 =	simm.s32 $0x5650;
	s20 =	simm.s32 $0x0;
	v5 =	vand.u32 $0x7FFFFFFF, v6;
	v6 =	vadd.s32 v11, v12;
	v11 =	vsel vm15, $0x2710, v1  }
.LBB2_10:
0x92: {  	v12 =	vadd.s32 v9, v11;
	v9 =	vand.u32 $0x7FFFFFFF, v2;
	v2 =	vld [tilespmem:s21+$0x10]  }
0x93: {  	s20 =	sadd.s32 $0x4, s20;
	v11 =	vadd.s32 v10, v8;
	[tilespmem:v7+s2+$0x0] =	vst.idx.add.f32.msk $0xffff, v9  }
0x94: {  	s19 =	sadd.s32 $0x40, s19;
	p0 =	slt.u32 s20, $0x78;
	v7 =	vld [tilespmem:s21+$0xFFFFFFE0]  }
0x95: {  	v13 =	vld [tilespmem:s19+$0x10]  }
0x96: {  	v14 =	vld [tilespmem:s21+$0xFFFFFFF0]  }
0x97: {  	v15 =	vld [tilespmem:s21+$0x0]  }
0x98: {  	vm0 =	vlt.f32 v2, $0.0e+00;
	v16 =	vld [tilespmem:s19+$0xFFFFFFF0]  }
.Ltmp4:
0x99: {  	vm1 =	vlt.f32 v7, $0.0e+00;
	v17 =	vand.u32 $0x7FFFFFFF, v7;
	v9 =	vld [tilespmem:s19+$0x0];
	v7 =	vsel vm0, $0x2710, v1;
	(pc) =	sbr.rel @p0 .LBB2_10-.Ltmp4, $4  }
0x9a: {  	v10 =	vld [tilespmem:s19+$0xFFFFFFE0];
	v8 =	vsel vm1, $0x2710, v1;
	v7 =	vadd.s32 v13, v7  }
0x9b: {  	vm0 =	vlt.f32 v14, $0.0e+00;
	v13 =	vand.u32 $0x7FFFFFFF, v14;
	[tilespmem:v11+s2+$0x0] =	vst.idx.add.f32.msk $0xffff, v3;
	v3 =	vmov v17  }
0x9c: {  	v11 =	vsel vm0, $0x2710, v1;
	vm0 =	vlt.f32 v15, $0.0e+00;
	v14 =	vand.u32 $0x7FFFFFFF, v15;
	[tilespmem:v6+s2+$0x0] =	vst.idx.add.f32.msk $0xffff, v4;
	v4 =	vmovc v13  }
0x9d: {  	s21 =	sadd.s32 $0x40, s21;
	v6 =	vadd.s32 v16, v11;
	v11 =	vsel vm0, $0x2710, v1;
	[tilespmem:v12+s2+$0x0] =	vst.idx.add.f32.msk $0xffff, v5;
	v5 =	vmov v14  }
0x9e: {  	_ = 	snop  }
0x9f: {  	v9 =	vadd.s32 v9, v11  }
0xa0: {  	v8 =	vadd.s32 v10, v8;
	_ =	sdelay $0x1  }
0xa1: {  	v2 =	vand.u32 $0x7FFFFFFF, v2;
	[tilespmem:v6+s2+$0x0] =	vst.idx.add.f32.msk $0xffff, v4  }
0xa2: {  	[tilespmem:v7+s2+$0x0] =	vst.idx.add.f32.msk $0xffff, v2  }
0xa3: {  	[tilespmem:v9+s2+$0x0] =	vst.idx.add.f32.msk $0xffff, v5  }
0xa4: {  	[tilespmem:v8+s2+$0x0] =	vst.idx.add.f32.msk $0xffff, v3  }
0xa5: {  	v2 =	vld [tilespmem:$0x5DB0];
	_ =	sdelay $0x1  }
0xa6: {  	v3 =	vld [tilespmem:$0x55E0];
	_ =	sdelay $0x2  }
0xa7: {  	vm0 =	vlt.f32 v2, $0.0e+00  }
0xa8: {  	v4 =	vsel vm0, $0x2710, v1  }
0xa9: {  	v3 =	vadd.s32 v3, v4;
	_ =	sdelay $0x3  }
0xaa: {  	v2 =	vand.u32 $0x7FFFFFFF, v2  }
0xab: {  	[tilespmem:v3+s2+$0x0] =	vst.idx.add.f32.msk $0xffff, v2  }
0xac: {  	[tilespmem:s15], [sflag:$0x1] =	stream.linear.gather [hbm4b:s9+s2], $0x7D0, $0x38;
	[tilespmem:$0x5DC0] =	vst v63  }
0xad: {  	_ =	swait.ge [sflag:s16], $0x7D0  }
0xae: {  	[sflag:s16] =	ssyncset.done $0x0  }
0xaf: {  	[sflag:s16] =	ssyncadd.s32 $0xFFFFF830  }
0xb0: {  	[tilespmem:s17], [sflag:$0x1] =	stream.linear.gather [hbm4b:s10+s2], $0x7D0, $0x38;
	[tilespmem:$0x5DC0] =	vst v63  }
0xb1: {  	_ =	swait.ge [sflag:s16], $0x7D0  }
0xb2: {  	[sflag:s16] =	ssyncset.done $0x0  }
0xb3: {  	s20 =	simm.s32 $0x5610;
	[sflag:s16] =	ssyncadd.s32 $0xFFFFF830  }
0xb4: {  	v2 =	vld [tilespmem:s20+$0x10]  }
0xb5: {  	s19 =	simm.s32 $0x4E40;
	v3 =	vld [tilespmem:s20+$0xFFFFFFE0]  }
0xb6: {  	v4 =	vld [tilespmem:s19+$0x10]  }
0xb7: {  	v5 =	vld [tilespmem:s20+$0xFFFFFFF0]  }
0xb8: {  	v6 =	vld [tilespmem:s20+$0x0];
	_ =	sdelay $0x1  }
0xb9: {  	v11 =	vld [tilespmem:s19+$0xFFFFFFF0];
	vm13 =	vlt.f32 v2, $0.0e+00  }
0xba: {  	v9 =	vld [tilespmem:s19+$0x0];
	v7 =	vsel vm13, $0x2710, v1  }
0xbb: {  	v10 =	vld [tilespmem:s19+$0xFFFFFFE0];
	vm1 =	vlt.f32 v3, $0.0e+00;
	v7 =	vadd.s32 v4, v7  }
0xbc: {  	v3 =	vand.u32 $0x7FFFFFFF, v3;
	vm14 =	vlt.f32 v5, $0.0e+00;
	vm15 =	vlt.f32 v6, $0.0e+00  }
0xbd: {  	v8 =	vsel vm1, $0x2710, v1;
	v12 =	vsel vm14, $0x2710, v1;
	v4 =	vand.u32 $0x7FFFFFFF, v5  }
0xbe: {  	s21 =	simm.s32 $0x5650;
	s20 =	simm.s32 $0x0;
	v5 =	vand.u32 $0x7FFFFFFF, v6;
	v6 =	vadd.s32 v11, v12;
	v11 =	vsel vm15, $0x2710, v1  }
.LBB2_12:
0xbf: {  	v12 =	vadd.s32 v9, v11;
	v9 =	vand.u32 $0x7FFFFFFF, v2;
	v2 =	vld [tilespmem:s21+$0x10]  }
0xc0: {  	s20 =	sadd.s32 $0x4, s20;
	v11 =	vadd.s32 v10, v8;
	[tilespmem:v7+s2+$0x0] =	vst.idx.add.f32.msk $0xffff, v9  }
0xc1: {  	s19 =	sadd.s32 $0x40, s19;
	p0 =	slt.u32 s20, $0x78;
	v7 =	vld [tilespmem:s21+$0xFFFFFFE0]  }
0xc2: {  	v13 =	vld [tilespmem:s19+$0x10]  }
0xc3: {  	v14 =	vld [tilespmem:s21+$0xFFFFFFF0]  }
0xc4: {  	v15 =	vld [tilespmem:s21+$0x0]  }
0xc5: {  	vm0 =	vlt.f32 v2, $0.0e+00;
	v16 =	vld [tilespmem:s19+$0xFFFFFFF0]  }
.Ltmp5:
0xc6: {  	vm1 =	vlt.f32 v7, $0.0e+00;
	v17 =	vand.u32 $0x7FFFFFFF, v7;
	v9 =	vld [tilespmem:s19+$0x0];
	v7 =	vsel vm0, $0x2710, v1;
	(pc) =	sbr.rel @p0 .LBB2_12-.Ltmp5, $4  }
0xc7: {  	v10 =	vld [tilespmem:s19+$0xFFFFFFE0];
	v8 =	vsel vm1, $0x2710, v1;
	v7 =	vadd.s32 v13, v7  }
0xc8: {  	vm0 =	vlt.f32 v14, $0.0e+00;
	v13 =	vand.u32 $0x7FFFFFFF, v14;
	[tilespmem:v11+s2+$0x0] =	vst.idx.add.f32.msk $0xffff, v3;
	v3 =	vmov v17  }
0xc9: {  	v11 =	vsel vm0, $0x2710, v1;
	vm0 =	vlt.f32 v15, $0.0e+00;
	v14 =	vand.u32 $0x7FFFFFFF, v15;
	[tilespmem:v6+s2+$0x0] =	vst.idx.add.f32.msk $0xffff, v4;
	v4 =	vmovc v13  }
0xca: {  	s21 =	sadd.s32 $0x40, s21;
	v6 =	vadd.s32 v16, v11;
	v11 =	vsel vm0, $0x2710, v1;
	[tilespmem:v12+s2+$0x0] =	vst.idx.add.f32.msk $0xffff, v5;
	v5 =	vmov v14  }
0xcb: {  	_ = 	snop  }
0xcc: {  	v9 =	vadd.s32 v9, v11  }
0xcd: {  	v8 =	vadd.s32 v10, v8;
	_ =	sdelay $0x1  }
0xce: {  	v2 =	vand.u32 $0x7FFFFFFF, v2;
	[tilespmem:v6+s2+$0x0] =	vst.idx.add.f32.msk $0xffff, v4  }
0xcf: {  	[tilespmem:v7+s2+$0x0] =	vst.idx.add.f32.msk $0xffff, v2  }
0xd0: {  	[tilespmem:v9+s2+$0x0] =	vst.idx.add.f32.msk $0xffff, v5  }
0xd1: {  	[tilespmem:v8+s2+$0x0] =	vst.idx.add.f32.msk $0xffff, v3  }
0xd2: {  	v2 =	vld [tilespmem:$0x5DB0];
	_ =	sdelay $0x1  }
0xd3: {  	v3 =	vld [tilespmem:$0x55E0];
	_ =	sdelay $0x2  }
0xd4: {  	vm0 =	vlt.f32 v2, $0.0e+00  }
0xd5: {  	v4 =	vsel vm0, $0x2710, v1  }
0xd6: {  	v3 =	vadd.s32 v3, v4;
	_ =	sdelay $0x3  }
0xd7: {  	v2 =	vand.u32 $0x7FFFFFFF, v2  }
0xd8: {  	[tilespmem:v3+s2+$0x0] =	vst.idx.add.f32.msk $0xffff, v2  }
0xd9: {  	[tilespmem:s15], [sflag:$0x1] =	stream.linear.gather [hbm4b:s11+s2], $0x7D0, $0x38;
	[tilespmem:$0x5DC0] =	vst v63  }
0xda: {  	_ =	swait.ge [sflag:s16], $0x7D0  }
0xdb: {  	[sflag:s16] =	ssyncset.done $0x0  }
0xdc: {  	[sflag:s16] =	ssyncadd.s32 $0xFFFFF830  }
0xdd: {  	[tilespmem:s17], [sflag:$0x1] =	stream.linear.gather [hbm4b:s12+s2], $0x7D0, $0x38;
	[tilespmem:$0x5DC0] =	vst v63  }
0xde: {  	_ =	swait.ge [sflag:s16], $0x7D0  }
0xdf: {  	[sflag:s16] =	ssyncset.done $0x0  }
0xe0: {  	s20 =	simm.s32 $0x5610;
	[sflag:s16] =	ssyncadd.s32 $0xFFFFF830  }
0xe1: {  	v2 =	vld [tilespmem:s20+$0x10]  }
0xe2: {  	s19 =	simm.s32 $0x4E40;
	v3 =	vld [tilespmem:s20+$0xFFFFFFE0]  }
0xe3: {  	v4 =	vld [tilespmem:s19+$0x10]  }
0xe4: {  	v5 =	vld [tilespmem:s20+$0xFFFFFFF0]  }
0xe5: {  	v6 =	vld [tilespmem:s20+$0x0];
	_ =	sdelay $0x1  }
0xe6: {  	v11 =	vld [tilespmem:s19+$0xFFFFFFF0];
	vm13 =	vlt.f32 v2, $0.0e+00  }
0xe7: {  	v9 =	vld [tilespmem:s19+$0x0];
	v7 =	vsel vm13, $0x2710, v1  }
0xe8: {  	v10 =	vld [tilespmem:s19+$0xFFFFFFE0];
	vm1 =	vlt.f32 v3, $0.0e+00;
	v7 =	vadd.s32 v4, v7  }
0xe9: {  	v3 =	vand.u32 $0x7FFFFFFF, v3;
	vm14 =	vlt.f32 v5, $0.0e+00;
	vm15 =	vlt.f32 v6, $0.0e+00  }
0xea: {  	v8 =	vsel vm1, $0x2710, v1;
	v12 =	vsel vm14, $0x2710, v1;
	v4 =	vand.u32 $0x7FFFFFFF, v5  }
0xeb: {  	s21 =	simm.s32 $0x5650;
	s20 =	simm.s32 $0x0;
	v5 =	vand.u32 $0x7FFFFFFF, v6;
	v6 =	vadd.s32 v11, v12;
	v11 =	vsel vm15, $0x2710, v1  }
.LBB2_14:
0xec: {  	v12 =	vadd.s32 v9, v11;
	v9 =	vand.u32 $0x7FFFFFFF, v2;
	v2 =	vld [tilespmem:s21+$0x10]  }
0xed: {  	s20 =	sadd.s32 $0x4, s20;
	v11 =	vadd.s32 v10, v8;
	[tilespmem:v7+s2+$0x0] =	vst.idx.add.f32.msk $0xffff, v9  }
0xee: {  	s19 =	sadd.s32 $0x40, s19;
	p0 =	slt.u32 s20, $0x78;
	v7 =	vld [tilespmem:s21+$0xFFFFFFE0]  }
0xef: {  	v13 =	vld [tilespmem:s19+$0x10]  }
0xf0: {  	v14 =	vld [tilespmem:s21+$0xFFFFFFF0]  }
0xf1: {  	v15 =	vld [tilespmem:s21+$0x0]  }
0xf2: {  	vm0 =	vlt.f32 v2, $0.0e+00;
	v16 =	vld [tilespmem:s19+$0xFFFFFFF0]  }
.Ltmp6:
0xf3: {  	vm1 =	vlt.f32 v7, $0.0e+00;
	v17 =	vand.u32 $0x7FFFFFFF, v7;
	v9 =	vld [tilespmem:s19+$0x0];
	v7 =	vsel vm0, $0x2710, v1;
	(pc) =	sbr.rel @p0 .LBB2_14-.Ltmp6, $4  }
0xf4: {  	v10 =	vld [tilespmem:s19+$0xFFFFFFE0];
	v8 =	vsel vm1, $0x2710, v1;
	v7 =	vadd.s32 v13, v7  }
0xf5: {  	vm0 =	vlt.f32 v14, $0.0e+00;
	v13 =	vand.u32 $0x7FFFFFFF, v14;
	[tilespmem:v11+s2+$0x0] =	vst.idx.add.f32.msk $0xffff, v3;
	v3 =	vmov v17  }
0xf6: {  	v11 =	vsel vm0, $0x2710, v1;
	vm0 =	vlt.f32 v15, $0.0e+00;
	v14 =	vand.u32 $0x7FFFFFFF, v15;
	[tilespmem:v6+s2+$0x0] =	vst.idx.add.f32.msk $0xffff, v4;
	v4 =	vmovc v13  }
0xf7: {  	s21 =	sadd.s32 $0x40, s21;
	v6 =	vadd.s32 v16, v11;
	v11 =	vsel vm0, $0x2710, v1;
	[tilespmem:v12+s2+$0x0] =	vst.idx.add.f32.msk $0xffff, v5;
	v5 =	vmov v14  }
0xf8: {  	_ = 	snop  }
0xf9: {  	v9 =	vadd.s32 v9, v11  }
0xfa: {  	v8 =	vadd.s32 v10, v8;
	_ =	sdelay $0x1  }
0xfb: {  	v2 =	vand.u32 $0x7FFFFFFF, v2;
	[tilespmem:v6+s2+$0x0] =	vst.idx.add.f32.msk $0xffff, v4  }
0xfc: {  	[tilespmem:v7+s2+$0x0] =	vst.idx.add.f32.msk $0xffff, v2  }
0xfd: {  	[tilespmem:v9+s2+$0x0] =	vst.idx.add.f32.msk $0xffff, v5  }
0xfe: {  	[tilespmem:v8+s2+$0x0] =	vst.idx.add.f32.msk $0xffff, v3  }
0xff: {  	v2 =	vld [tilespmem:$0x5DB0];
	_ =	sdelay $0x1  }
0x100: {  	v3 =	vld [tilespmem:$0x55E0];
	_ =	sdelay $0x2  }
0x101: {  	vm0 =	vlt.f32 v2, $0.0e+00  }
0x102: {  	v63 =	vsel vm0, $0x2710, v1  }
0x103: {  	v3 =	vadd.s32 v3, v63;
	_ =	sdelay $0x2  }
0x104: {  	s18 =	sadd.s32 $0x1, s18  }
0x105: {  	p0 =	sne.s32 s18, s14;
	v2 =	vand.u32 $0x7FFFFFFF, v2  }
.Ltmp7:
0x106: {  	[tilespmem:v3+s2+$0x0] =	vst.idx.add.f32.msk $0xffff, v2;
	(pc) =	sbr.rel @p0 .LBB2_1-.Ltmp7, $4  }
0x107: {  	[hbm4b:s13+s2] =	stream.linear.scatter [tilespmem:s2], [sflag:$0x1], $0x4E20, $0x38;
	[tilespmem:$0x5DC0] =	vst v63  }
0x108: {  	_ =	swait.ge [sflag:s16], $0x4E20  }
0x109: {  	[sflag:s16] =	ssyncset.done $0x0  }
0x10a: {  	[sflag:s16] =	ssyncadd.s32 $0xFFFFB1E0  }
0x10b: {  	_ =	sfence.sel $0x180000  }
0x10c: {  	[bflag:$0x0] =	sbarrier.arrive $0xFFFF  }
0x10d: {  	p0 =	sne.s32 s0, $0x0;
	_ =	strace $0x90000047  }
0x10e: {  	s0 =	sadd.s32 @!p0 $0x100000, s1;
	[bflag:$0x2] =	sbarrier.arrive $0xFFFF  }
0x10f: {  	[sflag:s0] =	ssyncadd.tile.s32 @!p0 $0x1;
	_ =	shalt  }
.Lfunc_end2:
_tile_overlayer_lowered:
.L_overlay_start_2:
0x110: {  	(tag) =	ssettag $0x2  }
0x111: {  	s0 =	rddreg [dreg:$0x0];
	s2 =	stileid.u32  }
0x112: {  	s1 =	rddreg [dreg:$0x1];
	p0 =	sne.s32 s2, $0x0  }
0x113: {  	s3 =	rddreg [dreg:$0x2];
	[bflag:$0x3] =	sbarrier.arrive $0xFFFF;
	s2 =	simm.s32 @!p0 $0x1C01  }
0x114: {  	[timem:s3], [sflag:s2] =	dma.local @!p0 [hbm:s0], s1  }
0x115: {  	s0 =	simm.s32 @!p0 $0x1  }
0x116: {  	_ =	swait.ge @!p0 [sflag:s0], s1  }
0x117: {  	s1 =	ssub.s32 @!p0 $0x0, s1;
	[sflag:s0] =	ssyncset.done @!p0 $0x0  }
0x118: {  	[sflag:s0] =	ssyncadd.s32 @!p0 s1  }
0x119: {  	[bflag:$0x3] =	sbarrier.arrive $0xFFFF  }
0x11a: {  	_ =	shalt  }

</sc_bundles>
